<compile_context>
chip_gen: v7x
topology: tpu7x:2x2x1
jax: 0.10.2.dev20260603
libtpu: 0.0.44.dev20260713+nightly
codegen_flags: <defaults>
</compile_context>

<pallas_src>
import jax
import jax.numpy as jnp
from jax import lax
from jax.experimental import pallas as pl
from jax.experimental.pallas import tpu as pltpu
from jax.experimental.pallas import tpu_sc as plsc

_N, _C = 32768, 128
_L = 16
_NGRP = _C // _L
_QUART = 4
_RPW = _N // _QUART
_CHUNK = 2048
_NCH = _RPW // _CHUNK
_BLK = 16
_NBLK = _CHUNK // _BLK
_CAP = 256
_BIS = 14


def _sc_body(inv_hbm, nea_hbm, x_hbm, o_hbm,
             bufa, bufb, cand, blkm, vtmp,
             sia, sib, soa, sob,
             stage_min, stage_cnt, stage_cand):
    c = lax.axis_index("c")
    s = lax.axis_index("s")
    grp = c * (_NGRP // 2) + s // _QUART
    quart = s % _QUART
    col0 = grp * _L
    row0 = quart * _RPW

    bufs = (bufa, bufb)
    isems = (sia, sib)
    osems = (soa, sob)

    def chunk_src(ch):
        return x_hbm.at[pl.ds(row0 + ch * _CHUNK, _CHUNK), pl.ds(col0, _L)]

    def chunk_dst(ch):
        return o_hbm.at[pl.ds(row0 + ch * _CHUNK, _CHUNK), pl.ds(col0, _L)]

    pltpu.sync_copy(inv_hbm, vtmp)
    inv = vtmp[...][0]
    pltpu.sync_copy(nea_hbm, vtmp)
    nea = vtmp[...][0]
    lane = lax.iota(jnp.int32, _L)

    def initc(r, _):
        cand[r] = jnp.full((_L,), jnp.inf, jnp.float32)
        return 0
    lax.fori_loop(0, _CAP, initc, 0, unroll=4)

    def blockmin(buf, b):
        vs = [buf[b * _BLK + r] for r in range(_BLK)]
        while len(vs) > 1:
            vs = [jnp.minimum(vs[i], vs[i + 1])
                  for i in range(0, len(vs), 2)]
        return vs[0]

    runmin = jnp.full((_L,), jnp.inf, jnp.float32)
    cnt = jnp.zeros((_L,), jnp.int32)
    pltpu.make_async_copy(chunk_src(0), bufs[0], isems[0]).start()
    for ch in range(_NCH):
        buf = bufs[ch % 2]
        if ch + 1 < _NCH:
            pltpu.make_async_copy(
                chunk_src(ch + 1), bufs[(ch + 1) % 2],
                isems[(ch + 1) % 2]).start()
        pltpu.make_async_copy(chunk_src(ch), buf, isems[ch % 2]).wait()

        def minstep(b, rm):
            m = blockmin(buf, b)
            blkm[b] = m
            return jnp.minimum(rm, m)
        runmin = lax.fori_loop(0, _NBLK, minstep, runmin)

        thr = runmin + inv

        def flagstep(b, cnt):
            bm = blkm[b]
            def do_scatter(cc):
                for r in range(_BLK):
                    v = buf[b * _BLK + r]
                    m = jnp.logical_and(v < thr, cc < _CAP)
                    plsc.store_scatter(cand, [cc, lane], v, mask=m)
                    cc = cc + jnp.where(m, 1, 0)
                return cc
            return lax.cond(jnp.any(bm < thr), do_scatter, lambda k: k, cnt)
        cnt = lax.fori_loop(0, _NBLK, flagstep, cnt)

    vtmp[...] = runmin
    pltpu.sync_copy(vtmp, stage_min.at[s])
    vtmp[...] = cnt.astype(jnp.float32)
    pltpu.sync_copy(vtmp, stage_cnt.at[s])
    pltpu.sync_copy(cand, stage_cand.at[s])
    plsc.subcore_barrier()

    base = (s // _QUART) * _QUART
    mn = jnp.full((_L,), jnp.inf, jnp.float32)
    cmax = jnp.zeros((_L,), jnp.float32)
    for j in range(_QUART):
        pltpu.sync_copy(stage_min.at[base + j], vtmp)
        mn = jnp.minimum(mn, vtmp[...])
        pltpu.sync_copy(stage_cnt.at[base + j], vtmp)
        cmax = jnp.maximum(cmax, vtmp[...])
        pltpu.sync_copy(stage_cand.at[base + j],
                        bufa.at[pl.ds(j * _CAP, _CAP)])
    nrows = jnp.minimum(lax.reduce_max(cmax, (0,)),
                        jnp.float32(_CAP)).astype(jnp.int32)

    nrow8 = (nrows + 7) // 8

    def gsum(sv):
        def seg(j, acc):
            def rstep(r8, acc):
                for t in range(8):
                    acc = acc + jnp.minimum(
                        bufa[j * _CAP + r8 * 8 + t] + sv, 0.0)
                return acc
            return lax.fori_loop(0, nrow8, rstep, acc)
        return lax.fori_loop(0, _QUART, seg,
                             jnp.zeros((_L,), jnp.float32))

    s_lo = (-mn) - inv
    s_hi = -mn
    g_lo = jnp.full((_L,), -1e30, jnp.float32)
    g_hi = jnp.zeros((_L,), jnp.float32)

    def bis(_, st):
        lo, hi, glo, ghi = st
        mid = 0.5 * (lo + hi)
        gm = gsum(mid)
        big = gm <= -inv
        return (jnp.where(big, mid, lo), jnp.where(big, hi, mid),
                jnp.where(big, gm, glo), jnp.where(big, ghi, gm))
    s_lo, s_hi, g_lo, g_hi = lax.fori_loop(
        0, _BIS, bis, (s_lo, s_hi, g_lo, g_hi))
    denom = jnp.maximum(g_hi - g_lo, 1e-30)
    sv = s_lo + ((-inv) - g_lo) * (s_hi - s_lo) / denom

    pltpu.make_async_copy(chunk_src(0), bufs[0], isems[0]).start()
    for ch in range(_NCH):
        buf = bufs[ch % 2]
        nxt = (ch + 1) % 2
        if ch + 1 < _NCH:
            if ch >= 1:
                pltpu.make_async_copy(
                    bufs[nxt], chunk_dst(ch - 1), osems[nxt]).wait()
            pltpu.make_async_copy(
                chunk_src(ch + 1), bufs[nxt], isems[nxt]).start()
        pltpu.make_async_copy(chunk_src(ch), buf, isems[ch % 2]).wait()

        def rstep(r, _):
            buf[r] = nea * jnp.minimum(buf[r] + sv, 0.0)
            return 0
        lax.fori_loop(0, _CHUNK, rstep, 0, unroll=8)

        pltpu.make_async_copy(buf, chunk_dst(ch), osems[ch % 2]).start()
    for ch in (_NCH - 2, _NCH - 1):
        pltpu.make_async_copy(
            bufs[ch % 2], chunk_dst(ch), osems[ch % 2]).wait()


def kernel(x, a):
    inv = jnp.broadcast_to(jnp.exp(-a).astype(jnp.float32), (_L,))
    nea = jnp.broadcast_to((-jnp.exp(a)).astype(jnp.float32), (_L,))
    mesh = plsc.VectorSubcoreMesh(core_axis_name="c", subcore_axis_name="s")
    f = pl.kernel(
        _sc_body,
        out_type=jax.ShapeDtypeStruct((_N, _C), jnp.float32),
        mesh=mesh,
        compiler_params=pltpu.CompilerParams(use_tc_tiling_on_sc=False,
                                             needs_layout_passes=False),
        scratch_types=[
            pltpu.VMEM((_CHUNK, _L), jnp.float32),
            pltpu.VMEM((_CHUNK, _L), jnp.float32),
            pltpu.VMEM((_CAP, _L), jnp.float32),
            pltpu.VMEM((_NBLK, _L), jnp.float32),
            pltpu.VMEM((_L,), jnp.float32),
            pltpu.SemaphoreType.DMA,
            pltpu.SemaphoreType.DMA,
            pltpu.SemaphoreType.DMA,
            pltpu.SemaphoreType.DMA,
            pltpu.VMEM_SHARED((16, _L), jnp.float32),
            pltpu.VMEM_SHARED((16, _L), jnp.float32),
            pltpu.VMEM_SHARED((16, _CAP, _L), jnp.float32),
        ],
    )
    return f(inv, nea, x)

# --- scband reference (transcript-rebuilt; emitter-appended) ---
"""Pipeline reference for scband-distance-10960756539944 (READ-ONLY COPY).

The authoritative reference and input builder live on the scoring server;
editing this copy changes nothing except your own understanding.
"""

import jax, jax.numpy as jnp
import numpy as np


def _sparsemax(z, axis=0):
    # Martins & Astudillo (2016) sparsemax: euclidean projection onto the simplex
    n = z.shape[axis]
    z_sorted = -jnp.sort(-z, axis=axis)  # descending sort along axis
    cumsum = jnp.cumsum(z_sorted, axis=axis)
    shape = [1] * z.ndim
    shape[axis] = n
    r = jnp.arange(1, n + 1, dtype=z.dtype).reshape(shape)
    support = (1.0 + r * z_sorted) > cumsum
    k = jnp.sum(support.astype(jnp.int32), axis=axis, keepdims=True)
    tau_sum = jnp.take_along_axis(cumsum, k - 1, axis=axis)
    tau = (tau_sum - 1.0) / k.astype(z.dtype)
    return jnp.maximum(z - tau, 0.0)


def setup_inputs(seed: int = 0) -> dict:
    key = jax.random.key(seed)
    k1, _ = jax.random.split(key)
    x = jax.random.normal(k1, (32768, 128), dtype=jnp.float32)
    # learned scalar parameter a (nn.Parameter initialized to 1.0)
    a = jnp.array(1.0, dtype=jnp.float32)
    return {"x": x, "a": a}


def reference(x, a):
    # forward: sparsemax(-exp(a) * x) along dim=0
    return _sparsemax(-jnp.exp(a) * x, axis=0)

if __name__ == "__main__":
    import jax
    _d = setup_inputs()
    print(jax.jit(kernel)(*tuple(_d.values())))

</pallas_src>

<mosaic_0001>
#map = affine_map<(d0, d1) -> (0)>
#map1 = affine_map<(d0, d1) -> (0, 0)>
module attributes {stable_mosaic.version = 14 : i64} {
  func.func @_sc_body(%arg0: i32, %arg1: i32, %arg2: memref<16xf32, #tpu.memory_space<hbm>>, %arg3: memref<16xf32, #tpu.memory_space<hbm>>, %arg4: memref<32768x128xf32, #tpu.memory_space<hbm>>, %arg5: memref<32768x128xf32, #tpu.memory_space<hbm>>, %arg6: memref<2048x16xf32, #tpu.memory_space<vmem>>, %arg7: memref<2048x16xf32, #tpu.memory_space<vmem>>, %arg8: memref<256x16xf32, #tpu.memory_space<vmem>>, %arg9: memref<128x16xf32, #tpu.memory_space<vmem>>, %arg10: memref<16xf32, #tpu.memory_space<vmem>>, %arg11: memref<!tpu.dma_semaphore, #tpu.memory_space<semaphore_mem>>, %arg12: memref<!tpu.dma_semaphore, #tpu.memory_space<semaphore_mem>>, %arg13: memref<!tpu.dma_semaphore, #tpu.memory_space<semaphore_mem>>, %arg14: memref<!tpu.dma_semaphore, #tpu.memory_space<semaphore_mem>>, %arg15: memref<16x16xf32, #tpu.memory_space<vmem_shared>>, %arg16: memref<16x16xf32, #tpu.memory_space<vmem_shared>>, %arg17: memref<16x256x16xf32, #tpu.memory_space<vmem_shared>>) attributes {dimension_semantics = [#tpu.dimension_semantics<core_parallel>, #tpu.dimension_semantics<subcore_parallel>], iteration_bounds = array<i64: 2, 16>, scalar_prefetch = 0 : i64, scratch_operands = 12 : i64, tpu.core_type = #tpu.core_type<sc_vector_subcore>, window_params = [{transform_indices = #map}, {transform_indices = #map}, {transform_indices = #map1}, {transform_indices = #map1}]} {
    %mul3A = arith.constant 4 : i32
    %mul3A_0 = arith.muli %arg0, %mul3A : i32
    %jit3A = arith.constant 4 : i32
    %div3A = arith.divsi %arg1, %jit3A : i32
    %sign3A = arith.constant 0 : i32
    %sign3A_1 = arith.cmpi sgt, %arg1, %sign3A : i32
    %sign3A_2 = arith.extui %sign3A_1 : i1 to i32
    %sign3A_3 = arith.constant 0 : i32
    %sign3A_4 = arith.cmpi slt, %arg1, %sign3A_3 : i32
    %sign3A_5 = arith.extui %sign3A_4 : i1 to i32
    %sign3A_6 = arith.subi %sign3A_2, %sign3A_5 : i32
    %sign3A_7 = arith.constant 0 : i32
    %sign3A_8 = arith.cmpi sgt, %jit3A, %sign3A_7 : i32
    %sign3A_9 = arith.extui %sign3A_8 : i1 to i32
    %sign3A_10 = arith.constant 0 : i32
    %sign3A_11 = arith.cmpi slt, %jit3A, %sign3A_10 : i32
    %sign3A_12 = arith.extui %sign3A_11 : i1 to i32
    %sign3A_13 = arith.subi %sign3A_9, %sign3A_12 : i32
    %ne3A = arith.cmpi ne, %sign3A_6, %sign3A_13 : i32
    %rem3A = arith.remsi %arg1, %jit3A : i32
    %ne3A_14 = arith.constant 0 : i32
    %ne3A_15 = arith.cmpi ne, %rem3A, %ne3A_14 : i32
    %and3A = arith.andi %ne3A, %ne3A_15 : i1
    %sub3A = arith.constant 1 : i32
    %sub3A_16 = arith.subi %div3A, %sub3A : i32
    %select_n3A = arith.select %and3A, %sub3A_16, %div3A : i32
    %add3A = arith.addi %mul3A_0, %select_n3A : i32
    %jit3A_17 = arith.constant 4 : i32
    %eq3A = arith.constant 0 : i32
    %eq3A_18 = arith.cmpi eq, %jit3A_17, %eq3A : i32
    %jit3A_19 = arith.constant 1 : i32
    %select_n3A_20 = arith.select %eq3A_18, %jit3A_19, %jit3A_17 : i32
    %rem3A_21 = arith.remsi %arg1, %select_n3A_20 : i32
    %ne3A_22 = arith.constant 0 : i32
    %ne3A_23 = arith.cmpi ne, %rem3A_21, %ne3A_22 : i32
    %lt3A = arith.constant 0 : i32
    %lt3A_24 = arith.cmpi slt, %rem3A_21, %lt3A : i32
    %lt3A_25 = arith.constant 0 : i32
    %lt3A_26 = arith.cmpi slt, %select_n3A_20, %lt3A_25 : i32
    %ne3A_27 = arith.xori %lt3A_24, %lt3A_26 : i1
    %and3A_28 = arith.andi %ne3A_27, %ne3A_23 : i1
    %add3A_29 = arith.addi %rem3A_21, %select_n3A_20 : i32
    %select_n3A_30 = arith.select %and3A_28, %add3A_29, %rem3A_21 : i32
    %mul3A_31 = arith.constant 16 : i32
    %mul3A_32 = arith.muli %add3A, %mul3A_31 : i32
    %mul3A_33 = arith.constant 8192 : i32
    %mul3A_34 = arith.muli %select_n3A_30, %mul3A_33 : i32
    "tpu.region"() ({
      %run_scoped3A = tpu.sem_alloc : memref<!tpu.dma_semaphore, #tpu.memory_space<semaphore_mem>>
      tpu.enqueue_dma source(%arg2 : memref<16xf32, #tpu.memory_space<hbm>>) target(%arg10 : memref<16xf32, #tpu.memory_space<vmem>>) target_semaphore(%run_scoped3A : memref<!tpu.dma_semaphore, #tpu.memory_space<semaphore_mem>>)
      tpu.wait_dma2 semaphore(%run_scoped3A : memref<!tpu.dma_semaphore, #tpu.memory_space<semaphore_mem>>) src(%arg2 : memref<16xf32, #tpu.memory_space<hbm>>) dst(%arg10 : memref<16xf32, #tpu.memory_space<vmem>>)
      tpu.yield
    }) : () -> ()
    %get3A = arith.constant 0 : index
    %get3A_35 = tpu.vector_load %arg10[%get3A] {strides = array<i32>} : memref<16xf32, #tpu.memory_space<vmem>>, vector<16xf32>,
    %slice3A = vector.extract_strided_slice %get3A_35 {offsets = [0], sizes = [1], strides = [1]} : vector<16xf32> to vector<1xf32>
    %squeeze3A = vector.extract %slice3A[0] : f32 from vector<1xf32>
    "tpu.region"() ({
      %run_scoped3A = tpu.sem_alloc : memref<!tpu.dma_semaphore, #tpu.memory_space<semaphore_mem>>
      tpu.enqueue_dma source(%arg3 : memref<16xf32, #tpu.memory_space<hbm>>) target(%arg10 : memref<16xf32, #tpu.memory_space<vmem>>) target_semaphore(%run_scoped3A : memref<!tpu.dma_semaphore, #tpu.memory_space<semaphore_mem>>)
      tpu.wait_dma2 semaphore(%run_scoped3A : memref<!tpu.dma_semaphore, #tpu.memory_space<semaphore_mem>>) src(%arg3 : memref<16xf32, #tpu.memory_space<hbm>>) dst(%arg10 : memref<16xf32, #tpu.memory_space<vmem>>)
      tpu.yield
    }) : () -> ()
    %get3A_36 = arith.constant 0 : index
    %get3A_37 = tpu.vector_load %arg10[%get3A_36] {strides = array<i32>} : memref<16xf32, #tpu.memory_space<vmem>>, vector<16xf32>,
    %slice3A_38 = vector.extract_strided_slice %get3A_37 {offsets = [0], sizes = [1], strides = [1]} : vector<16xf32> to vector<1xf32>
    %squeeze3A_39 = vector.extract %slice3A_38[0] : f32 from vector<1xf32>
    %iota3A = tpu.iota {dimensions = array<i32: 0>} : vector<16xi32>
    %scan3A = arith.constant 0 : i32
    %scan3A_40 = arith.constant 0 : i32
    %scan3A_41 = arith.constant 256 : i32
    %scan3A_42 = arith.addi %scan3A_40, %scan3A_41 : i32
    %scan3A_43 = arith.constant 4 : i32
    %scan3A_44 = scf.for %scan3A_367 = %scan3A_40 to %scan3A_42 step %scan3A_43 iter_args(%scan3A_368 = %scan3A) -> (i32)  : i32 {
      %broadcast_in_dim3A_369 = arith.constant 0x7F800000 : f32
      %broadcast_in_dim3A_370 = vector.broadcast %broadcast_in_dim3A_369 : f32 to vector<16xf32>
      %swap3A_371 = arith.index_cast %scan3A_367 : i32 to index
      %swap3A_372 = arith.constant 0 : index
      %swap3A_373 = tpu.vector_load %arg8[%swap3A_371, %swap3A_372] {strides = array<i32>} : memref<256x16xf32, #tpu.memory_space<vmem>>, vector<16xf32>,
      tpu.vector_store %arg8[%swap3A_371, %swap3A_372], %broadcast_in_dim3A_370 {strides = array<i32>} : memref<256x16xf32, #tpu.memory_space<vmem>>, vector<16xf32>,
      %scan3A_374 = arith.constant 0 : i32
      %scan3A_375 = arith.constant 1 : i32
      %scan3A_376 = arith.addi %scan3A_367, %scan3A_375 : i32
      %broadcast_in_dim3A_377 = arith.constant 0x7F800000 : f32
      %broadcast_in_dim3A_378 = vector.broadcast %broadcast_in_dim3A_377 : f32 to vector<16xf32>
      %swap3A_379 = arith.index_cast %scan3A_376 : i32 to index
      %swap3A_380 = arith.constant 0 : index
      %swap3A_381 = tpu.vector_load %arg8[%swap3A_379, %swap3A_380] {strides = array<i32>} : memref<256x16xf32, #tpu.memory_space<vmem>>, vector<16xf32>,
      tpu.vector_store %arg8[%swap3A_379, %swap3A_380], %broadcast_in_dim3A_378 {strides = array<i32>} : memref<256x16xf32, #tpu.memory_space<vmem>>, vector<16xf32>,
      %scan3A_382 = arith.constant 0 : i32
      %scan3A_383 = arith.constant 2 : i32
      %scan3A_384 = arith.addi %scan3A_367, %scan3A_383 : i32
      %broadcast_in_dim3A_385 = arith.constant 0x7F800000 : f32
      %broadcast_in_dim3A_386 = vector.broadcast %broadcast_in_dim3A_385 : f32 to vector<16xf32>
      %swap3A_387 = arith.index_cast %scan3A_384 : i32 to index
      %swap3A_388 = arith.constant 0 : index
      %swap3A_389 = tpu.vector_load %arg8[%swap3A_387, %swap3A_388] {strides = array<i32>} : memref<256x16xf32, #tpu.memory_space<vmem>>, vector<16xf32>,
      tpu.vector_store %arg8[%swap3A_387, %swap3A_388], %broadcast_in_dim3A_386 {strides = array<i32>} : memref<256x16xf32, #tpu.memory_space<vmem>>, vector<16xf32>,
      %scan3A_390 = arith.constant 0 : i32
      %scan3A_391 = arith.constant 3 : i32
      %scan3A_392 = arith.addi %scan3A_367, %scan3A_391 : i32
      %broadcast_in_dim3A_393 = arith.constant 0x7F800000 : f32
      %broadcast_in_dim3A_394 = vector.broadcast %broadcast_in_dim3A_393 : f32 to vector<16xf32>
      %swap3A_395 = arith.index_cast %scan3A_392 : i32 to index
      %swap3A_396 = arith.constant 0 : index
      %swap3A_397 = tpu.vector_load %arg8[%swap3A_395, %swap3A_396] {strides = array<i32>} : memref<256x16xf32, #tpu.memory_space<vmem>>, vector<16xf32>,
      tpu.vector_store %arg8[%swap3A_395, %swap3A_396], %broadcast_in_dim3A_394 {strides = array<i32>} : memref<256x16xf32, #tpu.memory_space<vmem>>, vector<16xf32>,
      %scan3A_398 = arith.constant 0 : i32
      scf.yield %scan3A_398 : i32
    }
    %scan3A_45 = arith.constant 256 : i32
    %broadcast_in_dim3A = arith.constant 0x7F800000 : f32
    %broadcast_in_dim3A_46 = vector.broadcast %broadcast_in_dim3A : f32 to vector<16xf32>
    %broadcast_in_dim3A_47 = arith.constant 0 : i32
    %broadcast_in_dim3A_48 = vector.broadcast %broadcast_in_dim3A_47 : i32 to vector<16xi32>
    %add3A_49 = arith.constant 0 : i32
    %add3A_50 = arith.addi %mul3A_34, %add3A_49 : i32
    %dma_start3A = tpu.memref_slice %arg4[%add3A_50, %mul3A_32] : memref<32768x128xf32, #tpu.memory_space<hbm>> -> memref<2048x16xf32, #tpu.memory_space<hbm>>
    %dma_start3A_51 = tpu.memref_slice %arg4[%add3A_50, %mul3A_32] : memref<32768x128xf32, #tpu.memory_space<hbm>> -> memref<2048x16xf32, #tpu.memory_space<hbm>>
    tpu.enqueue_dma source(%dma_start3A_51 : memref<2048x16xf32, #tpu.memory_space<hbm>>) target(%arg6 : memref<2048x16xf32, #tpu.memory_space<vmem>>) target_semaphore(%arg11 : memref<!tpu.dma_semaphore, #tpu.memory_space<semaphore_mem>>)
    %add3A_52 = arith.constant 2048 : i32
    %add3A_53 = arith.addi %mul3A_34, %add3A_52 : i32
    %dma_start3A_54 = tpu.memref_slice %arg4[%add3A_53, %mul3A_32] : memref<32768x128xf32, #tpu.memory_space<hbm>> -> memref<2048x16xf32, #tpu.memory_space<hbm>>
    %dma_start3A_55 = tpu.memref_slice %arg4[%add3A_53, %mul3A_32] : memref<32768x128xf32, #tpu.memory_space<hbm>> -> memref<2048x16xf32, #tpu.memory_space<hbm>>
    tpu.enqueue_dma source(%dma_start3A_55 : memref<2048x16xf32, #tpu.memory_space<hbm>>) target(%arg7 : memref<2048x16xf32, #tpu.memory_space<vmem>>) target_semaphore(%arg12 : memref<!tpu.dma_semaphore, #tpu.memory_space<semaphore_mem>>)
    %add3A_56 = arith.constant 0 : i32
    %add3A_57 = arith.addi %mul3A_34, %add3A_56 : i32
    %dma_wait3A = tpu.memref_slice %arg4[%add3A_57, %mul3A_32] : memref<32768x128xf32, #tpu.memory_space<hbm>> -> memref<2048x16xf32, #tpu.memory_space<hbm>>
    %dma_wait3A_58 = tpu.memref_slice %arg4[%add3A_57, %mul3A_32] : memref<32768x128xf32, #tpu.memory_space<hbm>> -> memref<2048x16xf32, #tpu.memory_space<hbm>>
    tpu.wait_dma2 semaphore(%arg11 : memref<!tpu.dma_semaphore, #tpu.memory_space<semaphore_mem>>) src(%dma_wait3A_58 : memref<2048x16xf32, #tpu.memory_space<hbm>>) dst(%arg6 : memref<2048x16xf32, #tpu.memory_space<vmem>>)
    %scan3A_59 = arith.constant 0 : i32
    %scan3A_60 = arith.constant 128 : i32
    %scan3A_61 = arith.addi %scan3A_59, %scan3A_60 : i32
    %scan3A_62 = arith.constant 1 : i32
    %scan3A_63 = scf.for %scan3A_367 = %scan3A_59 to %scan3A_61 step %scan3A_62 iter_args(%scan3A_368 = %broadcast_in_dim3A_46) -> (vector<16xf32>)  : i32 {
      %mul3A_369 = arith.constant 16 : i32
      %mul3A_370 = arith.muli %scan3A_367, %mul3A_369 : i32
      %add3A_371 = arith.constant 0 : i32
      %add3A_372 = arith.addi %mul3A_370, %add3A_371 : i32
      %get3A_373 = arith.index_cast %add3A_372 : i32 to index
      %get3A_374 = arith.constant 0 : index
      %get3A_375 = tpu.vector_load %arg6[%get3A_373, %get3A_374] {strides = array<i32>} : memref<2048x16xf32, #tpu.memory_space<vmem>>, vector<16xf32>,
      %mul3A_376 = arith.constant 16 : i32
      %mul3A_377 = arith.muli %scan3A_367, %mul3A_376 : i32
      %add3A_378 = arith.constant 1 : i32
      %add3A_379 = arith.addi %mul3A_377, %add3A_378 : i32
      %get3A_380 = arith.index_cast %add3A_379 : i32 to index
      %get3A_381 = arith.constant 0 : index
      %get3A_382 = tpu.vector_load %arg6[%get3A_380, %get3A_381] {strides = array<i32>} : memref<2048x16xf32, #tpu.memory_space<vmem>>, vector<16xf32>,
      %mul3A_383 = arith.constant 16 : i32
      %mul3A_384 = arith.muli %scan3A_367, %mul3A_383 : i32
      %add3A_385 = arith.constant 2 : i32
      %add3A_386 = arith.addi %mul3A_384, %add3A_385 : i32
      %get3A_387 = arith.index_cast %add3A_386 : i32 to index
      %get3A_388 = arith.constant 0 : index
      %get3A_389 = tpu.vector_load %arg6[%get3A_387, %get3A_388] {strides = array<i32>} : memref<2048x16xf32, #tpu.memory_space<vmem>>, vector<16xf32>,
      %mul3A_390 = arith.constant 16 : i32
      %mul3A_391 = arith.muli %scan3A_367, %mul3A_390 : i32
      %add3A_392 = arith.constant 3 : i32
      %add3A_393 = arith.addi %mul3A_391, %add3A_392 : i32
      %get3A_394 = arith.index_cast %add3A_393 : i32 to index
      %get3A_395 = arith.constant 0 : index
      %get3A_396 = tpu.vector_load %arg6[%get3A_394, %get3A_395] {strides = array<i32>} : memref<2048x16xf32, #tpu.memory_space<vmem>>, vector<16xf32>,
      %mul3A_397 = arith.constant 16 : i32
      %mul3A_398 = arith.muli %scan3A_367, %mul3A_397 : i32
      %add3A_399 = arith.constant 4 : i32
      %add3A_400 = arith.addi %mul3A_398, %add3A_399 : i32
      %get3A_401 = arith.index_cast %add3A_400 : i32 to index
      %get3A_402 = arith.constant 0 : index
      %get3A_403 = tpu.vector_load %arg6[%get3A_401, %get3A_402] {strides = array<i32>} : memref<2048x16xf32, #tpu.memory_space<vmem>>, vector<16xf32>,
      %mul3A_404 = arith.constant 16 : i32
      %mul3A_405 = arith.muli %scan3A_367, %mul3A_404 : i32
      %add3A_406 = arith.constant 5 : i32
      %add3A_407 = arith.addi %mul3A_405, %add3A_406 : i32
      %get3A_408 = arith.index_cast %add3A_407 : i32 to index
      %get3A_409 = arith.constant 0 : index
      %get3A_410 = tpu.vector_load %arg6[%get3A_408, %get3A_409] {strides = array<i32>} : memref<2048x16xf32, #tpu.memory_space<vmem>>, vector<16xf32>,
      %mul3A_411 = arith.constant 16 : i32
      %mul3A_412 = arith.muli %scan3A_367, %mul3A_411 : i32
      %add3A_413 = arith.constant 6 : i32
      %add3A_414 = arith.addi %mul3A_412, %add3A_413 : i32
      %get3A_415 = arith.index_cast %add3A_414 : i32 to index
      %get3A_416 = arith.constant 0 : index
      %get3A_417 = tpu.vector_load %arg6[%get3A_415, %get3A_416] {strides = array<i32>} : memref<2048x16xf32, #tpu.memory_space<vmem>>, vector<16xf32>,
      %mul3A_418 = arith.constant 16 : i32
      %mul3A_419 = arith.muli %scan3A_367, %mul3A_418 : i32
      %add3A_420 = arith.constant 7 : i32
      %add3A_421 = arith.addi %mul3A_419, %add3A_420 : i32
      %get3A_422 = arith.index_cast %add3A_421 : i32 to index
      %get3A_423 = arith.constant 0 : index
      %get3A_424 = tpu.vector_load %arg6[%get3A_422, %get3A_423] {strides = array<i32>} : memref<2048x16xf32, #tpu.memory_space<vmem>>, vector<16xf32>,
      %mul3A_425 = arith.constant 16 : i32
      %mul3A_426 = arith.muli %scan3A_367, %mul3A_425 : i32
      %add3A_427 = arith.constant 8 : i32
      %add3A_428 = arith.addi %mul3A_426, %add3A_427 : i32
      %get3A_429 = arith.index_cast %add3A_428 : i32 to index
      %get3A_430 = arith.constant 0 : index
      %get3A_431 = tpu.vector_load %arg6[%get3A_429, %get3A_430] {strides = array<i32>} : memref<2048x16xf32, #tpu.memory_space<vmem>>, vector<16xf32>,
      %mul3A_432 = arith.constant 16 : i32
      %mul3A_433 = arith.muli %scan3A_367, %mul3A_432 : i32
      %add3A_434 = arith.constant 9 : i32
      %add3A_435 = arith.addi %mul3A_433, %add3A_434 : i32
      %get3A_436 = arith.index_cast %add3A_435 : i32 to index
      %get3A_437 = arith.constant 0 : index
      %get3A_438 = tpu.vector_load %arg6[%get3A_436, %get3A_437] {strides = array<i32>} : memref<2048x16xf32, #tpu.memory_space<vmem>>, vector<16xf32>,
      %mul3A_439 = arith.constant 16 : i32
      %mul3A_440 = arith.muli %scan3A_367, %mul3A_439 : i32
      %add3A_441 = arith.constant 10 : i32
      %add3A_442 = arith.addi %mul3A_440, %add3A_441 : i32
      %get3A_443 = arith.index_cast %add3A_442 : i32 to index
      %get3A_444 = arith.constant 0 : index
      %get3A_445 = tpu.vector_load %arg6[%get3A_443, %get3A_444] {strides = array<i32>} : memref<2048x16xf32, #tpu.memory_space<vmem>>, vector<16xf32>,
      %mul3A_446 = arith.constant 16 : i32
      %mul3A_447 = arith.muli %scan3A_367, %mul3A_446 : i32
      %add3A_448 = arith.constant 11 : i32
      %add3A_449 = arith.addi %mul3A_447, %add3A_448 : i32
      %get3A_450 = arith.index_cast %add3A_449 : i32 to index
      %get3A_451 = arith.constant 0 : index
      %get3A_452 = tpu.vector_load %arg6[%get3A_450, %get3A_451] {strides = array<i32>} : memref<2048x16xf32, #tpu.memory_space<vmem>>, vector<16xf32>,
      %mul3A_453 = arith.constant 16 : i32
      %mul3A_454 = arith.muli %scan3A_367, %mul3A_453 : i32
      %add3A_455 = arith.constant 12 : i32
      %add3A_456 = arith.addi %mul3A_454, %add3A_455 : i32
      %get3A_457 = arith.index_cast %add3A_456 : i32 to index
      %get3A_458 = arith.constant 0 : index
      %get3A_459 = tpu.vector_load %arg6[%get3A_457, %get3A_458] {strides = array<i32>} : memref<2048x16xf32, #tpu.memory_space<vmem>>, vector<16xf32>,
      %mul3A_460 = arith.constant 16 : i32
      %mul3A_461 = arith.muli %scan3A_367, %mul3A_460 : i32
      %add3A_462 = arith.constant 13 : i32
      %add3A_463 = arith.addi %mul3A_461, %add3A_462 : i32
      %get3A_464 = arith.index_cast %add3A_463 : i32 to index
      %get3A_465 = arith.constant 0 : index
      %get3A_466 = tpu.vector_load %arg6[%get3A_464, %get3A_465] {strides = array<i32>} : memref<2048x16xf32, #tpu.memory_space<vmem>>, vector<16xf32>,
      %mul3A_467 = arith.constant 16 : i32
      %mul3A_468 = arith.muli %scan3A_367, %mul3A_467 : i32
      %add3A_469 = arith.constant 14 : i32
      %add3A_470 = arith.addi %mul3A_468, %add3A_469 : i32
      %get3A_471 = arith.index_cast %add3A_470 : i32 to index
      %get3A_472 = arith.constant 0 : index
      %get3A_473 = tpu.vector_load %arg6[%get3A_471, %get3A_472] {strides = array<i32>} : memref<2048x16xf32, #tpu.memory_space<vmem>>, vector<16xf32>,
      %mul3A_474 = arith.constant 16 : i32
      %mul3A_475 = arith.muli %scan3A_367, %mul3A_474 : i32
      %add3A_476 = arith.constant 15 : i32
      %add3A_477 = arith.addi %mul3A_475, %add3A_476 : i32
      %get3A_478 = arith.index_cast %add3A_477 : i32 to index
      %get3A_479 = arith.constant 0 : index
      %get3A_480 = tpu.vector_load %arg6[%get3A_478, %get3A_479] {strides = array<i32>} : memref<2048x16xf32, #tpu.memory_space<vmem>>, vector<16xf32>,
      %min3A_481 = arith.minimumf %get3A_375, %get3A_382 : vector<16xf32>
      %min3A_482 = arith.minimumf %get3A_389, %get3A_396 : vector<16xf32>
      %min3A_483 = arith.minimumf %get3A_403, %get3A_410 : vector<16xf32>
      %min3A_484 = arith.minimumf %get3A_417, %get3A_424 : vector<16xf32>
      %min3A_485 = arith.minimumf %get3A_431, %get3A_438 : vector<16xf32>
      %min3A_486 = arith.minimumf %get3A_445, %get3A_452 : vector<16xf32>
      %min3A_487 = arith.minimumf %get3A_459, %get3A_466 : vector<16xf32>
      %min3A_488 = arith.minimumf %get3A_473, %get3A_480 : vector<16xf32>
      %min3A_489 = arith.minimumf %min3A_481, %min3A_482 : vector<16xf32>
      %min3A_490 = arith.minimumf %min3A_483, %min3A_484 : vector<16xf32>
      %min3A_491 = arith.minimumf %min3A_485, %min3A_486 : vector<16xf32>
      %min3A_492 = arith.minimumf %min3A_487, %min3A_488 : vector<16xf32>
      %min3A_493 = arith.minimumf %min3A_489, %min3A_490 : vector<16xf32>
      %min3A_494 = arith.minimumf %min3A_491, %min3A_492 : vector<16xf32>
      %min3A_495 = arith.minimumf %min3A_493, %min3A_494 : vector<16xf32>
      %swap3A_496 = arith.index_cast %scan3A_367 : i32 to index
      %swap3A_497 = arith.constant 0 : index
      %swap3A_498 = tpu.vector_load %arg9[%swap3A_496, %swap3A_497] {strides = array<i32>} : memref<128x16xf32, #tpu.memory_space<vmem>>, vector<16xf32>,
      tpu.vector_store %arg9[%swap3A_496, %swap3A_497], %min3A_495 {strides = array<i32>} : memref<128x16xf32, #tpu.memory_space<vmem>>, vector<16xf32>,
      %min3A_499 = arith.minimumf %scan3A_368, %min3A_495 : vector<16xf32>
      scf.yield %min3A_499 : vector<16xf32>
    }
    %scan3A_64 = arith.constant 128 : i32
    %add3A_65 = vector.broadcast %squeeze3A : f32 to vector<16xf32>
    %add3A_66 = arith.addf %scan3A_63, %add3A_65 : vector<16xf32>
    %scan3A_67 = arith.constant 0 : i32
    %scan3A_68 = arith.constant 128 : i32
    %scan3A_69 = arith.addi %scan3A_67, %scan3A_68 : i32
    %scan3A_70 = arith.constant 1 : i32
    %scan3A_71 = scf.for %scan3A_367 = %scan3A_67 to %scan3A_69 step %scan3A_70 iter_args(%scan3A_368 = %broadcast_in_dim3A_48) -> (vector<16xi32>)  : i32 {
      %get3A_369 = arith.index_cast %scan3A_367 : i32 to index
      %get3A_370 = arith.constant 0 : index
      %get3A_371 = tpu.vector_load %arg9[%get3A_369, %get3A_370] {strides = array<i32>} : memref<128x16xf32, #tpu.memory_space<vmem>>, vector<16xf32>,
      %lt3A_372 = arith.cmpf olt, %get3A_371, %add3A_66 : vector<16xf32>
      %reduce_or3A = arith.constant 1.000000e+00 : f32
      %reduce_or3A_373 = arith.constant 0.000000e+00 : f32
      %reduce_or3A_374 = vector.broadcast %reduce_or3A : f32 to vector<16xf32>
      %reduce_or3A_375 = vector.broadcast %reduce_or3A_373 : f32 to vector<16xf32>
      %reduce_or3A_376 = arith.select %lt3A_372, %reduce_or3A_374, %reduce_or3A_375 : vector<16xi1>, vector<16xf32>
      %reduce_or3A_377 = arith.constant true
      %reduce_or3A_378 = vector.broadcast %reduce_or3A_377 : i1 to vector<16xi1>
      %reduce_or3A_379 = tpu.scan <max>, %reduce_or3A_376 masked %reduce_or3A_378 : vector<16xf32>, vector<16xi1> -> vector<16xf32>
      %reduce_or3A_380 = vector.extract %reduce_or3A_379[15] : f32 from vector<16xf32>
      %reduce_or3A_381 = arith.constant 0.000000e+00 : f32
      %reduce_or3A_382 = arith.cmpf ogt, %reduce_or3A_380, %reduce_or3A_381 : f32
      %convert_element_type3A_383 = arith.extui %reduce_or3A_382 : i1 to i32
      %cond3A = arith.constant 0 : i32
      %cond3A_384 = arith.cmpi ne, %convert_element_type3A_383, %cond3A : i32
      %cond3A_385 = scf.if %cond3A_384 -> (vector<16xi32>) {
        %mul3A_386 = arith.constant 16 : i32
        %mul3A_387 = arith.muli %scan3A_367, %mul3A_386 : i32
        %add3A_388 = arith.constant 0 : i32
        %add3A_389 = arith.addi %mul3A_387, %add3A_388 : i32
        %get3A_390 = arith.index_cast %add3A_389 : i32 to index
        %get3A_391 = arith.constant 0 : index
        %get3A_392 = tpu.vector_load %arg6[%get3A_390, %get3A_391] {strides = array<i32>} : memref<2048x16xf32, #tpu.memory_space<vmem>>, vector<16xf32>,
        %lt3A_393 = arith.cmpf olt, %get3A_392, %add3A_66 : vector<16xf32>
        %lt3A_394 = arith.constant 256 : i32
        %lt3A_395 = vector.broadcast %lt3A_394 : i32 to vector<16xi32>
        %lt3A_396 = arith.cmpi slt, %scan3A_368, %lt3A_395 : vector<16xi32>
        %and3A_397 = arith.andi %lt3A_393, %lt3A_396 : vector<16xi1>
        tpu.vector_store_idx %arg8[%scan3A_368, %iota3A], %get3A_392 masked %and3A_397 : memref<256x16xf32, #tpu.memory_space<vmem>>[vector<16xi32>, vector<16xi32>], vector<16xf32>, vector<16xi1>
        %jit3A_398 = arith.constant 1 : i32
        %jit3A_399 = arith.constant 0 : i32
        %broadcast_in_dim3A_400 = vector.broadcast %jit3A_398 : i32 to vector<16xi32>
        %broadcast_in_dim3A_401 = vector.broadcast %jit3A_399 : i32 to vector<16xi32>
        %select_n3A_402 = arith.select %and3A_397, %broadcast_in_dim3A_400, %broadcast_in_dim3A_401 : vector<16xi1>, vector<16xi32>
        %add3A_403 = arith.addi %scan3A_368, %select_n3A_402 : vector<16xi32>
        %mul3A_404 = arith.constant 16 : i32
        %mul3A_405 = arith.muli %scan3A_367, %mul3A_404 : i32
        %add3A_406 = arith.constant 1 : i32
        %add3A_407 = arith.addi %mul3A_405, %add3A_406 : i32
        %get3A_408 = arith.index_cast %add3A_407 : i32 to index
        %get3A_409 = arith.constant 0 : index
        %get3A_410 = tpu.vector_load %arg6[%get3A_408, %get3A_409] {strides = array<i32>} : memref<2048x16xf32, #tpu.memory_space<vmem>>, vector<16xf32>,
        %lt3A_411 = arith.cmpf olt, %get3A_410, %add3A_66 : vector<16xf32>
        %lt3A_412 = arith.constant 256 : i32
        %lt3A_413 = vector.broadcast %lt3A_412 : i32 to vector<16xi32>
        %lt3A_414 = arith.cmpi slt, %add3A_403, %lt3A_413 : vector<16xi32>
        %and3A_415 = arith.andi %lt3A_411, %lt3A_414 : vector<16xi1>
        tpu.vector_store_idx %arg8[%add3A_403, %iota3A], %get3A_410 masked %and3A_415 : memref<256x16xf32, #tpu.memory_space<vmem>>[vector<16xi32>, vector<16xi32>], vector<16xf32>, vector<16xi1>
        %jit3A_416 = arith.constant 1 : i32
        %jit3A_417 = arith.constant 0 : i32
        %broadcast_in_dim3A_418 = vector.broadcast %jit3A_416 : i32 to vector<16xi32>
        %broadcast_in_dim3A_419 = vector.broadcast %jit3A_417 : i32 to vector<16xi32>
        %select_n3A_420 = arith.select %and3A_415, %broadcast_in_dim3A_418, %broadcast_in_dim3A_419 : vector<16xi1>, vector<16xi32>
        %add3A_421 = arith.addi %add3A_403, %select_n3A_420 : vector<16xi32>
        %mul3A_422 = arith.constant 16 : i32
        %mul3A_423 = arith.muli %scan3A_367, %mul3A_422 : i32
        %add3A_424 = arith.constant 2 : i32
        %add3A_425 = arith.addi %mul3A_423, %add3A_424 : i32
        %get3A_426 = arith.index_cast %add3A_425 : i32 to index
        %get3A_427 = arith.constant 0 : index
        %get3A_428 = tpu.vector_load %arg6[%get3A_426, %get3A_427] {strides = array<i32>} : memref<2048x16xf32, #tpu.memory_space<vmem>>, vector<16xf32>,
        %lt3A_429 = arith.cmpf olt, %get3A_428, %add3A_66 : vector<16xf32>
        %lt3A_430 = arith.constant 256 : i32
        %lt3A_431 = vector.broadcast %lt3A_430 : i32 to vector<16xi32>
        %lt3A_432 = arith.cmpi slt, %add3A_421, %lt3A_431 : vector<16xi32>
        %and3A_433 = arith.andi %lt3A_429, %lt3A_432 : vector<16xi1>
        tpu.vector_store_idx %arg8[%add3A_421, %iota3A], %get3A_428 masked %and3A_433 : memref<256x16xf32, #tpu.memory_space<vmem>>[vector<16xi32>, vector<16xi32>], vector<16xf32>, vector<16xi1>
        %jit3A_434 = arith.constant 1 : i32
        %jit3A_435 = arith.constant 0 : i32
        %broadcast_in_dim3A_436 = vector.broadcast %jit3A_434 : i32 to vector<16xi32>
        %broadcast_in_dim3A_437 = vector.broadcast %jit3A_435 : i32 to vector<16xi32>
        %select_n3A_438 = arith.select %and3A_433, %broadcast_in_dim3A_436, %broadcast_in_dim3A_437 : vector<16xi1>, vector<16xi32>
        %add3A_439 = arith.addi %add3A_421, %select_n3A_438 : vector<16xi32>
        %mul3A_440 = arith.constant 16 : i32
        %mul3A_441 = arith.muli %scan3A_367, %mul3A_440 : i32
        %add3A_442 = arith.constant 3 : i32
        %add3A_443 = arith.addi %mul3A_441, %add3A_442 : i32
        %get3A_444 = arith.index_cast %add3A_443 : i32 to index
        %get3A_445 = arith.constant 0 : index
        %get3A_446 = tpu.vector_load %arg6[%get3A_444, %get3A_445] {strides = array<i32>} : memref<2048x16xf32, #tpu.memory_space<vmem>>, vector<16xf32>,
        %lt3A_447 = arith.cmpf olt, %get3A_446, %add3A_66 : vector<16xf32>
        %lt3A_448 = arith.constant 256 : i32
        %lt3A_449 = vector.broadcast %lt3A_448 : i32 to vector<16xi32>
        %lt3A_450 = arith.cmpi slt, %add3A_439, %lt3A_449 : vector<16xi32>
        %and3A_451 = arith.andi %lt3A_447, %lt3A_450 : vector<16xi1>
        tpu.vector_store_idx %arg8[%add3A_439, %iota3A], %get3A_446 masked %and3A_451 : memref<256x16xf32, #tpu.memory_space<vmem>>[vector<16xi32>, vector<16xi32>], vector<16xf32>, vector<16xi1>
        %jit3A_452 = arith.constant 1 : i32
        %jit3A_453 = arith.constant 0 : i32
        %broadcast_in_dim3A_454 = vector.broadcast %jit3A_452 : i32 to vector<16xi32>
        %broadcast_in_dim3A_455 = vector.broadcast %jit3A_453 : i32 to vector<16xi32>
        %select_n3A_456 = arith.select %and3A_451, %broadcast_in_dim3A_454, %broadcast_in_dim3A_455 : vector<16xi1>, vector<16xi32>
        %add3A_457 = arith.addi %add3A_439, %select_n3A_456 : vector<16xi32>
        %mul3A_458 = arith.constant 16 : i32
        %mul3A_459 = arith.muli %scan3A_367, %mul3A_458 : i32
        %add3A_460 = arith.constant 4 : i32
        %add3A_461 = arith.addi %mul3A_459, %add3A_460 : i32
        %get3A_462 = arith.index_cast %add3A_461 : i32 to index
        %get3A_463 = arith.constant 0 : index
        %get3A_464 = tpu.vector_load %arg6[%get3A_462, %get3A_463] {strides = array<i32>} : memref<2048x16xf32, #tpu.memory_space<vmem>>, vector<16xf32>,
        %lt3A_465 = arith.cmpf olt, %get3A_464, %add3A_66 : vector<16xf32>
        %lt3A_466 = arith.constant 256 : i32
        %lt3A_467 = vector.broadcast %lt3A_466 : i32 to vector<16xi32>
        %lt3A_468 = arith.cmpi slt, %add3A_457, %lt3A_467 : vector<16xi32>
        %and3A_469 = arith.andi %lt3A_465, %lt3A_468 : vector<16xi1>
        tpu.vector_store_idx %arg8[%add3A_457, %iota3A], %get3A_464 masked %and3A_469 : memref<256x16xf32, #tpu.memory_space<vmem>>[vector<16xi32>, vector<16xi32>], vector<16xf32>, vector<16xi1>
        %jit3A_470 = arith.constant 1 : i32
        %jit3A_471 = arith.constant 0 : i32
        %broadcast_in_dim3A_472 = vector.broadcast %jit3A_470 : i32 to vector<16xi32>
        %broadcast_in_dim3A_473 = vector.broadcast %jit3A_471 : i32 to vector<16xi32>
        %select_n3A_474 = arith.select %and3A_469, %broadcast_in_dim3A_472, %broadcast_in_dim3A_473 : vector<16xi1>, vector<16xi32>
        %add3A_475 = arith.addi %add3A_457, %select_n3A_474 : vector<16xi32>
        %mul3A_476 = arith.constant 16 : i32
        %mul3A_477 = arith.muli %scan3A_367, %mul3A_476 : i32
        %add3A_478 = arith.constant 5 : i32
        %add3A_479 = arith.addi %mul3A_477, %add3A_478 : i32
        %get3A_480 = arith.index_cast %add3A_479 : i32 to index
        %get3A_481 = arith.constant 0 : index
        %get3A_482 = tpu.vector_load %arg6[%get3A_480, %get3A_481] {strides = array<i32>} : memref<2048x16xf32, #tpu.memory_space<vmem>>, vector<16xf32>,
        %lt3A_483 = arith.cmpf olt, %get3A_482, %add3A_66 : vector<16xf32>
        %lt3A_484 = arith.constant 256 : i32
        %lt3A_485 = vector.broadcast %lt3A_484 : i32 to vector<16xi32>
        %lt3A_486 = arith.cmpi slt, %add3A_475, %lt3A_485 : vector<16xi32>
        %and3A_487 = arith.andi %lt3A_483, %lt3A_486 : vector<16xi1>
        tpu.vector_store_idx %arg8[%add3A_475, %iota3A], %get3A_482 masked %and3A_487 : memref<256x16xf32, #tpu.memory_space<vmem>>[vector<16xi32>, vector<16xi32>], vector<16xf32>, vector<16xi1>
        %jit3A_488 = arith.constant 1 : i32
        %jit3A_489 = arith.constant 0 : i32
        %broadcast_in_dim3A_490 = vector.broadcast %jit3A_488 : i32 to vector<16xi32>
        %broadcast_in_dim3A_491 = vector.broadcast %jit3A_489 : i32 to vector<16xi32>
        %select_n3A_492 = arith.select %and3A_487, %broadcast_in_dim3A_490, %broadcast_in_dim3A_491 : vector<16xi1>, vector<16xi32>
        %add3A_493 = arith.addi %add3A_475, %select_n3A_492 : vector<16xi32>
        %mul3A_494 = arith.constant 16 : i32
        %mul3A_495 = arith.muli %scan3A_367, %mul3A_494 : i32
        %add3A_496 = arith.constant 6 : i32
        %add3A_497 = arith.addi %mul3A_495, %add3A_496 : i32
        %get3A_498 = arith.index_cast %add3A_497 : i32 to index
        %get3A_499 = arith.constant 0 : index
        %get3A_500 = tpu.vector_load %arg6[%get3A_498, %get3A_499] {strides = array<i32>} : memref<2048x16xf32, #tpu.memory_space<vmem>>, vector<16xf32>,
        %lt3A_501 = arith.cmpf olt, %get3A_500, %add3A_66 : vector<16xf32>
        %lt3A_502 = arith.constant 256 : i32
        %lt3A_503 = vector.broadcast %lt3A_502 : i32 to vector<16xi32>
        %lt3A_504 = arith.cmpi slt, %add3A_493, %lt3A_503 : vector<16xi32>
        %and3A_505 = arith.andi %lt3A_501, %lt3A_504 : vector<16xi1>
        tpu.vector_store_idx %arg8[%add3A_493, %iota3A], %get3A_500 masked %and3A_505 : memref<256x16xf32, #tpu.memory_space<vmem>>[vector<16xi32>, vector<16xi32>], vector<16xf32>, vector<16xi1>
        %jit3A_506 = arith.constant 1 : i32
        %jit3A_507 = arith.constant 0 : i32
        %broadcast_in_dim3A_508 = vector.broadcast %jit3A_506 : i32 to vector<16xi32>
        %broadcast_in_dim3A_509 = vector.broadcast %jit3A_507 : i32 to vector<16xi32>
        %select_n3A_510 = arith.select %and3A_505, %broadcast_in_dim3A_508, %broadcast_in_dim3A_509 : vector<16xi1>, vector<16xi32>
        %add3A_511 = arith.addi %add3A_493, %select_n3A_510 : vector<16xi32>
        %mul3A_512 = arith.constant 16 : i32
        %mul3A_513 = arith.muli %scan3A_367, %mul3A_512 : i32
        %add3A_514 = arith.constant 7 : i32
        %add3A_515 = arith.addi %mul3A_513, %add3A_514 : i32
        %get3A_516 = arith.index_cast %add3A_515 : i32 to index
        %get3A_517 = arith.constant 0 : index
        %get3A_518 = tpu.vector_load %arg6[%get3A_516, %get3A_517] {strides = array<i32>} : memref<2048x16xf32, #tpu.memory_space<vmem>>, vector<16xf32>,
        %lt3A_519 = arith.cmpf olt, %get3A_518, %add3A_66 : vector<16xf32>
        %lt3A_520 = arith.constant 256 : i32
        %lt3A_521 = vector.broadcast %lt3A_520 : i32 to vector<16xi32>
        %lt3A_522 = arith.cmpi slt, %add3A_511, %lt3A_521 : vector<16xi32>
        %and3A_523 = arith.andi %lt3A_519, %lt3A_522 : vector<16xi1>
        tpu.vector_store_idx %arg8[%add3A_511, %iota3A], %get3A_518 masked %and3A_523 : memref<256x16xf32, #tpu.memory_space<vmem>>[vector<16xi32>, vector<16xi32>], vector<16xf32>, vector<16xi1>
        %jit3A_524 = arith.constant 1 : i32
        %jit3A_525 = arith.constant 0 : i32
        %broadcast_in_dim3A_526 = vector.broadcast %jit3A_524 : i32 to vector<16xi32>
        %broadcast_in_dim3A_527 = vector.broadcast %jit3A_525 : i32 to vector<16xi32>
        %select_n3A_528 = arith.select %and3A_523, %broadcast_in_dim3A_526, %broadcast_in_dim3A_527 : vector<16xi1>, vector<16xi32>
        %add3A_529 = arith.addi %add3A_511, %select_n3A_528 : vector<16xi32>
        %mul3A_530 = arith.constant 16 : i32
        %mul3A_531 = arith.muli %scan3A_367, %mul3A_530 : i32
        %add3A_532 = arith.constant 8 : i32
        %add3A_533 = arith.addi %mul3A_531, %add3A_532 : i32
        %get3A_534 = arith.index_cast %add3A_533 : i32 to index
        %get3A_535 = arith.constant 0 : index
        %get3A_536 = tpu.vector_load %arg6[%get3A_534, %get3A_535] {strides = array<i32>} : memref<2048x16xf32, #tpu.memory_space<vmem>>, vector<16xf32>,
        %lt3A_537 = arith.cmpf olt, %get3A_536, %add3A_66 : vector<16xf32>
        %lt3A_538 = arith.constant 256 : i32
        %lt3A_539 = vector.broadcast %lt3A_538 : i32 to vector<16xi32>
        %lt3A_540 = arith.cmpi slt, %add3A_529, %lt3A_539 : vector<16xi32>
        %and3A_541 = arith.andi %lt3A_537, %lt3A_540 : vector<16xi1>
        tpu.vector_store_idx %arg8[%add3A_529, %iota3A], %get3A_536 masked %and3A_541 : memref<256x16xf32, #tpu.memory_space<vmem>>[vector<16xi32>, vector<16xi32>], vector<16xf32>, vector<16xi1>
        %jit3A_542 = arith.constant 1 : i32
        %jit3A_543 = arith.constant 0 : i32
        %broadcast_in_dim3A_544 = vector.broadcast %jit3A_542 : i32 to vector<16xi32>
        %broadcast_in_dim3A_545 = vector.broadcast %jit3A_543 : i32 to vector<16xi32>
        %select_n3A_546 = arith.select %and3A_541, %broadcast_in_dim3A_544, %broadcast_in_dim3A_545 : vector<16xi1>, vector<16xi32>
        %add3A_547 = arith.addi %add3A_529, %select_n3A_546 : vector<16xi32>
        %mul3A_548 = arith.constant 16 : i32
        %mul3A_549 = arith.muli %scan3A_367, %mul3A_548 : i32
        %add3A_550 = arith.constant 9 : i32
        %add3A_551 = arith.addi %mul3A_549, %add3A_550 : i32
        %get3A_552 = arith.index_cast %add3A_551 : i32 to index
        %get3A_553 = arith.constant 0 : index
        %get3A_554 = tpu.vector_load %arg6[%get3A_552, %get3A_553] {strides = array<i32>} : memref<2048x16xf32, #tpu.memory_space<vmem>>, vector<16xf32>,
        %lt3A_555 = arith.cmpf olt, %get3A_554, %add3A_66 : vector<16xf32>
        %lt3A_556 = arith.constant 256 : i32
        %lt3A_557 = vector.broadcast %lt3A_556 : i32 to vector<16xi32>
        %lt3A_558 = arith.cmpi slt, %add3A_547, %lt3A_557 : vector<16xi32>
        %and3A_559 = arith.andi %lt3A_555, %lt3A_558 : vector<16xi1>
        tpu.vector_store_idx %arg8[%add3A_547, %iota3A], %get3A_554 masked %and3A_559 : memref<256x16xf32, #tpu.memory_space<vmem>>[vector<16xi32>, vector<16xi32>], vector<16xf32>, vector<16xi1>
        %jit3A_560 = arith.constant 1 : i32
        %jit3A_561 = arith.constant 0 : i32
        %broadcast_in_dim3A_562 = vector.broadcast %jit3A_560 : i32 to vector<16xi32>
        %broadcast_in_dim3A_563 = vector.broadcast %jit3A_561 : i32 to vector<16xi32>
        %select_n3A_564 = arith.select %and3A_559, %broadcast_in_dim3A_562, %broadcast_in_dim3A_563 : vector<16xi1>, vector<16xi32>
        %add3A_565 = arith.addi %add3A_547, %select_n3A_564 : vector<16xi32>
        %mul3A_566 = arith.constant 16 : i32
        %mul3A_567 = arith.muli %scan3A_367, %mul3A_566 : i32
        %add3A_568 = arith.constant 10 : i32
        %add3A_569 = arith.addi %mul3A_567, %add3A_568 : i32
        %get3A_570 = arith.index_cast %add3A_569 : i32 to index
        %get3A_571 = arith.constant 0 : index
        %get3A_572 = tpu.vector_load %arg6[%get3A_570, %get3A_571] {strides = array<i32>} : memref<2048x16xf32, #tpu.memory_space<vmem>>, vector<16xf32>,
        %lt3A_573 = arith.cmpf olt, %get3A_572, %add3A_66 : vector<16xf32>
        %lt3A_574 = arith.constant 256 : i32
        %lt3A_575 = vector.broadcast %lt3A_574 : i32 to vector<16xi32>
        %lt3A_576 = arith.cmpi slt, %add3A_565, %lt3A_575 : vector<16xi32>
        %and3A_577 = arith.andi %lt3A_573, %lt3A_576 : vector<16xi1>
        tpu.vector_store_idx %arg8[%add3A_565, %iota3A], %get3A_572 masked %and3A_577 : memref<256x16xf32, #tpu.memory_space<vmem>>[vector<16xi32>, vector<16xi32>], vector<16xf32>, vector<16xi1>
        %jit3A_578 = arith.constant 1 : i32
        %jit3A_579 = arith.constant 0 : i32
        %broadcast_in_dim3A_580 = vector.broadcast %jit3A_578 : i32 to vector<16xi32>
        %broadcast_in_dim3A_581 = vector.broadcast %jit3A_579 : i32 to vector<16xi32>
        %select_n3A_582 = arith.select %and3A_577, %broadcast_in_dim3A_580, %broadcast_in_dim3A_581 : vector<16xi1>, vector<16xi32>
        %add3A_583 = arith.addi %add3A_565, %select_n3A_582 : vector<16xi32>
        %mul3A_584 = arith.constant 16 : i32
        %mul3A_585 = arith.muli %scan3A_367, %mul3A_584 : i32
        %add3A_586 = arith.constant 11 : i32
        %add3A_587 = arith.addi %mul3A_585, %add3A_586 : i32
        %get3A_588 = arith.index_cast %add3A_587 : i32 to index
        %get3A_589 = arith.constant 0 : index
        %get3A_590 = tpu.vector_load %arg6[%get3A_588, %get3A_589] {strides = array<i32>} : memref<2048x16xf32, #tpu.memory_space<vmem>>, vector<16xf32>,
        %lt3A_591 = arith.cmpf olt, %get3A_590, %add3A_66 : vector<16xf32>
        %lt3A_592 = arith.constant 256 : i32
        %lt3A_593 = vector.broadcast %lt3A_592 : i32 to vector<16xi32>
        %lt3A_594 = arith.cmpi slt, %add3A_583, %lt3A_593 : vector<16xi32>
        %and3A_595 = arith.andi %lt3A_591, %lt3A_594 : vector<16xi1>
        tpu.vector_store_idx %arg8[%add3A_583, %iota3A], %get3A_590 masked %and3A_595 : memref<256x16xf32, #tpu.memory_space<vmem>>[vector<16xi32>, vector<16xi32>], vector<16xf32>, vector<16xi1>
        %jit3A_596 = arith.constant 1 : i32
        %jit3A_597 = arith.constant 0 : i32
        %broadcast_in_dim3A_598 = vector.broadcast %jit3A_596 : i32 to vector<16xi32>
        %broadcast_in_dim3A_599 = vector.broadcast %jit3A_597 : i32 to vector<16xi32>
        %select_n3A_600 = arith.select %and3A_595, %broadcast_in_dim3A_598, %broadcast_in_dim3A_599 : vector<16xi1>, vector<16xi32>
        %add3A_601 = arith.addi %add3A_583, %select_n3A_600 : vector<16xi32>
        %mul3A_602 = arith.constant 16 : i32
        %mul3A_603 = arith.muli %scan3A_367, %mul3A_602 : i32
        %add3A_604 = arith.constant 12 : i32
        %add3A_605 = arith.addi %mul3A_603, %add3A_604 : i32
        %get3A_606 = arith.index_cast %add3A_605 : i32 to index
        %get3A_607 = arith.constant 0 : index
        %get3A_608 = tpu.vector_load %arg6[%get3A_606, %get3A_607] {strides = array<i32>} : memref<2048x16xf32, #tpu.memory_space<vmem>>, vector<16xf32>,
        %lt3A_609 = arith.cmpf olt, %get3A_608, %add3A_66 : vector<16xf32>
        %lt3A_610 = arith.constant 256 : i32
        %lt3A_611 = vector.broadcast %lt3A_610 : i32 to vector<16xi32>
        %lt3A_612 = arith.cmpi slt, %add3A_601, %lt3A_611 : vector<16xi32>
        %and3A_613 = arith.andi %lt3A_609, %lt3A_612 : vector<16xi1>
        tpu.vector_store_idx %arg8[%add3A_601, %iota3A], %get3A_608 masked %and3A_613 : memref<256x16xf32, #tpu.memory_space<vmem>>[vector<16xi32>, vector<16xi32>], vector<16xf32>, vector<16xi1>
        %jit3A_614 = arith.constant 1 : i32
        %jit3A_615 = arith.constant 0 : i32
        %broadcast_in_dim3A_616 = vector.broadcast %jit3A_614 : i32 to vector<16xi32>
        %broadcast_in_dim3A_617 = vector.broadcast %jit3A_615 : i32 to vector<16xi32>
        %select_n3A_618 = arith.select %and3A_613, %broadcast_in_dim3A_616, %broadcast_in_dim3A_617 : vector<16xi1>, vector<16xi32>
        %add3A_619 = arith.addi %add3A_601, %select_n3A_618 : vector<16xi32>
        %mul3A_620 = arith.constant 16 : i32
        %mul3A_621 = arith.muli %scan3A_367, %mul3A_620 : i32
        %add3A_622 = arith.constant 13 : i32
        %add3A_623 = arith.addi %mul3A_621, %add3A_622 : i32
        %get3A_624 = arith.index_cast %add3A_623 : i32 to index
        %get3A_625 = arith.constant 0 : index
        %get3A_626 = tpu.vector_load %arg6[%get3A_624, %get3A_625] {strides = array<i32>} : memref<2048x16xf32, #tpu.memory_space<vmem>>, vector<16xf32>,
        %lt3A_627 = arith.cmpf olt, %get3A_626, %add3A_66 : vector<16xf32>
        %lt3A_628 = arith.constant 256 : i32
        %lt3A_629 = vector.broadcast %lt3A_628 : i32 to vector<16xi32>
        %lt3A_630 = arith.cmpi slt, %add3A_619, %lt3A_629 : vector<16xi32>
        %and3A_631 = arith.andi %lt3A_627, %lt3A_630 : vector<16xi1>
        tpu.vector_store_idx %arg8[%add3A_619, %iota3A], %get3A_626 masked %and3A_631 : memref<256x16xf32, #tpu.memory_space<vmem>>[vector<16xi32>, vector<16xi32>], vector<16xf32>, vector<16xi1>
        %jit3A_632 = arith.constant 1 : i32
        %jit3A_633 = arith.constant 0 : i32
        %broadcast_in_dim3A_634 = vector.broadcast %jit3A_632 : i32 to vector<16xi32>
        %broadcast_in_dim3A_635 = vector.broadcast %jit3A_633 : i32 to vector<16xi32>
        %select_n3A_636 = arith.select %and3A_631, %broadcast_in_dim3A_634, %broadcast_in_dim3A_635 : vector<16xi1>, vector<16xi32>
        %add3A_637 = arith.addi %add3A_619, %select_n3A_636 : vector<16xi32>
        %mul3A_638 = arith.constant 16 : i32
        %mul3A_639 = arith.muli %scan3A_367, %mul3A_638 : i32
        %add3A_640 = arith.constant 14 : i32
        %add3A_641 = arith.addi %mul3A_639, %add3A_640 : i32
        %get3A_642 = arith.index_cast %add3A_641 : i32 to index
        %get3A_643 = arith.constant 0 : index
        %get3A_644 = tpu.vector_load %arg6[%get3A_642, %get3A_643] {strides = array<i32>} : memref<2048x16xf32, #tpu.memory_space<vmem>>, vector<16xf32>,
        %lt3A_645 = arith.cmpf olt, %get3A_644, %add3A_66 : vector<16xf32>
        %lt3A_646 = arith.constant 256 : i32
        %lt3A_647 = vector.broadcast %lt3A_646 : i32 to vector<16xi32>
        %lt3A_648 = arith.cmpi slt, %add3A_637, %lt3A_647 : vector<16xi32>
        %and3A_649 = arith.andi %lt3A_645, %lt3A_648 : vector<16xi1>
        tpu.vector_store_idx %arg8[%add3A_637, %iota3A], %get3A_644 masked %and3A_649 : memref<256x16xf32, #tpu.memory_space<vmem>>[vector<16xi32>, vector<16xi32>], vector<16xf32>, vector<16xi1>
        %jit3A_650 = arith.constant 1 : i32
        %jit3A_651 = arith.constant 0 : i32
        %broadcast_in_dim3A_652 = vector.broadcast %jit3A_650 : i32 to vector<16xi32>
        %broadcast_in_dim3A_653 = vector.broadcast %jit3A_651 : i32 to vector<16xi32>
        %select_n3A_654 = arith.select %and3A_649, %broadcast_in_dim3A_652, %broadcast_in_dim3A_653 : vector<16xi1>, vector<16xi32>
        %add3A_655 = arith.addi %add3A_637, %select_n3A_654 : vector<16xi32>
        %mul3A_656 = arith.constant 16 : i32
        %mul3A_657 = arith.muli %scan3A_367, %mul3A_656 : i32
        %add3A_658 = arith.constant 15 : i32
        %add3A_659 = arith.addi %mul3A_657, %add3A_658 : i32
        %get3A_660 = arith.index_cast %add3A_659 : i32 to index
        %get3A_661 = arith.constant 0 : index
        %get3A_662 = tpu.vector_load %arg6[%get3A_660, %get3A_661] {strides = array<i32>} : memref<2048x16xf32, #tpu.memory_space<vmem>>, vector<16xf32>,
        %lt3A_663 = arith.cmpf olt, %get3A_662, %add3A_66 : vector<16xf32>
        %lt3A_664 = arith.constant 256 : i32
        %lt3A_665 = vector.broadcast %lt3A_664 : i32 to vector<16xi32>
        %lt3A_666 = arith.cmpi slt, %add3A_655, %lt3A_665 : vector<16xi32>
        %and3A_667 = arith.andi %lt3A_663, %lt3A_666 : vector<16xi1>
        tpu.vector_store_idx %arg8[%add3A_655, %iota3A], %get3A_662 masked %and3A_667 : memref<256x16xf32, #tpu.memory_space<vmem>>[vector<16xi32>, vector<16xi32>], vector<16xf32>, vector<16xi1>
        %jit3A_668 = arith.constant 1 : i32
        %jit3A_669 = arith.constant 0 : i32
        %broadcast_in_dim3A_670 = vector.broadcast %jit3A_668 : i32 to vector<16xi32>
        %broadcast_in_dim3A_671 = vector.broadcast %jit3A_669 : i32 to vector<16xi32>
        %select_n3A_672 = arith.select %and3A_667, %broadcast_in_dim3A_670, %broadcast_in_dim3A_671 : vector<16xi1>, vector<16xi32>
        %add3A_673 = arith.addi %add3A_655, %select_n3A_672 : vector<16xi32>
        scf.yield %add3A_673 : vector<16xi32>
      } else {
        scf.yield %scan3A_368 : vector<16xi32>
      }
      scf.yield %cond3A_385 : vector<16xi32>
    }
    %scan3A_72 = arith.constant 128 : i32
    %add3A_73 = arith.constant 4096 : i32
    %add3A_74 = arith.addi %mul3A_34, %add3A_73 : i32
    %dma_start3A_75 = tpu.memref_slice %arg4[%add3A_74, %mul3A_32] : memref<32768x128xf32, #tpu.memory_space<hbm>> -> memref<2048x16xf32, #tpu.memory_space<hbm>>
    %dma_start3A_76 = tpu.memref_slice %arg4[%add3A_74, %mul3A_32] : memref<32768x128xf32, #tpu.memory_space<hbm>> -> memref<2048x16xf32, #tpu.memory_space<hbm>>
    tpu.enqueue_dma source(%dma_start3A_76 : memref<2048x16xf32, #tpu.memory_space<hbm>>) target(%arg6 : memref<2048x16xf32, #tpu.memory_space<vmem>>) target_semaphore(%arg11 : memref<!tpu.dma_semaphore, #tpu.memory_space<semaphore_mem>>)
    %add3A_77 = arith.constant 2048 : i32
    %add3A_78 = arith.addi %mul3A_34, %add3A_77 : i32
    %dma_wait3A_79 = tpu.memref_slice %arg4[%add3A_78, %mul3A_32] : memref<32768x128xf32, #tpu.memory_space<hbm>> -> memref<2048x16xf32, #tpu.memory_space<hbm>>
    %dma_wait3A_80 = tpu.memref_slice %arg4[%add3A_78, %mul3A_32] : memref<32768x128xf32, #tpu.memory_space<hbm>> -> memref<2048x16xf32, #tpu.memory_space<hbm>>
    tpu.wait_dma2 semaphore(%arg12 : memref<!tpu.dma_semaphore, #tpu.memory_space<semaphore_mem>>) src(%dma_wait3A_80 : memref<2048x16xf32, #tpu.memory_space<hbm>>) dst(%arg7 : memref<2048x16xf32, #tpu.memory_space<vmem>>)
    %scan3A_81 = arith.constant 0 : i32
    %scan3A_82 = arith.constant 128 : i32
    %scan3A_83 = arith.addi %scan3A_81, %scan3A_82 : i32
    %scan3A_84 = arith.constant 1 : i32
    %scan3A_85 = scf.for %scan3A_367 = %scan3A_81 to %scan3A_83 step %scan3A_84 iter_args(%scan3A_368 = %scan3A_63) -> (vector<16xf32>)  : i32 {
      %mul3A_369 = arith.constant 16 : i32
      %mul3A_370 = arith.muli %scan3A_367, %mul3A_369 : i32
      %add3A_371 = arith.constant 0 : i32
      %add3A_372 = arith.addi %mul3A_370, %add3A_371 : i32
      %get3A_373 = arith.index_cast %add3A_372 : i32 to index
      %get3A_374 = arith.constant 0 : index
      %get3A_375 = tpu.vector_load %arg7[%get3A_373, %get3A_374] {strides = array<i32>} : memref<2048x16xf32, #tpu.memory_space<vmem>>, vector<16xf32>,
      %mul3A_376 = arith.constant 16 : i32
      %mul3A_377 = arith.muli %scan3A_367, %mul3A_376 : i32
      %add3A_378 = arith.constant 1 : i32
      %add3A_379 = arith.addi %mul3A_377, %add3A_378 : i32
      %get3A_380 = arith.index_cast %add3A_379 : i32 to index
      %get3A_381 = arith.constant 0 : index
      %get3A_382 = tpu.vector_load %arg7[%get3A_380, %get3A_381] {strides = array<i32>} : memref<2048x16xf32, #tpu.memory_space<vmem>>, vector<16xf32>,
      %mul3A_383 = arith.constant 16 : i32
      %mul3A_384 = arith.muli %scan3A_367, %mul3A_383 : i32
      %add3A_385 = arith.constant 2 : i32
      %add3A_386 = arith.addi %mul3A_384, %add3A_385 : i32
      %get3A_387 = arith.index_cast %add3A_386 : i32 to index
      %get3A_388 = arith.constant 0 : index
      %get3A_389 = tpu.vector_load %arg7[%get3A_387, %get3A_388] {strides = array<i32>} : memref<2048x16xf32, #tpu.memory_space<vmem>>, vector<16xf32>,
      %mul3A_390 = arith.constant 16 : i32
      %mul3A_391 = arith.muli %scan3A_367, %mul3A_390 : i32
      %add3A_392 = arith.constant 3 : i32
      %add3A_393 = arith.addi %mul3A_391, %add3A_392 : i32
      %get3A_394 = arith.index_cast %add3A_393 : i32 to index
      %get3A_395 = arith.constant 0 : index
      %get3A_396 = tpu.vector_load %arg7[%get3A_394, %get3A_395] {strides = array<i32>} : memref<2048x16xf32, #tpu.memory_space<vmem>>, vector<16xf32>,
      %mul3A_397 = arith.constant 16 : i32
      %mul3A_398 = arith.muli %scan3A_367, %mul3A_397 : i32
      %add3A_399 = arith.constant 4 : i32
      %add3A_400 = arith.addi %mul3A_398, %add3A_399 : i32
      %get3A_401 = arith.index_cast %add3A_400 : i32 to index
      %get3A_402 = arith.constant 0 : index
      %get3A_403 = tpu.vector_load %arg7[%get3A_401, %get3A_402] {strides = array<i32>} : memref<2048x16xf32, #tpu.memory_space<vmem>>, vector<16xf32>,
      %mul3A_404 = arith.constant 16 : i32
      %mul3A_405 = arith.muli %scan3A_367, %mul3A_404 : i32
      %add3A_406 = arith.constant 5 : i32
      %add3A_407 = arith.addi %mul3A_405, %add3A_406 : i32
      %get3A_408 = arith.index_cast %add3A_407 : i32 to index
      %get3A_409 = arith.constant 0 : index
      %get3A_410 = tpu.vector_load %arg7[%get3A_408, %get3A_409] {strides = array<i32>} : memref<2048x16xf32, #tpu.memory_space<vmem>>, vector<16xf32>,
      %mul3A_411 = arith.constant 16 : i32
      %mul3A_412 = arith.muli %scan3A_367, %mul3A_411 : i32
      %add3A_413 = arith.constant 6 : i32
      %add3A_414 = arith.addi %mul3A_412, %add3A_413 : i32
      %get3A_415 = arith.index_cast %add3A_414 : i32 to index
      %get3A_416 = arith.constant 0 : index
      %get3A_417 = tpu.vector_load %arg7[%get3A_415, %get3A_416] {strides = array<i32>} : memref<2048x16xf32, #tpu.memory_space<vmem>>, vector<16xf32>,
      %mul3A_418 = arith.constant 16 : i32
      %mul3A_419 = arith.muli %scan3A_367, %mul3A_418 : i32
      %add3A_420 = arith.constant 7 : i32
      %add3A_421 = arith.addi %mul3A_419, %add3A_420 : i32
      %get3A_422 = arith.index_cast %add3A_421 : i32 to index
      %get3A_423 = arith.constant 0 : index
      %get3A_424 = tpu.vector_load %arg7[%get3A_422, %get3A_423] {strides = array<i32>} : memref<2048x16xf32, #tpu.memory_space<vmem>>, vector<16xf32>,
      %mul3A_425 = arith.constant 16 : i32
      %mul3A_426 = arith.muli %scan3A_367, %mul3A_425 : i32
      %add3A_427 = arith.constant 8 : i32
      %add3A_428 = arith.addi %mul3A_426, %add3A_427 : i32
      %get3A_429 = arith.index_cast %add3A_428 : i32 to index
      %get3A_430 = arith.constant 0 : index
      %get3A_431 = tpu.vector_load %arg7[%get3A_429, %get3A_430] {strides = array<i32>} : memref<2048x16xf32, #tpu.memory_space<vmem>>, vector<16xf32>,
      %mul3A_432 = arith.constant 16 : i32
      %mul3A_433 = arith.muli %scan3A_367, %mul3A_432 : i32
      %add3A_434 = arith.constant 9 : i32
      %add3A_435 = arith.addi %mul3A_433, %add3A_434 : i32
      %get3A_436 = arith.index_cast %add3A_435 : i32 to index
      %get3A_437 = arith.constant 0 : index
      %get3A_438 = tpu.vector_load %arg7[%get3A_436, %get3A_437] {strides = array<i32>} : memref<2048x16xf32, #tpu.memory_space<vmem>>, vector<16xf32>,
      %mul3A_439 = arith.constant 16 : i32
      %mul3A_440 = arith.muli %scan3A_367, %mul3A_439 : i32
      %add3A_441 = arith.constant 10 : i32
      %add3A_442 = arith.addi %mul3A_440, %add3A_441 : i32
      %get3A_443 = arith.index_cast %add3A_442 : i32 to index
      %get3A_444 = arith.constant 0 : index
      %get3A_445 = tpu.vector_load %arg7[%get3A_443, %get3A_444] {strides = array<i32>} : memref<2048x16xf32, #tpu.memory_space<vmem>>, vector<16xf32>,
      %mul3A_446 = arith.constant 16 : i32
      %mul3A_447 = arith.muli %scan3A_367, %mul3A_446 : i32
      %add3A_448 = arith.constant 11 : i32
      %add3A_449 = arith.addi %mul3A_447, %add3A_448 : i32
      %get3A_450 = arith.index_cast %add3A_449 : i32 to index
      %get3A_451 = arith.constant 0 : index
      %get3A_452 = tpu.vector_load %arg7[%get3A_450, %get3A_451] {strides = array<i32>} : memref<2048x16xf32, #tpu.memory_space<vmem>>, vector<16xf32>,
      %mul3A_453 = arith.constant 16 : i32
      %mul3A_454 = arith.muli %scan3A_367, %mul3A_453 : i32
      %add3A_455 = arith.constant 12 : i32
      %add3A_456 = arith.addi %mul3A_454, %add3A_455 : i32
      %get3A_457 = arith.index_cast %add3A_456 : i32 to index
      %get3A_458 = arith.constant 0 : index
      %get3A_459 = tpu.vector_load %arg7[%get3A_457, %get3A_458] {strides = array<i32>} : memref<2048x16xf32, #tpu.memory_space<vmem>>, vector<16xf32>,
      %mul3A_460 = arith.constant 16 : i32
      %mul3A_461 = arith.muli %scan3A_367, %mul3A_460 : i32
      %add3A_462 = arith.constant 13 : i32
      %add3A_463 = arith.addi %mul3A_461, %add3A_462 : i32
      %get3A_464 = arith.index_cast %add3A_463 : i32 to index
      %get3A_465 = arith.constant 0 : index
      %get3A_466 = tpu.vector_load %arg7[%get3A_464, %get3A_465] {strides = array<i32>} : memref<2048x16xf32, #tpu.memory_space<vmem>>, vector<16xf32>,
      %mul3A_467 = arith.constant 16 : i32
      %mul3A_468 = arith.muli %scan3A_367, %mul3A_467 : i32
      %add3A_469 = arith.constant 14 : i32
      %add3A_470 = arith.addi %mul3A_468, %add3A_469 : i32
      %get3A_471 = arith.index_cast %add3A_470 : i32 to index
      %get3A_472 = arith.constant 0 : index
      %get3A_473 = tpu.vector_load %arg7[%get3A_471, %get3A_472] {strides = array<i32>} : memref<2048x16xf32, #tpu.memory_space<vmem>>, vector<16xf32>,
      %mul3A_474 = arith.constant 16 : i32
      %mul3A_475 = arith.muli %scan3A_367, %mul3A_474 : i32
      %add3A_476 = arith.constant 15 : i32
      %add3A_477 = arith.addi %mul3A_475, %add3A_476 : i32
      %get3A_478 = arith.index_cast %add3A_477 : i32 to index
      %get3A_479 = arith.constant 0 : index
      %get3A_480 = tpu.vector_load %arg7[%get3A_478, %get3A_479] {strides = array<i32>} : memref<2048x16xf32, #tpu.memory_space<vmem>>, vector<16xf32>,
      %min3A_481 = arith.minimumf %get3A_375, %get3A_382 : vector<16xf32>
      %min3A_482 = arith.minimumf %get3A_389, %get3A_396 : vector<16xf32>
      %min3A_483 = arith.minimumf %get3A_403, %get3A_410 : vector<16xf32>
      %min3A_484 = arith.minimumf %get3A_417, %get3A_424 : vector<16xf32>
      %min3A_485 = arith.minimumf %get3A_431, %get3A_438 : vector<16xf32>
      %min3A_486 = arith.minimumf %get3A_445, %get3A_452 : vector<16xf32>
      %min3A_487 = arith.minimumf %get3A_459, %get3A_466 : vector<16xf32>
      %min3A_488 = arith.minimumf %get3A_473, %get3A_480 : vector<16xf32>
      %min3A_489 = arith.minimumf %min3A_481, %min3A_482 : vector<16xf32>
      %min3A_490 = arith.minimumf %min3A_483, %min3A_484 : vector<16xf32>
      %min3A_491 = arith.minimumf %min3A_485, %min3A_486 : vector<16xf32>
      %min3A_492 = arith.minimumf %min3A_487, %min3A_488 : vector<16xf32>
      %min3A_493 = arith.minimumf %min3A_489, %min3A_490 : vector<16xf32>
      %min3A_494 = arith.minimumf %min3A_491, %min3A_492 : vector<16xf32>
      %min3A_495 = arith.minimumf %min3A_493, %min3A_494 : vector<16xf32>
      %swap3A_496 = arith.index_cast %scan3A_367 : i32 to index
      %swap3A_497 = arith.constant 0 : index
      %swap3A_498 = tpu.vector_load %arg9[%swap3A_496, %swap3A_497] {strides = array<i32>} : memref<128x16xf32, #tpu.memory_space<vmem>>, vector<16xf32>,
      tpu.vector_store %arg9[%swap3A_496, %swap3A_497], %min3A_495 {strides = array<i32>} : memref<128x16xf32, #tpu.memory_space<vmem>>, vector<16xf32>,
      %min3A_499 = arith.minimumf %scan3A_368, %min3A_495 : vector<16xf32>
      scf.yield %min3A_499 : vector<16xf32>
    }
    %scan3A_86 = arith.constant 128 : i32
    %add3A_87 = vector.broadcast %squeeze3A : f32 to vector<16xf32>
    %add3A_88 = arith.addf %scan3A_85, %add3A_87 : vector<16xf32>
    %scan3A_89 = arith.constant 0 : i32
    %scan3A_90 = arith.constant 128 : i32
    %scan3A_91 = arith.addi %scan3A_89, %scan3A_90 : i32
    %scan3A_92 = arith.constant 1 : i32
    %scan3A_93 = scf.for %scan3A_367 = %scan3A_89 to %scan3A_91 step %scan3A_92 iter_args(%scan3A_368 = %scan3A_71) -> (vector<16xi32>)  : i32 {
      %get3A_369 = arith.index_cast %scan3A_367 : i32 to index
      %get3A_370 = arith.constant 0 : index
      %get3A_371 = tpu.vector_load %arg9[%get3A_369, %get3A_370] {strides = array<i32>} : memref<128x16xf32, #tpu.memory_space<vmem>>, vector<16xf32>,
      %lt3A_372 = arith.cmpf olt, %get3A_371, %add3A_88 : vector<16xf32>
      %reduce_or3A = arith.constant 1.000000e+00 : f32
      %reduce_or3A_373 = arith.constant 0.000000e+00 : f32
      %reduce_or3A_374 = vector.broadcast %reduce_or3A : f32 to vector<16xf32>
      %reduce_or3A_375 = vector.broadcast %reduce_or3A_373 : f32 to vector<16xf32>
      %reduce_or3A_376 = arith.select %lt3A_372, %reduce_or3A_374, %reduce_or3A_375 : vector<16xi1>, vector<16xf32>
      %reduce_or3A_377 = arith.constant true
      %reduce_or3A_378 = vector.broadcast %reduce_or3A_377 : i1 to vector<16xi1>
      %reduce_or3A_379 = tpu.scan <max>, %reduce_or3A_376 masked %reduce_or3A_378 : vector<16xf32>, vector<16xi1> -> vector<16xf32>
      %reduce_or3A_380 = vector.extract %reduce_or3A_379[15] : f32 from vector<16xf32>
      %reduce_or3A_381 = arith.constant 0.000000e+00 : f32
      %reduce_or3A_382 = arith.cmpf ogt, %reduce_or3A_380, %reduce_or3A_381 : f32
      %convert_element_type3A_383 = arith.extui %reduce_or3A_382 : i1 to i32
      %cond3A = arith.constant 0 : i32
      %cond3A_384 = arith.cmpi ne, %convert_element_type3A_383, %cond3A : i32
      %cond3A_385 = scf.if %cond3A_384 -> (vector<16xi32>) {
        %mul3A_386 = arith.constant 16 : i32
        %mul3A_387 = arith.muli %scan3A_367, %mul3A_386 : i32
        %add3A_388 = arith.constant 0 : i32
        %add3A_389 = arith.addi %mul3A_387, %add3A_388 : i32
        %get3A_390 = arith.index_cast %add3A_389 : i32 to index
        %get3A_391 = arith.constant 0 : index
        %get3A_392 = tpu.vector_load %arg7[%get3A_390, %get3A_391] {strides = array<i32>} : memref<2048x16xf32, #tpu.memory_space<vmem>>, vector<16xf32>,
        %lt3A_393 = arith.cmpf olt, %get3A_392, %add3A_88 : vector<16xf32>
        %lt3A_394 = arith.constant 256 : i32
        %lt3A_395 = vector.broadcast %lt3A_394 : i32 to vector<16xi32>
        %lt3A_396 = arith.cmpi slt, %scan3A_368, %lt3A_395 : vector<16xi32>
        %and3A_397 = arith.andi %lt3A_393, %lt3A_396 : vector<16xi1>
        tpu.vector_store_idx %arg8[%scan3A_368, %iota3A], %get3A_392 masked %and3A_397 : memref<256x16xf32, #tpu.memory_space<vmem>>[vector<16xi32>, vector<16xi32>], vector<16xf32>, vector<16xi1>
        %jit3A_398 = arith.constant 1 : i32
        %jit3A_399 = arith.constant 0 : i32
        %broadcast_in_dim3A_400 = vector.broadcast %jit3A_398 : i32 to vector<16xi32>
        %broadcast_in_dim3A_401 = vector.broadcast %jit3A_399 : i32 to vector<16xi32>
        %select_n3A_402 = arith.select %and3A_397, %broadcast_in_dim3A_400, %broadcast_in_dim3A_401 : vector<16xi1>, vector<16xi32>
        %add3A_403 = arith.addi %scan3A_368, %select_n3A_402 : vector<16xi32>
        %mul3A_404 = arith.constant 16 : i32
        %mul3A_405 = arith.muli %scan3A_367, %mul3A_404 : i32
        %add3A_406 = arith.constant 1 : i32
        %add3A_407 = arith.addi %mul3A_405, %add3A_406 : i32
        %get3A_408 = arith.index_cast %add3A_407 : i32 to index
        %get3A_409 = arith.constant 0 : index
        %get3A_410 = tpu.vector_load %arg7[%get3A_408, %get3A_409] {strides = array<i32>} : memref<2048x16xf32, #tpu.memory_space<vmem>>, vector<16xf32>,
        %lt3A_411 = arith.cmpf olt, %get3A_410, %add3A_88 : vector<16xf32>
        %lt3A_412 = arith.constant 256 : i32
        %lt3A_413 = vector.broadcast %lt3A_412 : i32 to vector<16xi32>
        %lt3A_414 = arith.cmpi slt, %add3A_403, %lt3A_413 : vector<16xi32>
        %and3A_415 = arith.andi %lt3A_411, %lt3A_414 : vector<16xi1>
        tpu.vector_store_idx %arg8[%add3A_403, %iota3A], %get3A_410 masked %and3A_415 : memref<256x16xf32, #tpu.memory_space<vmem>>[vector<16xi32>, vector<16xi32>], vector<16xf32>, vector<16xi1>
        %jit3A_416 = arith.constant 1 : i32
        %jit3A_417 = arith.constant 0 : i32
        %broadcast_in_dim3A_418 = vector.broadcast %jit3A_416 : i32 to vector<16xi32>
        %broadcast_in_dim3A_419 = vector.broadcast %jit3A_417 : i32 to vector<16xi32>
        %select_n3A_420 = arith.select %and3A_415, %broadcast_in_dim3A_418, %broadcast_in_dim3A_419 : vector<16xi1>, vector<16xi32>
        %add3A_421 = arith.addi %add3A_403, %select_n3A_420 : vector<16xi32>
        %mul3A_422 = arith.constant 16 : i32
        %mul3A_423 = arith.muli %scan3A_367, %mul3A_422 : i32
        %add3A_424 = arith.constant 2 : i32
        %add3A_425 = arith.addi %mul3A_423, %add3A_424 : i32
        %get3A_426 = arith.index_cast %add3A_425 : i32 to index
        %get3A_427 = arith.constant 0 : index
        %get3A_428 = tpu.vector_load %arg7[%get3A_426, %get3A_427] {strides = array<i32>} : memref<2048x16xf32, #tpu.memory_space<vmem>>, vector<16xf32>,
        %lt3A_429 = arith.cmpf olt, %get3A_428, %add3A_88 : vector<16xf32>
        %lt3A_430 = arith.constant 256 : i32
        %lt3A_431 = vector.broadcast %lt3A_430 : i32 to vector<16xi32>
        %lt3A_432 = arith.cmpi slt, %add3A_421, %lt3A_431 : vector<16xi32>
        %and3A_433 = arith.andi %lt3A_429, %lt3A_432 : vector<16xi1>
        tpu.vector_store_idx %arg8[%add3A_421, %iota3A], %get3A_428 masked %and3A_433 : memref<256x16xf32, #tpu.memory_space<vmem>>[vector<16xi32>, vector<16xi32>], vector<16xf32>, vector<16xi1>
        %jit3A_434 = arith.constant 1 : i32
        %jit3A_435 = arith.constant 0 : i32
        %broadcast_in_dim3A_436 = vector.broadcast %jit3A_434 : i32 to vector<16xi32>
        %broadcast_in_dim3A_437 = vector.broadcast %jit3A_435 : i32 to vector<16xi32>
        %select_n3A_438 = arith.select %and3A_433, %broadcast_in_dim3A_436, %broadcast_in_dim3A_437 : vector<16xi1>, vector<16xi32>
        %add3A_439 = arith.addi %add3A_421, %select_n3A_438 : vector<16xi32>
        %mul3A_440 = arith.constant 16 : i32
        %mul3A_441 = arith.muli %scan3A_367, %mul3A_440 : i32
        %add3A_442 = arith.constant 3 : i32
        %add3A_443 = arith.addi %mul3A_441, %add3A_442 : i32
        %get3A_444 = arith.index_cast %add3A_443 : i32 to index
        %get3A_445 = arith.constant 0 : index
        %get3A_446 = tpu.vector_load %arg7[%get3A_444, %get3A_445] {strides = array<i32>} : memref<2048x16xf32, #tpu.memory_space<vmem>>, vector<16xf32>,
        %lt3A_447 = arith.cmpf olt, %get3A_446, %add3A_88 : vector<16xf32>
        %lt3A_448 = arith.constant 256 : i32
        %lt3A_449 = vector.broadcast %lt3A_448 : i32 to vector<16xi32>
        %lt3A_450 = arith.cmpi slt, %add3A_439, %lt3A_449 : vector<16xi32>
        %and3A_451 = arith.andi %lt3A_447, %lt3A_450 : vector<16xi1>
        tpu.vector_store_idx %arg8[%add3A_439, %iota3A], %get3A_446 masked %and3A_451 : memref<256x16xf32, #tpu.memory_space<vmem>>[vector<16xi32>, vector<16xi32>], vector<16xf32>, vector<16xi1>
        %jit3A_452 = arith.constant 1 : i32
        %jit3A_453 = arith.constant 0 : i32
        %broadcast_in_dim3A_454 = vector.broadcast %jit3A_452 : i32 to vector<16xi32>
        %broadcast_in_dim3A_455 = vector.broadcast %jit3A_453 : i32 to vector<16xi32>
        %select_n3A_456 = arith.select %and3A_451, %broadcast_in_dim3A_454, %broadcast_in_dim3A_455 : vector<16xi1>, vector<16xi32>
        %add3A_457 = arith.addi %add3A_439, %select_n3A_456 : vector<16xi32>
        %mul3A_458 = arith.constant 16 : i32
        %mul3A_459 = arith.muli %scan3A_367, %mul3A_458 : i32
        %add3A_460 = arith.constant 4 : i32
        %add3A_461 = arith.addi %mul3A_459, %add3A_460 : i32
        %get3A_462 = arith.index_cast %add3A_461 : i32 to index
        %get3A_463 = arith.constant 0 : index
        %get3A_464 = tpu.vector_load %arg7[%get3A_462, %get3A_463] {strides = array<i32>} : memref<2048x16xf32, #tpu.memory_space<vmem>>, vector<16xf32>,
        %lt3A_465 = arith.cmpf olt, %get3A_464, %add3A_88 : vector<16xf32>
        %lt3A_466 = arith.constant 256 : i32
        %lt3A_467 = vector.broadcast %lt3A_466 : i32 to vector<16xi32>
        %lt3A_468 = arith.cmpi slt, %add3A_457, %lt3A_467 : vector<16xi32>
        %and3A_469 = arith.andi %lt3A_465, %lt3A_468 : vector<16xi1>
        tpu.vector_store_idx %arg8[%add3A_457, %iota3A], %get3A_464 masked %and3A_469 : memref<256x16xf32, #tpu.memory_space<vmem>>[vector<16xi32>, vector<16xi32>], vector<16xf32>, vector<16xi1>
        %jit3A_470 = arith.constant 1 : i32
        %jit3A_471 = arith.constant 0 : i32
        %broadcast_in_dim3A_472 = vector.broadcast %jit3A_470 : i32 to vector<16xi32>
        %broadcast_in_dim3A_473 = vector.broadcast %jit3A_471 : i32 to vector<16xi32>
        %select_n3A_474 = arith.select %and3A_469, %broadcast_in_dim3A_472, %broadcast_in_dim3A_473 : vector<16xi1>, vector<16xi32>
        %add3A_475 = arith.addi %add3A_457, %select_n3A_474 : vector<16xi32>
        %mul3A_476 = arith.constant 16 : i32
        %mul3A_477 = arith.muli %scan3A_367, %mul3A_476 : i32
        %add3A_478 = arith.constant 5 : i32
        %add3A_479 = arith.addi %mul3A_477, %add3A_478 : i32
        %get3A_480 = arith.index_cast %add3A_479 : i32 to index
        %get3A_481 = arith.constant 0 : index
        %get3A_482 = tpu.vector_load %arg7[%get3A_480, %get3A_481] {strides = array<i32>} : memref<2048x16xf32, #tpu.memory_space<vmem>>, vector<16xf32>,
        %lt3A_483 = arith.cmpf olt, %get3A_482, %add3A_88 : vector<16xf32>
        %lt3A_484 = arith.constant 256 : i32
        %lt3A_485 = vector.broadcast %lt3A_484 : i32 to vector<16xi32>
        %lt3A_486 = arith.cmpi slt, %add3A_475, %lt3A_485 : vector<16xi32>
        %and3A_487 = arith.andi %lt3A_483, %lt3A_486 : vector<16xi1>
        tpu.vector_store_idx %arg8[%add3A_475, %iota3A], %get3A_482 masked %and3A_487 : memref<256x16xf32, #tpu.memory_space<vmem>>[vector<16xi32>, vector<16xi32>], vector<16xf32>, vector<16xi1>
        %jit3A_488 = arith.constant 1 : i32
        %jit3A_489 = arith.constant 0 : i32
        %broadcast_in_dim3A_490 = vector.broadcast %jit3A_488 : i32 to vector<16xi32>
        %broadcast_in_dim3A_491 = vector.broadcast %jit3A_489 : i32 to vector<16xi32>
        %select_n3A_492 = arith.select %and3A_487, %broadcast_in_dim3A_490, %broadcast_in_dim3A_491 : vector<16xi1>, vector<16xi32>
        %add3A_493 = arith.addi %add3A_475, %select_n3A_492 : vector<16xi32>
        %mul3A_494 = arith.constant 16 : i32
        %mul3A_495 = arith.muli %scan3A_367, %mul3A_494 : i32
        %add3A_496 = arith.constant 6 : i32
        %add3A_497 = arith.addi %mul3A_495, %add3A_496 : i32
        %get3A_498 = arith.index_cast %add3A_497 : i32 to index
        %get3A_499 = arith.constant 0 : index
        %get3A_500 = tpu.vector_load %arg7[%get3A_498, %get3A_499] {strides = array<i32>} : memref<2048x16xf32, #tpu.memory_space<vmem>>, vector<16xf32>,
        %lt3A_501 = arith.cmpf olt, %get3A_500, %add3A_88 : vector<16xf32>
        %lt3A_502 = arith.constant 256 : i32
        %lt3A_503 = vector.broadcast %lt3A_502 : i32 to vector<16xi32>
        %lt3A_504 = arith.cmpi slt, %add3A_493, %lt3A_503 : vector<16xi32>
        %and3A_505 = arith.andi %lt3A_501, %lt3A_504 : vector<16xi1>
        tpu.vector_store_idx %arg8[%add3A_493, %iota3A], %get3A_500 masked %and3A_505 : memref<256x16xf32, #tpu.memory_space<vmem>>[vector<16xi32>, vector<16xi32>], vector<16xf32>, vector<16xi1>
        %jit3A_506 = arith.constant 1 : i32
        %jit3A_507 = arith.constant 0 : i32
        %broadcast_in_dim3A_508 = vector.broadcast %jit3A_506 : i32 to vector<16xi32>
        %broadcast_in_dim3A_509 = vector.broadcast %jit3A_507 : i32 to vector<16xi32>
        %select_n3A_510 = arith.select %and3A_505, %broadcast_in_dim3A_508, %broadcast_in_dim3A_509 : vector<16xi1>, vector<16xi32>
        %add3A_511 = arith.addi %add3A_493, %select_n3A_510 : vector<16xi32>
        %mul3A_512 = arith.constant 16 : i32
        %mul3A_513 = arith.muli %scan3A_367, %mul3A_512 : i32
        %add3A_514 = arith.constant 7 : i32
        %add3A_515 = arith.addi %mul3A_513, %add3A_514 : i32
        %get3A_516 = arith.index_cast %add3A_515 : i32 to index
        %get3A_517 = arith.constant 0 : index
        %get3A_518 = tpu.vector_load %arg7[%get3A_516, %get3A_517] {strides = array<i32>} : memref<2048x16xf32, #tpu.memory_space<vmem>>, vector<16xf32>,
        %lt3A_519 = arith.cmpf olt, %get3A_518, %add3A_88 : vector<16xf32>
        %lt3A_520 = arith.constant 256 : i32
        %lt3A_521 = vector.broadcast %lt3A_520 : i32 to vector<16xi32>
        %lt3A_522 = arith.cmpi slt, %add3A_511, %lt3A_521 : vector<16xi32>
        %and3A_523 = arith.andi %lt3A_519, %lt3A_522 : vector<16xi1>
        tpu.vector_store_idx %arg8[%add3A_511, %iota3A], %get3A_518 masked %and3A_523 : memref<256x16xf32, #tpu.memory_space<vmem>>[vector<16xi32>, vector<16xi32>], vector<16xf32>, vector<16xi1>
        %jit3A_524 = arith.constant 1 : i32
        %jit3A_525 = arith.constant 0 : i32
        %broadcast_in_dim3A_526 = vector.broadcast %jit3A_524 : i32 to vector<16xi32>
        %broadcast_in_dim3A_527 = vector.broadcast %jit3A_525 : i32 to vector<16xi32>
        %select_n3A_528 = arith.select %and3A_523, %broadcast_in_dim3A_526, %broadcast_in_dim3A_527 : vector<16xi1>, vector<16xi32>
        %add3A_529 = arith.addi %add3A_511, %select_n3A_528 : vector<16xi32>
        %mul3A_530 = arith.constant 16 : i32
        %mul3A_531 = arith.muli %scan3A_367, %mul3A_530 : i32
        %add3A_532 = arith.constant 8 : i32
        %add3A_533 = arith.addi %mul3A_531, %add3A_532 : i32
        %get3A_534 = arith.index_cast %add3A_533 : i32 to index
        %get3A_535 = arith.constant 0 : index
        %get3A_536 = tpu.vector_load %arg7[%get3A_534, %get3A_535] {strides = array<i32>} : memref<2048x16xf32, #tpu.memory_space<vmem>>, vector<16xf32>,
        %lt3A_537 = arith.cmpf olt, %get3A_536, %add3A_88 : vector<16xf32>
        %lt3A_538 = arith.constant 256 : i32
        %lt3A_539 = vector.broadcast %lt3A_538 : i32 to vector<16xi32>
        %lt3A_540 = arith.cmpi slt, %add3A_529, %lt3A_539 : vector<16xi32>
        %and3A_541 = arith.andi %lt3A_537, %lt3A_540 : vector<16xi1>
        tpu.vector_store_idx %arg8[%add3A_529, %iota3A], %get3A_536 masked %and3A_541 : memref<256x16xf32, #tpu.memory_space<vmem>>[vector<16xi32>, vector<16xi32>], vector<16xf32>, vector<16xi1>
        %jit3A_542 = arith.constant 1 : i32
        %jit3A_543 = arith.constant 0 : i32
        %broadcast_in_dim3A_544 = vector.broadcast %jit3A_542 : i32 to vector<16xi32>
        %broadcast_in_dim3A_545 = vector.broadcast %jit3A_543 : i32 to vector<16xi32>
        %select_n3A_546 = arith.select %and3A_541, %broadcast_in_dim3A_544, %broadcast_in_dim3A_545 : vector<16xi1>, vector<16xi32>
        %add3A_547 = arith.addi %add3A_529, %select_n3A_546 : vector<16xi32>
        %mul3A_548 = arith.constant 16 : i32
        %mul3A_549 = arith.muli %scan3A_367, %mul3A_548 : i32
        %add3A_550 = arith.constant 9 : i32
        %add3A_551 = arith.addi %mul3A_549, %add3A_550 : i32
        %get3A_552 = arith.index_cast %add3A_551 : i32 to index
        %get3A_553 = arith.constant 0 : index
        %get3A_554 = tpu.vector_load %arg7[%get3A_552, %get3A_553] {strides = array<i32>} : memref<2048x16xf32, #tpu.memory_space<vmem>>, vector<16xf32>,
        %lt3A_555 = arith.cmpf olt, %get3A_554, %add3A_88 : vector<16xf32>
        %lt3A_556 = arith.constant 256 : i32
        %lt3A_557 = vector.broadcast %lt3A_556 : i32 to vector<16xi32>
        %lt3A_558 = arith.cmpi slt, %add3A_547, %lt3A_557 : vector<16xi32>
        %and3A_559 = arith.andi %lt3A_555, %lt3A_558 : vector<16xi1>
        tpu.vector_store_idx %arg8[%add3A_547, %iota3A], %get3A_554 masked %and3A_559 : memref<256x16xf32, #tpu.memory_space<vmem>>[vector<16xi32>, vector<16xi32>], vector<16xf32>, vector<16xi1>
        %jit3A_560 = arith.constant 1 : i32
        %jit3A_561 = arith.constant 0 : i32
        %broadcast_in_dim3A_562 = vector.broadcast %jit3A_560 : i32 to vector<16xi32>
        %broadcast_in_dim3A_563 = vector.broadcast %jit3A_561 : i32 to vector<16xi32>
        %select_n3A_564 = arith.select %and3A_559, %broadcast_in_dim3A_562, %broadcast_in_dim3A_563 : vector<16xi1>, vector<16xi32>
        %add3A_565 = arith.addi %add3A_547, %select_n3A_564 : vector<16xi32>
        %mul3A_566 = arith.constant 16 : i32
        %mul3A_567 = arith.muli %scan3A_367, %mul3A_566 : i32
        %add3A_568 = arith.constant 10 : i32
        %add3A_569 = arith.addi %mul3A_567, %add3A_568 : i32
        %get3A_570 = arith.index_cast %add3A_569 : i32 to index
        %get3A_571 = arith.constant 0 : index
        %get3A_572 = tpu.vector_load %arg7[%get3A_570, %get3A_571] {strides = array<i32>} : memref<2048x16xf32, #tpu.memory_space<vmem>>, vector<16xf32>,
        %lt3A_573 = arith.cmpf olt, %get3A_572, %add3A_88 : vector<16xf32>
        %lt3A_574 = arith.constant 256 : i32
        %lt3A_575 = vector.broadcast %lt3A_574 : i32 to vector<16xi32>
        %lt3A_576 = arith.cmpi slt, %add3A_565, %lt3A_575 : vector<16xi32>
        %and3A_577 = arith.andi %lt3A_573, %lt3A_576 : vector<16xi1>
        tpu.vector_store_idx %arg8[%add3A_565, %iota3A], %get3A_572 masked %and3A_577 : memref<256x16xf32, #tpu.memory_space<vmem>>[vector<16xi32>, vector<16xi32>], vector<16xf32>, vector<16xi1>
        %jit3A_578 = arith.constant 1 : i32
        %jit3A_579 = arith.constant 0 : i32
        %broadcast_in_dim3A_580 = vector.broadcast %jit3A_578 : i32 to vector<16xi32>
        %broadcast_in_dim3A_581 = vector.broadcast %jit3A_579 : i32 to vector<16xi32>
        %select_n3A_582 = arith.select %and3A_577, %broadcast_in_dim3A_580, %broadcast_in_dim3A_581 : vector<16xi1>, vector<16xi32>
        %add3A_583 = arith.addi %add3A_565, %select_n3A_582 : vector<16xi32>
        %mul3A_584 = arith.constant 16 : i32
        %mul3A_585 = arith.muli %scan3A_367, %mul3A_584 : i32
        %add3A_586 = arith.constant 11 : i32
        %add3A_587 = arith.addi %mul3A_585, %add3A_586 : i32
        %get3A_588 = arith.index_cast %add3A_587 : i32 to index
        %get3A_589 = arith.constant 0 : index
        %get3A_590 = tpu.vector_load %arg7[%get3A_588, %get3A_589] {strides = array<i32>} : memref<2048x16xf32, #tpu.memory_space<vmem>>, vector<16xf32>,
        %lt3A_591 = arith.cmpf olt, %get3A_590, %add3A_88 : vector<16xf32>
        %lt3A_592 = arith.constant 256 : i32
        %lt3A_593 = vector.broadcast %lt3A_592 : i32 to vector<16xi32>
        %lt3A_594 = arith.cmpi slt, %add3A_583, %lt3A_593 : vector<16xi32>
        %and3A_595 = arith.andi %lt3A_591, %lt3A_594 : vector<16xi1>
        tpu.vector_store_idx %arg8[%add3A_583, %iota3A], %get3A_590 masked %and3A_595 : memref<256x16xf32, #tpu.memory_space<vmem>>[vector<16xi32>, vector<16xi32>], vector<16xf32>, vector<16xi1>
        %jit3A_596 = arith.constant 1 : i32
        %jit3A_597 = arith.constant 0 : i32
        %broadcast_in_dim3A_598 = vector.broadcast %jit3A_596 : i32 to vector<16xi32>
        %broadcast_in_dim3A_599 = vector.broadcast %jit3A_597 : i32 to vector<16xi32>
        %select_n3A_600 = arith.select %and3A_595, %broadcast_in_dim3A_598, %broadcast_in_dim3A_599 : vector<16xi1>, vector<16xi32>
        %add3A_601 = arith.addi %add3A_583, %select_n3A_600 : vector<16xi32>
        %mul3A_602 = arith.constant 16 : i32
        %mul3A_603 = arith.muli %scan3A_367, %mul3A_602 : i32
        %add3A_604 = arith.constant 12 : i32
        %add3A_605 = arith.addi %mul3A_603, %add3A_604 : i32
        %get3A_606 = arith.index_cast %add3A_605 : i32 to index
        %get3A_607 = arith.constant 0 : index
        %get3A_608 = tpu.vector_load %arg7[%get3A_606, %get3A_607] {strides = array<i32>} : memref<2048x16xf32, #tpu.memory_space<vmem>>, vector<16xf32>,
        %lt3A_609 = arith.cmpf olt, %get3A_608, %add3A_88 : vector<16xf32>
        %lt3A_610 = arith.constant 256 : i32
        %lt3A_611 = vector.broadcast %lt3A_610 : i32 to vector<16xi32>
        %lt3A_612 = arith.cmpi slt, %add3A_601, %lt3A_611 : vector<16xi32>
        %and3A_613 = arith.andi %lt3A_609, %lt3A_612 : vector<16xi1>
        tpu.vector_store_idx %arg8[%add3A_601, %iota3A], %get3A_608 masked %and3A_613 : memref<256x16xf32, #tpu.memory_space<vmem>>[vector<16xi32>, vector<16xi32>], vector<16xf32>, vector<16xi1>
        %jit3A_614 = arith.constant 1 : i32
        %jit3A_615 = arith.constant 0 : i32
        %broadcast_in_dim3A_616 = vector.broadcast %jit3A_614 : i32 to vector<16xi32>
        %broadcast_in_dim3A_617 = vector.broadcast %jit3A_615 : i32 to vector<16xi32>
        %select_n3A_618 = arith.select %and3A_613, %broadcast_in_dim3A_616, %broadcast_in_dim3A_617 : vector<16xi1>, vector<16xi32>
        %add3A_619 = arith.addi %add3A_601, %select_n3A_618 : vector<16xi32>
        %mul3A_620 = arith.constant 16 : i32
        %mul3A_621 = arith.muli %scan3A_367, %mul3A_620 : i32
        %add3A_622 = arith.constant 13 : i32
        %add3A_623 = arith.addi %mul3A_621, %add3A_622 : i32
        %get3A_624 = arith.index_cast %add3A_623 : i32 to index
        %get3A_625 = arith.constant 0 : index
        %get3A_626 = tpu.vector_load %arg7[%get3A_624, %get3A_625] {strides = array<i32>} : memref<2048x16xf32, #tpu.memory_space<vmem>>, vector<16xf32>,
        %lt3A_627 = arith.cmpf olt, %get3A_626, %add3A_88 : vector<16xf32>
        %lt3A_628 = arith.constant 256 : i32
        %lt3A_629 = vector.broadcast %lt3A_628 : i32 to vector<16xi32>
        %lt3A_630 = arith.cmpi slt, %add3A_619, %lt3A_629 : vector<16xi32>
        %and3A_631 = arith.andi %lt3A_627, %lt3A_630 : vector<16xi1>
        tpu.vector_store_idx %arg8[%add3A_619, %iota3A], %get3A_626 masked %and3A_631 : memref<256x16xf32, #tpu.memory_space<vmem>>[vector<16xi32>, vector<16xi32>], vector<16xf32>, vector<16xi1>
        %jit3A_632 = arith.constant 1 : i32
        %jit3A_633 = arith.constant 0 : i32
        %broadcast_in_dim3A_634 = vector.broadcast %jit3A_632 : i32 to vector<16xi32>
        %broadcast_in_dim3A_635 = vector.broadcast %jit3A_633 : i32 to vector<16xi32>
        %select_n3A_636 = arith.select %and3A_631, %broadcast_in_dim3A_634, %broadcast_in_dim3A_635 : vector<16xi1>, vector<16xi32>
        %add3A_637 = arith.addi %add3A_619, %select_n3A_636 : vector<16xi32>
        %mul3A_638 = arith.constant 16 : i32
        %mul3A_639 = arith.muli %scan3A_367, %mul3A_638 : i32
        %add3A_640 = arith.constant 14 : i32
        %add3A_641 = arith.addi %mul3A_639, %add3A_640 : i32
        %get3A_642 = arith.index_cast %add3A_641 : i32 to index
        %get3A_643 = arith.constant 0 : index
        %get3A_644 = tpu.vector_load %arg7[%get3A_642, %get3A_643] {strides = array<i32>} : memref<2048x16xf32, #tpu.memory_space<vmem>>, vector<16xf32>,
        %lt3A_645 = arith.cmpf olt, %get3A_644, %add3A_88 : vector<16xf32>
        %lt3A_646 = arith.constant 256 : i32
        %lt3A_647 = vector.broadcast %lt3A_646 : i32 to vector<16xi32>
        %lt3A_648 = arith.cmpi slt, %add3A_637, %lt3A_647 : vector<16xi32>
        %and3A_649 = arith.andi %lt3A_645, %lt3A_648 : vector<16xi1>
        tpu.vector_store_idx %arg8[%add3A_637, %iota3A], %get3A_644 masked %and3A_649 : memref<256x16xf32, #tpu.memory_space<vmem>>[vector<16xi32>, vector<16xi32>], vector<16xf32>, vector<16xi1>
        %jit3A_650 = arith.constant 1 : i32
        %jit3A_651 = arith.constant 0 : i32
        %broadcast_in_dim3A_652 = vector.broadcast %jit3A_650 : i32 to vector<16xi32>
        %broadcast_in_dim3A_653 = vector.broadcast %jit3A_651 : i32 to vector<16xi32>
        %select_n3A_654 = arith.select %and3A_649, %broadcast_in_dim3A_652, %broadcast_in_dim3A_653 : vector<16xi1>, vector<16xi32>
        %add3A_655 = arith.addi %add3A_637, %select_n3A_654 : vector<16xi32>
        %mul3A_656 = arith.constant 16 : i32
        %mul3A_657 = arith.muli %scan3A_367, %mul3A_656 : i32
        %add3A_658 = arith.constant 15 : i32
        %add3A_659 = arith.addi %mul3A_657, %add3A_658 : i32
        %get3A_660 = arith.index_cast %add3A_659 : i32 to index
        %get3A_661 = arith.constant 0 : index
        %get3A_662 = tpu.vector_load %arg7[%get3A_660, %get3A_661] {strides = array<i32>} : memref<2048x16xf32, #tpu.memory_space<vmem>>, vector<16xf32>,
        %lt3A_663 = arith.cmpf olt, %get3A_662, %add3A_88 : vector<16xf32>
        %lt3A_664 = arith.constant 256 : i32
        %lt3A_665 = vector.broadcast %lt3A_664 : i32 to vector<16xi32>
        %lt3A_666 = arith.cmpi slt, %add3A_655, %lt3A_665 : vector<16xi32>
        %and3A_667 = arith.andi %lt3A_663, %lt3A_666 : vector<16xi1>
        tpu.vector_store_idx %arg8[%add3A_655, %iota3A], %get3A_662 masked %and3A_667 : memref<256x16xf32, #tpu.memory_space<vmem>>[vector<16xi32>, vector<16xi32>], vector<16xf32>, vector<16xi1>
        %jit3A_668 = arith.constant 1 : i32
        %jit3A_669 = arith.constant 0 : i32
        %broadcast_in_dim3A_670 = vector.broadcast %jit3A_668 : i32 to vector<16xi32>
        %broadcast_in_dim3A_671 = vector.broadcast %jit3A_669 : i32 to vector<16xi32>
        %select_n3A_672 = arith.select %and3A_667, %broadcast_in_dim3A_670, %broadcast_in_dim3A_671 : vector<16xi1>, vector<16xi32>
        %add3A_673 = arith.addi %add3A_655, %select_n3A_672 : vector<16xi32>
        scf.yield %add3A_673 : vector<16xi32>
      } else {
        scf.yield %scan3A_368 : vector<16xi32>
      }
      scf.yield %cond3A_385 : vector<16xi32>
    }
    %scan3A_94 = arith.constant 128 : i32
    %add3A_95 = arith.constant 6144 : i32
    %add3A_96 = arith.addi %mul3A_34, %add3A_95 : i32
    %dma_start3A_97 = tpu.memref_slice %arg4[%add3A_96, %mul3A_32] : memref<32768x128xf32, #tpu.memory_space<hbm>> -> memref<2048x16xf32, #tpu.memory_space<hbm>>
    %dma_start3A_98 = tpu.memref_slice %arg4[%add3A_96, %mul3A_32] : memref<32768x128xf32, #tpu.memory_space<hbm>> -> memref<2048x16xf32, #tpu.memory_space<hbm>>
    tpu.enqueue_dma source(%dma_start3A_98 : memref<2048x16xf32, #tpu.memory_space<hbm>>) target(%arg7 : memref<2048x16xf32, #tpu.memory_space<vmem>>) target_semaphore(%arg12 : memref<!tpu.dma_semaphore, #tpu.memory_space<semaphore_mem>>)
    %add3A_99 = arith.constant 4096 : i32
    %add3A_100 = arith.addi %mul3A_34, %add3A_99 : i32
    %dma_wait3A_101 = tpu.memref_slice %arg4[%add3A_100, %mul3A_32] : memref<32768x128xf32, #tpu.memory_space<hbm>> -> memref<2048x16xf32, #tpu.memory_space<hbm>>
    %dma_wait3A_102 = tpu.memref_slice %arg4[%add3A_100, %mul3A_32] : memref<32768x128xf32, #tpu.memory_space<hbm>> -> memref<2048x16xf32, #tpu.memory_space<hbm>>
    tpu.wait_dma2 semaphore(%arg11 : memref<!tpu.dma_semaphore, #tpu.memory_space<semaphore_mem>>) src(%dma_wait3A_102 : memref<2048x16xf32, #tpu.memory_space<hbm>>) dst(%arg6 : memref<2048x16xf32, #tpu.memory_space<vmem>>)
    %scan3A_103 = arith.constant 0 : i32
    %scan3A_104 = arith.constant 128 : i32
    %scan3A_105 = arith.addi %scan3A_103, %scan3A_104 : i32
    %scan3A_106 = arith.constant 1 : i32
    %scan3A_107 = scf.for %scan3A_367 = %scan3A_103 to %scan3A_105 step %scan3A_106 iter_args(%scan3A_368 = %scan3A_85) -> (vector<16xf32>)  : i32 {
      %mul3A_369 = arith.constant 16 : i32
      %mul3A_370 = arith.muli %scan3A_367, %mul3A_369 : i32
      %add3A_371 = arith.constant 0 : i32
      %add3A_372 = arith.addi %mul3A_370, %add3A_371 : i32
      %get3A_373 = arith.index_cast %add3A_372 : i32 to index
      %get3A_374 = arith.constant 0 : index
      %get3A_375 = tpu.vector_load %arg6[%get3A_373, %get3A_374] {strides = array<i32>} : memref<2048x16xf32, #tpu.memory_space<vmem>>, vector<16xf32>,
      %mul3A_376 = arith.constant 16 : i32
      %mul3A_377 = arith.muli %scan3A_367, %mul3A_376 : i32
      %add3A_378 = arith.constant 1 : i32
      %add3A_379 = arith.addi %mul3A_377, %add3A_378 : i32
      %get3A_380 = arith.index_cast %add3A_379 : i32 to index
      %get3A_381 = arith.constant 0 : index
      %get3A_382 = tpu.vector_load %arg6[%get3A_380, %get3A_381] {strides = array<i32>} : memref<2048x16xf32, #tpu.memory_space<vmem>>, vector<16xf32>,
      %mul3A_383 = arith.constant 16 : i32
      %mul3A_384 = arith.muli %scan3A_367, %mul3A_383 : i32
      %add3A_385 = arith.constant 2 : i32
      %add3A_386 = arith.addi %mul3A_384, %add3A_385 : i32
      %get3A_387 = arith.index_cast %add3A_386 : i32 to index
      %get3A_388 = arith.constant 0 : index
      %get3A_389 = tpu.vector_load %arg6[%get3A_387, %get3A_388] {strides = array<i32>} : memref<2048x16xf32, #tpu.memory_space<vmem>>, vector<16xf32>,
      %mul3A_390 = arith.constant 16 : i32
      %mul3A_391 = arith.muli %scan3A_367, %mul3A_390 : i32
      %add3A_392 = arith.constant 3 : i32
      %add3A_393 = arith.addi %mul3A_391, %add3A_392 : i32
      %get3A_394 = arith.index_cast %add3A_393 : i32 to index
      %get3A_395 = arith.constant 0 : index
      %get3A_396 = tpu.vector_load %arg6[%get3A_394, %get3A_395] {strides = array<i32>} : memref<2048x16xf32, #tpu.memory_space<vmem>>, vector<16xf32>,
      %mul3A_397 = arith.constant 16 : i32
      %mul3A_398 = arith.muli %scan3A_367, %mul3A_397 : i32
      %add3A_399 = arith.constant 4 : i32
      %add3A_400 = arith.addi %mul3A_398, %add3A_399 : i32
      %get3A_401 = arith.index_cast %add3A_400 : i32 to index
      %get3A_402 = arith.constant 0 : index
      %get3A_403 = tpu.vector_load %arg6[%get3A_401, %get3A_402] {strides = array<i32>} : memref<2048x16xf32, #tpu.memory_space<vmem>>, vector<16xf32>,
      %mul3A_404 = arith.constant 16 : i32
      %mul3A_405 = arith.muli %scan3A_367, %mul3A_404 : i32
      %add3A_406 = arith.constant 5 : i32
      %add3A_407 = arith.addi %mul3A_405, %add3A_406 : i32
      %get3A_408 = arith.index_cast %add3A_407 : i32 to index
      %get3A_409 = arith.constant 0 : index
      %get3A_410 = tpu.vector_load %arg6[%get3A_408, %get3A_409] {strides = array<i32>} : memref<2048x16xf32, #tpu.memory_space<vmem>>, vector<16xf32>,
      %mul3A_411 = arith.constant 16 : i32
      %mul3A_412 = arith.muli %scan3A_367, %mul3A_411 : i32
      %add3A_413 = arith.constant 6 : i32
      %add3A_414 = arith.addi %mul3A_412, %add3A_413 : i32
      %get3A_415 = arith.index_cast %add3A_414 : i32 to index
      %get3A_416 = arith.constant 0 : index
      %get3A_417 = tpu.vector_load %arg6[%get3A_415, %get3A_416] {strides = array<i32>} : memref<2048x16xf32, #tpu.memory_space<vmem>>, vector<16xf32>,
      %mul3A_418 = arith.constant 16 : i32
      %mul3A_419 = arith.muli %scan3A_367, %mul3A_418 : i32
      %add3A_420 = arith.constant 7 : i32
      %add3A_421 = arith.addi %mul3A_419, %add3A_420 : i32
      %get3A_422 = arith.index_cast %add3A_421 : i32 to index
      %get3A_423 = arith.constant 0 : index
      %get3A_424 = tpu.vector_load %arg6[%get3A_422, %get3A_423] {strides = array<i32>} : memref<2048x16xf32, #tpu.memory_space<vmem>>, vector<16xf32>,
      %mul3A_425 = arith.constant 16 : i32
      %mul3A_426 = arith.muli %scan3A_367, %mul3A_425 : i32
      %add3A_427 = arith.constant 8 : i32
      %add3A_428 = arith.addi %mul3A_426, %add3A_427 : i32
      %get3A_429 = arith.index_cast %add3A_428 : i32 to index
      %get3A_430 = arith.constant 0 : index
      %get3A_431 = tpu.vector_load %arg6[%get3A_429, %get3A_430] {strides = array<i32>} : memref<2048x16xf32, #tpu.memory_space<vmem>>, vector<16xf32>,
      %mul3A_432 = arith.constant 16 : i32
      %mul3A_433 = arith.muli %scan3A_367, %mul3A_432 : i32
      %add3A_434 = arith.constant 9 : i32
      %add3A_435 = arith.addi %mul3A_433, %add3A_434 : i32
      %get3A_436 = arith.index_cast %add3A_435 : i32 to index
      %get3A_437 = arith.constant 0 : index
      %get3A_438 = tpu.vector_load %arg6[%get3A_436, %get3A_437] {strides = array<i32>} : memref<2048x16xf32, #tpu.memory_space<vmem>>, vector<16xf32>,
      %mul3A_439 = arith.constant 16 : i32
      %mul3A_440 = arith.muli %scan3A_367, %mul3A_439 : i32
      %add3A_441 = arith.constant 10 : i32
      %add3A_442 = arith.addi %mul3A_440, %add3A_441 : i32
      %get3A_443 = arith.index_cast %add3A_442 : i32 to index
      %get3A_444 = arith.constant 0 : index
      %get3A_445 = tpu.vector_load %arg6[%get3A_443, %get3A_444] {strides = array<i32>} : memref<2048x16xf32, #tpu.memory_space<vmem>>, vector<16xf32>,
      %mul3A_446 = arith.constant 16 : i32
      %mul3A_447 = arith.muli %scan3A_367, %mul3A_446 : i32
      %add3A_448 = arith.constant 11 : i32
      %add3A_449 = arith.addi %mul3A_447, %add3A_448 : i32
      %get3A_450 = arith.index_cast %add3A_449 : i32 to index
      %get3A_451 = arith.constant 0 : index
      %get3A_452 = tpu.vector_load %arg6[%get3A_450, %get3A_451] {strides = array<i32>} : memref<2048x16xf32, #tpu.memory_space<vmem>>, vector<16xf32>,
      %mul3A_453 = arith.constant 16 : i32
      %mul3A_454 = arith.muli %scan3A_367, %mul3A_453 : i32
      %add3A_455 = arith.constant 12 : i32
      %add3A_456 = arith.addi %mul3A_454, %add3A_455 : i32
      %get3A_457 = arith.index_cast %add3A_456 : i32 to index
      %get3A_458 = arith.constant 0 : index
      %get3A_459 = tpu.vector_load %arg6[%get3A_457, %get3A_458] {strides = array<i32>} : memref<2048x16xf32, #tpu.memory_space<vmem>>, vector<16xf32>,
      %mul3A_460 = arith.constant 16 : i32
      %mul3A_461 = arith.muli %scan3A_367, %mul3A_460 : i32
      %add3A_462 = arith.constant 13 : i32
      %add3A_463 = arith.addi %mul3A_461, %add3A_462 : i32
      %get3A_464 = arith.index_cast %add3A_463 : i32 to index
      %get3A_465 = arith.constant 0 : index
      %get3A_466 = tpu.vector_load %arg6[%get3A_464, %get3A_465] {strides = array<i32>} : memref<2048x16xf32, #tpu.memory_space<vmem>>, vector<16xf32>,
      %mul3A_467 = arith.constant 16 : i32
      %mul3A_468 = arith.muli %scan3A_367, %mul3A_467 : i32
      %add3A_469 = arith.constant 14 : i32
      %add3A_470 = arith.addi %mul3A_468, %add3A_469 : i32
      %get3A_471 = arith.index_cast %add3A_470 : i32 to index
      %get3A_472 = arith.constant 0 : index
      %get3A_473 = tpu.vector_load %arg6[%get3A_471, %get3A_472] {strides = array<i32>} : memref<2048x16xf32, #tpu.memory_space<vmem>>, vector<16xf32>,
      %mul3A_474 = arith.constant 16 : i32
      %mul3A_475 = arith.muli %scan3A_367, %mul3A_474 : i32
      %add3A_476 = arith.constant 15 : i32
      %add3A_477 = arith.addi %mul3A_475, %add3A_476 : i32
      %get3A_478 = arith.index_cast %add3A_477 : i32 to index
      %get3A_479 = arith.constant 0 : index
      %get3A_480 = tpu.vector_load %arg6[%get3A_478, %get3A_479] {strides = array<i32>} : memref<2048x16xf32, #tpu.memory_space<vmem>>, vector<16xf32>,
      %min3A_481 = arith.minimumf %get3A_375, %get3A_382 : vector<16xf32>
      %min3A_482 = arith.minimumf %get3A_389, %get3A_396 : vector<16xf32>
      %min3A_483 = arith.minimumf %get3A_403, %get3A_410 : vector<16xf32>
      %min3A_484 = arith.minimumf %get3A_417, %get3A_424 : vector<16xf32>
      %min3A_485 = arith.minimumf %get3A_431, %get3A_438 : vector<16xf32>
      %min3A_486 = arith.minimumf %get3A_445, %get3A_452 : vector<16xf32>
      %min3A_487 = arith.minimumf %get3A_459, %get3A_466 : vector<16xf32>
      %min3A_488 = arith.minimumf %get3A_473, %get3A_480 : vector<16xf32>
      %min3A_489 = arith.minimumf %min3A_481, %min3A_482 : vector<16xf32>
      %min3A_490 = arith.minimumf %min3A_483, %min3A_484 : vector<16xf32>
      %min3A_491 = arith.minimumf %min3A_485, %min3A_486 : vector<16xf32>
      %min3A_492 = arith.minimumf %min3A_487, %min3A_488 : vector<16xf32>
      %min3A_493 = arith.minimumf %min3A_489, %min3A_490 : vector<16xf32>
      %min3A_494 = arith.minimumf %min3A_491, %min3A_492 : vector<16xf32>
      %min3A_495 = arith.minimumf %min3A_493, %min3A_494 : vector<16xf32>
      %swap3A_496 = arith.index_cast %scan3A_367 : i32 to index
      %swap3A_497 = arith.constant 0 : index
      %swap3A_498 = tpu.vector_load %arg9[%swap3A_496, %swap3A_497] {strides = array<i32>} : memref<128x16xf32, #tpu.memory_space<vmem>>, vector<16xf32>,
      tpu.vector_store %arg9[%swap3A_496, %swap3A_497], %min3A_495 {strides = array<i32>} : memref<128x16xf32, #tpu.memory_space<vmem>>, vector<16xf32>,
      %min3A_499 = arith.minimumf %scan3A_368, %min3A_495 : vector<16xf32>
      scf.yield %min3A_499 : vector<16xf32>
    }
    %scan3A_108 = arith.constant 128 : i32
    %add3A_109 = vector.broadcast %squeeze3A : f32 to vector<16xf32>
    %add3A_110 = arith.addf %scan3A_107, %add3A_109 : vector<16xf32>
    %scan3A_111 = arith.constant 0 : i32
    %scan3A_112 = arith.constant 128 : i32
    %scan3A_113 = arith.addi %scan3A_111, %scan3A_112 : i32
    %scan3A_114 = arith.constant 1 : i32
    %scan3A_115 = scf.for %scan3A_367 = %scan3A_111 to %scan3A_113 step %scan3A_114 iter_args(%scan3A_368 = %scan3A_93) -> (vector<16xi32>)  : i32 {
      %get3A_369 = arith.index_cast %scan3A_367 : i32 to index
      %get3A_370 = arith.constant 0 : index
      %get3A_371 = tpu.vector_load %arg9[%get3A_369, %get3A_370] {strides = array<i32>} : memref<128x16xf32, #tpu.memory_space<vmem>>, vector<16xf32>,
      %lt3A_372 = arith.cmpf olt, %get3A_371, %add3A_110 : vector<16xf32>
      %reduce_or3A = arith.constant 1.000000e+00 : f32
      %reduce_or3A_373 = arith.constant 0.000000e+00 : f32
      %reduce_or3A_374 = vector.broadcast %reduce_or3A : f32 to vector<16xf32>
      %reduce_or3A_375 = vector.broadcast %reduce_or3A_373 : f32 to vector<16xf32>
      %reduce_or3A_376 = arith.select %lt3A_372, %reduce_or3A_374, %reduce_or3A_375 : vector<16xi1>, vector<16xf32>
      %reduce_or3A_377 = arith.constant true
      %reduce_or3A_378 = vector.broadcast %reduce_or3A_377 : i1 to vector<16xi1>
      %reduce_or3A_379 = tpu.scan <max>, %reduce_or3A_376 masked %reduce_or3A_378 : vector<16xf32>, vector<16xi1> -> vector<16xf32>
      %reduce_or3A_380 = vector.extract %reduce_or3A_379[15] : f32 from vector<16xf32>
      %reduce_or3A_381 = arith.constant 0.000000e+00 : f32
      %reduce_or3A_382 = arith.cmpf ogt, %reduce_or3A_380, %reduce_or3A_381 : f32
      %convert_element_type3A_383 = arith.extui %reduce_or3A_382 : i1 to i32
      %cond3A = arith.constant 0 : i32
      %cond3A_384 = arith.cmpi ne, %convert_element_type3A_383, %cond3A : i32
      %cond3A_385 = scf.if %cond3A_384 -> (vector<16xi32>) {
        %mul3A_386 = arith.constant 16 : i32
        %mul3A_387 = arith.muli %scan3A_367, %mul3A_386 : i32
        %add3A_388 = arith.constant 0 : i32
        %add3A_389 = arith.addi %mul3A_387, %add3A_388 : i32
        %get3A_390 = arith.index_cast %add3A_389 : i32 to index
        %get3A_391 = arith.constant 0 : index
        %get3A_392 = tpu.vector_load %arg6[%get3A_390, %get3A_391] {strides = array<i32>} : memref<2048x16xf32, #tpu.memory_space<vmem>>, vector<16xf32>,
        %lt3A_393 = arith.cmpf olt, %get3A_392, %add3A_110 : vector<16xf32>
        %lt3A_394 = arith.constant 256 : i32
        %lt3A_395 = vector.broadcast %lt3A_394 : i32 to vector<16xi32>
        %lt3A_396 = arith.cmpi slt, %scan3A_368, %lt3A_395 : vector<16xi32>
        %and3A_397 = arith.andi %lt3A_393, %lt3A_396 : vector<16xi1>
        tpu.vector_store_idx %arg8[%scan3A_368, %iota3A], %get3A_392 masked %and3A_397 : memref<256x16xf32, #tpu.memory_space<vmem>>[vector<16xi32>, vector<16xi32>], vector<16xf32>, vector<16xi1>
        %jit3A_398 = arith.constant 1 : i32
        %jit3A_399 = arith.constant 0 : i32
        %broadcast_in_dim3A_400 = vector.broadcast %jit3A_398 : i32 to vector<16xi32>
        %broadcast_in_dim3A_401 = vector.broadcast %jit3A_399 : i32 to vector<16xi32>
        %select_n3A_402 = arith.select %and3A_397, %broadcast_in_dim3A_400, %broadcast_in_dim3A_401 : vector<16xi1>, vector<16xi32>
        %add3A_403 = arith.addi %scan3A_368, %select_n3A_402 : vector<16xi32>
        %mul3A_404 = arith.constant 16 : i32
        %mul3A_405 = arith.muli %scan3A_367, %mul3A_404 : i32
        %add3A_406 = arith.constant 1 : i32
        %add3A_407 = arith.addi %mul3A_405, %add3A_406 : i32
        %get3A_408 = arith.index_cast %add3A_407 : i32 to index
        %get3A_409 = arith.constant 0 : index
        %get3A_410 = tpu.vector_load %arg6[%get3A_408, %get3A_409] {strides = array<i32>} : memref<2048x16xf32, #tpu.memory_space<vmem>>, vector<16xf32>,
        %lt3A_411 = arith.cmpf olt, %get3A_410, %add3A_110 : vector<16xf32>
        %lt3A_412 = arith.constant 256 : i32
        %lt3A_413 = vector.broadcast %lt3A_412 : i32 to vector<16xi32>
        %lt3A_414 = arith.cmpi slt, %add3A_403, %lt3A_413 : vector<16xi32>
        %and3A_415 = arith.andi %lt3A_411, %lt3A_414 : vector<16xi1>
        tpu.vector_store_idx %arg8[%add3A_403, %iota3A], %get3A_410 masked %and3A_415 : memref<256x16xf32, #tpu.memory_space<vmem>>[vector<16xi32>, vector<16xi32>], vector<16xf32>, vector<16xi1>
        %jit3A_416 = arith.constant 1 : i32
        %jit3A_417 = arith.constant 0 : i32
        %broadcast_in_dim3A_418 = vector.broadcast %jit3A_416 : i32 to vector<16xi32>
        %broadcast_in_dim3A_419 = vector.broadcast %jit3A_417 : i32 to vector<16xi32>
        %select_n3A_420 = arith.select %and3A_415, %broadcast_in_dim3A_418, %broadcast_in_dim3A_419 : vector<16xi1>, vector<16xi32>
        %add3A_421 = arith.addi %add3A_403, %select_n3A_420 : vector<16xi32>
        %mul3A_422 = arith.constant 16 : i32
        %mul3A_423 = arith.muli %scan3A_367, %mul3A_422 : i32
        %add3A_424 = arith.constant 2 : i32
        %add3A_425 = arith.addi %mul3A_423, %add3A_424 : i32
        %get3A_426 = arith.index_cast %add3A_425 : i32 to index
        %get3A_427 = arith.constant 0 : index
        %get3A_428 = tpu.vector_load %arg6[%get3A_426, %get3A_427] {strides = array<i32>} : memref<2048x16xf32, #tpu.memory_space<vmem>>, vector<16xf32>,
        %lt3A_429 = arith.cmpf olt, %get3A_428, %add3A_110 : vector<16xf32>
        %lt3A_430 = arith.constant 256 : i32
        %lt3A_431 = vector.broadcast %lt3A_430 : i32 to vector<16xi32>
        %lt3A_432 = arith.cmpi slt, %add3A_421, %lt3A_431 : vector<16xi32>
        %and3A_433 = arith.andi %lt3A_429, %lt3A_432 : vector<16xi1>
        tpu.vector_store_idx %arg8[%add3A_421, %iota3A], %get3A_428 masked %and3A_433 : memref<256x16xf32, #tpu.memory_space<vmem>>[vector<16xi32>, vector<16xi32>], vector<16xf32>, vector<16xi1>
        %jit3A_434 = arith.constant 1 : i32
        %jit3A_435 = arith.constant 0 : i32
        %broadcast_in_dim3A_436 = vector.broadcast %jit3A_434 : i32 to vector<16xi32>
        %broadcast_in_dim3A_437 = vector.broadcast %jit3A_435 : i32 to vector<16xi32>
        %select_n3A_438 = arith.select %and3A_433, %broadcast_in_dim3A_436, %broadcast_in_dim3A_437 : vector<16xi1>, vector<16xi32>
        %add3A_439 = arith.addi %add3A_421, %select_n3A_438 : vector<16xi32>
        %mul3A_440 = arith.constant 16 : i32
        %mul3A_441 = arith.muli %scan3A_367, %mul3A_440 : i32
        %add3A_442 = arith.constant 3 : i32
        %add3A_443 = arith.addi %mul3A_441, %add3A_442 : i32
        %get3A_444 = arith.index_cast %add3A_443 : i32 to index
        %get3A_445 = arith.constant 0 : index
        %get3A_446 = tpu.vector_load %arg6[%get3A_444, %get3A_445] {strides = array<i32>} : memref<2048x16xf32, #tpu.memory_space<vmem>>, vector<16xf32>,
        %lt3A_447 = arith.cmpf olt, %get3A_446, %add3A_110 : vector<16xf32>
        %lt3A_448 = arith.constant 256 : i32
        %lt3A_449 = vector.broadcast %lt3A_448 : i32 to vector<16xi32>
        %lt3A_450 = arith.cmpi slt, %add3A_439, %lt3A_449 : vector<16xi32>
        %and3A_451 = arith.andi %lt3A_447, %lt3A_450 : vector<16xi1>
        tpu.vector_store_idx %arg8[%add3A_439, %iota3A], %get3A_446 masked %and3A_451 : memref<256x16xf32, #tpu.memory_space<vmem>>[vector<16xi32>, vector<16xi32>], vector<16xf32>, vector<16xi1>
        %jit3A_452 = arith.constant 1 : i32
        %jit3A_453 = arith.constant 0 : i32
        %broadcast_in_dim3A_454 = vector.broadcast %jit3A_452 : i32 to vector<16xi32>
        %broadcast_in_dim3A_455 = vector.broadcast %jit3A_453 : i32 to vector<16xi32>
        %select_n3A_456 = arith.select %and3A_451, %broadcast_in_dim3A_454, %broadcast_in_dim3A_455 : vector<16xi1>, vector<16xi32>
        %add3A_457 = arith.addi %add3A_439, %select_n3A_456 : vector<16xi32>
        %mul3A_458 = arith.constant 16 : i32
        %mul3A_459 = arith.muli %scan3A_367, %mul3A_458 : i32
        %add3A_460 = arith.constant 4 : i32
        %add3A_461 = arith.addi %mul3A_459, %add3A_460 : i32
        %get3A_462 = arith.index_cast %add3A_461 : i32 to index
        %get3A_463 = arith.constant 0 : index
        %get3A_464 = tpu.vector_load %arg6[%get3A_462, %get3A_463] {strides = array<i32>} : memref<2048x16xf32, #tpu.memory_space<vmem>>, vector<16xf32>,
        %lt3A_465 = arith.cmpf olt, %get3A_464, %add3A_110 : vector<16xf32>
        %lt3A_466 = arith.constant 256 : i32
        %lt3A_467 = vector.broadcast %lt3A_466 : i32 to vector<16xi32>
        %lt3A_468 = arith.cmpi slt, %add3A_457, %lt3A_467 : vector<16xi32>
        %and3A_469 = arith.andi %lt3A_465, %lt3A_468 : vector<16xi1>
        tpu.vector_store_idx %arg8[%add3A_457, %iota3A], %get3A_464 masked %and3A_469 : memref<256x16xf32, #tpu.memory_space<vmem>>[vector<16xi32>, vector<16xi32>], vector<16xf32>, vector<16xi1>
        %jit3A_470 = arith.constant 1 : i32
        %jit3A_471 = arith.constant 0 : i32
        %broadcast_in_dim3A_472 = vector.broadcast %jit3A_470 : i32 to vector<16xi32>
        %broadcast_in_dim3A_473 = vector.broadcast %jit3A_471 : i32 to vector<16xi32>
        %select_n3A_474 = arith.select %and3A_469, %broadcast_in_dim3A_472, %broadcast_in_dim3A_473 : vector<16xi1>, vector<16xi32>
        %add3A_475 = arith.addi %add3A_457, %select_n3A_474 : vector<16xi32>
        %mul3A_476 = arith.constant 16 : i32
        %mul3A_477 = arith.muli %scan3A_367, %mul3A_476 : i32
        %add3A_478 = arith.constant 5 : i32
        %add3A_479 = arith.addi %mul3A_477, %add3A_478 : i32
        %get3A_480 = arith.index_cast %add3A_479 : i32 to index
        %get3A_481 = arith.constant 0 : index
        %get3A_482 = tpu.vector_load %arg6[%get3A_480, %get3A_481] {strides = array<i32>} : memref<2048x16xf32, #tpu.memory_space<vmem>>, vector<16xf32>,
        %lt3A_483 = arith.cmpf olt, %get3A_482, %add3A_110 : vector<16xf32>
        %lt3A_484 = arith.constant 256 : i32
        %lt3A_485 = vector.broadcast %lt3A_484 : i32 to vector<16xi32>
        %lt3A_486 = arith.cmpi slt, %add3A_475, %lt3A_485 : vector<16xi32>
        %and3A_487 = arith.andi %lt3A_483, %lt3A_486 : vector<16xi1>
        tpu.vector_store_idx %arg8[%add3A_475, %iota3A], %get3A_482 masked %and3A_487 : memref<256x16xf32, #tpu.memory_space<vmem>>[vector<16xi32>, vector<16xi32>], vector<16xf32>, vector<16xi1>
        %jit3A_488 = arith.constant 1 : i32
        %jit3A_489 = arith.constant 0 : i32
        %broadcast_in_dim3A_490 = vector.broadcast %jit3A_488 : i32 to vector<16xi32>
        %broadcast_in_dim3A_491 = vector.broadcast %jit3A_489 : i32 to vector<16xi32>
        %select_n3A_492 = arith.select %and3A_487, %broadcast_in_dim3A_490, %broadcast_in_dim3A_491 : vector<16xi1>, vector<16xi32>
        %add3A_493 = arith.addi %add3A_475, %select_n3A_492 : vector<16xi32>
        %mul3A_494 = arith.constant 16 : i32
        %mul3A_495 = arith.muli %scan3A_367, %mul3A_494 : i32
        %add3A_496 = arith.constant 6 : i32
        %add3A_497 = arith.addi %mul3A_495, %add3A_496 : i32
        %get3A_498 = arith.index_cast %add3A_497 : i32 to index
        %get3A_499 = arith.constant 0 : index
        %get3A_500 = tpu.vector_load %arg6[%get3A_498, %get3A_499] {strides = array<i32>} : memref<2048x16xf32, #tpu.memory_space<vmem>>, vector<16xf32>,
        %lt3A_501 = arith.cmpf olt, %get3A_500, %add3A_110 : vector<16xf32>
        %lt3A_502 = arith.constant 256 : i32
        %lt3A_503 = vector.broadcast %lt3A_502 : i32 to vector<16xi32>
        %lt3A_504 = arith.cmpi slt, %add3A_493, %lt3A_503 : vector<16xi32>
        %and3A_505 = arith.andi %lt3A_501, %lt3A_504 : vector<16xi1>
        tpu.vector_store_idx %arg8[%add3A_493, %iota3A], %get3A_500 masked %and3A_505 : memref<256x16xf32, #tpu.memory_space<vmem>>[vector<16xi32>, vector<16xi32>], vector<16xf32>, vector<16xi1>
        %jit3A_506 = arith.constant 1 : i32
        %jit3A_507 = arith.constant 0 : i32
        %broadcast_in_dim3A_508 = vector.broadcast %jit3A_506 : i32 to vector<16xi32>
        %broadcast_in_dim3A_509 = vector.broadcast %jit3A_507 : i32 to vector<16xi32>
        %select_n3A_510 = arith.select %and3A_505, %broadcast_in_dim3A_508, %broadcast_in_dim3A_509 : vector<16xi1>, vector<16xi32>
        %add3A_511 = arith.addi %add3A_493, %select_n3A_510 : vector<16xi32>
        %mul3A_512 = arith.constant 16 : i32
        %mul3A_513 = arith.muli %scan3A_367, %mul3A_512 : i32
        %add3A_514 = arith.constant 7 : i32
        %add3A_515 = arith.addi %mul3A_513, %add3A_514 : i32
        %get3A_516 = arith.index_cast %add3A_515 : i32 to index
        %get3A_517 = arith.constant 0 : index
        %get3A_518 = tpu.vector_load %arg6[%get3A_516, %get3A_517] {strides = array<i32>} : memref<2048x16xf32, #tpu.memory_space<vmem>>, vector<16xf32>,
        %lt3A_519 = arith.cmpf olt, %get3A_518, %add3A_110 : vector<16xf32>
        %lt3A_520 = arith.constant 256 : i32
        %lt3A_521 = vector.broadcast %lt3A_520 : i32 to vector<16xi32>
        %lt3A_522 = arith.cmpi slt, %add3A_511, %lt3A_521 : vector<16xi32>
        %and3A_523 = arith.andi %lt3A_519, %lt3A_522 : vector<16xi1>
        tpu.vector_store_idx %arg8[%add3A_511, %iota3A], %get3A_518 masked %and3A_523 : memref<256x16xf32, #tpu.memory_space<vmem>>[vector<16xi32>, vector<16xi32>], vector<16xf32>, vector<16xi1>
        %jit3A_524 = arith.constant 1 : i32
        %jit3A_525 = arith.constant 0 : i32
        %broadcast_in_dim3A_526 = vector.broadcast %jit3A_524 : i32 to vector<16xi32>
        %broadcast_in_dim3A_527 = vector.broadcast %jit3A_525 : i32 to vector<16xi32>
        %select_n3A_528 = arith.select %and3A_523, %broadcast_in_dim3A_526, %broadcast_in_dim3A_527 : vector<16xi1>, vector<16xi32>
        %add3A_529 = arith.addi %add3A_511, %select_n3A_528 : vector<16xi32>
        %mul3A_530 = arith.constant 16 : i32
        %mul3A_531 = arith.muli %scan3A_367, %mul3A_530 : i32
        %add3A_532 = arith.constant 8 : i32
        %add3A_533 = arith.addi %mul3A_531, %add3A_532 : i32
        %get3A_534 = arith.index_cast %add3A_533 : i32 to index
        %get3A_535 = arith.constant 0 : index
        %get3A_536 = tpu.vector_load %arg6[%get3A_534, %get3A_535] {strides = array<i32>} : memref<2048x16xf32, #tpu.memory_space<vmem>>, vector<16xf32>,
        %lt3A_537 = arith.cmpf olt, %get3A_536, %add3A_110 : vector<16xf32>
        %lt3A_538 = arith.constant 256 : i32
        %lt3A_539 = vector.broadcast %lt3A_538 : i32 to vector<16xi32>
        %lt3A_540 = arith.cmpi slt, %add3A_529, %lt3A_539 : vector<16xi32>
        %and3A_541 = arith.andi %lt3A_537, %lt3A_540 : vector<16xi1>
        tpu.vector_store_idx %arg8[%add3A_529, %iota3A], %get3A_536 masked %and3A_541 : memref<256x16xf32, #tpu.memory_space<vmem>>[vector<16xi32>, vector<16xi32>], vector<16xf32>, vector<16xi1>
        %jit3A_542 = arith.constant 1 : i32
        %jit3A_543 = arith.constant 0 : i32
        %broadcast_in_dim3A_544 = vector.broadcast %jit3A_542 : i32 to vector<16xi32>
        %broadcast_in_dim3A_545 = vector.broadcast %jit3A_543 : i32 to vector<16xi32>
        %select_n3A_546 = arith.select %and3A_541, %broadcast_in_dim3A_544, %broadcast_in_dim3A_545 : vector<16xi1>, vector<16xi32>
        %add3A_547 = arith.addi %add3A_529, %select_n3A_546 : vector<16xi32>
        %mul3A_548 = arith.constant 16 : i32
        %mul3A_549 = arith.muli %scan3A_367, %mul3A_548 : i32
        %add3A_550 = arith.constant 9 : i32
        %add3A_551 = arith.addi %mul3A_549, %add3A_550 : i32
        %get3A_552 = arith.index_cast %add3A_551 : i32 to index
        %get3A_553 = arith.constant 0 : index
        %get3A_554 = tpu.vector_load %arg6[%get3A_552, %get3A_553] {strides = array<i32>} : memref<2048x16xf32, #tpu.memory_space<vmem>>, vector<16xf32>,
        %lt3A_555 = arith.cmpf olt, %get3A_554, %add3A_110 : vector<16xf32>
        %lt3A_556 = arith.constant 256 : i32
        %lt3A_557 = vector.broadcast %lt3A_556 : i32 to vector<16xi32>
        %lt3A_558 = arith.cmpi slt, %add3A_547, %lt3A_557 : vector<16xi32>
        %and3A_559 = arith.andi %lt3A_555, %lt3A_558 : vector<16xi1>
        tpu.vector_store_idx %arg8[%add3A_547, %iota3A], %get3A_554 masked %and3A_559 : memref<256x16xf32, #tpu.memory_space<vmem>>[vector<16xi32>, vector<16xi32>], vector<16xf32>, vector<16xi1>
        %jit3A_560 = arith.constant 1 : i32
        %jit3A_561 = arith.constant 0 : i32
        %broadcast_in_dim3A_562 = vector.broadcast %jit3A_560 : i32 to vector<16xi32>
        %broadcast_in_dim3A_563 = vector.broadcast %jit3A_561 : i32 to vector<16xi32>
        %select_n3A_564 = arith.select %and3A_559, %broadcast_in_dim3A_562, %broadcast_in_dim3A_563 : vector<16xi1>, vector<16xi32>
        %add3A_565 = arith.addi %add3A_547, %select_n3A_564 : vector<16xi32>
        %mul3A_566 = arith.constant 16 : i32
        %mul3A_567 = arith.muli %scan3A_367, %mul3A_566 : i32
        %add3A_568 = arith.constant 10 : i32
        %add3A_569 = arith.addi %mul3A_567, %add3A_568 : i32
        %get3A_570 = arith.index_cast %add3A_569 : i32 to index
        %get3A_571 = arith.constant 0 : index
        %get3A_572 = tpu.vector_load %arg6[%get3A_570, %get3A_571] {strides = array<i32>} : memref<2048x16xf32, #tpu.memory_space<vmem>>, vector<16xf32>,
        %lt3A_573 = arith.cmpf olt, %get3A_572, %add3A_110 : vector<16xf32>
        %lt3A_574 = arith.constant 256 : i32
        %lt3A_575 = vector.broadcast %lt3A_574 : i32 to vector<16xi32>
        %lt3A_576 = arith.cmpi slt, %add3A_565, %lt3A_575 : vector<16xi32>
        %and3A_577 = arith.andi %lt3A_573, %lt3A_576 : vector<16xi1>
        tpu.vector_store_idx %arg8[%add3A_565, %iota3A], %get3A_572 masked %and3A_577 : memref<256x16xf32, #tpu.memory_space<vmem>>[vector<16xi32>, vector<16xi32>], vector<16xf32>, vector<16xi1>
        %jit3A_578 = arith.constant 1 : i32
        %jit3A_579 = arith.constant 0 : i32
        %broadcast_in_dim3A_580 = vector.broadcast %jit3A_578 : i32 to vector<16xi32>
        %broadcast_in_dim3A_581 = vector.broadcast %jit3A_579 : i32 to vector<16xi32>
        %select_n3A_582 = arith.select %and3A_577, %broadcast_in_dim3A_580, %broadcast_in_dim3A_581 : vector<16xi1>, vector<16xi32>
        %add3A_583 = arith.addi %add3A_565, %select_n3A_582 : vector<16xi32>
        %mul3A_584 = arith.constant 16 : i32
        %mul3A_585 = arith.muli %scan3A_367, %mul3A_584 : i32
        %add3A_586 = arith.constant 11 : i32
        %add3A_587 = arith.addi %mul3A_585, %add3A_586 : i32
        %get3A_588 = arith.index_cast %add3A_587 : i32 to index
        %get3A_589 = arith.constant 0 : index
        %get3A_590 = tpu.vector_load %arg6[%get3A_588, %get3A_589] {strides = array<i32>} : memref<2048x16xf32, #tpu.memory_space<vmem>>, vector<16xf32>,
        %lt3A_591 = arith.cmpf olt, %get3A_590, %add3A_110 : vector<16xf32>
        %lt3A_592 = arith.constant 256 : i32
        %lt3A_593 = vector.broadcast %lt3A_592 : i32 to vector<16xi32>
        %lt3A_594 = arith.cmpi slt, %add3A_583, %lt3A_593 : vector<16xi32>
        %and3A_595 = arith.andi %lt3A_591, %lt3A_594 : vector<16xi1>
        tpu.vector_store_idx %arg8[%add3A_583, %iota3A], %get3A_590 masked %and3A_595 : memref<256x16xf32, #tpu.memory_space<vmem>>[vector<16xi32>, vector<16xi32>], vector<16xf32>, vector<16xi1>
        %jit3A_596 = arith.constant 1 : i32
        %jit3A_597 = arith.constant 0 : i32
        %broadcast_in_dim3A_598 = vector.broadcast %jit3A_596 : i32 to vector<16xi32>
        %broadcast_in_dim3A_599 = vector.broadcast %jit3A_597 : i32 to vector<16xi32>
        %select_n3A_600 = arith.select %and3A_595, %broadcast_in_dim3A_598, %broadcast_in_dim3A_599 : vector<16xi1>, vector<16xi32>
        %add3A_601 = arith.addi %add3A_583, %select_n3A_600 : vector<16xi32>
        %mul3A_602 = arith.constant 16 : i32
        %mul3A_603 = arith.muli %scan3A_367, %mul3A_602 : i32
        %add3A_604 = arith.constant 12 : i32
        %add3A_605 = arith.addi %mul3A_603, %add3A_604 : i32
        %get3A_606 = arith.index_cast %add3A_605 : i32 to index
        %get3A_607 = arith.constant 0 : index
        %get3A_608 = tpu.vector_load %arg6[%get3A_606, %get3A_607] {strides = array<i32>} : memref<2048x16xf32, #tpu.memory_space<vmem>>, vector<16xf32>,
        %lt3A_609 = arith.cmpf olt, %get3A_608, %add3A_110 : vector<16xf32>
        %lt3A_610 = arith.constant 256 : i32
        %lt3A_611 = vector.broadcast %lt3A_610 : i32 to vector<16xi32>
        %lt3A_612 = arith.cmpi slt, %add3A_601, %lt3A_611 : vector<16xi32>
        %and3A_613 = arith.andi %lt3A_609, %lt3A_612 : vector<16xi1>
        tpu.vector_store_idx %arg8[%add3A_601, %iota3A], %get3A_608 masked %and3A_613 : memref<256x16xf32, #tpu.memory_space<vmem>>[vector<16xi32>, vector<16xi32>], vector<16xf32>, vector<16xi1>
        %jit3A_614 = arith.constant 1 : i32
        %jit3A_615 = arith.constant 0 : i32
        %broadcast_in_dim3A_616 = vector.broadcast %jit3A_614 : i32 to vector<16xi32>
        %broadcast_in_dim3A_617 = vector.broadcast %jit3A_615 : i32 to vector<16xi32>
        %select_n3A_618 = arith.select %and3A_613, %broadcast_in_dim3A_616, %broadcast_in_dim3A_617 : vector<16xi1>, vector<16xi32>
        %add3A_619 = arith.addi %add3A_601, %select_n3A_618 : vector<16xi32>
        %mul3A_620 = arith.constant 16 : i32
        %mul3A_621 = arith.muli %scan3A_367, %mul3A_620 : i32
        %add3A_622 = arith.constant 13 : i32
        %add3A_623 = arith.addi %mul3A_621, %add3A_622 : i32
        %get3A_624 = arith.index_cast %add3A_623 : i32 to index
        %get3A_625 = arith.constant 0 : index
        %get3A_626 = tpu.vector_load %arg6[%get3A_624, %get3A_625] {strides = array<i32>} : memref<2048x16xf32, #tpu.memory_space<vmem>>, vector<16xf32>,
        %lt3A_627 = arith.cmpf olt, %get3A_626, %add3A_110 : vector<16xf32>
        %lt3A_628 = arith.constant 256 : i32
        %lt3A_629 = vector.broadcast %lt3A_628 : i32 to vector<16xi32>
        %lt3A_630 = arith.cmpi slt, %add3A_619, %lt3A_629 : vector<16xi32>
        %and3A_631 = arith.andi %lt3A_627, %lt3A_630 : vector<16xi1>
        tpu.vector_store_idx %arg8[%add3A_619, %iota3A], %get3A_626 masked %and3A_631 : memref<256x16xf32, #tpu.memory_space<vmem>>[vector<16xi32>, vector<16xi32>], vector<16xf32>, vector<16xi1>
        %jit3A_632 = arith.constant 1 : i32
        %jit3A_633 = arith.constant 0 : i32
        %broadcast_in_dim3A_634 = vector.broadcast %jit3A_632 : i32 to vector<16xi32>
        %broadcast_in_dim3A_635 = vector.broadcast %jit3A_633 : i32 to vector<16xi32>
        %select_n3A_636 = arith.select %and3A_631, %broadcast_in_dim3A_634, %broadcast_in_dim3A_635 : vector<16xi1>, vector<16xi32>
        %add3A_637 = arith.addi %add3A_619, %select_n3A_636 : vector<16xi32>
        %mul3A_638 = arith.constant 16 : i32
        %mul3A_639 = arith.muli %scan3A_367, %mul3A_638 : i32
        %add3A_640 = arith.constant 14 : i32
        %add3A_641 = arith.addi %mul3A_639, %add3A_640 : i32
        %get3A_642 = arith.index_cast %add3A_641 : i32 to index
        %get3A_643 = arith.constant 0 : index
        %get3A_644 = tpu.vector_load %arg6[%get3A_642, %get3A_643] {strides = array<i32>} : memref<2048x16xf32, #tpu.memory_space<vmem>>, vector<16xf32>,
        %lt3A_645 = arith.cmpf olt, %get3A_644, %add3A_110 : vector<16xf32>
        %lt3A_646 = arith.constant 256 : i32
        %lt3A_647 = vector.broadcast %lt3A_646 : i32 to vector<16xi32>
        %lt3A_648 = arith.cmpi slt, %add3A_637, %lt3A_647 : vector<16xi32>
        %and3A_649 = arith.andi %lt3A_645, %lt3A_648 : vector<16xi1>
        tpu.vector_store_idx %arg8[%add3A_637, %iota3A], %get3A_644 masked %and3A_649 : memref<256x16xf32, #tpu.memory_space<vmem>>[vector<16xi32>, vector<16xi32>], vector<16xf32>, vector<16xi1>
        %jit3A_650 = arith.constant 1 : i32
        %jit3A_651 = arith.constant 0 : i32
        %broadcast_in_dim3A_652 = vector.broadcast %jit3A_650 : i32 to vector<16xi32>
        %broadcast_in_dim3A_653 = vector.broadcast %jit3A_651 : i32 to vector<16xi32>
        %select_n3A_654 = arith.select %and3A_649, %broadcast_in_dim3A_652, %broadcast_in_dim3A_653 : vector<16xi1>, vector<16xi32>
        %add3A_655 = arith.addi %add3A_637, %select_n3A_654 : vector<16xi32>
        %mul3A_656 = arith.constant 16 : i32
        %mul3A_657 = arith.muli %scan3A_367, %mul3A_656 : i32
        %add3A_658 = arith.constant 15 : i32
        %add3A_659 = arith.addi %mul3A_657, %add3A_658 : i32
        %get3A_660 = arith.index_cast %add3A_659 : i32 to index
        %get3A_661 = arith.constant 0 : index
        %get3A_662 = tpu.vector_load %arg6[%get3A_660, %get3A_661] {strides = array<i32>} : memref<2048x16xf32, #tpu.memory_space<vmem>>, vector<16xf32>,
        %lt3A_663 = arith.cmpf olt, %get3A_662, %add3A_110 : vector<16xf32>
        %lt3A_664 = arith.constant 256 : i32
        %lt3A_665 = vector.broadcast %lt3A_664 : i32 to vector<16xi32>
        %lt3A_666 = arith.cmpi slt, %add3A_655, %lt3A_665 : vector<16xi32>
        %and3A_667 = arith.andi %lt3A_663, %lt3A_666 : vector<16xi1>
        tpu.vector_store_idx %arg8[%add3A_655, %iota3A], %get3A_662 masked %and3A_667 : memref<256x16xf32, #tpu.memory_space<vmem>>[vector<16xi32>, vector<16xi32>], vector<16xf32>, vector<16xi1>
        %jit3A_668 = arith.constant 1 : i32
        %jit3A_669 = arith.constant 0 : i32
        %broadcast_in_dim3A_670 = vector.broadcast %jit3A_668 : i32 to vector<16xi32>
        %broadcast_in_dim3A_671 = vector.broadcast %jit3A_669 : i32 to vector<16xi32>
        %select_n3A_672 = arith.select %and3A_667, %broadcast_in_dim3A_670, %broadcast_in_dim3A_671 : vector<16xi1>, vector<16xi32>
        %add3A_673 = arith.addi %add3A_655, %select_n3A_672 : vector<16xi32>
        scf.yield %add3A_673 : vector<16xi32>
      } else {
        scf.yield %scan3A_368 : vector<16xi32>
      }
      scf.yield %cond3A_385 : vector<16xi32>
    }
    %scan3A_116 = arith.constant 128 : i32
    %add3A_117 = arith.constant 6144 : i32
    %add3A_118 = arith.addi %mul3A_34, %add3A_117 : i32
    %dma_wait3A_119 = tpu.memref_slice %arg4[%add3A_118, %mul3A_32] : memref<32768x128xf32, #tpu.memory_space<hbm>> -> memref<2048x16xf32, #tpu.memory_space<hbm>>
    %dma_wait3A_120 = tpu.memref_slice %arg4[%add3A_118, %mul3A_32] : memref<32768x128xf32, #tpu.memory_space<hbm>> -> memref<2048x16xf32, #tpu.memory_space<hbm>>
    tpu.wait_dma2 semaphore(%arg12 : memref<!tpu.dma_semaphore, #tpu.memory_space<semaphore_mem>>) src(%dma_wait3A_120 : memref<2048x16xf32, #tpu.memory_space<hbm>>) dst(%arg7 : memref<2048x16xf32, #tpu.memory_space<vmem>>)
    %scan3A_121 = arith.constant 0 : i32
    %scan3A_122 = arith.constant 128 : i32
    %scan3A_123 = arith.addi %scan3A_121, %scan3A_122 : i32
    %scan3A_124 = arith.constant 1 : i32
    %scan3A_125 = scf.for %scan3A_367 = %scan3A_121 to %scan3A_123 step %scan3A_124 iter_args(%scan3A_368 = %scan3A_107) -> (vector<16xf32>)  : i32 {
      %mul3A_369 = arith.constant 16 : i32
      %mul3A_370 = arith.muli %scan3A_367, %mul3A_369 : i32
      %add3A_371 = arith.constant 0 : i32
      %add3A_372 = arith.addi %mul3A_370, %add3A_371 : i32
      %get3A_373 = arith.index_cast %add3A_372 : i32 to index
      %get3A_374 = arith.constant 0 : index
      %get3A_375 = tpu.vector_load %arg7[%get3A_373, %get3A_374] {strides = array<i32>} : memref<2048x16xf32, #tpu.memory_space<vmem>>, vector<16xf32>,
      %mul3A_376 = arith.constant 16 : i32
      %mul3A_377 = arith.muli %scan3A_367, %mul3A_376 : i32
      %add3A_378 = arith.constant 1 : i32
      %add3A_379 = arith.addi %mul3A_377, %add3A_378 : i32
      %get3A_380 = arith.index_cast %add3A_379 : i32 to index
      %get3A_381 = arith.constant 0 : index
      %get3A_382 = tpu.vector_load %arg7[%get3A_380, %get3A_381] {strides = array<i32>} : memref<2048x16xf32, #tpu.memory_space<vmem>>, vector<16xf32>,
      %mul3A_383 = arith.constant 16 : i32
      %mul3A_384 = arith.muli %scan3A_367, %mul3A_383 : i32
      %add3A_385 = arith.constant 2 : i32
      %add3A_386 = arith.addi %mul3A_384, %add3A_385 : i32
      %get3A_387 = arith.index_cast %add3A_386 : i32 to index
      %get3A_388 = arith.constant 0 : index
      %get3A_389 = tpu.vector_load %arg7[%get3A_387, %get3A_388] {strides = array<i32>} : memref<2048x16xf32, #tpu.memory_space<vmem>>, vector<16xf32>,
      %mul3A_390 = arith.constant 16 : i32
      %mul3A_391 = arith.muli %scan3A_367, %mul3A_390 : i32
      %add3A_392 = arith.constant 3 : i32
      %add3A_393 = arith.addi %mul3A_391, %add3A_392 : i32
      %get3A_394 = arith.index_cast %add3A_393 : i32 to index
      %get3A_395 = arith.constant 0 : index
      %get3A_396 = tpu.vector_load %arg7[%get3A_394, %get3A_395] {strides = array<i32>} : memref<2048x16xf32, #tpu.memory_space<vmem>>, vector<16xf32>,
      %mul3A_397 = arith.constant 16 : i32
      %mul3A_398 = arith.muli %scan3A_367, %mul3A_397 : i32
      %add3A_399 = arith.constant 4 : i32
      %add3A_400 = arith.addi %mul3A_398, %add3A_399 : i32
      %get3A_401 = arith.index_cast %add3A_400 : i32 to index
      %get3A_402 = arith.constant 0 : index
      %get3A_403 = tpu.vector_load %arg7[%get3A_401, %get3A_402] {strides = array<i32>} : memref<2048x16xf32, #tpu.memory_space<vmem>>, vector<16xf32>,
      %mul3A_404 = arith.constant 16 : i32
      %mul3A_405 = arith.muli %scan3A_367, %mul3A_404 : i32
      %add3A_406 = arith.constant 5 : i32
      %add3A_407 = arith.addi %mul3A_405, %add3A_406 : i32
      %get3A_408 = arith.index_cast %add3A_407 : i32 to index
      %get3A_409 = arith.constant 0 : index
      %get3A_410 = tpu.vector_load %arg7[%get3A_408, %get3A_409] {strides = array<i32>} : memref<2048x16xf32, #tpu.memory_space<vmem>>, vector<16xf32>,
      %mul3A_411 = arith.constant 16 : i32
      %mul3A_412 = arith.muli %scan3A_367, %mul3A_411 : i32
      %add3A_413 = arith.constant 6 : i32
      %add3A_414 = arith.addi %mul3A_412, %add3A_413 : i32
      %get3A_415 = arith.index_cast %add3A_414 : i32 to index
      %get3A_416 = arith.constant 0 : index
      %get3A_417 = tpu.vector_load %arg7[%get3A_415, %get3A_416] {strides = array<i32>} : memref<2048x16xf32, #tpu.memory_space<vmem>>, vector<16xf32>,
      %mul3A_418 = arith.constant 16 : i32
      %mul3A_419 = arith.muli %scan3A_367, %mul3A_418 : i32
      %add3A_420 = arith.constant 7 : i32
      %add3A_421 = arith.addi %mul3A_419, %add3A_420 : i32
      %get3A_422 = arith.index_cast %add3A_421 : i32 to index
      %get3A_423 = arith.constant 0 : index
      %get3A_424 = tpu.vector_load %arg7[%get3A_422, %get3A_423] {strides = array<i32>} : memref<2048x16xf32, #tpu.memory_space<vmem>>, vector<16xf32>,
      %mul3A_425 = arith.constant 16 : i32
      %mul3A_426 = arith.muli %scan3A_367, %mul3A_425 : i32
      %add3A_427 = arith.constant 8 : i32
      %add3A_428 = arith.addi %mul3A_426, %add3A_427 : i32
      %get3A_429 = arith.index_cast %add3A_428 : i32 to index
      %get3A_430 = arith.constant 0 : index
      %get3A_431 = tpu.vector_load %arg7[%get3A_429, %get3A_430] {strides = array<i32>} : memref<2048x16xf32, #tpu.memory_space<vmem>>, vector<16xf32>,
      %mul3A_432 = arith.constant 16 : i32
      %mul3A_433 = arith.muli %scan3A_367, %mul3A_432 : i32
      %add3A_434 = arith.constant 9 : i32
      %add3A_435 = arith.addi %mul3A_433, %add3A_434 : i32
      %get3A_436 = arith.index_cast %add3A_435 : i32 to index
      %get3A_437 = arith.constant 0 : index
      %get3A_438 = tpu.vector_load %arg7[%get3A_436, %get3A_437] {strides = array<i32>} : memref<2048x16xf32, #tpu.memory_space<vmem>>, vector<16xf32>,
      %mul3A_439 = arith.constant 16 : i32
      %mul3A_440 = arith.muli %scan3A_367, %mul3A_439 : i32
      %add3A_441 = arith.constant 10 : i32
      %add3A_442 = arith.addi %mul3A_440, %add3A_441 : i32
      %get3A_443 = arith.index_cast %add3A_442 : i32 to index
      %get3A_444 = arith.constant 0 : index
      %get3A_445 = tpu.vector_load %arg7[%get3A_443, %get3A_444] {strides = array<i32>} : memref<2048x16xf32, #tpu.memory_space<vmem>>, vector<16xf32>,
      %mul3A_446 = arith.constant 16 : i32
      %mul3A_447 = arith.muli %scan3A_367, %mul3A_446 : i32
      %add3A_448 = arith.constant 11 : i32
      %add3A_449 = arith.addi %mul3A_447, %add3A_448 : i32
      %get3A_450 = arith.index_cast %add3A_449 : i32 to index
      %get3A_451 = arith.constant 0 : index
      %get3A_452 = tpu.vector_load %arg7[%get3A_450, %get3A_451] {strides = array<i32>} : memref<2048x16xf32, #tpu.memory_space<vmem>>, vector<16xf32>,
      %mul3A_453 = arith.constant 16 : i32
      %mul3A_454 = arith.muli %scan3A_367, %mul3A_453 : i32
      %add3A_455 = arith.constant 12 : i32
      %add3A_456 = arith.addi %mul3A_454, %add3A_455 : i32
      %get3A_457 = arith.index_cast %add3A_456 : i32 to index
      %get3A_458 = arith.constant 0 : index
      %get3A_459 = tpu.vector_load %arg7[%get3A_457, %get3A_458] {strides = array<i32>} : memref<2048x16xf32, #tpu.memory_space<vmem>>, vector<16xf32>,
      %mul3A_460 = arith.constant 16 : i32
      %mul3A_461 = arith.muli %scan3A_367, %mul3A_460 : i32
      %add3A_462 = arith.constant 13 : i32
      %add3A_463 = arith.addi %mul3A_461, %add3A_462 : i32
      %get3A_464 = arith.index_cast %add3A_463 : i32 to index
      %get3A_465 = arith.constant 0 : index
      %get3A_466 = tpu.vector_load %arg7[%get3A_464, %get3A_465] {strides = array<i32>} : memref<2048x16xf32, #tpu.memory_space<vmem>>, vector<16xf32>,
      %mul3A_467 = arith.constant 16 : i32
      %mul3A_468 = arith.muli %scan3A_367, %mul3A_467 : i32
      %add3A_469 = arith.constant 14 : i32
      %add3A_470 = arith.addi %mul3A_468, %add3A_469 : i32
      %get3A_471 = arith.index_cast %add3A_470 : i32 to index
      %get3A_472 = arith.constant 0 : index
      %get3A_473 = tpu.vector_load %arg7[%get3A_471, %get3A_472] {strides = array<i32>} : memref<2048x16xf32, #tpu.memory_space<vmem>>, vector<16xf32>,
      %mul3A_474 = arith.constant 16 : i32
      %mul3A_475 = arith.muli %scan3A_367, %mul3A_474 : i32
      %add3A_476 = arith.constant 15 : i32
      %add3A_477 = arith.addi %mul3A_475, %add3A_476 : i32
      %get3A_478 = arith.index_cast %add3A_477 : i32 to index
      %get3A_479 = arith.constant 0 : index
      %get3A_480 = tpu.vector_load %arg7[%get3A_478, %get3A_479] {strides = array<i32>} : memref<2048x16xf32, #tpu.memory_space<vmem>>, vector<16xf32>,
      %min3A_481 = arith.minimumf %get3A_375, %get3A_382 : vector<16xf32>
      %min3A_482 = arith.minimumf %get3A_389, %get3A_396 : vector<16xf32>
      %min3A_483 = arith.minimumf %get3A_403, %get3A_410 : vector<16xf32>
      %min3A_484 = arith.minimumf %get3A_417, %get3A_424 : vector<16xf32>
      %min3A_485 = arith.minimumf %get3A_431, %get3A_438 : vector<16xf32>
      %min3A_486 = arith.minimumf %get3A_445, %get3A_452 : vector<16xf32>
      %min3A_487 = arith.minimumf %get3A_459, %get3A_466 : vector<16xf32>
      %min3A_488 = arith.minimumf %get3A_473, %get3A_480 : vector<16xf32>
      %min3A_489 = arith.minimumf %min3A_481, %min3A_482 : vector<16xf32>
      %min3A_490 = arith.minimumf %min3A_483, %min3A_484 : vector<16xf32>
      %min3A_491 = arith.minimumf %min3A_485, %min3A_486 : vector<16xf32>
      %min3A_492 = arith.minimumf %min3A_487, %min3A_488 : vector<16xf32>
      %min3A_493 = arith.minimumf %min3A_489, %min3A_490 : vector<16xf32>
      %min3A_494 = arith.minimumf %min3A_491, %min3A_492 : vector<16xf32>
      %min3A_495 = arith.minimumf %min3A_493, %min3A_494 : vector<16xf32>
      %swap3A_496 = arith.index_cast %scan3A_367 : i32 to index
      %swap3A_497 = arith.constant 0 : index
      %swap3A_498 = tpu.vector_load %arg9[%swap3A_496, %swap3A_497] {strides = array<i32>} : memref<128x16xf32, #tpu.memory_space<vmem>>, vector<16xf32>,
      tpu.vector_store %arg9[%swap3A_496, %swap3A_497], %min3A_495 {strides = array<i32>} : memref<128x16xf32, #tpu.memory_space<vmem>>, vector<16xf32>,
      %min3A_499 = arith.minimumf %scan3A_368, %min3A_495 : vector<16xf32>
      scf.yield %min3A_499 : vector<16xf32>
    }
    %scan3A_126 = arith.constant 128 : i32
    %add3A_127 = vector.broadcast %squeeze3A : f32 to vector<16xf32>
    %add3A_128 = arith.addf %scan3A_125, %add3A_127 : vector<16xf32>
    %scan3A_129 = arith.constant 0 : i32
    %scan3A_130 = arith.constant 128 : i32
    %scan3A_131 = arith.addi %scan3A_129, %scan3A_130 : i32
    %scan3A_132 = arith.constant 1 : i32
    %scan3A_133 = scf.for %scan3A_367 = %scan3A_129 to %scan3A_131 step %scan3A_132 iter_args(%scan3A_368 = %scan3A_115) -> (vector<16xi32>)  : i32 {
      %get3A_369 = arith.index_cast %scan3A_367 : i32 to index
      %get3A_370 = arith.constant 0 : index
      %get3A_371 = tpu.vector_load %arg9[%get3A_369, %get3A_370] {strides = array<i32>} : memref<128x16xf32, #tpu.memory_space<vmem>>, vector<16xf32>,
      %lt3A_372 = arith.cmpf olt, %get3A_371, %add3A_128 : vector<16xf32>
      %reduce_or3A = arith.constant 1.000000e+00 : f32
      %reduce_or3A_373 = arith.constant 0.000000e+00 : f32
      %reduce_or3A_374 = vector.broadcast %reduce_or3A : f32 to vector<16xf32>
      %reduce_or3A_375 = vector.broadcast %reduce_or3A_373 : f32 to vector<16xf32>
      %reduce_or3A_376 = arith.select %lt3A_372, %reduce_or3A_374, %reduce_or3A_375 : vector<16xi1>, vector<16xf32>
      %reduce_or3A_377 = arith.constant true
      %reduce_or3A_378 = vector.broadcast %reduce_or3A_377 : i1 to vector<16xi1>
      %reduce_or3A_379 = tpu.scan <max>, %reduce_or3A_376 masked %reduce_or3A_378 : vector<16xf32>, vector<16xi1> -> vector<16xf32>
      %reduce_or3A_380 = vector.extract %reduce_or3A_379[15] : f32 from vector<16xf32>
      %reduce_or3A_381 = arith.constant 0.000000e+00 : f32
      %reduce_or3A_382 = arith.cmpf ogt, %reduce_or3A_380, %reduce_or3A_381 : f32
      %convert_element_type3A_383 = arith.extui %reduce_or3A_382 : i1 to i32
      %cond3A = arith.constant 0 : i32
      %cond3A_384 = arith.cmpi ne, %convert_element_type3A_383, %cond3A : i32
      %cond3A_385 = scf.if %cond3A_384 -> (vector<16xi32>) {
        %mul3A_386 = arith.constant 16 : i32
        %mul3A_387 = arith.muli %scan3A_367, %mul3A_386 : i32
        %add3A_388 = arith.constant 0 : i32
        %add3A_389 = arith.addi %mul3A_387, %add3A_388 : i32
        %get3A_390 = arith.index_cast %add3A_389 : i32 to index
        %get3A_391 = arith.constant 0 : index
        %get3A_392 = tpu.vector_load %arg7[%get3A_390, %get3A_391] {strides = array<i32>} : memref<2048x16xf32, #tpu.memory_space<vmem>>, vector<16xf32>,
        %lt3A_393 = arith.cmpf olt, %get3A_392, %add3A_128 : vector<16xf32>
        %lt3A_394 = arith.constant 256 : i32
        %lt3A_395 = vector.broadcast %lt3A_394 : i32 to vector<16xi32>
        %lt3A_396 = arith.cmpi slt, %scan3A_368, %lt3A_395 : vector<16xi32>
        %and3A_397 = arith.andi %lt3A_393, %lt3A_396 : vector<16xi1>
        tpu.vector_store_idx %arg8[%scan3A_368, %iota3A], %get3A_392 masked %and3A_397 : memref<256x16xf32, #tpu.memory_space<vmem>>[vector<16xi32>, vector<16xi32>], vector<16xf32>, vector<16xi1>
        %jit3A_398 = arith.constant 1 : i32
        %jit3A_399 = arith.constant 0 : i32
        %broadcast_in_dim3A_400 = vector.broadcast %jit3A_398 : i32 to vector<16xi32>
        %broadcast_in_dim3A_401 = vector.broadcast %jit3A_399 : i32 to vector<16xi32>
        %select_n3A_402 = arith.select %and3A_397, %broadcast_in_dim3A_400, %broadcast_in_dim3A_401 : vector<16xi1>, vector<16xi32>
        %add3A_403 = arith.addi %scan3A_368, %select_n3A_402 : vector<16xi32>
        %mul3A_404 = arith.constant 16 : i32
        %mul3A_405 = arith.muli %scan3A_367, %mul3A_404 : i32
        %add3A_406 = arith.constant 1 : i32
        %add3A_407 = arith.addi %mul3A_405, %add3A_406 : i32
        %get3A_408 = arith.index_cast %add3A_407 : i32 to index
        %get3A_409 = arith.constant 0 : index
        %get3A_410 = tpu.vector_load %arg7[%get3A_408, %get3A_409] {strides = array<i32>} : memref<2048x16xf32, #tpu.memory_space<vmem>>, vector<16xf32>,
        %lt3A_411 = arith.cmpf olt, %get3A_410, %add3A_128 : vector<16xf32>
        %lt3A_412 = arith.constant 256 : i32
        %lt3A_413 = vector.broadcast %lt3A_412 : i32 to vector<16xi32>
        %lt3A_414 = arith.cmpi slt, %add3A_403, %lt3A_413 : vector<16xi32>
        %and3A_415 = arith.andi %lt3A_411, %lt3A_414 : vector<16xi1>
        tpu.vector_store_idx %arg8[%add3A_403, %iota3A], %get3A_410 masked %and3A_415 : memref<256x16xf32, #tpu.memory_space<vmem>>[vector<16xi32>, vector<16xi32>], vector<16xf32>, vector<16xi1>
        %jit3A_416 = arith.constant 1 : i32
        %jit3A_417 = arith.constant 0 : i32
        %broadcast_in_dim3A_418 = vector.broadcast %jit3A_416 : i32 to vector<16xi32>
        %broadcast_in_dim3A_419 = vector.broadcast %jit3A_417 : i32 to vector<16xi32>
        %select_n3A_420 = arith.select %and3A_415, %broadcast_in_dim3A_418, %broadcast_in_dim3A_419 : vector<16xi1>, vector<16xi32>
        %add3A_421 = arith.addi %add3A_403, %select_n3A_420 : vector<16xi32>
        %mul3A_422 = arith.constant 16 : i32
        %mul3A_423 = arith.muli %scan3A_367, %mul3A_422 : i32
        %add3A_424 = arith.constant 2 : i32
        %add3A_425 = arith.addi %mul3A_423, %add3A_424 : i32
        %get3A_426 = arith.index_cast %add3A_425 : i32 to index
        %get3A_427 = arith.constant 0 : index
        %get3A_428 = tpu.vector_load %arg7[%get3A_426, %get3A_427] {strides = array<i32>} : memref<2048x16xf32, #tpu.memory_space<vmem>>, vector<16xf32>,
        %lt3A_429 = arith.cmpf olt, %get3A_428, %add3A_128 : vector<16xf32>
        %lt3A_430 = arith.constant 256 : i32
        %lt3A_431 = vector.broadcast %lt3A_430 : i32 to vector<16xi32>
        %lt3A_432 = arith.cmpi slt, %add3A_421, %lt3A_431 : vector<16xi32>
        %and3A_433 = arith.andi %lt3A_429, %lt3A_432 : vector<16xi1>
        tpu.vector_store_idx %arg8[%add3A_421, %iota3A], %get3A_428 masked %and3A_433 : memref<256x16xf32, #tpu.memory_space<vmem>>[vector<16xi32>, vector<16xi32>], vector<16xf32>, vector<16xi1>
        %jit3A_434 = arith.constant 1 : i32
        %jit3A_435 = arith.constant 0 : i32
        %broadcast_in_dim3A_436 = vector.broadcast %jit3A_434 : i32 to vector<16xi32>
        %broadcast_in_dim3A_437 = vector.broadcast %jit3A_435 : i32 to vector<16xi32>
        %select_n3A_438 = arith.select %and3A_433, %broadcast_in_dim3A_436, %broadcast_in_dim3A_437 : vector<16xi1>, vector<16xi32>
        %add3A_439 = arith.addi %add3A_421, %select_n3A_438 : vector<16xi32>
        %mul3A_440 = arith.constant 16 : i32
        %mul3A_441 = arith.muli %scan3A_367, %mul3A_440 : i32
        %add3A_442 = arith.constant 3 : i32
        %add3A_443 = arith.addi %mul3A_441, %add3A_442 : i32
        %get3A_444 = arith.index_cast %add3A_443 : i32 to index
        %get3A_445 = arith.constant 0 : index
        %get3A_446 = tpu.vector_load %arg7[%get3A_444, %get3A_445] {strides = array<i32>} : memref<2048x16xf32, #tpu.memory_space<vmem>>, vector<16xf32>,
        %lt3A_447 = arith.cmpf olt, %get3A_446, %add3A_128 : vector<16xf32>
        %lt3A_448 = arith.constant 256 : i32
        %lt3A_449 = vector.broadcast %lt3A_448 : i32 to vector<16xi32>
        %lt3A_450 = arith.cmpi slt, %add3A_439, %lt3A_449 : vector<16xi32>
        %and3A_451 = arith.andi %lt3A_447, %lt3A_450 : vector<16xi1>
        tpu.vector_store_idx %arg8[%add3A_439, %iota3A], %get3A_446 masked %and3A_451 : memref<256x16xf32, #tpu.memory_space<vmem>>[vector<16xi32>, vector<16xi32>], vector<16xf32>, vector<16xi1>
        %jit3A_452 = arith.constant 1 : i32
        %jit3A_453 = arith.constant 0 : i32
        %broadcast_in_dim3A_454 = vector.broadcast %jit3A_452 : i32 to vector<16xi32>
        %broadcast_in_dim3A_455 = vector.broadcast %jit3A_453 : i32 to vector<16xi32>
        %select_n3A_456 = arith.select %and3A_451, %broadcast_in_dim3A_454, %broadcast_in_dim3A_455 : vector<16xi1>, vector<16xi32>
        %add3A_457 = arith.addi %add3A_439, %select_n3A_456 : vector<16xi32>
        %mul3A_458 = arith.constant 16 : i32
        %mul3A_459 = arith.muli %scan3A_367, %mul3A_458 : i32
        %add3A_460 = arith.constant 4 : i32
        %add3A_461 = arith.addi %mul3A_459, %add3A_460 : i32
        %get3A_462 = arith.index_cast %add3A_461 : i32 to index
        %get3A_463 = arith.constant 0 : index
        %get3A_464 = tpu.vector_load %arg7[%get3A_462, %get3A_463] {strides = array<i32>} : memref<2048x16xf32, #tpu.memory_space<vmem>>, vector<16xf32>,
        %lt3A_465 = arith.cmpf olt, %get3A_464, %add3A_128 : vector<16xf32>
        %lt3A_466 = arith.constant 256 : i32
        %lt3A_467 = vector.broadcast %lt3A_466 : i32 to vector<16xi32>
        %lt3A_468 = arith.cmpi slt, %add3A_457, %lt3A_467 : vector<16xi32>
        %and3A_469 = arith.andi %lt3A_465, %lt3A_468 : vector<16xi1>
        tpu.vector_store_idx %arg8[%add3A_457, %iota3A], %get3A_464 masked %and3A_469 : memref<256x16xf32, #tpu.memory_space<vmem>>[vector<16xi32>, vector<16xi32>], vector<16xf32>, vector<16xi1>
        %jit3A_470 = arith.constant 1 : i32
        %jit3A_471 = arith.constant 0 : i32
        %broadcast_in_dim3A_472 = vector.broadcast %jit3A_470 : i32 to vector<16xi32>
        %broadcast_in_dim3A_473 = vector.broadcast %jit3A_471 : i32 to vector<16xi32>
        %select_n3A_474 = arith.select %and3A_469, %broadcast_in_dim3A_472, %broadcast_in_dim3A_473 : vector<16xi1>, vector<16xi32>
        %add3A_475 = arith.addi %add3A_457, %select_n3A_474 : vector<16xi32>
        %mul3A_476 = arith.constant 16 : i32
        %mul3A_477 = arith.muli %scan3A_367, %mul3A_476 : i32
        %add3A_478 = arith.constant 5 : i32
        %add3A_479 = arith.addi %mul3A_477, %add3A_478 : i32
        %get3A_480 = arith.index_cast %add3A_479 : i32 to index
        %get3A_481 = arith.constant 0 : index
        %get3A_482 = tpu.vector_load %arg7[%get3A_480, %get3A_481] {strides = array<i32>} : memref<2048x16xf32, #tpu.memory_space<vmem>>, vector<16xf32>,
        %lt3A_483 = arith.cmpf olt, %get3A_482, %add3A_128 : vector<16xf32>
        %lt3A_484 = arith.constant 256 : i32
        %lt3A_485 = vector.broadcast %lt3A_484 : i32 to vector<16xi32>
        %lt3A_486 = arith.cmpi slt, %add3A_475, %lt3A_485 : vector<16xi32>
        %and3A_487 = arith.andi %lt3A_483, %lt3A_486 : vector<16xi1>
        tpu.vector_store_idx %arg8[%add3A_475, %iota3A], %get3A_482 masked %and3A_487 : memref<256x16xf32, #tpu.memory_space<vmem>>[vector<16xi32>, vector<16xi32>], vector<16xf32>, vector<16xi1>
        %jit3A_488 = arith.constant 1 : i32
        %jit3A_489 = arith.constant 0 : i32
        %broadcast_in_dim3A_490 = vector.broadcast %jit3A_488 : i32 to vector<16xi32>
        %broadcast_in_dim3A_491 = vector.broadcast %jit3A_489 : i32 to vector<16xi32>
        %select_n3A_492 = arith.select %and3A_487, %broadcast_in_dim3A_490, %broadcast_in_dim3A_491 : vector<16xi1>, vector<16xi32>
        %add3A_493 = arith.addi %add3A_475, %select_n3A_492 : vector<16xi32>
        %mul3A_494 = arith.constant 16 : i32
        %mul3A_495 = arith.muli %scan3A_367, %mul3A_494 : i32
        %add3A_496 = arith.constant 6 : i32
        %add3A_497 = arith.addi %mul3A_495, %add3A_496 : i32
        %get3A_498 = arith.index_cast %add3A_497 : i32 to index
        %get3A_499 = arith.constant 0 : index
        %get3A_500 = tpu.vector_load %arg7[%get3A_498, %get3A_499] {strides = array<i32>} : memref<2048x16xf32, #tpu.memory_space<vmem>>, vector<16xf32>,
        %lt3A_501 = arith.cmpf olt, %get3A_500, %add3A_128 : vector<16xf32>
        %lt3A_502 = arith.constant 256 : i32
        %lt3A_503 = vector.broadcast %lt3A_502 : i32 to vector<16xi32>
        %lt3A_504 = arith.cmpi slt, %add3A_493, %lt3A_503 : vector<16xi32>
        %and3A_505 = arith.andi %lt3A_501, %lt3A_504 : vector<16xi1>
        tpu.vector_store_idx %arg8[%add3A_493, %iota3A], %get3A_500 masked %and3A_505 : memref<256x16xf32, #tpu.memory_space<vmem>>[vector<16xi32>, vector<16xi32>], vector<16xf32>, vector<16xi1>
        %jit3A_506 = arith.constant 1 : i32
        %jit3A_507 = arith.constant 0 : i32
        %broadcast_in_dim3A_508 = vector.broadcast %jit3A_506 : i32 to vector<16xi32>
        %broadcast_in_dim3A_509 = vector.broadcast %jit3A_507 : i32 to vector<16xi32>
        %select_n3A_510 = arith.select %and3A_505, %broadcast_in_dim3A_508, %broadcast_in_dim3A_509 : vector<16xi1>, vector<16xi32>
        %add3A_511 = arith.addi %add3A_493, %select_n3A_510 : vector<16xi32>
        %mul3A_512 = arith.constant 16 : i32
        %mul3A_513 = arith.muli %scan3A_367, %mul3A_512 : i32
        %add3A_514 = arith.constant 7 : i32
        %add3A_515 = arith.addi %mul3A_513, %add3A_514 : i32
        %get3A_516 = arith.index_cast %add3A_515 : i32 to index
        %get3A_517 = arith.constant 0 : index
        %get3A_518 = tpu.vector_load %arg7[%get3A_516, %get3A_517] {strides = array<i32>} : memref<2048x16xf32, #tpu.memory_space<vmem>>, vector<16xf32>,
        %lt3A_519 = arith.cmpf olt, %get3A_518, %add3A_128 : vector<16xf32>
        %lt3A_520 = arith.constant 256 : i32
        %lt3A_521 = vector.broadcast %lt3A_520 : i32 to vector<16xi32>
        %lt3A_522 = arith.cmpi slt, %add3A_511, %lt3A_521 : vector<16xi32>
        %and3A_523 = arith.andi %lt3A_519, %lt3A_522 : vector<16xi1>
        tpu.vector_store_idx %arg8[%add3A_511, %iota3A], %get3A_518 masked %and3A_523 : memref<256x16xf32, #tpu.memory_space<vmem>>[vector<16xi32>, vector<16xi32>], vector<16xf32>, vector<16xi1>
        %jit3A_524 = arith.constant 1 : i32
        %jit3A_525 = arith.constant 0 : i32
        %broadcast_in_dim3A_526 = vector.broadcast %jit3A_524 : i32 to vector<16xi32>
        %broadcast_in_dim3A_527 = vector.broadcast %jit3A_525 : i32 to vector<16xi32>
        %select_n3A_528 = arith.select %and3A_523, %broadcast_in_dim3A_526, %broadcast_in_dim3A_527 : vector<16xi1>, vector<16xi32>
        %add3A_529 = arith.addi %add3A_511, %select_n3A_528 : vector<16xi32>
        %mul3A_530 = arith.constant 16 : i32
        %mul3A_531 = arith.muli %scan3A_367, %mul3A_530 : i32
        %add3A_532 = arith.constant 8 : i32
        %add3A_533 = arith.addi %mul3A_531, %add3A_532 : i32
        %get3A_534 = arith.index_cast %add3A_533 : i32 to index
        %get3A_535 = arith.constant 0 : index
        %get3A_536 = tpu.vector_load %arg7[%get3A_534, %get3A_535] {strides = array<i32>} : memref<2048x16xf32, #tpu.memory_space<vmem>>, vector<16xf32>,
        %lt3A_537 = arith.cmpf olt, %get3A_536, %add3A_128 : vector<16xf32>
        %lt3A_538 = arith.constant 256 : i32
        %lt3A_539 = vector.broadcast %lt3A_538 : i32 to vector<16xi32>
        %lt3A_540 = arith.cmpi slt, %add3A_529, %lt3A_539 : vector<16xi32>
        %and3A_541 = arith.andi %lt3A_537, %lt3A_540 : vector<16xi1>
        tpu.vector_store_idx %arg8[%add3A_529, %iota3A], %get3A_536 masked %and3A_541 : memref<256x16xf32, #tpu.memory_space<vmem>>[vector<16xi32>, vector<16xi32>], vector<16xf32>, vector<16xi1>
        %jit3A_542 = arith.constant 1 : i32
        %jit3A_543 = arith.constant 0 : i32
        %broadcast_in_dim3A_544 = vector.broadcast %jit3A_542 : i32 to vector<16xi32>
        %broadcast_in_dim3A_545 = vector.broadcast %jit3A_543 : i32 to vector<16xi32>
        %select_n3A_546 = arith.select %and3A_541, %broadcast_in_dim3A_544, %broadcast_in_dim3A_545 : vector<16xi1>, vector<16xi32>
        %add3A_547 = arith.addi %add3A_529, %select_n3A_546 : vector<16xi32>
        %mul3A_548 = arith.constant 16 : i32
        %mul3A_549 = arith.muli %scan3A_367, %mul3A_548 : i32
        %add3A_550 = arith.constant 9 : i32
        %add3A_551 = arith.addi %mul3A_549, %add3A_550 : i32
        %get3A_552 = arith.index_cast %add3A_551 : i32 to index
        %get3A_553 = arith.constant 0 : index
        %get3A_554 = tpu.vector_load %arg7[%get3A_552, %get3A_553] {strides = array<i32>} : memref<2048x16xf32, #tpu.memory_space<vmem>>, vector<16xf32>,
        %lt3A_555 = arith.cmpf olt, %get3A_554, %add3A_128 : vector<16xf32>
        %lt3A_556 = arith.constant 256 : i32
        %lt3A_557 = vector.broadcast %lt3A_556 : i32 to vector<16xi32>
        %lt3A_558 = arith.cmpi slt, %add3A_547, %lt3A_557 : vector<16xi32>
        %and3A_559 = arith.andi %lt3A_555, %lt3A_558 : vector<16xi1>
        tpu.vector_store_idx %arg8[%add3A_547, %iota3A], %get3A_554 masked %and3A_559 : memref<256x16xf32, #tpu.memory_space<vmem>>[vector<16xi32>, vector<16xi32>], vector<16xf32>, vector<16xi1>
        %jit3A_560 = arith.constant 1 : i32
        %jit3A_561 = arith.constant 0 : i32
        %broadcast_in_dim3A_562 = vector.broadcast %jit3A_560 : i32 to vector<16xi32>
        %broadcast_in_dim3A_563 = vector.broadcast %jit3A_561 : i32 to vector<16xi32>
        %select_n3A_564 = arith.select %and3A_559, %broadcast_in_dim3A_562, %broadcast_in_dim3A_563 : vector<16xi1>, vector<16xi32>
        %add3A_565 = arith.addi %add3A_547, %select_n3A_564 : vector<16xi32>
        %mul3A_566 = arith.constant 16 : i32
        %mul3A_567 = arith.muli %scan3A_367, %mul3A_566 : i32
        %add3A_568 = arith.constant 10 : i32
        %add3A_569 = arith.addi %mul3A_567, %add3A_568 : i32
        %get3A_570 = arith.index_cast %add3A_569 : i32 to index
        %get3A_571 = arith.constant 0 : index
        %get3A_572 = tpu.vector_load %arg7[%get3A_570, %get3A_571] {strides = array<i32>} : memref<2048x16xf32, #tpu.memory_space<vmem>>, vector<16xf32>,
        %lt3A_573 = arith.cmpf olt, %get3A_572, %add3A_128 : vector<16xf32>
        %lt3A_574 = arith.constant 256 : i32
        %lt3A_575 = vector.broadcast %lt3A_574 : i32 to vector<16xi32>
        %lt3A_576 = arith.cmpi slt, %add3A_565, %lt3A_575 : vector<16xi32>
        %and3A_577 = arith.andi %lt3A_573, %lt3A_576 : vector<16xi1>
        tpu.vector_store_idx %arg8[%add3A_565, %iota3A], %get3A_572 masked %and3A_577 : memref<256x16xf32, #tpu.memory_space<vmem>>[vector<16xi32>, vector<16xi32>], vector<16xf32>, vector<16xi1>
        %jit3A_578 = arith.constant 1 : i32
        %jit3A_579 = arith.constant 0 : i32
        %broadcast_in_dim3A_580 = vector.broadcast %jit3A_578 : i32 to vector<16xi32>
        %broadcast_in_dim3A_581 = vector.broadcast %jit3A_579 : i32 to vector<16xi32>
        %select_n3A_582 = arith.select %and3A_577, %broadcast_in_dim3A_580, %broadcast_in_dim3A_581 : vector<16xi1>, vector<16xi32>
        %add3A_583 = arith.addi %add3A_565, %select_n3A_582 : vector<16xi32>
        %mul3A_584 = arith.constant 16 : i32
        %mul3A_585 = arith.muli %scan3A_367, %mul3A_584 : i32
        %add3A_586 = arith.constant 11 : i32
        %add3A_587 = arith.addi %mul3A_585, %add3A_586 : i32
        %get3A_588 = arith.index_cast %add3A_587 : i32 to index
        %get3A_589 = arith.constant 0 : index
        %get3A_590 = tpu.vector_load %arg7[%get3A_588, %get3A_589] {strides = array<i32>} : memref<2048x16xf32, #tpu.memory_space<vmem>>, vector<16xf32>,
        %lt3A_591 = arith.cmpf olt, %get3A_590, %add3A_128 : vector<16xf32>
        %lt3A_592 = arith.constant 256 : i32
        %lt3A_593 = vector.broadcast %lt3A_592 : i32 to vector<16xi32>
        %lt3A_594 = arith.cmpi slt, %add3A_583, %lt3A_593 : vector<16xi32>
        %and3A_595 = arith.andi %lt3A_591, %lt3A_594 : vector<16xi1>
        tpu.vector_store_idx %arg8[%add3A_583, %iota3A], %get3A_590 masked %and3A_595 : memref<256x16xf32, #tpu.memory_space<vmem>>[vector<16xi32>, vector<16xi32>], vector<16xf32>, vector<16xi1>
        %jit3A_596 = arith.constant 1 : i32
        %jit3A_597 = arith.constant 0 : i32
        %broadcast_in_dim3A_598 = vector.broadcast %jit3A_596 : i32 to vector<16xi32>
        %broadcast_in_dim3A_599 = vector.broadcast %jit3A_597 : i32 to vector<16xi32>
        %select_n3A_600 = arith.select %and3A_595, %broadcast_in_dim3A_598, %broadcast_in_dim3A_599 : vector<16xi1>, vector<16xi32>
        %add3A_601 = arith.addi %add3A_583, %select_n3A_600 : vector<16xi32>
        %mul3A_602 = arith.constant 16 : i32
        %mul3A_603 = arith.muli %scan3A_367, %mul3A_602 : i32
        %add3A_604 = arith.constant 12 : i32
        %add3A_605 = arith.addi %mul3A_603, %add3A_604 : i32
        %get3A_606 = arith.index_cast %add3A_605 : i32 to index
        %get3A_607 = arith.constant 0 : index
        %get3A_608 = tpu.vector_load %arg7[%get3A_606, %get3A_607] {strides = array<i32>} : memref<2048x16xf32, #tpu.memory_space<vmem>>, vector<16xf32>,
        %lt3A_609 = arith.cmpf olt, %get3A_608, %add3A_128 : vector<16xf32>
        %lt3A_610 = arith.constant 256 : i32
        %lt3A_611 = vector.broadcast %lt3A_610 : i32 to vector<16xi32>
        %lt3A_612 = arith.cmpi slt, %add3A_601, %lt3A_611 : vector<16xi32>
        %and3A_613 = arith.andi %lt3A_609, %lt3A_612 : vector<16xi1>
        tpu.vector_store_idx %arg8[%add3A_601, %iota3A], %get3A_608 masked %and3A_613 : memref<256x16xf32, #tpu.memory_space<vmem>>[vector<16xi32>, vector<16xi32>], vector<16xf32>, vector<16xi1>
        %jit3A_614 = arith.constant 1 : i32
        %jit3A_615 = arith.constant 0 : i32
        %broadcast_in_dim3A_616 = vector.broadcast %jit3A_614 : i32 to vector<16xi32>
        %broadcast_in_dim3A_617 = vector.broadcast %jit3A_615 : i32 to vector<16xi32>
        %select_n3A_618 = arith.select %and3A_613, %broadcast_in_dim3A_616, %broadcast_in_dim3A_617 : vector<16xi1>, vector<16xi32>
        %add3A_619 = arith.addi %add3A_601, %select_n3A_618 : vector<16xi32>
        %mul3A_620 = arith.constant 16 : i32
        %mul3A_621 = arith.muli %scan3A_367, %mul3A_620 : i32
        %add3A_622 = arith.constant 13 : i32
        %add3A_623 = arith.addi %mul3A_621, %add3A_622 : i32
        %get3A_624 = arith.index_cast %add3A_623 : i32 to index
        %get3A_625 = arith.constant 0 : index
        %get3A_626 = tpu.vector_load %arg7[%get3A_624, %get3A_625] {strides = array<i32>} : memref<2048x16xf32, #tpu.memory_space<vmem>>, vector<16xf32>,
        %lt3A_627 = arith.cmpf olt, %get3A_626, %add3A_128 : vector<16xf32>
        %lt3A_628 = arith.constant 256 : i32
        %lt3A_629 = vector.broadcast %lt3A_628 : i32 to vector<16xi32>
        %lt3A_630 = arith.cmpi slt, %add3A_619, %lt3A_629 : vector<16xi32>
        %and3A_631 = arith.andi %lt3A_627, %lt3A_630 : vector<16xi1>
        tpu.vector_store_idx %arg8[%add3A_619, %iota3A], %get3A_626 masked %and3A_631 : memref<256x16xf32, #tpu.memory_space<vmem>>[vector<16xi32>, vector<16xi32>], vector<16xf32>, vector<16xi1>
        %jit3A_632 = arith.constant 1 : i32
        %jit3A_633 = arith.constant 0 : i32
        %broadcast_in_dim3A_634 = vector.broadcast %jit3A_632 : i32 to vector<16xi32>
        %broadcast_in_dim3A_635 = vector.broadcast %jit3A_633 : i32 to vector<16xi32>
        %select_n3A_636 = arith.select %and3A_631, %broadcast_in_dim3A_634, %broadcast_in_dim3A_635 : vector<16xi1>, vector<16xi32>
        %add3A_637 = arith.addi %add3A_619, %select_n3A_636 : vector<16xi32>
        %mul3A_638 = arith.constant 16 : i32
        %mul3A_639 = arith.muli %scan3A_367, %mul3A_638 : i32
        %add3A_640 = arith.constant 14 : i32
        %add3A_641 = arith.addi %mul3A_639, %add3A_640 : i32
        %get3A_642 = arith.index_cast %add3A_641 : i32 to index
        %get3A_643 = arith.constant 0 : index
        %get3A_644 = tpu.vector_load %arg7[%get3A_642, %get3A_643] {strides = array<i32>} : memref<2048x16xf32, #tpu.memory_space<vmem>>, vector<16xf32>,
        %lt3A_645 = arith.cmpf olt, %get3A_644, %add3A_128 : vector<16xf32>
        %lt3A_646 = arith.constant 256 : i32
        %lt3A_647 = vector.broadcast %lt3A_646 : i32 to vector<16xi32>
        %lt3A_648 = arith.cmpi slt, %add3A_637, %lt3A_647 : vector<16xi32>
        %and3A_649 = arith.andi %lt3A_645, %lt3A_648 : vector<16xi1>
        tpu.vector_store_idx %arg8[%add3A_637, %iota3A], %get3A_644 masked %and3A_649 : memref<256x16xf32, #tpu.memory_space<vmem>>[vector<16xi32>, vector<16xi32>], vector<16xf32>, vector<16xi1>
        %jit3A_650 = arith.constant 1 : i32
        %jit3A_651 = arith.constant 0 : i32
        %broadcast_in_dim3A_652 = vector.broadcast %jit3A_650 : i32 to vector<16xi32>
        %broadcast_in_dim3A_653 = vector.broadcast %jit3A_651 : i32 to vector<16xi32>
        %select_n3A_654 = arith.select %and3A_649, %broadcast_in_dim3A_652, %broadcast_in_dim3A_653 : vector<16xi1>, vector<16xi32>
        %add3A_655 = arith.addi %add3A_637, %select_n3A_654 : vector<16xi32>
        %mul3A_656 = arith.constant 16 : i32
        %mul3A_657 = arith.muli %scan3A_367, %mul3A_656 : i32
        %add3A_658 = arith.constant 15 : i32
        %add3A_659 = arith.addi %mul3A_657, %add3A_658 : i32
        %get3A_660 = arith.index_cast %add3A_659 : i32 to index
        %get3A_661 = arith.constant 0 : index
        %get3A_662 = tpu.vector_load %arg7[%get3A_660, %get3A_661] {strides = array<i32>} : memref<2048x16xf32, #tpu.memory_space<vmem>>, vector<16xf32>,
        %lt3A_663 = arith.cmpf olt, %get3A_662, %add3A_128 : vector<16xf32>
        %lt3A_664 = arith.constant 256 : i32
        %lt3A_665 = vector.broadcast %lt3A_664 : i32 to vector<16xi32>
        %lt3A_666 = arith.cmpi slt, %add3A_655, %lt3A_665 : vector<16xi32>
        %and3A_667 = arith.andi %lt3A_663, %lt3A_666 : vector<16xi1>
        tpu.vector_store_idx %arg8[%add3A_655, %iota3A], %get3A_662 masked %and3A_667 : memref<256x16xf32, #tpu.memory_space<vmem>>[vector<16xi32>, vector<16xi32>], vector<16xf32>, vector<16xi1>
        %jit3A_668 = arith.constant 1 : i32
        %jit3A_669 = arith.constant 0 : i32
        %broadcast_in_dim3A_670 = vector.broadcast %jit3A_668 : i32 to vector<16xi32>
        %broadcast_in_dim3A_671 = vector.broadcast %jit3A_669 : i32 to vector<16xi32>
        %select_n3A_672 = arith.select %and3A_667, %broadcast_in_dim3A_670, %broadcast_in_dim3A_671 : vector<16xi1>, vector<16xi32>
        %add3A_673 = arith.addi %add3A_655, %select_n3A_672 : vector<16xi32>
        scf.yield %add3A_673 : vector<16xi32>
      } else {
        scf.yield %scan3A_368 : vector<16xi32>
      }
      scf.yield %cond3A_385 : vector<16xi32>
    }
    %scan3A_134 = arith.constant 128 : i32
    %swap3A = arith.constant 0 : index
    %swap3A_135 = tpu.vector_load %arg10[%swap3A] {strides = array<i32>} : memref<16xf32, #tpu.memory_space<vmem>>, vector<16xf32>,
    tpu.vector_store %arg10[%swap3A], %scan3A_125 {strides = array<i32>} : memref<16xf32, #tpu.memory_space<vmem>>, vector<16xf32>,
    "tpu.region"() ({
      %run_scoped3A = tpu.sem_alloc : memref<!tpu.dma_semaphore, #tpu.memory_space<semaphore_mem>>
      %dma_start3A_367 = arith.constant 0 : i32
      %dma_start3A_368 = tpu.memref_slice %arg15[%arg1, %dma_start3A_367] : memref<16x16xf32, #tpu.memory_space<vmem_shared>> -> memref<1x16xf32, #tpu.memory_space<vmem_shared>>
      %dma_start3A_369 = tpu.memref_squeeze %dma_start3A_368 : memref<1x16xf32, #tpu.memory_space<vmem_shared>> -> memref<16xf32, #tpu.memory_space<vmem_shared>>
      %dma_start3A_370 = arith.constant 0 : i32
      %dma_start3A_371 = tpu.memref_slice %arg15[%arg1, %dma_start3A_370] : memref<16x16xf32, #tpu.memory_space<vmem_shared>> -> memref<1x16xf32, #tpu.memory_space<vmem_shared>>
      %dma_start3A_372 = tpu.memref_squeeze %dma_start3A_371 : memref<1x16xf32, #tpu.memory_space<vmem_shared>> -> memref<16xf32, #tpu.memory_space<vmem_shared>>
      tpu.enqueue_dma source(%arg10 : memref<16xf32, #tpu.memory_space<vmem>>) target(%dma_start3A_372 : memref<16xf32, #tpu.memory_space<vmem_shared>>) target_semaphore(%run_scoped3A : memref<!tpu.dma_semaphore, #tpu.memory_space<semaphore_mem>>)
      %dma_wait3A_373 = arith.constant 0 : i32
      %dma_wait3A_374 = tpu.memref_slice %arg15[%arg1, %dma_wait3A_373] : memref<16x16xf32, #tpu.memory_space<vmem_shared>> -> memref<1x16xf32, #tpu.memory_space<vmem_shared>>
      %dma_wait3A_375 = tpu.memref_squeeze %dma_wait3A_374 : memref<1x16xf32, #tpu.memory_space<vmem_shared>> -> memref<16xf32, #tpu.memory_space<vmem_shared>>
      %dma_wait3A_376 = arith.constant 0 : i32
      %dma_wait3A_377 = tpu.memref_slice %arg15[%arg1, %dma_wait3A_376] : memref<16x16xf32, #tpu.memory_space<vmem_shared>> -> memref<1x16xf32, #tpu.memory_space<vmem_shared>>
      %dma_wait3A_378 = tpu.memref_squeeze %dma_wait3A_377 : memref<1x16xf32, #tpu.memory_space<vmem_shared>> -> memref<16xf32, #tpu.memory_space<vmem_shared>>
      tpu.wait_dma2 semaphore(%run_scoped3A : memref<!tpu.dma_semaphore, #tpu.memory_space<semaphore_mem>>) src(%arg10 : memref<16xf32, #tpu.memory_space<vmem>>) dst(%dma_wait3A_378 : memref<16xf32, #tpu.memory_space<vmem_shared>>)
      tpu.yield
    }) : () -> ()
    %convert_element_type3A = arith.sitofp %scan3A_133 : vector<16xi32> to vector<16xf32>
    %swap3A_136 = arith.constant 0 : index
    %swap3A_137 = tpu.vector_load %arg10[%swap3A_136] {strides = array<i32>} : memref<16xf32, #tpu.memory_space<vmem>>, vector<16xf32>,
    tpu.vector_store %arg10[%swap3A_136], %convert_element_type3A {strides = array<i32>} : memref<16xf32, #tpu.memory_space<vmem>>, vector<16xf32>,
    "tpu.region"() ({
      %run_scoped3A = tpu.sem_alloc : memref<!tpu.dma_semaphore, #tpu.memory_space<semaphore_mem>>
      %dma_start3A_367 = arith.constant 0 : i32
      %dma_start3A_368 = tpu.memref_slice %arg16[%arg1, %dma_start3A_367] : memref<16x16xf32, #tpu.memory_space<vmem_shared>> -> memref<1x16xf32, #tpu.memory_space<vmem_shared>>
      %dma_start3A_369 = tpu.memref_squeeze %dma_start3A_368 : memref<1x16xf32, #tpu.memory_space<vmem_shared>> -> memref<16xf32, #tpu.memory_space<vmem_shared>>
      %dma_start3A_370 = arith.constant 0 : i32
      %dma_start3A_371 = tpu.memref_slice %arg16[%arg1, %dma_start3A_370] : memref<16x16xf32, #tpu.memory_space<vmem_shared>> -> memref<1x16xf32, #tpu.memory_space<vmem_shared>>
      %dma_start3A_372 = tpu.memref_squeeze %dma_start3A_371 : memref<1x16xf32, #tpu.memory_space<vmem_shared>> -> memref<16xf32, #tpu.memory_space<vmem_shared>>
      tpu.enqueue_dma source(%arg10 : memref<16xf32, #tpu.memory_space<vmem>>) target(%dma_start3A_372 : memref<16xf32, #tpu.memory_space<vmem_shared>>) target_semaphore(%run_scoped3A : memref<!tpu.dma_semaphore, #tpu.memory_space<semaphore_mem>>)
      %dma_wait3A_373 = arith.constant 0 : i32
      %dma_wait3A_374 = tpu.memref_slice %arg16[%arg1, %dma_wait3A_373] : memref<16x16xf32, #tpu.memory_space<vmem_shared>> -> memref<1x16xf32, #tpu.memory_space<vmem_shared>>
      %dma_wait3A_375 = tpu.memref_squeeze %dma_wait3A_374 : memref<1x16xf32, #tpu.memory_space<vmem_shared>> -> memref<16xf32, #tpu.memory_space<vmem_shared>>
      %dma_wait3A_376 = arith.constant 0 : i32
      %dma_wait3A_377 = tpu.memref_slice %arg16[%arg1, %dma_wait3A_376] : memref<16x16xf32, #tpu.memory_space<vmem_shared>> -> memref<1x16xf32, #tpu.memory_space<vmem_shared>>
      %dma_wait3A_378 = tpu.memref_squeeze %dma_wait3A_377 : memref<1x16xf32, #tpu.memory_space<vmem_shared>> -> memref<16xf32, #tpu.memory_space<vmem_shared>>
      tpu.wait_dma2 semaphore(%run_scoped3A : memref<!tpu.dma_semaphore, #tpu.memory_space<semaphore_mem>>) src(%arg10 : memref<16xf32, #tpu.memory_space<vmem>>) dst(%dma_wait3A_378 : memref<16xf32, #tpu.memory_space<vmem_shared>>)
      tpu.yield
    }) : () -> ()
    "tpu.region"() ({
      %run_scoped3A = tpu.sem_alloc : memref<!tpu.dma_semaphore, #tpu.memory_space<semaphore_mem>>
      %dma_start3A_367 = arith.constant 0 : i32
      %dma_start3A_368 = arith.constant 0 : i32
      %dma_start3A_369 = tpu.memref_slice %arg17[%arg1, %dma_start3A_367, %dma_start3A_368] : memref<16x256x16xf32, #tpu.memory_space<vmem_shared>> -> memref<1x256x16xf32, #tpu.memory_space<vmem_shared>>
      %dma_start3A_370 = tpu.memref_squeeze %dma_start3A_369 : memref<1x256x16xf32, #tpu.memory_space<vmem_shared>> -> memref<256x16xf32, #tpu.memory_space<vmem_shared>>
      %dma_start3A_371 = arith.constant 0 : i32
      %dma_start3A_372 = arith.constant 0 : i32
      %dma_start3A_373 = tpu.memref_slice %arg17[%arg1, %dma_start3A_371, %dma_start3A_372] : memref<16x256x16xf32, #tpu.memory_space<vmem_shared>> -> memref<1x256x16xf32, #tpu.memory_space<vmem_shared>>
      %dma_start3A_374 = tpu.memref_squeeze %dma_start3A_373 : memref<1x256x16xf32, #tpu.memory_space<vmem_shared>> -> memref<256x16xf32, #tpu.memory_space<vmem_shared>>
      tpu.enqueue_dma source(%arg8 : memref<256x16xf32, #tpu.memory_space<vmem>>) target(%dma_start3A_374 : memref<256x16xf32, #tpu.memory_space<vmem_shared>>) target_semaphore(%run_scoped3A : memref<!tpu.dma_semaphore, #tpu.memory_space<semaphore_mem>>)
      %dma_wait3A_375 = arith.constant 0 : i32
      %dma_wait3A_376 = arith.constant 0 : i32
      %dma_wait3A_377 = tpu.memref_slice %arg17[%arg1, %dma_wait3A_375, %dma_wait3A_376] : memref<16x256x16xf32, #tpu.memory_space<vmem_shared>> -> memref<1x256x16xf32, #tpu.memory_space<vmem_shared>>
      %dma_wait3A_378 = tpu.memref_squeeze %dma_wait3A_377 : memref<1x256x16xf32, #tpu.memory_space<vmem_shared>> -> memref<256x16xf32, #tpu.memory_space<vmem_shared>>
      %dma_wait3A_379 = arith.constant 0 : i32
      %dma_wait3A_380 = arith.constant 0 : i32
      %dma_wait3A_381 = tpu.memref_slice %arg17[%arg1, %dma_wait3A_379, %dma_wait3A_380] : memref<16x256x16xf32, #tpu.memory_space<vmem_shared>> -> memref<1x256x16xf32, #tpu.memory_space<vmem_shared>>
      %dma_wait3A_382 = tpu.memref_squeeze %dma_wait3A_381 : memref<1x256x16xf32, #tpu.memory_space<vmem_shared>> -> memref<256x16xf32, #tpu.memory_space<vmem_shared>>
      tpu.wait_dma2 semaphore(%run_scoped3A : memref<!tpu.dma_semaphore, #tpu.memory_space<semaphore_mem>>) src(%arg8 : memref<256x16xf32, #tpu.memory_space<vmem>>) dst(%dma_wait3A_382 : memref<256x16xf32, #tpu.memory_space<vmem_shared>>)
      tpu.yield
    }) : () -> ()
    %barrier3A = arith.constant 0 : index
    tpu.barrier barrier_id(%barrier3A)
    %jit3A_138 = arith.constant 4 : i32
    %div3A_139 = arith.divsi %arg1, %jit3A_138 : i32
    %sign3A_140 = arith.constant 0 : i32
    %sign3A_141 = arith.cmpi sgt, %arg1, %sign3A_140 : i32
    %sign3A_142 = arith.extui %sign3A_141 : i1 to i32
    %sign3A_143 = arith.constant 0 : i32
    %sign3A_144 = arith.cmpi slt, %arg1, %sign3A_143 : i32
    %sign3A_145 = arith.extui %sign3A_144 : i1 to i32
    %sign3A_146 = arith.subi %sign3A_142, %sign3A_145 : i32
    %sign3A_147 = arith.constant 0 : i32
    %sign3A_148 = arith.cmpi sgt, %jit3A_138, %sign3A_147 : i32
    %sign3A_149 = arith.extui %sign3A_148 : i1 to i32
    %sign3A_150 = arith.constant 0 : i32
    %sign3A_151 = arith.cmpi slt, %jit3A_138, %sign3A_150 : i32
    %sign3A_152 = arith.extui %sign3A_151 : i1 to i32
    %sign3A_153 = arith.subi %sign3A_149, %sign3A_152 : i32
    %ne3A_154 = arith.cmpi ne, %sign3A_146, %sign3A_153 : i32
    %rem3A_155 = arith.remsi %arg1, %jit3A_138 : i32
    %ne3A_156 = arith.constant 0 : i32
    %ne3A_157 = arith.cmpi ne, %rem3A_155, %ne3A_156 : i32
    %and3A_158 = arith.andi %ne3A_154, %ne3A_157 : i1
    %sub3A_159 = arith.constant 1 : i32
    %sub3A_160 = arith.subi %div3A_139, %sub3A_159 : i32
    %select_n3A_161 = arith.select %and3A_158, %sub3A_160, %div3A_139 : i32
    %mul3A_162 = arith.constant 4 : i32
    %mul3A_163 = arith.muli %select_n3A_161, %mul3A_162 : i32
    %broadcast_in_dim3A_164 = arith.constant 0x7F800000 : f32
    %broadcast_in_dim3A_165 = vector.broadcast %broadcast_in_dim3A_164 : f32 to vector<16xf32>
    %broadcast_in_dim3A_166 = arith.constant 0.000000e+00 : f32
    %broadcast_in_dim3A_167 = vector.broadcast %broadcast_in_dim3A_166 : f32 to vector<16xf32>
    %add3A_168 = arith.constant 0 : i32
    %add3A_169 = arith.addi %mul3A_163, %add3A_168 : i32
    "tpu.region"() ({
      %run_scoped3A = tpu.sem_alloc : memref<!tpu.dma_semaphore, #tpu.memory_space<semaphore_mem>>
      %dma_start3A_367 = arith.constant 0 : i32
      %dma_start3A_368 = tpu.memref_slice %arg15[%add3A_169, %dma_start3A_367] : memref<16x16xf32, #tpu.memory_space<vmem_shared>> -> memref<1x16xf32, #tpu.memory_space<vmem_shared>>
      %dma_start3A_369 = tpu.memref_squeeze %dma_start3A_368 : memref<1x16xf32, #tpu.memory_space<vmem_shared>> -> memref<16xf32, #tpu.memory_space<vmem_shared>>
      %dma_start3A_370 = arith.constant 0 : i32
      %dma_start3A_371 = tpu.memref_slice %arg15[%add3A_169, %dma_start3A_370] : memref<16x16xf32, #tpu.memory_space<vmem_shared>> -> memref<1x16xf32, #tpu.memory_space<vmem_shared>>
      %dma_start3A_372 = tpu.memref_squeeze %dma_start3A_371 : memref<1x16xf32, #tpu.memory_space<vmem_shared>> -> memref<16xf32, #tpu.memory_space<vmem_shared>>
      tpu.enqueue_dma source(%dma_start3A_372 : memref<16xf32, #tpu.memory_space<vmem_shared>>) target(%arg10 : memref<16xf32, #tpu.memory_space<vmem>>) target_semaphore(%run_scoped3A : memref<!tpu.dma_semaphore, #tpu.memory_space<semaphore_mem>>)
      %dma_wait3A_373 = arith.constant 0 : i32
      %dma_wait3A_374 = tpu.memref_slice %arg15[%add3A_169, %dma_wait3A_373] : memref<16x16xf32, #tpu.memory_space<vmem_shared>> -> memref<1x16xf32, #tpu.memory_space<vmem_shared>>
      %dma_wait3A_375 = tpu.memref_squeeze %dma_wait3A_374 : memref<1x16xf32, #tpu.memory_space<vmem_shared>> -> memref<16xf32, #tpu.memory_space<vmem_shared>>
      %dma_wait3A_376 = arith.constant 0 : i32
      %dma_wait3A_377 = tpu.memref_slice %arg15[%add3A_169, %dma_wait3A_376] : memref<16x16xf32, #tpu.memory_space<vmem_shared>> -> memref<1x16xf32, #tpu.memory_space<vmem_shared>>
      %dma_wait3A_378 = tpu.memref_squeeze %dma_wait3A_377 : memref<1x16xf32, #tpu.memory_space<vmem_shared>> -> memref<16xf32, #tpu.memory_space<vmem_shared>>
      tpu.wait_dma2 semaphore(%run_scoped3A : memref<!tpu.dma_semaphore, #tpu.memory_space<semaphore_mem>>) src(%dma_wait3A_378 : memref<16xf32, #tpu.memory_space<vmem_shared>>) dst(%arg10 : memref<16xf32, #tpu.memory_space<vmem>>)
      tpu.yield
    }) : () -> ()
    %get3A_170 = arith.constant 0 : index
    %get3A_171 = tpu.vector_load %arg10[%get3A_170] {strides = array<i32>} : memref<16xf32, #tpu.memory_space<vmem>>, vector<16xf32>,
    %min3A = arith.minimumf %broadcast_in_dim3A_165, %get3A_171 : vector<16xf32>
    %add3A_172 = arith.constant 0 : i32
    %add3A_173 = arith.addi %mul3A_163, %add3A_172 : i32
    "tpu.region"() ({
      %run_scoped3A = tpu.sem_alloc : memref<!tpu.dma_semaphore, #tpu.memory_space<semaphore_mem>>
      %dma_start3A_367 = arith.constant 0 : i32
      %dma_start3A_368 = tpu.memref_slice %arg16[%add3A_173, %dma_start3A_367] : memref<16x16xf32, #tpu.memory_space<vmem_shared>> -> memref<1x16xf32, #tpu.memory_space<vmem_shared>>
      %dma_start3A_369 = tpu.memref_squeeze %dma_start3A_368 : memref<1x16xf32, #tpu.memory_space<vmem_shared>> -> memref<16xf32, #tpu.memory_space<vmem_shared>>
      %dma_start3A_370 = arith.constant 0 : i32
      %dma_start3A_371 = tpu.memref_slice %arg16[%add3A_173, %dma_start3A_370] : memref<16x16xf32, #tpu.memory_space<vmem_shared>> -> memref<1x16xf32, #tpu.memory_space<vmem_shared>>
      %dma_start3A_372 = tpu.memref_squeeze %dma_start3A_371 : memref<1x16xf32, #tpu.memory_space<vmem_shared>> -> memref<16xf32, #tpu.memory_space<vmem_shared>>
      tpu.enqueue_dma source(%dma_start3A_372 : memref<16xf32, #tpu.memory_space<vmem_shared>>) target(%arg10 : memref<16xf32, #tpu.memory_space<vmem>>) target_semaphore(%run_scoped3A : memref<!tpu.dma_semaphore, #tpu.memory_space<semaphore_mem>>)
      %dma_wait3A_373 = arith.constant 0 : i32
      %dma_wait3A_374 = tpu.memref_slice %arg16[%add3A_173, %dma_wait3A_373] : memref<16x16xf32, #tpu.memory_space<vmem_shared>> -> memref<1x16xf32, #tpu.memory_space<vmem_shared>>
      %dma_wait3A_375 = tpu.memref_squeeze %dma_wait3A_374 : memref<1x16xf32, #tpu.memory_space<vmem_shared>> -> memref<16xf32, #tpu.memory_space<vmem_shared>>
      %dma_wait3A_376 = arith.constant 0 : i32
      %dma_wait3A_377 = tpu.memref_slice %arg16[%add3A_173, %dma_wait3A_376] : memref<16x16xf32, #tpu.memory_space<vmem_shared>> -> memref<1x16xf32, #tpu.memory_space<vmem_shared>>
      %dma_wait3A_378 = tpu.memref_squeeze %dma_wait3A_377 : memref<1x16xf32, #tpu.memory_space<vmem_shared>> -> memref<16xf32, #tpu.memory_space<vmem_shared>>
      tpu.wait_dma2 semaphore(%run_scoped3A : memref<!tpu.dma_semaphore, #tpu.memory_space<semaphore_mem>>) src(%dma_wait3A_378 : memref<16xf32, #tpu.memory_space<vmem_shared>>) dst(%arg10 : memref<16xf32, #tpu.memory_space<vmem>>)
      tpu.yield
    }) : () -> ()
    %get3A_174 = arith.constant 0 : index
    %get3A_175 = tpu.vector_load %arg10[%get3A_174] {strides = array<i32>} : memref<16xf32, #tpu.memory_space<vmem>>, vector<16xf32>,
    %max3A = arith.maximumf %broadcast_in_dim3A_167, %get3A_175 : vector<16xf32>
    %add3A_176 = arith.constant 0 : i32
    %add3A_177 = arith.addi %mul3A_163, %add3A_176 : i32
    "tpu.region"() ({
      %run_scoped3A = tpu.sem_alloc : memref<!tpu.dma_semaphore, #tpu.memory_space<semaphore_mem>>
      %dma_start3A_367 = arith.constant 0 : i32
      %dma_start3A_368 = arith.constant 0 : i32
      %dma_start3A_369 = tpu.memref_slice %arg6[%dma_start3A_367, %dma_start3A_368] : memref<2048x16xf32, #tpu.memory_space<vmem>> -> memref<256x16xf32, #tpu.memory_space<vmem>>
      %dma_start3A_370 = arith.constant 0 : i32
      %dma_start3A_371 = arith.constant 0 : i32
      %dma_start3A_372 = tpu.memref_slice %arg17[%add3A_177, %dma_start3A_370, %dma_start3A_371] : memref<16x256x16xf32, #tpu.memory_space<vmem_shared>> -> memref<1x256x16xf32, #tpu.memory_space<vmem_shared>>
      %dma_start3A_373 = tpu.memref_squeeze %dma_start3A_372 : memref<1x256x16xf32, #tpu.memory_space<vmem_shared>> -> memref<256x16xf32, #tpu.memory_space<vmem_shared>>
      %dma_start3A_374 = arith.constant 0 : i32
      %dma_start3A_375 = arith.constant 0 : i32
      %dma_start3A_376 = tpu.memref_slice %arg6[%dma_start3A_374, %dma_start3A_375] : memref<2048x16xf32, #tpu.memory_space<vmem>> -> memref<256x16xf32, #tpu.memory_space<vmem>>
      %dma_start3A_377 = arith.constant 0 : i32
      %dma_start3A_378 = arith.constant 0 : i32
      %dma_start3A_379 = tpu.memref_slice %arg17[%add3A_177, %dma_start3A_377, %dma_start3A_378] : memref<16x256x16xf32, #tpu.memory_space<vmem_shared>> -> memref<1x256x16xf32, #tpu.memory_space<vmem_shared>>
      %dma_start3A_380 = tpu.memref_squeeze %dma_start3A_379 : memref<1x256x16xf32, #tpu.memory_space<vmem_shared>> -> memref<256x16xf32, #tpu.memory_space<vmem_shared>>
      tpu.enqueue_dma source(%dma_start3A_380 : memref<256x16xf32, #tpu.memory_space<vmem_shared>>) target(%dma_start3A_376 : memref<256x16xf32, #tpu.memory_space<vmem>>) target_semaphore(%run_scoped3A : memref<!tpu.dma_semaphore, #tpu.memory_space<semaphore_mem>>)
      %dma_wait3A_381 = arith.constant 0 : i32
      %dma_wait3A_382 = arith.constant 0 : i32
      %dma_wait3A_383 = tpu.memref_slice %arg6[%dma_wait3A_381, %dma_wait3A_382] : memref<2048x16xf32, #tpu.memory_space<vmem>> -> memref<256x16xf32, #tpu.memory_space<vmem>>
      %dma_wait3A_384 = arith.constant 0 : i32
      %dma_wait3A_385 = arith.constant 0 : i32
      %dma_wait3A_386 = tpu.memref_slice %arg17[%add3A_177, %dma_wait3A_384, %dma_wait3A_385] : memref<16x256x16xf32, #tpu.memory_space<vmem_shared>> -> memref<1x256x16xf32, #tpu.memory_space<vmem_shared>>
      %dma_wait3A_387 = tpu.memref_squeeze %dma_wait3A_386 : memref<1x256x16xf32, #tpu.memory_space<vmem_shared>> -> memref<256x16xf32, #tpu.memory_space<vmem_shared>>
      %dma_wait3A_388 = arith.constant 0 : i32
      %dma_wait3A_389 = arith.constant 0 : i32
      %dma_wait3A_390 = tpu.memref_slice %arg6[%dma_wait3A_388, %dma_wait3A_389] : memref<2048x16xf32, #tpu.memory_space<vmem>> -> memref<256x16xf32, #tpu.memory_space<vmem>>
      %dma_wait3A_391 = arith.constant 0 : i32
      %dma_wait3A_392 = arith.constant 0 : i32
      %dma_wait3A_393 = tpu.memref_slice %arg17[%add3A_177, %dma_wait3A_391, %dma_wait3A_392] : memref<16x256x16xf32, #tpu.memory_space<vmem_shared>> -> memref<1x256x16xf32, #tpu.memory_space<vmem_shared>>
      %dma_wait3A_394 = tpu.memref_squeeze %dma_wait3A_393 : memref<1x256x16xf32, #tpu.memory_space<vmem_shared>> -> memref<256x16xf32, #tpu.memory_space<vmem_shared>>
      tpu.wait_dma2 semaphore(%run_scoped3A : memref<!tpu.dma_semaphore, #tpu.memory_space<semaphore_mem>>) src(%dma_wait3A_394 : memref<256x16xf32, #tpu.memory_space<vmem_shared>>) dst(%dma_wait3A_390 : memref<256x16xf32, #tpu.memory_space<vmem>>)
      tpu.yield
    }) : () -> ()
    %add3A_178 = arith.constant 1 : i32
    %add3A_179 = arith.addi %mul3A_163, %add3A_178 : i32
    "tpu.region"() ({
      %run_scoped3A = tpu.sem_alloc : memref<!tpu.dma_semaphore, #tpu.memory_space<semaphore_mem>>
      %dma_start3A_367 = arith.constant 0 : i32
      %dma_start3A_368 = tpu.memref_slice %arg15[%add3A_179, %dma_start3A_367] : memref<16x16xf32, #tpu.memory_space<vmem_shared>> -> memref<1x16xf32, #tpu.memory_space<vmem_shared>>
      %dma_start3A_369 = tpu.memref_squeeze %dma_start3A_368 : memref<1x16xf32, #tpu.memory_space<vmem_shared>> -> memref<16xf32, #tpu.memory_space<vmem_shared>>
      %dma_start3A_370 = arith.constant 0 : i32
      %dma_start3A_371 = tpu.memref_slice %arg15[%add3A_179, %dma_start3A_370] : memref<16x16xf32, #tpu.memory_space<vmem_shared>> -> memref<1x16xf32, #tpu.memory_space<vmem_shared>>
      %dma_start3A_372 = tpu.memref_squeeze %dma_start3A_371 : memref<1x16xf32, #tpu.memory_space<vmem_shared>> -> memref<16xf32, #tpu.memory_space<vmem_shared>>
      tpu.enqueue_dma source(%dma_start3A_372 : memref<16xf32, #tpu.memory_space<vmem_shared>>) target(%arg10 : memref<16xf32, #tpu.memory_space<vmem>>) target_semaphore(%run_scoped3A : memref<!tpu.dma_semaphore, #tpu.memory_space<semaphore_mem>>)
      %dma_wait3A_373 = arith.constant 0 : i32
      %dma_wait3A_374 = tpu.memref_slice %arg15[%add3A_179, %dma_wait3A_373] : memref<16x16xf32, #tpu.memory_space<vmem_shared>> -> memref<1x16xf32, #tpu.memory_space<vmem_shared>>
      %dma_wait3A_375 = tpu.memref_squeeze %dma_wait3A_374 : memref<1x16xf32, #tpu.memory_space<vmem_shared>> -> memref<16xf32, #tpu.memory_space<vmem_shared>>
      %dma_wait3A_376 = arith.constant 0 : i32
      %dma_wait3A_377 = tpu.memref_slice %arg15[%add3A_179, %dma_wait3A_376] : memref<16x16xf32, #tpu.memory_space<vmem_shared>> -> memref<1x16xf32, #tpu.memory_space<vmem_shared>>
      %dma_wait3A_378 = tpu.memref_squeeze %dma_wait3A_377 : memref<1x16xf32, #tpu.memory_space<vmem_shared>> -> memref<16xf32, #tpu.memory_space<vmem_shared>>
      tpu.wait_dma2 semaphore(%run_scoped3A : memref<!tpu.dma_semaphore, #tpu.memory_space<semaphore_mem>>) src(%dma_wait3A_378 : memref<16xf32, #tpu.memory_space<vmem_shared>>) dst(%arg10 : memref<16xf32, #tpu.memory_space<vmem>>)
      tpu.yield
    }) : () -> ()
    %get3A_180 = arith.constant 0 : index
    %get3A_181 = tpu.vector_load %arg10[%get3A_180] {strides = array<i32>} : memref<16xf32, #tpu.memory_space<vmem>>, vector<16xf32>,
    %min3A_182 = arith.minimumf %min3A, %get3A_181 : vector<16xf32>
    %add3A_183 = arith.constant 1 : i32
    %add3A_184 = arith.addi %mul3A_163, %add3A_183 : i32
    "tpu.region"() ({
      %run_scoped3A = tpu.sem_alloc : memref<!tpu.dma_semaphore, #tpu.memory_space<semaphore_mem>>
      %dma_start3A_367 = arith.constant 0 : i32
      %dma_start3A_368 = tpu.memref_slice %arg16[%add3A_184, %dma_start3A_367] : memref<16x16xf32, #tpu.memory_space<vmem_shared>> -> memref<1x16xf32, #tpu.memory_space<vmem_shared>>
      %dma_start3A_369 = tpu.memref_squeeze %dma_start3A_368 : memref<1x16xf32, #tpu.memory_space<vmem_shared>> -> memref<16xf32, #tpu.memory_space<vmem_shared>>
      %dma_start3A_370 = arith.constant 0 : i32
      %dma_start3A_371 = tpu.memref_slice %arg16[%add3A_184, %dma_start3A_370] : memref<16x16xf32, #tpu.memory_space<vmem_shared>> -> memref<1x16xf32, #tpu.memory_space<vmem_shared>>
      %dma_start3A_372 = tpu.memref_squeeze %dma_start3A_371 : memref<1x16xf32, #tpu.memory_space<vmem_shared>> -> memref<16xf32, #tpu.memory_space<vmem_shared>>
      tpu.enqueue_dma source(%dma_start3A_372 : memref<16xf32, #tpu.memory_space<vmem_shared>>) target(%arg10 : memref<16xf32, #tpu.memory_space<vmem>>) target_semaphore(%run_scoped3A : memref<!tpu.dma_semaphore, #tpu.memory_space<semaphore_mem>>)
      %dma_wait3A_373 = arith.constant 0 : i32
      %dma_wait3A_374 = tpu.memref_slice %arg16[%add3A_184, %dma_wait3A_373] : memref<16x16xf32, #tpu.memory_space<vmem_shared>> -> memref<1x16xf32, #tpu.memory_space<vmem_shared>>
      %dma_wait3A_375 = tpu.memref_squeeze %dma_wait3A_374 : memref<1x16xf32, #tpu.memory_space<vmem_shared>> -> memref<16xf32, #tpu.memory_space<vmem_shared>>
      %dma_wait3A_376 = arith.constant 0 : i32
      %dma_wait3A_377 = tpu.memref_slice %arg16[%add3A_184, %dma_wait3A_376] : memref<16x16xf32, #tpu.memory_space<vmem_shared>> -> memref<1x16xf32, #tpu.memory_space<vmem_shared>>
      %dma_wait3A_378 = tpu.memref_squeeze %dma_wait3A_377 : memref<1x16xf32, #tpu.memory_space<vmem_shared>> -> memref<16xf32, #tpu.memory_space<vmem_shared>>
      tpu.wait_dma2 semaphore(%run_scoped3A : memref<!tpu.dma_semaphore, #tpu.memory_space<semaphore_mem>>) src(%dma_wait3A_378 : memref<16xf32, #tpu.memory_space<vmem_shared>>) dst(%arg10 : memref<16xf32, #tpu.memory_space<vmem>>)
      tpu.yield
    }) : () -> ()
    %get3A_185 = arith.constant 0 : index
    %get3A_186 = tpu.vector_load %arg10[%get3A_185] {strides = array<i32>} : memref<16xf32, #tpu.memory_space<vmem>>, vector<16xf32>,
    %max3A_187 = arith.maximumf %max3A, %get3A_186 : vector<16xf32>
    %add3A_188 = arith.constant 1 : i32
    %add3A_189 = arith.addi %mul3A_163, %add3A_188 : i32
    "tpu.region"() ({
      %run_scoped3A = tpu.sem_alloc : memref<!tpu.dma_semaphore, #tpu.memory_space<semaphore_mem>>
      %dma_start3A_367 = arith.constant 256 : i32
      %dma_start3A_368 = arith.constant 0 : i32
      %dma_start3A_369 = tpu.memref_slice %arg6[%dma_start3A_367, %dma_start3A_368] : memref<2048x16xf32, #tpu.memory_space<vmem>> -> memref<256x16xf32, #tpu.memory_space<vmem>>
      %dma_start3A_370 = arith.constant 0 : i32
      %dma_start3A_371 = arith.constant 0 : i32
      %dma_start3A_372 = tpu.memref_slice %arg17[%add3A_189, %dma_start3A_370, %dma_start3A_371] : memref<16x256x16xf32, #tpu.memory_space<vmem_shared>> -> memref<1x256x16xf32, #tpu.memory_space<vmem_shared>>
      %dma_start3A_373 = tpu.memref_squeeze %dma_start3A_372 : memref<1x256x16xf32, #tpu.memory_space<vmem_shared>> -> memref<256x16xf32, #tpu.memory_space<vmem_shared>>
      %dma_start3A_374 = arith.constant 256 : i32
      %dma_start3A_375 = arith.constant 0 : i32
      %dma_start3A_376 = tpu.memref_slice %arg6[%dma_start3A_374, %dma_start3A_375] : memref<2048x16xf32, #tpu.memory_space<vmem>> -> memref<256x16xf32, #tpu.memory_space<vmem>>
      %dma_start3A_377 = arith.constant 0 : i32
      %dma_start3A_378 = arith.constant 0 : i32
      %dma_start3A_379 = tpu.memref_slice %arg17[%add3A_189, %dma_start3A_377, %dma_start3A_378] : memref<16x256x16xf32, #tpu.memory_space<vmem_shared>> -> memref<1x256x16xf32, #tpu.memory_space<vmem_shared>>
      %dma_start3A_380 = tpu.memref_squeeze %dma_start3A_379 : memref<1x256x16xf32, #tpu.memory_space<vmem_shared>> -> memref<256x16xf32, #tpu.memory_space<vmem_shared>>
      tpu.enqueue_dma source(%dma_start3A_380 : memref<256x16xf32, #tpu.memory_space<vmem_shared>>) target(%dma_start3A_376 : memref<256x16xf32, #tpu.memory_space<vmem>>) target_semaphore(%run_scoped3A : memref<!tpu.dma_semaphore, #tpu.memory_space<semaphore_mem>>)
      %dma_wait3A_381 = arith.constant 256 : i32
      %dma_wait3A_382 = arith.constant 0 : i32
      %dma_wait3A_383 = tpu.memref_slice %arg6[%dma_wait3A_381, %dma_wait3A_382] : memref<2048x16xf32, #tpu.memory_space<vmem>> -> memref<256x16xf32, #tpu.memory_space<vmem>>
      %dma_wait3A_384 = arith.constant 0 : i32
      %dma_wait3A_385 = arith.constant 0 : i32
      %dma_wait3A_386 = tpu.memref_slice %arg17[%add3A_189, %dma_wait3A_384, %dma_wait3A_385] : memref<16x256x16xf32, #tpu.memory_space<vmem_shared>> -> memref<1x256x16xf32, #tpu.memory_space<vmem_shared>>
      %dma_wait3A_387 = tpu.memref_squeeze %dma_wait3A_386 : memref<1x256x16xf32, #tpu.memory_space<vmem_shared>> -> memref<256x16xf32, #tpu.memory_space<vmem_shared>>
      %dma_wait3A_388 = arith.constant 256 : i32
      %dma_wait3A_389 = arith.constant 0 : i32
      %dma_wait3A_390 = tpu.memref_slice %arg6[%dma_wait3A_388, %dma_wait3A_389] : memref<2048x16xf32, #tpu.memory_space<vmem>> -> memref<256x16xf32, #tpu.memory_space<vmem>>
      %dma_wait3A_391 = arith.constant 0 : i32
      %dma_wait3A_392 = arith.constant 0 : i32
      %dma_wait3A_393 = tpu.memref_slice %arg17[%add3A_189, %dma_wait3A_391, %dma_wait3A_392] : memref<16x256x16xf32, #tpu.memory_space<vmem_shared>> -> memref<1x256x16xf32, #tpu.memory_space<vmem_shared>>
      %dma_wait3A_394 = tpu.memref_squeeze %dma_wait3A_393 : memref<1x256x16xf32, #tpu.memory_space<vmem_shared>> -> memref<256x16xf32, #tpu.memory_space<vmem_shared>>
      tpu.wait_dma2 semaphore(%run_scoped3A : memref<!tpu.dma_semaphore, #tpu.memory_space<semaphore_mem>>) src(%dma_wait3A_394 : memref<256x16xf32, #tpu.memory_space<vmem_shared>>) dst(%dma_wait3A_390 : memref<256x16xf32, #tpu.memory_space<vmem>>)
      tpu.yield
    }) : () -> ()
    %add3A_190 = arith.constant 2 : i32
    %add3A_191 = arith.addi %mul3A_163, %add3A_190 : i32
    "tpu.region"() ({
      %run_scoped3A = tpu.sem_alloc : memref<!tpu.dma_semaphore, #tpu.memory_space<semaphore_mem>>
      %dma_start3A_367 = arith.constant 0 : i32
      %dma_start3A_368 = tpu.memref_slice %arg15[%add3A_191, %dma_start3A_367] : memref<16x16xf32, #tpu.memory_space<vmem_shared>> -> memref<1x16xf32, #tpu.memory_space<vmem_shared>>
      %dma_start3A_369 = tpu.memref_squeeze %dma_start3A_368 : memref<1x16xf32, #tpu.memory_space<vmem_shared>> -> memref<16xf32, #tpu.memory_space<vmem_shared>>
      %dma_start3A_370 = arith.constant 0 : i32
      %dma_start3A_371 = tpu.memref_slice %arg15[%add3A_191, %dma_start3A_370] : memref<16x16xf32, #tpu.memory_space<vmem_shared>> -> memref<1x16xf32, #tpu.memory_space<vmem_shared>>
      %dma_start3A_372 = tpu.memref_squeeze %dma_start3A_371 : memref<1x16xf32, #tpu.memory_space<vmem_shared>> -> memref<16xf32, #tpu.memory_space<vmem_shared>>
      tpu.enqueue_dma source(%dma_start3A_372 : memref<16xf32, #tpu.memory_space<vmem_shared>>) target(%arg10 : memref<16xf32, #tpu.memory_space<vmem>>) target_semaphore(%run_scoped3A : memref<!tpu.dma_semaphore, #tpu.memory_space<semaphore_mem>>)
      %dma_wait3A_373 = arith.constant 0 : i32
      %dma_wait3A_374 = tpu.memref_slice %arg15[%add3A_191, %dma_wait3A_373] : memref<16x16xf32, #tpu.memory_space<vmem_shared>> -> memref<1x16xf32, #tpu.memory_space<vmem_shared>>
      %dma_wait3A_375 = tpu.memref_squeeze %dma_wait3A_374 : memref<1x16xf32, #tpu.memory_space<vmem_shared>> -> memref<16xf32, #tpu.memory_space<vmem_shared>>
      %dma_wait3A_376 = arith.constant 0 : i32
      %dma_wait3A_377 = tpu.memref_slice %arg15[%add3A_191, %dma_wait3A_376] : memref<16x16xf32, #tpu.memory_space<vmem_shared>> -> memref<1x16xf32, #tpu.memory_space<vmem_shared>>
      %dma_wait3A_378 = tpu.memref_squeeze %dma_wait3A_377 : memref<1x16xf32, #tpu.memory_space<vmem_shared>> -> memref<16xf32, #tpu.memory_space<vmem_shared>>
      tpu.wait_dma2 semaphore(%run_scoped3A : memref<!tpu.dma_semaphore, #tpu.memory_space<semaphore_mem>>) src(%dma_wait3A_378 : memref<16xf32, #tpu.memory_space<vmem_shared>>) dst(%arg10 : memref<16xf32, #tpu.memory_space<vmem>>)
      tpu.yield
    }) : () -> ()
    %get3A_192 = arith.constant 0 : index
    %get3A_193 = tpu.vector_load %arg10[%get3A_192] {strides = array<i32>} : memref<16xf32, #tpu.memory_space<vmem>>, vector<16xf32>,
    %min3A_194 = arith.minimumf %min3A_182, %get3A_193 : vector<16xf32>
    %add3A_195 = arith.constant 2 : i32
    %add3A_196 = arith.addi %mul3A_163, %add3A_195 : i32
    "tpu.region"() ({
      %run_scoped3A = tpu.sem_alloc : memref<!tpu.dma_semaphore, #tpu.memory_space<semaphore_mem>>
      %dma_start3A_367 = arith.constant 0 : i32
      %dma_start3A_368 = tpu.memref_slice %arg16[%add3A_196, %dma_start3A_367] : memref<16x16xf32, #tpu.memory_space<vmem_shared>> -> memref<1x16xf32, #tpu.memory_space<vmem_shared>>
      %dma_start3A_369 = tpu.memref_squeeze %dma_start3A_368 : memref<1x16xf32, #tpu.memory_space<vmem_shared>> -> memref<16xf32, #tpu.memory_space<vmem_shared>>
      %dma_start3A_370 = arith.constant 0 : i32
      %dma_start3A_371 = tpu.memref_slice %arg16[%add3A_196, %dma_start3A_370] : memref<16x16xf32, #tpu.memory_space<vmem_shared>> -> memref<1x16xf32, #tpu.memory_space<vmem_shared>>
      %dma_start3A_372 = tpu.memref_squeeze %dma_start3A_371 : memref<1x16xf32, #tpu.memory_space<vmem_shared>> -> memref<16xf32, #tpu.memory_space<vmem_shared>>
      tpu.enqueue_dma source(%dma_start3A_372 : memref<16xf32, #tpu.memory_space<vmem_shared>>) target(%arg10 : memref<16xf32, #tpu.memory_space<vmem>>) target_semaphore(%run_scoped3A : memref<!tpu.dma_semaphore, #tpu.memory_space<semaphore_mem>>)
      %dma_wait3A_373 = arith.constant 0 : i32
      %dma_wait3A_374 = tpu.memref_slice %arg16[%add3A_196, %dma_wait3A_373] : memref<16x16xf32, #tpu.memory_space<vmem_shared>> -> memref<1x16xf32, #tpu.memory_space<vmem_shared>>
      %dma_wait3A_375 = tpu.memref_squeeze %dma_wait3A_374 : memref<1x16xf32, #tpu.memory_space<vmem_shared>> -> memref<16xf32, #tpu.memory_space<vmem_shared>>
      %dma_wait3A_376 = arith.constant 0 : i32
      %dma_wait3A_377 = tpu.memref_slice %arg16[%add3A_196, %dma_wait3A_376] : memref<16x16xf32, #tpu.memory_space<vmem_shared>> -> memref<1x16xf32, #tpu.memory_space<vmem_shared>>
      %dma_wait3A_378 = tpu.memref_squeeze %dma_wait3A_377 : memref<1x16xf32, #tpu.memory_space<vmem_shared>> -> memref<16xf32, #tpu.memory_space<vmem_shared>>
      tpu.wait_dma2 semaphore(%run_scoped3A : memref<!tpu.dma_semaphore, #tpu.memory_space<semaphore_mem>>) src(%dma_wait3A_378 : memref<16xf32, #tpu.memory_space<vmem_shared>>) dst(%arg10 : memref<16xf32, #tpu.memory_space<vmem>>)
      tpu.yield
    }) : () -> ()
    %get3A_197 = arith.constant 0 : index
    %get3A_198 = tpu.vector_load %arg10[%get3A_197] {strides = array<i32>} : memref<16xf32, #tpu.memory_space<vmem>>, vector<16xf32>,
    %max3A_199 = arith.maximumf %max3A_187, %get3A_198 : vector<16xf32>
    %add3A_200 = arith.constant 2 : i32
    %add3A_201 = arith.addi %mul3A_163, %add3A_200 : i32
    "tpu.region"() ({
      %run_scoped3A = tpu.sem_alloc : memref<!tpu.dma_semaphore, #tpu.memory_space<semaphore_mem>>
      %dma_start3A_367 = arith.constant 512 : i32
      %dma_start3A_368 = arith.constant 0 : i32
      %dma_start3A_369 = tpu.memref_slice %arg6[%dma_start3A_367, %dma_start3A_368] : memref<2048x16xf32, #tpu.memory_space<vmem>> -> memref<256x16xf32, #tpu.memory_space<vmem>>
      %dma_start3A_370 = arith.constant 0 : i32
      %dma_start3A_371 = arith.constant 0 : i32
      %dma_start3A_372 = tpu.memref_slice %arg17[%add3A_201, %dma_start3A_370, %dma_start3A_371] : memref<16x256x16xf32, #tpu.memory_space<vmem_shared>> -> memref<1x256x16xf32, #tpu.memory_space<vmem_shared>>
      %dma_start3A_373 = tpu.memref_squeeze %dma_start3A_372 : memref<1x256x16xf32, #tpu.memory_space<vmem_shared>> -> memref<256x16xf32, #tpu.memory_space<vmem_shared>>
      %dma_start3A_374 = arith.constant 512 : i32
      %dma_start3A_375 = arith.constant 0 : i32
      %dma_start3A_376 = tpu.memref_slice %arg6[%dma_start3A_374, %dma_start3A_375] : memref<2048x16xf32, #tpu.memory_space<vmem>> -> memref<256x16xf32, #tpu.memory_space<vmem>>
      %dma_start3A_377 = arith.constant 0 : i32
      %dma_start3A_378 = arith.constant 0 : i32
      %dma_start3A_379 = tpu.memref_slice %arg17[%add3A_201, %dma_start3A_377, %dma_start3A_378] : memref<16x256x16xf32, #tpu.memory_space<vmem_shared>> -> memref<1x256x16xf32, #tpu.memory_space<vmem_shared>>
      %dma_start3A_380 = tpu.memref_squeeze %dma_start3A_379 : memref<1x256x16xf32, #tpu.memory_space<vmem_shared>> -> memref<256x16xf32, #tpu.memory_space<vmem_shared>>
      tpu.enqueue_dma source(%dma_start3A_380 : memref<256x16xf32, #tpu.memory_space<vmem_shared>>) target(%dma_start3A_376 : memref<256x16xf32, #tpu.memory_space<vmem>>) target_semaphore(%run_scoped3A : memref<!tpu.dma_semaphore, #tpu.memory_space<semaphore_mem>>)
      %dma_wait3A_381 = arith.constant 512 : i32
      %dma_wait3A_382 = arith.constant 0 : i32
      %dma_wait3A_383 = tpu.memref_slice %arg6[%dma_wait3A_381, %dma_wait3A_382] : memref<2048x16xf32, #tpu.memory_space<vmem>> -> memref<256x16xf32, #tpu.memory_space<vmem>>
      %dma_wait3A_384 = arith.constant 0 : i32
      %dma_wait3A_385 = arith.constant 0 : i32
      %dma_wait3A_386 = tpu.memref_slice %arg17[%add3A_201, %dma_wait3A_384, %dma_wait3A_385] : memref<16x256x16xf32, #tpu.memory_space<vmem_shared>> -> memref<1x256x16xf32, #tpu.memory_space<vmem_shared>>
      %dma_wait3A_387 = tpu.memref_squeeze %dma_wait3A_386 : memref<1x256x16xf32, #tpu.memory_space<vmem_shared>> -> memref<256x16xf32, #tpu.memory_space<vmem_shared>>
      %dma_wait3A_388 = arith.constant 512 : i32
      %dma_wait3A_389 = arith.constant 0 : i32
      %dma_wait3A_390 = tpu.memref_slice %arg6[%dma_wait3A_388, %dma_wait3A_389] : memref<2048x16xf32, #tpu.memory_space<vmem>> -> memref<256x16xf32, #tpu.memory_space<vmem>>
      %dma_wait3A_391 = arith.constant 0 : i32
      %dma_wait3A_392 = arith.constant 0 : i32
      %dma_wait3A_393 = tpu.memref_slice %arg17[%add3A_201, %dma_wait3A_391, %dma_wait3A_392] : memref<16x256x16xf32, #tpu.memory_space<vmem_shared>> -> memref<1x256x16xf32, #tpu.memory_space<vmem_shared>>
      %dma_wait3A_394 = tpu.memref_squeeze %dma_wait3A_393 : memref<1x256x16xf32, #tpu.memory_space<vmem_shared>> -> memref<256x16xf32, #tpu.memory_space<vmem_shared>>
      tpu.wait_dma2 semaphore(%run_scoped3A : memref<!tpu.dma_semaphore, #tpu.memory_space<semaphore_mem>>) src(%dma_wait3A_394 : memref<256x16xf32, #tpu.memory_space<vmem_shared>>) dst(%dma_wait3A_390 : memref<256x16xf32, #tpu.memory_space<vmem>>)
      tpu.yield
    }) : () -> ()
    %add3A_202 = arith.constant 3 : i32
    %add3A_203 = arith.addi %mul3A_163, %add3A_202 : i32
    "tpu.region"() ({
      %run_scoped3A = tpu.sem_alloc : memref<!tpu.dma_semaphore, #tpu.memory_space<semaphore_mem>>
      %dma_start3A_367 = arith.constant 0 : i32
      %dma_start3A_368 = tpu.memref_slice %arg15[%add3A_203, %dma_start3A_367] : memref<16x16xf32, #tpu.memory_space<vmem_shared>> -> memref<1x16xf32, #tpu.memory_space<vmem_shared>>
      %dma_start3A_369 = tpu.memref_squeeze %dma_start3A_368 : memref<1x16xf32, #tpu.memory_space<vmem_shared>> -> memref<16xf32, #tpu.memory_space<vmem_shared>>
      %dma_start3A_370 = arith.constant 0 : i32
      %dma_start3A_371 = tpu.memref_slice %arg15[%add3A_203, %dma_start3A_370] : memref<16x16xf32, #tpu.memory_space<vmem_shared>> -> memref<1x16xf32, #tpu.memory_space<vmem_shared>>
      %dma_start3A_372 = tpu.memref_squeeze %dma_start3A_371 : memref<1x16xf32, #tpu.memory_space<vmem_shared>> -> memref<16xf32, #tpu.memory_space<vmem_shared>>
      tpu.enqueue_dma source(%dma_start3A_372 : memref<16xf32, #tpu.memory_space<vmem_shared>>) target(%arg10 : memref<16xf32, #tpu.memory_space<vmem>>) target_semaphore(%run_scoped3A : memref<!tpu.dma_semaphore, #tpu.memory_space<semaphore_mem>>)
      %dma_wait3A_373 = arith.constant 0 : i32
      %dma_wait3A_374 = tpu.memref_slice %arg15[%add3A_203, %dma_wait3A_373] : memref<16x16xf32, #tpu.memory_space<vmem_shared>> -> memref<1x16xf32, #tpu.memory_space<vmem_shared>>
      %dma_wait3A_375 = tpu.memref_squeeze %dma_wait3A_374 : memref<1x16xf32, #tpu.memory_space<vmem_shared>> -> memref<16xf32, #tpu.memory_space<vmem_shared>>
      %dma_wait3A_376 = arith.constant 0 : i32
      %dma_wait3A_377 = tpu.memref_slice %arg15[%add3A_203, %dma_wait3A_376] : memref<16x16xf32, #tpu.memory_space<vmem_shared>> -> memref<1x16xf32, #tpu.memory_space<vmem_shared>>
      %dma_wait3A_378 = tpu.memref_squeeze %dma_wait3A_377 : memref<1x16xf32, #tpu.memory_space<vmem_shared>> -> memref<16xf32, #tpu.memory_space<vmem_shared>>
      tpu.wait_dma2 semaphore(%run_scoped3A : memref<!tpu.dma_semaphore, #tpu.memory_space<semaphore_mem>>) src(%dma_wait3A_378 : memref<16xf32, #tpu.memory_space<vmem_shared>>) dst(%arg10 : memref<16xf32, #tpu.memory_space<vmem>>)
      tpu.yield
    }) : () -> ()
    %get3A_204 = arith.constant 0 : index
    %get3A_205 = tpu.vector_load %arg10[%get3A_204] {strides = array<i32>} : memref<16xf32, #tpu.memory_space<vmem>>, vector<16xf32>,
    %min3A_206 = arith.minimumf %min3A_194, %get3A_205 : vector<16xf32>
    %add3A_207 = arith.constant 3 : i32
    %add3A_208 = arith.addi %mul3A_163, %add3A_207 : i32
    "tpu.region"() ({
      %run_scoped3A = tpu.sem_alloc : memref<!tpu.dma_semaphore, #tpu.memory_space<semaphore_mem>>
      %dma_start3A_367 = arith.constant 0 : i32
      %dma_start3A_368 = tpu.memref_slice %arg16[%add3A_208, %dma_start3A_367] : memref<16x16xf32, #tpu.memory_space<vmem_shared>> -> memref<1x16xf32, #tpu.memory_space<vmem_shared>>
      %dma_start3A_369 = tpu.memref_squeeze %dma_start3A_368 : memref<1x16xf32, #tpu.memory_space<vmem_shared>> -> memref<16xf32, #tpu.memory_space<vmem_shared>>
      %dma_start3A_370 = arith.constant 0 : i32
      %dma_start3A_371 = tpu.memref_slice %arg16[%add3A_208, %dma_start3A_370] : memref<16x16xf32, #tpu.memory_space<vmem_shared>> -> memref<1x16xf32, #tpu.memory_space<vmem_shared>>
      %dma_start3A_372 = tpu.memref_squeeze %dma_start3A_371 : memref<1x16xf32, #tpu.memory_space<vmem_shared>> -> memref<16xf32, #tpu.memory_space<vmem_shared>>
      tpu.enqueue_dma source(%dma_start3A_372 : memref<16xf32, #tpu.memory_space<vmem_shared>>) target(%arg10 : memref<16xf32, #tpu.memory_space<vmem>>) target_semaphore(%run_scoped3A : memref<!tpu.dma_semaphore, #tpu.memory_space<semaphore_mem>>)
      %dma_wait3A_373 = arith.constant 0 : i32
      %dma_wait3A_374 = tpu.memref_slice %arg16[%add3A_208, %dma_wait3A_373] : memref<16x16xf32, #tpu.memory_space<vmem_shared>> -> memref<1x16xf32, #tpu.memory_space<vmem_shared>>
      %dma_wait3A_375 = tpu.memref_squeeze %dma_wait3A_374 : memref<1x16xf32, #tpu.memory_space<vmem_shared>> -> memref<16xf32, #tpu.memory_space<vmem_shared>>
      %dma_wait3A_376 = arith.constant 0 : i32
      %dma_wait3A_377 = tpu.memref_slice %arg16[%add3A_208, %dma_wait3A_376] : memref<16x16xf32, #tpu.memory_space<vmem_shared>> -> memref<1x16xf32, #tpu.memory_space<vmem_shared>>
      %dma_wait3A_378 = tpu.memref_squeeze %dma_wait3A_377 : memref<1x16xf32, #tpu.memory_space<vmem_shared>> -> memref<16xf32, #tpu.memory_space<vmem_shared>>
      tpu.wait_dma2 semaphore(%run_scoped3A : memref<!tpu.dma_semaphore, #tpu.memory_space<semaphore_mem>>) src(%dma_wait3A_378 : memref<16xf32, #tpu.memory_space<vmem_shared>>) dst(%arg10 : memref<16xf32, #tpu.memory_space<vmem>>)
      tpu.yield
    }) : () -> ()
    %get3A_209 = arith.constant 0 : index
    %get3A_210 = tpu.vector_load %arg10[%get3A_209] {strides = array<i32>} : memref<16xf32, #tpu.memory_space<vmem>>, vector<16xf32>,
    %max3A_211 = arith.maximumf %max3A_199, %get3A_210 : vector<16xf32>
    %add3A_212 = arith.constant 3 : i32
    %add3A_213 = arith.addi %mul3A_163, %add3A_212 : i32
    "tpu.region"() ({
      %run_scoped3A = tpu.sem_alloc : memref<!tpu.dma_semaphore, #tpu.memory_space<semaphore_mem>>
      %dma_start3A_367 = arith.constant 768 : i32
      %dma_start3A_368 = arith.constant 0 : i32
      %dma_start3A_369 = tpu.memref_slice %arg6[%dma_start3A_367, %dma_start3A_368] : memref<2048x16xf32, #tpu.memory_space<vmem>> -> memref<256x16xf32, #tpu.memory_space<vmem>>
      %dma_start3A_370 = arith.constant 0 : i32
      %dma_start3A_371 = arith.constant 0 : i32
      %dma_start3A_372 = tpu.memref_slice %arg17[%add3A_213, %dma_start3A_370, %dma_start3A_371] : memref<16x256x16xf32, #tpu.memory_space<vmem_shared>> -> memref<1x256x16xf32, #tpu.memory_space<vmem_shared>>
      %dma_start3A_373 = tpu.memref_squeeze %dma_start3A_372 : memref<1x256x16xf32, #tpu.memory_space<vmem_shared>> -> memref<256x16xf32, #tpu.memory_space<vmem_shared>>
      %dma_start3A_374 = arith.constant 768 : i32
      %dma_start3A_375 = arith.constant 0 : i32
      %dma_start3A_376 = tpu.memref_slice %arg6[%dma_start3A_374, %dma_start3A_375] : memref<2048x16xf32, #tpu.memory_space<vmem>> -> memref<256x16xf32, #tpu.memory_space<vmem>>
      %dma_start3A_377 = arith.constant 0 : i32
      %dma_start3A_378 = arith.constant 0 : i32
      %dma_start3A_379 = tpu.memref_slice %arg17[%add3A_213, %dma_start3A_377, %dma_start3A_378] : memref<16x256x16xf32, #tpu.memory_space<vmem_shared>> -> memref<1x256x16xf32, #tpu.memory_space<vmem_shared>>
      %dma_start3A_380 = tpu.memref_squeeze %dma_start3A_379 : memref<1x256x16xf32, #tpu.memory_space<vmem_shared>> -> memref<256x16xf32, #tpu.memory_space<vmem_shared>>
      tpu.enqueue_dma source(%dma_start3A_380 : memref<256x16xf32, #tpu.memory_space<vmem_shared>>) target(%dma_start3A_376 : memref<256x16xf32, #tpu.memory_space<vmem>>) target_semaphore(%run_scoped3A : memref<!tpu.dma_semaphore, #tpu.memory_space<semaphore_mem>>)
      %dma_wait3A_381 = arith.constant 768 : i32
      %dma_wait3A_382 = arith.constant 0 : i32
      %dma_wait3A_383 = tpu.memref_slice %arg6[%dma_wait3A_381, %dma_wait3A_382] : memref<2048x16xf32, #tpu.memory_space<vmem>> -> memref<256x16xf32, #tpu.memory_space<vmem>>
      %dma_wait3A_384 = arith.constant 0 : i32
      %dma_wait3A_385 = arith.constant 0 : i32
      %dma_wait3A_386 = tpu.memref_slice %arg17[%add3A_213, %dma_wait3A_384, %dma_wait3A_385] : memref<16x256x16xf32, #tpu.memory_space<vmem_shared>> -> memref<1x256x16xf32, #tpu.memory_space<vmem_shared>>
      %dma_wait3A_387 = tpu.memref_squeeze %dma_wait3A_386 : memref<1x256x16xf32, #tpu.memory_space<vmem_shared>> -> memref<256x16xf32, #tpu.memory_space<vmem_shared>>
      %dma_wait3A_388 = arith.constant 768 : i32
      %dma_wait3A_389 = arith.constant 0 : i32
      %dma_wait3A_390 = tpu.memref_slice %arg6[%dma_wait3A_388, %dma_wait3A_389] : memref<2048x16xf32, #tpu.memory_space<vmem>> -> memref<256x16xf32, #tpu.memory_space<vmem>>
      %dma_wait3A_391 = arith.constant 0 : i32
      %dma_wait3A_392 = arith.constant 0 : i32
      %dma_wait3A_393 = tpu.memref_slice %arg17[%add3A_213, %dma_wait3A_391, %dma_wait3A_392] : memref<16x256x16xf32, #tpu.memory_space<vmem_shared>> -> memref<1x256x16xf32, #tpu.memory_space<vmem_shared>>
      %dma_wait3A_394 = tpu.memref_squeeze %dma_wait3A_393 : memref<1x256x16xf32, #tpu.memory_space<vmem_shared>> -> memref<256x16xf32, #tpu.memory_space<vmem_shared>>
      tpu.wait_dma2 semaphore(%run_scoped3A : memref<!tpu.dma_semaphore, #tpu.memory_space<semaphore_mem>>) src(%dma_wait3A_394 : memref<256x16xf32, #tpu.memory_space<vmem_shared>>) dst(%dma_wait3A_390 : memref<256x16xf32, #tpu.memory_space<vmem>>)
      tpu.yield
    }) : () -> ()
    %reduce_max3A = arith.constant true
    %reduce_max3A_214 = vector.broadcast %reduce_max3A : i1 to vector<16xi1>
    %reduce_max3A_215 = tpu.scan <max>, %max3A_211 masked %reduce_max3A_214 : vector<16xf32>, vector<16xi1> -> vector<16xf32>
    %reduce_max3A_216 = vector.extract %reduce_max3A_215[15] : f32 from vector<16xf32>
    %min3A_217 = arith.constant 2.560000e+02 : f32
    %min3A_218 = arith.minimumf %reduce_max3A_216, %min3A_217 : f32
    %convert_element_type3A_219 = arith.fptosi %min3A_218 : f32 to i32
    %add3A_220 = arith.constant 7 : i32
    %add3A_221 = arith.addi %convert_element_type3A_219, %add3A_220 : i32
    %jit3A_222 = arith.constant 8 : i32
    %div3A_223 = arith.divsi %add3A_221, %jit3A_222 : i32
    %sign3A_224 = arith.constant 0 : i32
    %sign3A_225 = arith.cmpi sgt, %add3A_221, %sign3A_224 : i32
    %sign3A_226 = arith.extui %sign3A_225 : i1 to i32
    %sign3A_227 = arith.constant 0 : i32
    %sign3A_228 = arith.cmpi slt, %add3A_221, %sign3A_227 : i32
    %sign3A_229 = arith.extui %sign3A_228 : i1 to i32
    %sign3A_230 = arith.subi %sign3A_226, %sign3A_229 : i32
    %sign3A_231 = arith.constant 0 : i32
    %sign3A_232 = arith.cmpi sgt, %jit3A_222, %sign3A_231 : i32
    %sign3A_233 = arith.extui %sign3A_232 : i1 to i32
    %sign3A_234 = arith.constant 0 : i32
    %sign3A_235 = arith.cmpi slt, %jit3A_222, %sign3A_234 : i32
    %sign3A_236 = arith.extui %sign3A_235 : i1 to i32
    %sign3A_237 = arith.subi %sign3A_233, %sign3A_236 : i32
    %ne3A_238 = arith.cmpi ne, %sign3A_230, %sign3A_237 : i32
    %rem3A_239 = arith.remsi %add3A_221, %jit3A_222 : i32
    %ne3A_240 = arith.constant 0 : i32
    %ne3A_241 = arith.cmpi ne, %rem3A_239, %ne3A_240 : i32
    %and3A_242 = arith.andi %ne3A_238, %ne3A_241 : i1
    %sub3A_243 = arith.constant 1 : i32
    %sub3A_244 = arith.subi %div3A_223, %sub3A_243 : i32
    %select_n3A_245 = arith.select %and3A_242, %sub3A_244, %div3A_223 : i32
    %neg3A = arith.constant 0.000000e+00 : f32
    %neg3A_246 = vector.broadcast %neg3A : f32 to vector<16xf32>
    %neg3A_247 = arith.subf %neg3A_246, %min3A_206 : vector<16xf32>
    %sub3A_248 = vector.broadcast %squeeze3A : f32 to vector<16xf32>
    %sub3A_249 = arith.subf %neg3A_247, %sub3A_248 : vector<16xf32>
    %neg3A_250 = arith.constant 0.000000e+00 : f32
    %neg3A_251 = vector.broadcast %neg3A_250 : f32 to vector<16xf32>
    %neg3A_252 = arith.subf %neg3A_251, %min3A_206 : vector<16xf32>
    %broadcast_in_dim3A_253 = arith.constant -1.000000e+30 : f32
    %broadcast_in_dim3A_254 = vector.broadcast %broadcast_in_dim3A_253 : f32 to vector<16xf32>
    %broadcast_in_dim3A_255 = arith.constant 0.000000e+00 : f32
    %broadcast_in_dim3A_256 = vector.broadcast %broadcast_in_dim3A_255 : f32 to vector<16xf32>
    %scan3A_257 = arith.constant 0 : i32
    %scan3A_258 = arith.constant 14 : i32
    %scan3A_259 = arith.addi %scan3A_257, %scan3A_258 : i32
    %scan3A_260 = arith.constant 1 : i32
    %scan3A_261:4 = scf.for %scan3A_367 = %scan3A_257 to %scan3A_259 step %scan3A_260 iter_args(%scan3A_368 = %sub3A_249, %scan3A_369 = %neg3A_252, %scan3A_370 = %broadcast_in_dim3A_254, %scan3A_371 = %broadcast_in_dim3A_256) -> (vector<16xf32>, vector<16xf32>, vector<16xf32>, vector<16xf32>)  : i32 {
      %add3A_372 = arith.addf %scan3A_368, %scan3A_369 : vector<16xf32>
      %mul3A_373 = arith.constant 5.000000e-01 : f32
      %mul3A_374 = vector.broadcast %mul3A_373 : f32 to vector<16xf32>
      %mul3A_375 = arith.mulf %mul3A_374, %add3A_372 : vector<16xf32>
      %broadcast_in_dim3A_376 = arith.constant 0.000000e+00 : f32
      %broadcast_in_dim3A_377 = vector.broadcast %broadcast_in_dim3A_376 : f32 to vector<16xf32>
      %scan3A_378 = arith.constant 0 : i32
      %scan3A_379 = arith.constant 4 : i32
      %scan3A_380 = arith.addi %scan3A_378, %scan3A_379 : i32
      %scan3A_381 = arith.constant 1 : i32
      %scan3A_382 = scf.for %scan3A_391 = %scan3A_378 to %scan3A_380 step %scan3A_381 iter_args(%scan3A_392 = %broadcast_in_dim3A_377) -> (vector<16xf32>)  : i32 {
        %while3A = arith.constant 0 : i32
        %while3A_393 = arith.subi %select_n3A_245, %while3A : i32
        %while3A_394 = arith.addi %while3A, %while3A_393 : i32
        %while3A_395 = arith.constant 1 : i32
        %while3A_396 = arith.divsi %while3A_393, %while3A_395 : i32
        %while3A_397 = arith.muli %while3A_396, %while3A_395 : i32
        %while3A_398 = arith.addi %while3A, %while3A_397 : i32
        %while3A_399 = arith.constant 1 : i32
        %while3A_400 = scf.for %while3A_403 = %while3A to %while3A_398 step %while3A_399 iter_args(%while3A_404 = %scan3A_392) -> (vector<16xf32>)  : i32 {
          %mul3A_405 = arith.constant 256 : i32
          %mul3A_406 = arith.muli %scan3A_391, %mul3A_405 : i32
          %mul3A_407 = arith.constant 8 : i32
          %mul3A_408 = arith.muli %while3A_403, %mul3A_407 : i32
          %add3A_409 = arith.addi %mul3A_406, %mul3A_408 : i32
          %add3A_410 = arith.constant 0 : i32
          %add3A_411 = arith.addi %add3A_409, %add3A_410 : i32
          %get3A_412 = arith.index_cast %add3A_411 : i32 to index
          %get3A_413 = arith.constant 0 : index
          %get3A_414 = tpu.vector_load %arg6[%get3A_412, %get3A_413] {strides = array<i32>} : memref<2048x16xf32, #tpu.memory_space<vmem>>, vector<16xf32>,
          %add3A_415 = arith.addf %get3A_414, %mul3A_375 : vector<16xf32>
          %min3A_416 = arith.constant 0.000000e+00 : f32
          %min3A_417 = vector.broadcast %min3A_416 : f32 to vector<16xf32>
          %min3A_418 = arith.minimumf %add3A_415, %min3A_417 : vector<16xf32>
          %add3A_419 = arith.addf %while3A_404, %min3A_418 : vector<16xf32>
          %mul3A_420 = arith.constant 256 : i32
          %mul3A_421 = arith.muli %scan3A_391, %mul3A_420 : i32
          %mul3A_422 = arith.constant 8 : i32
          %mul3A_423 = arith.muli %while3A_403, %mul3A_422 : i32
          %add3A_424 = arith.addi %mul3A_421, %mul3A_423 : i32
          %add3A_425 = arith.constant 1 : i32
          %add3A_426 = arith.addi %add3A_424, %add3A_425 : i32
          %get3A_427 = arith.index_cast %add3A_426 : i32 to index
          %get3A_428 = arith.constant 0 : index
          %get3A_429 = tpu.vector_load %arg6[%get3A_427, %get3A_428] {strides = array<i32>} : memref<2048x16xf32, #tpu.memory_space<vmem>>, vector<16xf32>,
          %add3A_430 = arith.addf %get3A_429, %mul3A_375 : vector<16xf32>
          %min3A_431 = arith.constant 0.000000e+00 : f32
          %min3A_432 = vector.broadcast %min3A_431 : f32 to vector<16xf32>
          %min3A_433 = arith.minimumf %add3A_430, %min3A_432 : vector<16xf32>
          %add3A_434 = arith.addf %add3A_419, %min3A_433 : vector<16xf32>
          %mul3A_435 = arith.constant 256 : i32
          %mul3A_436 = arith.muli %scan3A_391, %mul3A_435 : i32
          %mul3A_437 = arith.constant 8 : i32
          %mul3A_438 = arith.muli %while3A_403, %mul3A_437 : i32
          %add3A_439 = arith.addi %mul3A_436, %mul3A_438 : i32
          %add3A_440 = arith.constant 2 : i32
          %add3A_441 = arith.addi %add3A_439, %add3A_440 : i32
          %get3A_442 = arith.index_cast %add3A_441 : i32 to index
          %get3A_443 = arith.constant 0 : index
          %get3A_444 = tpu.vector_load %arg6[%get3A_442, %get3A_443] {strides = array<i32>} : memref<2048x16xf32, #tpu.memory_space<vmem>>, vector<16xf32>,
          %add3A_445 = arith.addf %get3A_444, %mul3A_375 : vector<16xf32>
          %min3A_446 = arith.constant 0.000000e+00 : f32
          %min3A_447 = vector.broadcast %min3A_446 : f32 to vector<16xf32>
          %min3A_448 = arith.minimumf %add3A_445, %min3A_447 : vector<16xf32>
          %add3A_449 = arith.addf %add3A_434, %min3A_448 : vector<16xf32>
          %mul3A_450 = arith.constant 256 : i32
          %mul3A_451 = arith.muli %scan3A_391, %mul3A_450 : i32
          %mul3A_452 = arith.constant 8 : i32
          %mul3A_453 = arith.muli %while3A_403, %mul3A_452 : i32
          %add3A_454 = arith.addi %mul3A_451, %mul3A_453 : i32
          %add3A_455 = arith.constant 3 : i32
          %add3A_456 = arith.addi %add3A_454, %add3A_455 : i32
          %get3A_457 = arith.index_cast %add3A_456 : i32 to index
          %get3A_458 = arith.constant 0 : index
          %get3A_459 = tpu.vector_load %arg6[%get3A_457, %get3A_458] {strides = array<i32>} : memref<2048x16xf32, #tpu.memory_space<vmem>>, vector<16xf32>,
          %add3A_460 = arith.addf %get3A_459, %mul3A_375 : vector<16xf32>
          %min3A_461 = arith.constant 0.000000e+00 : f32
          %min3A_462 = vector.broadcast %min3A_461 : f32 to vector<16xf32>
          %min3A_463 = arith.minimumf %add3A_460, %min3A_462 : vector<16xf32>
          %add3A_464 = arith.addf %add3A_449, %min3A_463 : vector<16xf32>
          %mul3A_465 = arith.constant 256 : i32
          %mul3A_466 = arith.muli %scan3A_391, %mul3A_465 : i32
          %mul3A_467 = arith.constant 8 : i32
          %mul3A_468 = arith.muli %while3A_403, %mul3A_467 : i32
          %add3A_469 = arith.addi %mul3A_466, %mul3A_468 : i32
          %add3A_470 = arith.constant 4 : i32
          %add3A_471 = arith.addi %add3A_469, %add3A_470 : i32
          %get3A_472 = arith.index_cast %add3A_471 : i32 to index
          %get3A_473 = arith.constant 0 : index
          %get3A_474 = tpu.vector_load %arg6[%get3A_472, %get3A_473] {strides = array<i32>} : memref<2048x16xf32, #tpu.memory_space<vmem>>, vector<16xf32>,
          %add3A_475 = arith.addf %get3A_474, %mul3A_375 : vector<16xf32>
          %min3A_476 = arith.constant 0.000000e+00 : f32
          %min3A_477 = vector.broadcast %min3A_476 : f32 to vector<16xf32>
          %min3A_478 = arith.minimumf %add3A_475, %min3A_477 : vector<16xf32>
          %add3A_479 = arith.addf %add3A_464, %min3A_478 : vector<16xf32>
          %mul3A_480 = arith.constant 256 : i32
          %mul3A_481 = arith.muli %scan3A_391, %mul3A_480 : i32
          %mul3A_482 = arith.constant 8 : i32
          %mul3A_483 = arith.muli %while3A_403, %mul3A_482 : i32
          %add3A_484 = arith.addi %mul3A_481, %mul3A_483 : i32
          %add3A_485 = arith.constant 5 : i32
          %add3A_486 = arith.addi %add3A_484, %add3A_485 : i32
          %get3A_487 = arith.index_cast %add3A_486 : i32 to index
          %get3A_488 = arith.constant 0 : index
          %get3A_489 = tpu.vector_load %arg6[%get3A_487, %get3A_488] {strides = array<i32>} : memref<2048x16xf32, #tpu.memory_space<vmem>>, vector<16xf32>,
          %add3A_490 = arith.addf %get3A_489, %mul3A_375 : vector<16xf32>
          %min3A_491 = arith.constant 0.000000e+00 : f32
          %min3A_492 = vector.broadcast %min3A_491 : f32 to vector<16xf32>
          %min3A_493 = arith.minimumf %add3A_490, %min3A_492 : vector<16xf32>
          %add3A_494 = arith.addf %add3A_479, %min3A_493 : vector<16xf32>
          %mul3A_495 = arith.constant 256 : i32
          %mul3A_496 = arith.muli %scan3A_391, %mul3A_495 : i32
          %mul3A_497 = arith.constant 8 : i32
          %mul3A_498 = arith.muli %while3A_403, %mul3A_497 : i32
          %add3A_499 = arith.addi %mul3A_496, %mul3A_498 : i32
          %add3A_500 = arith.constant 6 : i32
          %add3A_501 = arith.addi %add3A_499, %add3A_500 : i32
          %get3A_502 = arith.index_cast %add3A_501 : i32 to index
          %get3A_503 = arith.constant 0 : index
          %get3A_504 = tpu.vector_load %arg6[%get3A_502, %get3A_503] {strides = array<i32>} : memref<2048x16xf32, #tpu.memory_space<vmem>>, vector<16xf32>,
          %add3A_505 = arith.addf %get3A_504, %mul3A_375 : vector<16xf32>
          %min3A_506 = arith.constant 0.000000e+00 : f32
          %min3A_507 = vector.broadcast %min3A_506 : f32 to vector<16xf32>
          %min3A_508 = arith.minimumf %add3A_505, %min3A_507 : vector<16xf32>
          %add3A_509 = arith.addf %add3A_494, %min3A_508 : vector<16xf32>
          %mul3A_510 = arith.constant 256 : i32
          %mul3A_511 = arith.muli %scan3A_391, %mul3A_510 : i32
          %mul3A_512 = arith.constant 8 : i32
          %mul3A_513 = arith.muli %while3A_403, %mul3A_512 : i32
          %add3A_514 = arith.addi %mul3A_511, %mul3A_513 : i32
          %add3A_515 = arith.constant 7 : i32
          %add3A_516 = arith.addi %add3A_514, %add3A_515 : i32
          %get3A_517 = arith.index_cast %add3A_516 : i32 to index
          %get3A_518 = arith.constant 0 : index
          %get3A_519 = tpu.vector_load %arg6[%get3A_517, %get3A_518] {strides = array<i32>} : memref<2048x16xf32, #tpu.memory_space<vmem>>, vector<16xf32>,
          %add3A_520 = arith.addf %get3A_519, %mul3A_375 : vector<16xf32>
          %min3A_521 = arith.constant 0.000000e+00 : f32
          %min3A_522 = vector.broadcast %min3A_521 : f32 to vector<16xf32>
          %min3A_523 = arith.minimumf %add3A_520, %min3A_522 : vector<16xf32>
          %add3A_524 = arith.addf %add3A_509, %min3A_523 : vector<16xf32>
          scf.yield %add3A_524 : vector<16xf32>
        }
        %while3A_401 = arith.constant 1 : i32
        %while3A_402 = scf.for %while3A_403 = %while3A_398 to %while3A_394 step %while3A_401 iter_args(%while3A_404 = %while3A_400) -> (vector<16xf32>)  : i32 {
          %mul3A_405 = arith.constant 256 : i32
          %mul3A_406 = arith.muli %scan3A_391, %mul3A_405 : i32
          %mul3A_407 = arith.constant 8 : i32
          %mul3A_408 = arith.muli %while3A_403, %mul3A_407 : i32
          %add3A_409 = arith.addi %mul3A_406, %mul3A_408 : i32
          %add3A_410 = arith.constant 0 : i32
          %add3A_411 = arith.addi %add3A_409, %add3A_410 : i32
          %get3A_412 = arith.index_cast %add3A_411 : i32 to index
          %get3A_413 = arith.constant 0 : index
          %get3A_414 = tpu.vector_load %arg6[%get3A_412, %get3A_413] {strides = array<i32>} : memref<2048x16xf32, #tpu.memory_space<vmem>>, vector<16xf32>,
          %add3A_415 = arith.addf %get3A_414, %mul3A_375 : vector<16xf32>
          %min3A_416 = arith.constant 0.000000e+00 : f32
          %min3A_417 = vector.broadcast %min3A_416 : f32 to vector<16xf32>
          %min3A_418 = arith.minimumf %add3A_415, %min3A_417 : vector<16xf32>
          %add3A_419 = arith.addf %while3A_404, %min3A_418 : vector<16xf32>
          %mul3A_420 = arith.constant 256 : i32
          %mul3A_421 = arith.muli %scan3A_391, %mul3A_420 : i32
          %mul3A_422 = arith.constant 8 : i32
          %mul3A_423 = arith.muli %while3A_403, %mul3A_422 : i32
          %add3A_424 = arith.addi %mul3A_421, %mul3A_423 : i32
          %add3A_425 = arith.constant 1 : i32
          %add3A_426 = arith.addi %add3A_424, %add3A_425 : i32
          %get3A_427 = arith.index_cast %add3A_426 : i32 to index
          %get3A_428 = arith.constant 0 : index
          %get3A_429 = tpu.vector_load %arg6[%get3A_427, %get3A_428] {strides = array<i32>} : memref<2048x16xf32, #tpu.memory_space<vmem>>, vector<16xf32>,
          %add3A_430 = arith.addf %get3A_429, %mul3A_375 : vector<16xf32>
          %min3A_431 = arith.constant 0.000000e+00 : f32
          %min3A_432 = vector.broadcast %min3A_431 : f32 to vector<16xf32>
          %min3A_433 = arith.minimumf %add3A_430, %min3A_432 : vector<16xf32>
          %add3A_434 = arith.addf %add3A_419, %min3A_433 : vector<16xf32>
          %mul3A_435 = arith.constant 256 : i32
          %mul3A_436 = arith.muli %scan3A_391, %mul3A_435 : i32
          %mul3A_437 = arith.constant 8 : i32
          %mul3A_438 = arith.muli %while3A_403, %mul3A_437 : i32
          %add3A_439 = arith.addi %mul3A_436, %mul3A_438 : i32
          %add3A_440 = arith.constant 2 : i32
          %add3A_441 = arith.addi %add3A_439, %add3A_440 : i32
          %get3A_442 = arith.index_cast %add3A_441 : i32 to index
          %get3A_443 = arith.constant 0 : index
          %get3A_444 = tpu.vector_load %arg6[%get3A_442, %get3A_443] {strides = array<i32>} : memref<2048x16xf32, #tpu.memory_space<vmem>>, vector<16xf32>,
          %add3A_445 = arith.addf %get3A_444, %mul3A_375 : vector<16xf32>
          %min3A_446 = arith.constant 0.000000e+00 : f32
          %min3A_447 = vector.broadcast %min3A_446 : f32 to vector<16xf32>
          %min3A_448 = arith.minimumf %add3A_445, %min3A_447 : vector<16xf32>
          %add3A_449 = arith.addf %add3A_434, %min3A_448 : vector<16xf32>
          %mul3A_450 = arith.constant 256 : i32
          %mul3A_451 = arith.muli %scan3A_391, %mul3A_450 : i32
          %mul3A_452 = arith.constant 8 : i32
          %mul3A_453 = arith.muli %while3A_403, %mul3A_452 : i32
          %add3A_454 = arith.addi %mul3A_451, %mul3A_453 : i32
          %add3A_455 = arith.constant 3 : i32
          %add3A_456 = arith.addi %add3A_454, %add3A_455 : i32
          %get3A_457 = arith.index_cast %add3A_456 : i32 to index
          %get3A_458 = arith.constant 0 : index
          %get3A_459 = tpu.vector_load %arg6[%get3A_457, %get3A_458] {strides = array<i32>} : memref<2048x16xf32, #tpu.memory_space<vmem>>, vector<16xf32>,
          %add3A_460 = arith.addf %get3A_459, %mul3A_375 : vector<16xf32>
          %min3A_461 = arith.constant 0.000000e+00 : f32
          %min3A_462 = vector.broadcast %min3A_461 : f32 to vector<16xf32>
          %min3A_463 = arith.minimumf %add3A_460, %min3A_462 : vector<16xf32>
          %add3A_464 = arith.addf %add3A_449, %min3A_463 : vector<16xf32>
          %mul3A_465 = arith.constant 256 : i32
          %mul3A_466 = arith.muli %scan3A_391, %mul3A_465 : i32
          %mul3A_467 = arith.constant 8 : i32
          %mul3A_468 = arith.muli %while3A_403, %mul3A_467 : i32
          %add3A_469 = arith.addi %mul3A_466, %mul3A_468 : i32
          %add3A_470 = arith.constant 4 : i32
          %add3A_471 = arith.addi %add3A_469, %add3A_470 : i32
          %get3A_472 = arith.index_cast %add3A_471 : i32 to index
          %get3A_473 = arith.constant 0 : index
          %get3A_474 = tpu.vector_load %arg6[%get3A_472, %get3A_473] {strides = array<i32>} : memref<2048x16xf32, #tpu.memory_space<vmem>>, vector<16xf32>,
          %add3A_475 = arith.addf %get3A_474, %mul3A_375 : vector<16xf32>
          %min3A_476 = arith.constant 0.000000e+00 : f32
          %min3A_477 = vector.broadcast %min3A_476 : f32 to vector<16xf32>
          %min3A_478 = arith.minimumf %add3A_475, %min3A_477 : vector<16xf32>
          %add3A_479 = arith.addf %add3A_464, %min3A_478 : vector<16xf32>
          %mul3A_480 = arith.constant 256 : i32
          %mul3A_481 = arith.muli %scan3A_391, %mul3A_480 : i32
          %mul3A_482 = arith.constant 8 : i32
          %mul3A_483 = arith.muli %while3A_403, %mul3A_482 : i32
          %add3A_484 = arith.addi %mul3A_481, %mul3A_483 : i32
          %add3A_485 = arith.constant 5 : i32
          %add3A_486 = arith.addi %add3A_484, %add3A_485 : i32
          %get3A_487 = arith.index_cast %add3A_486 : i32 to index
          %get3A_488 = arith.constant 0 : index
          %get3A_489 = tpu.vector_load %arg6[%get3A_487, %get3A_488] {strides = array<i32>} : memref<2048x16xf32, #tpu.memory_space<vmem>>, vector<16xf32>,
          %add3A_490 = arith.addf %get3A_489, %mul3A_375 : vector<16xf32>
          %min3A_491 = arith.constant 0.000000e+00 : f32
          %min3A_492 = vector.broadcast %min3A_491 : f32 to vector<16xf32>
          %min3A_493 = arith.minimumf %add3A_490, %min3A_492 : vector<16xf32>
          %add3A_494 = arith.addf %add3A_479, %min3A_493 : vector<16xf32>
          %mul3A_495 = arith.constant 256 : i32
          %mul3A_496 = arith.muli %scan3A_391, %mul3A_495 : i32
          %mul3A_497 = arith.constant 8 : i32
          %mul3A_498 = arith.muli %while3A_403, %mul3A_497 : i32
          %add3A_499 = arith.addi %mul3A_496, %mul3A_498 : i32
          %add3A_500 = arith.constant 6 : i32
          %add3A_501 = arith.addi %add3A_499, %add3A_500 : i32
          %get3A_502 = arith.index_cast %add3A_501 : i32 to index
          %get3A_503 = arith.constant 0 : index
          %get3A_504 = tpu.vector_load %arg6[%get3A_502, %get3A_503] {strides = array<i32>} : memref<2048x16xf32, #tpu.memory_space<vmem>>, vector<16xf32>,
          %add3A_505 = arith.addf %get3A_504, %mul3A_375 : vector<16xf32>
          %min3A_506 = arith.constant 0.000000e+00 : f32
          %min3A_507 = vector.broadcast %min3A_506 : f32 to vector<16xf32>
          %min3A_508 = arith.minimumf %add3A_505, %min3A_507 : vector<16xf32>
          %add3A_509 = arith.addf %add3A_494, %min3A_508 : vector<16xf32>
          %mul3A_510 = arith.constant 256 : i32
          %mul3A_511 = arith.muli %scan3A_391, %mul3A_510 : i32
          %mul3A_512 = arith.constant 8 : i32
          %mul3A_513 = arith.muli %while3A_403, %mul3A_512 : i32
          %add3A_514 = arith.addi %mul3A_511, %mul3A_513 : i32
          %add3A_515 = arith.constant 7 : i32
          %add3A_516 = arith.addi %add3A_514, %add3A_515 : i32
          %get3A_517 = arith.index_cast %add3A_516 : i32 to index
          %get3A_518 = arith.constant 0 : index
          %get3A_519 = tpu.vector_load %arg6[%get3A_517, %get3A_518] {strides = array<i32>} : memref<2048x16xf32, #tpu.memory_space<vmem>>, vector<16xf32>,
          %add3A_520 = arith.addf %get3A_519, %mul3A_375 : vector<16xf32>
          %min3A_521 = arith.constant 0.000000e+00 : f32
          %min3A_522 = vector.broadcast %min3A_521 : f32 to vector<16xf32>
          %min3A_523 = arith.minimumf %add3A_520, %min3A_522 : vector<16xf32>
          %add3A_524 = arith.addf %add3A_509, %min3A_523 : vector<16xf32>
          scf.yield %add3A_524 : vector<16xf32>
        }
        scf.yield %while3A_402 : vector<16xf32>
      }
      %scan3A_383 = arith.constant 4 : i32
      %neg3A_384 = arith.constant 0.000000e+00 : f32
      %neg3A_385 = arith.subf %neg3A_384, %squeeze3A : f32
      %le3A = vector.broadcast %neg3A_385 : f32 to vector<16xf32>
      %le3A_386 = arith.cmpf ole, %scan3A_382, %le3A : vector<16xf32>
      %select_n3A_387 = arith.select %le3A_386, %mul3A_375, %scan3A_368 : vector<16xi1>, vector<16xf32>
      %select_n3A_388 = arith.select %le3A_386, %scan3A_369, %mul3A_375 : vector<16xi1>, vector<16xf32>
      %select_n3A_389 = arith.select %le3A_386, %scan3A_382, %scan3A_370 : vector<16xi1>, vector<16xf32>
      %select_n3A_390 = arith.select %le3A_386, %scan3A_371, %scan3A_382 : vector<16xi1>, vector<16xf32>
      scf.yield %select_n3A_387, %select_n3A_388, %select_n3A_389, %select_n3A_390 : vector<16xf32>, vector<16xf32>, vector<16xf32>, vector<16xf32>
    }
    %scan3A_262 = arith.constant 14 : i32
    %sub3A_263 = arith.subf %scan3A_261#3, %scan3A_261#2 : vector<16xf32>
    %max3A_264 = arith.constant 1.000000e-30 : f32
    %max3A_265 = vector.broadcast %max3A_264 : f32 to vector<16xf32>
    %max3A_266 = arith.maximumf %sub3A_263, %max3A_265 : vector<16xf32>
    %neg3A_267 = arith.constant 0.000000e+00 : f32
    %neg3A_268 = arith.subf %neg3A_267, %squeeze3A : f32
    %sub3A_269 = vector.broadcast %neg3A_268 : f32 to vector<16xf32>
    %sub3A_270 = arith.subf %sub3A_269, %scan3A_261#2 : vector<16xf32>
    %sub3A_271 = arith.subf %scan3A_261#1, %scan3A_261#0 : vector<16xf32>
    %mul3A_272 = arith.mulf %sub3A_270, %sub3A_271 : vector<16xf32>
    %div3A_273 = arith.divf %mul3A_272, %max3A_266 : vector<16xf32>
    %add3A_274 = arith.addf %scan3A_261#0, %div3A_273 : vector<16xf32>
    %add3A_275 = arith.constant 0 : i32
    %add3A_276 = arith.addi %mul3A_34, %add3A_275 : i32
    %dma_start3A_277 = tpu.memref_slice %arg4[%add3A_276, %mul3A_32] : memref<32768x128xf32, #tpu.memory_space<hbm>> -> memref<2048x16xf32, #tpu.memory_space<hbm>>
    %dma_start3A_278 = tpu.memref_slice %arg4[%add3A_276, %mul3A_32] : memref<32768x128xf32, #tpu.memory_space<hbm>> -> memref<2048x16xf32, #tpu.memory_space<hbm>>
    tpu.enqueue_dma source(%dma_start3A_278 : memref<2048x16xf32, #tpu.memory_space<hbm>>) target(%arg6 : memref<2048x16xf32, #tpu.memory_space<vmem>>) target_semaphore(%arg11 : memref<!tpu.dma_semaphore, #tpu.memory_space<semaphore_mem>>)
    %add3A_279 = arith.constant 2048 : i32
    %add3A_280 = arith.addi %mul3A_34, %add3A_279 : i32
    %dma_start3A_281 = tpu.memref_slice %arg4[%add3A_280, %mul3A_32] : memref<32768x128xf32, #tpu.memory_space<hbm>> -> memref<2048x16xf32, #tpu.memory_space<hbm>>
    %dma_start3A_282 = tpu.memref_slice %arg4[%add3A_280, %mul3A_32] : memref<32768x128xf32, #tpu.memory_space<hbm>> -> memref<2048x16xf32, #tpu.memory_space<hbm>>
    tpu.enqueue_dma source(%dma_start3A_282 : memref<2048x16xf32, #tpu.memory_space<hbm>>) target(%arg7 : memref<2048x16xf32, #tpu.memory_space<vmem>>) target_semaphore(%arg12 : memref<!tpu.dma_semaphore, #tpu.memory_space<semaphore_mem>>)
    %add3A_283 = arith.constant 0 : i32
    %add3A_284 = arith.addi %mul3A_34, %add3A_283 : i32
    %dma_wait3A_285 = tpu.memref_slice %arg4[%add3A_284, %mul3A_32] : memref<32768x128xf32, #tpu.memory_space<hbm>> -> memref<2048x16xf32, #tpu.memory_space<hbm>>
    %dma_wait3A_286 = tpu.memref_slice %arg4[%add3A_284, %mul3A_32] : memref<32768x128xf32, #tpu.memory_space<hbm>> -> memref<2048x16xf32, #tpu.memory_space<hbm>>
    tpu.wait_dma2 semaphore(%arg11 : memref<!tpu.dma_semaphore, #tpu.memory_space<semaphore_mem>>) src(%dma_wait3A_286 : memref<2048x16xf32, #tpu.memory_space<hbm>>) dst(%arg6 : memref<2048x16xf32, #tpu.memory_space<vmem>>)
    %scan3A_287 = arith.constant 0 : i32
    %scan3A_288 = arith.constant 0 : i32
    %scan3A_289 = arith.constant 2048 : i32
    %scan3A_290 = arith.addi %scan3A_288, %scan3A_289 : i32
    %scan3A_291 = arith.constant 8 : i32
    %scan3A_292 = scf.for %scan3A_367 = %scan3A_288 to %scan3A_290 step %scan3A_291 iter_args(%scan3A_368 = %scan3A_287) -> (i32)  : i32 {
      %get3A_369 = arith.index_cast %scan3A_367 : i32 to index
      %get3A_370 = arith.constant 0 : index
      %get3A_371 = tpu.vector_load %arg6[%get3A_369, %get3A_370] {strides = array<i32>} : memref<2048x16xf32, #tpu.memory_space<vmem>>, vector<16xf32>,
      %add3A_372 = arith.addf %get3A_371, %add3A_274 : vector<16xf32>
      %min3A_373 = arith.constant 0.000000e+00 : f32
      %min3A_374 = vector.broadcast %min3A_373 : f32 to vector<16xf32>
      %min3A_375 = arith.minimumf %add3A_372, %min3A_374 : vector<16xf32>
      %mul3A_376 = vector.broadcast %squeeze3A_39 : f32 to vector<16xf32>
      %mul3A_377 = arith.mulf %mul3A_376, %min3A_375 : vector<16xf32>
      %swap3A_378 = arith.index_cast %scan3A_367 : i32 to index
      %swap3A_379 = arith.constant 0 : index
      %swap3A_380 = tpu.vector_load %arg6[%swap3A_378, %swap3A_379] {strides = array<i32>} : memref<2048x16xf32, #tpu.memory_space<vmem>>, vector<16xf32>,
      tpu.vector_store %arg6[%swap3A_378, %swap3A_379], %mul3A_377 {strides = array<i32>} : memref<2048x16xf32, #tpu.memory_space<vmem>>, vector<16xf32>,
      %scan3A_381 = arith.constant 0 : i32
      %scan3A_382 = arith.constant 1 : i32
      %scan3A_383 = arith.addi %scan3A_367, %scan3A_382 : i32
      %get3A_384 = arith.index_cast %scan3A_383 : i32 to index
      %get3A_385 = arith.constant 0 : index
      %get3A_386 = tpu.vector_load %arg6[%get3A_384, %get3A_385] {strides = array<i32>} : memref<2048x16xf32, #tpu.memory_space<vmem>>, vector<16xf32>,
      %add3A_387 = arith.addf %get3A_386, %add3A_274 : vector<16xf32>
      %min3A_388 = arith.constant 0.000000e+00 : f32
      %min3A_389 = vector.broadcast %min3A_388 : f32 to vector<16xf32>
      %min3A_390 = arith.minimumf %add3A_387, %min3A_389 : vector<16xf32>
      %mul3A_391 = vector.broadcast %squeeze3A_39 : f32 to vector<16xf32>
      %mul3A_392 = arith.mulf %mul3A_391, %min3A_390 : vector<16xf32>
      %swap3A_393 = arith.index_cast %scan3A_383 : i32 to index
      %swap3A_394 = arith.constant 0 : index
      %swap3A_395 = tpu.vector_load %arg6[%swap3A_393, %swap3A_394] {strides = array<i32>} : memref<2048x16xf32, #tpu.memory_space<vmem>>, vector<16xf32>,
      tpu.vector_store %arg6[%swap3A_393, %swap3A_394], %mul3A_392 {strides = array<i32>} : memref<2048x16xf32, #tpu.memory_space<vmem>>, vector<16xf32>,
      %scan3A_396 = arith.constant 0 : i32
      %scan3A_397 = arith.constant 2 : i32
      %scan3A_398 = arith.addi %scan3A_367, %scan3A_397 : i32
      %get3A_399 = arith.index_cast %scan3A_398 : i32 to index
      %get3A_400 = arith.constant 0 : index
      %get3A_401 = tpu.vector_load %arg6[%get3A_399, %get3A_400] {strides = array<i32>} : memref<2048x16xf32, #tpu.memory_space<vmem>>, vector<16xf32>,
      %add3A_402 = arith.addf %get3A_401, %add3A_274 : vector<16xf32>
      %min3A_403 = arith.constant 0.000000e+00 : f32
      %min3A_404 = vector.broadcast %min3A_403 : f32 to vector<16xf32>
      %min3A_405 = arith.minimumf %add3A_402, %min3A_404 : vector<16xf32>
      %mul3A_406 = vector.broadcast %squeeze3A_39 : f32 to vector<16xf32>
      %mul3A_407 = arith.mulf %mul3A_406, %min3A_405 : vector<16xf32>
      %swap3A_408 = arith.index_cast %scan3A_398 : i32 to index
      %swap3A_409 = arith.constant 0 : index
      %swap3A_410 = tpu.vector_load %arg6[%swap3A_408, %swap3A_409] {strides = array<i32>} : memref<2048x16xf32, #tpu.memory_space<vmem>>, vector<16xf32>,
      tpu.vector_store %arg6[%swap3A_408, %swap3A_409], %mul3A_407 {strides = array<i32>} : memref<2048x16xf32, #tpu.memory_space<vmem>>, vector<16xf32>,
      %scan3A_411 = arith.constant 0 : i32
      %scan3A_412 = arith.constant 3 : i32
      %scan3A_413 = arith.addi %scan3A_367, %scan3A_412 : i32
      %get3A_414 = arith.index_cast %scan3A_413 : i32 to index
      %get3A_415 = arith.constant 0 : index
      %get3A_416 = tpu.vector_load %arg6[%get3A_414, %get3A_415] {strides = array<i32>} : memref<2048x16xf32, #tpu.memory_space<vmem>>, vector<16xf32>,
      %add3A_417 = arith.addf %get3A_416, %add3A_274 : vector<16xf32>
      %min3A_418 = arith.constant 0.000000e+00 : f32
      %min3A_419 = vector.broadcast %min3A_418 : f32 to vector<16xf32>
      %min3A_420 = arith.minimumf %add3A_417, %min3A_419 : vector<16xf32>
      %mul3A_421 = vector.broadcast %squeeze3A_39 : f32 to vector<16xf32>
      %mul3A_422 = arith.mulf %mul3A_421, %min3A_420 : vector<16xf32>
      %swap3A_423 = arith.index_cast %scan3A_413 : i32 to index
      %swap3A_424 = arith.constant 0 : index
      %swap3A_425 = tpu.vector_load %arg6[%swap3A_423, %swap3A_424] {strides = array<i32>} : memref<2048x16xf32, #tpu.memory_space<vmem>>, vector<16xf32>,
      tpu.vector_store %arg6[%swap3A_423, %swap3A_424], %mul3A_422 {strides = array<i32>} : memref<2048x16xf32, #tpu.memory_space<vmem>>, vector<16xf32>,
      %scan3A_426 = arith.constant 0 : i32
      %scan3A_427 = arith.constant 4 : i32
      %scan3A_428 = arith.addi %scan3A_367, %scan3A_427 : i32
      %get3A_429 = arith.index_cast %scan3A_428 : i32 to index
      %get3A_430 = arith.constant 0 : index
      %get3A_431 = tpu.vector_load %arg6[%get3A_429, %get3A_430] {strides = array<i32>} : memref<2048x16xf32, #tpu.memory_space<vmem>>, vector<16xf32>,
      %add3A_432 = arith.addf %get3A_431, %add3A_274 : vector<16xf32>
      %min3A_433 = arith.constant 0.000000e+00 : f32
      %min3A_434 = vector.broadcast %min3A_433 : f32 to vector<16xf32>
      %min3A_435 = arith.minimumf %add3A_432, %min3A_434 : vector<16xf32>
      %mul3A_436 = vector.broadcast %squeeze3A_39 : f32 to vector<16xf32>
      %mul3A_437 = arith.mulf %mul3A_436, %min3A_435 : vector<16xf32>
      %swap3A_438 = arith.index_cast %scan3A_428 : i32 to index
      %swap3A_439 = arith.constant 0 : index
      %swap3A_440 = tpu.vector_load %arg6[%swap3A_438, %swap3A_439] {strides = array<i32>} : memref<2048x16xf32, #tpu.memory_space<vmem>>, vector<16xf32>,
      tpu.vector_store %arg6[%swap3A_438, %swap3A_439], %mul3A_437 {strides = array<i32>} : memref<2048x16xf32, #tpu.memory_space<vmem>>, vector<16xf32>,
      %scan3A_441 = arith.constant 0 : i32
      %scan3A_442 = arith.constant 5 : i32
      %scan3A_443 = arith.addi %scan3A_367, %scan3A_442 : i32
      %get3A_444 = arith.index_cast %scan3A_443 : i32 to index
      %get3A_445 = arith.constant 0 : index
      %get3A_446 = tpu.vector_load %arg6[%get3A_444, %get3A_445] {strides = array<i32>} : memref<2048x16xf32, #tpu.memory_space<vmem>>, vector<16xf32>,
      %add3A_447 = arith.addf %get3A_446, %add3A_274 : vector<16xf32>
      %min3A_448 = arith.constant 0.000000e+00 : f32
      %min3A_449 = vector.broadcast %min3A_448 : f32 to vector<16xf32>
      %min3A_450 = arith.minimumf %add3A_447, %min3A_449 : vector<16xf32>
      %mul3A_451 = vector.broadcast %squeeze3A_39 : f32 to vector<16xf32>
      %mul3A_452 = arith.mulf %mul3A_451, %min3A_450 : vector<16xf32>
      %swap3A_453 = arith.index_cast %scan3A_443 : i32 to index
      %swap3A_454 = arith.constant 0 : index
      %swap3A_455 = tpu.vector_load %arg6[%swap3A_453, %swap3A_454] {strides = array<i32>} : memref<2048x16xf32, #tpu.memory_space<vmem>>, vector<16xf32>,
      tpu.vector_store %arg6[%swap3A_453, %swap3A_454], %mul3A_452 {strides = array<i32>} : memref<2048x16xf32, #tpu.memory_space<vmem>>, vector<16xf32>,
      %scan3A_456 = arith.constant 0 : i32
      %scan3A_457 = arith.constant 6 : i32
      %scan3A_458 = arith.addi %scan3A_367, %scan3A_457 : i32
      %get3A_459 = arith.index_cast %scan3A_458 : i32 to index
      %get3A_460 = arith.constant 0 : index
      %get3A_461 = tpu.vector_load %arg6[%get3A_459, %get3A_460] {strides = array<i32>} : memref<2048x16xf32, #tpu.memory_space<vmem>>, vector<16xf32>,
      %add3A_462 = arith.addf %get3A_461, %add3A_274 : vector<16xf32>
      %min3A_463 = arith.constant 0.000000e+00 : f32
      %min3A_464 = vector.broadcast %min3A_463 : f32 to vector<16xf32>
      %min3A_465 = arith.minimumf %add3A_462, %min3A_464 : vector<16xf32>
      %mul3A_466 = vector.broadcast %squeeze3A_39 : f32 to vector<16xf32>
      %mul3A_467 = arith.mulf %mul3A_466, %min3A_465 : vector<16xf32>
      %swap3A_468 = arith.index_cast %scan3A_458 : i32 to index
      %swap3A_469 = arith.constant 0 : index
      %swap3A_470 = tpu.vector_load %arg6[%swap3A_468, %swap3A_469] {strides = array<i32>} : memref<2048x16xf32, #tpu.memory_space<vmem>>, vector<16xf32>,
      tpu.vector_store %arg6[%swap3A_468, %swap3A_469], %mul3A_467 {strides = array<i32>} : memref<2048x16xf32, #tpu.memory_space<vmem>>, vector<16xf32>,
      %scan3A_471 = arith.constant 0 : i32
      %scan3A_472 = arith.constant 7 : i32
      %scan3A_473 = arith.addi %scan3A_367, %scan3A_472 : i32
      %get3A_474 = arith.index_cast %scan3A_473 : i32 to index
      %get3A_475 = arith.constant 0 : index
      %get3A_476 = tpu.vector_load %arg6[%get3A_474, %get3A_475] {strides = array<i32>} : memref<2048x16xf32, #tpu.memory_space<vmem>>, vector<16xf32>,
      %add3A_477 = arith.addf %get3A_476, %add3A_274 : vector<16xf32>
      %min3A_478 = arith.constant 0.000000e+00 : f32
      %min3A_479 = vector.broadcast %min3A_478 : f32 to vector<16xf32>
      %min3A_480 = arith.minimumf %add3A_477, %min3A_479 : vector<16xf32>
      %mul3A_481 = vector.broadcast %squeeze3A_39 : f32 to vector<16xf32>
      %mul3A_482 = arith.mulf %mul3A_481, %min3A_480 : vector<16xf32>
      %swap3A_483 = arith.index_cast %scan3A_473 : i32 to index
      %swap3A_484 = arith.constant 0 : index
      %swap3A_485 = tpu.vector_load %arg6[%swap3A_483, %swap3A_484] {strides = array<i32>} : memref<2048x16xf32, #tpu.memory_space<vmem>>, vector<16xf32>,
      tpu.vector_store %arg6[%swap3A_483, %swap3A_484], %mul3A_482 {strides = array<i32>} : memref<2048x16xf32, #tpu.memory_space<vmem>>, vector<16xf32>,
      %scan3A_486 = arith.constant 0 : i32
      scf.yield %scan3A_486 : i32
    }
    %scan3A_293 = arith.constant 2048 : i32
    %add3A_294 = arith.constant 0 : i32
    %add3A_295 = arith.addi %mul3A_34, %add3A_294 : i32
    %dma_start3A_296 = tpu.memref_slice %arg5[%add3A_295, %mul3A_32] : memref<32768x128xf32, #tpu.memory_space<hbm>> -> memref<2048x16xf32, #tpu.memory_space<hbm>>
    %dma_start3A_297 = tpu.memref_slice %arg5[%add3A_295, %mul3A_32] : memref<32768x128xf32, #tpu.memory_space<hbm>> -> memref<2048x16xf32, #tpu.memory_space<hbm>>
    tpu.enqueue_dma source(%arg6 : memref<2048x16xf32, #tpu.memory_space<vmem>>) target(%dma_start3A_297 : memref<2048x16xf32, #tpu.memory_space<hbm>>) target_semaphore(%arg13 : memref<!tpu.dma_semaphore, #tpu.memory_space<semaphore_mem>>)
    %add3A_298 = arith.constant 0 : i32
    %add3A_299 = arith.addi %mul3A_34, %add3A_298 : i32
    %dma_wait3A_300 = tpu.memref_slice %arg5[%add3A_299, %mul3A_32] : memref<32768x128xf32, #tpu.memory_space<hbm>> -> memref<2048x16xf32, #tpu.memory_space<hbm>>
    %dma_wait3A_301 = tpu.memref_slice %arg5[%add3A_299, %mul3A_32] : memref<32768x128xf32, #tpu.memory_space<hbm>> -> memref<2048x16xf32, #tpu.memory_space<hbm>>
    tpu.wait_dma2 semaphore(%arg13 : memref<!tpu.dma_semaphore, #tpu.memory_space<semaphore_mem>>) src(%arg6 : memref<2048x16xf32, #tpu.memory_space<vmem>>) dst(%dma_wait3A_301 : memref<2048x16xf32, #tpu.memory_space<hbm>>)
    %add3A_302 = arith.constant 4096 : i32
    %add3A_303 = arith.addi %mul3A_34, %add3A_302 : i32
    %dma_start3A_304 = tpu.memref_slice %arg4[%add3A_303, %mul3A_32] : memref<32768x128xf32, #tpu.memory_space<hbm>> -> memref<2048x16xf32, #tpu.memory_space<hbm>>
    %dma_start3A_305 = tpu.memref_slice %arg4[%add3A_303, %mul3A_32] : memref<32768x128xf32, #tpu.memory_space<hbm>> -> memref<2048x16xf32, #tpu.memory_space<hbm>>
    tpu.enqueue_dma source(%dma_start3A_305 : memref<2048x16xf32, #tpu.memory_space<hbm>>) target(%arg6 : memref<2048x16xf32, #tpu.memory_space<vmem>>) target_semaphore(%arg11 : memref<!tpu.dma_semaphore, #tpu.memory_space<semaphore_mem>>)
    %add3A_306 = arith.constant 2048 : i32
    %add3A_307 = arith.addi %mul3A_34, %add3A_306 : i32
    %dma_wait3A_308 = tpu.memref_slice %arg4[%add3A_307, %mul3A_32] : memref<32768x128xf32, #tpu.memory_space<hbm>> -> memref<2048x16xf32, #tpu.memory_space<hbm>>
    %dma_wait3A_309 = tpu.memref_slice %arg4[%add3A_307, %mul3A_32] : memref<32768x128xf32, #tpu.memory_space<hbm>> -> memref<2048x16xf32, #tpu.memory_space<hbm>>
    tpu.wait_dma2 semaphore(%arg12 : memref<!tpu.dma_semaphore, #tpu.memory_space<semaphore_mem>>) src(%dma_wait3A_309 : memref<2048x16xf32, #tpu.memory_space<hbm>>) dst(%arg7 : memref<2048x16xf32, #tpu.memory_space<vmem>>)
    %scan3A_310 = arith.constant 0 : i32
    %scan3A_311 = arith.constant 0 : i32
    %scan3A_312 = arith.constant 2048 : i32
    %scan3A_313 = arith.addi %scan3A_311, %scan3A_312 : i32
    %scan3A_314 = arith.constant 8 : i32
    %scan3A_315 = scf.for %scan3A_367 = %scan3A_311 to %scan3A_313 step %scan3A_314 iter_args(%scan3A_368 = %scan3A_310) -> (i32)  : i32 {
      %get3A_369 = arith.index_cast %scan3A_367 : i32 to index
      %get3A_370 = arith.constant 0 : index
      %get3A_371 = tpu.vector_load %arg7[%get3A_369, %get3A_370] {strides = array<i32>} : memref<2048x16xf32, #tpu.memory_space<vmem>>, vector<16xf32>,
      %add3A_372 = arith.addf %get3A_371, %add3A_274 : vector<16xf32>
      %min3A_373 = arith.constant 0.000000e+00 : f32
      %min3A_374 = vector.broadcast %min3A_373 : f32 to vector<16xf32>
      %min3A_375 = arith.minimumf %add3A_372, %min3A_374 : vector<16xf32>
      %mul3A_376 = vector.broadcast %squeeze3A_39 : f32 to vector<16xf32>
      %mul3A_377 = arith.mulf %mul3A_376, %min3A_375 : vector<16xf32>
      %swap3A_378 = arith.index_cast %scan3A_367 : i32 to index
      %swap3A_379 = arith.constant 0 : index
      %swap3A_380 = tpu.vector_load %arg7[%swap3A_378, %swap3A_379] {strides = array<i32>} : memref<2048x16xf32, #tpu.memory_space<vmem>>, vector<16xf32>,
      tpu.vector_store %arg7[%swap3A_378, %swap3A_379], %mul3A_377 {strides = array<i32>} : memref<2048x16xf32, #tpu.memory_space<vmem>>, vector<16xf32>,
      %scan3A_381 = arith.constant 0 : i32
      %scan3A_382 = arith.constant 1 : i32
      %scan3A_383 = arith.addi %scan3A_367, %scan3A_382 : i32
      %get3A_384 = arith.index_cast %scan3A_383 : i32 to index
      %get3A_385 = arith.constant 0 : index
      %get3A_386 = tpu.vector_load %arg7[%get3A_384, %get3A_385] {strides = array<i32>} : memref<2048x16xf32, #tpu.memory_space<vmem>>, vector<16xf32>,
      %add3A_387 = arith.addf %get3A_386, %add3A_274 : vector<16xf32>
      %min3A_388 = arith.constant 0.000000e+00 : f32
      %min3A_389 = vector.broadcast %min3A_388 : f32 to vector<16xf32>
      %min3A_390 = arith.minimumf %add3A_387, %min3A_389 : vector<16xf32>
      %mul3A_391 = vector.broadcast %squeeze3A_39 : f32 to vector<16xf32>
      %mul3A_392 = arith.mulf %mul3A_391, %min3A_390 : vector<16xf32>
      %swap3A_393 = arith.index_cast %scan3A_383 : i32 to index
      %swap3A_394 = arith.constant 0 : index
      %swap3A_395 = tpu.vector_load %arg7[%swap3A_393, %swap3A_394] {strides = array<i32>} : memref<2048x16xf32, #tpu.memory_space<vmem>>, vector<16xf32>,
      tpu.vector_store %arg7[%swap3A_393, %swap3A_394], %mul3A_392 {strides = array<i32>} : memref<2048x16xf32, #tpu.memory_space<vmem>>, vector<16xf32>,
      %scan3A_396 = arith.constant 0 : i32
      %scan3A_397 = arith.constant 2 : i32
      %scan3A_398 = arith.addi %scan3A_367, %scan3A_397 : i32
      %get3A_399 = arith.index_cast %scan3A_398 : i32 to index
      %get3A_400 = arith.constant 0 : index
      %get3A_401 = tpu.vector_load %arg7[%get3A_399, %get3A_400] {strides = array<i32>} : memref<2048x16xf32, #tpu.memory_space<vmem>>, vector<16xf32>,
      %add3A_402 = arith.addf %get3A_401, %add3A_274 : vector<16xf32>
      %min3A_403 = arith.constant 0.000000e+00 : f32
      %min3A_404 = vector.broadcast %min3A_403 : f32 to vector<16xf32>
      %min3A_405 = arith.minimumf %add3A_402, %min3A_404 : vector<16xf32>
      %mul3A_406 = vector.broadcast %squeeze3A_39 : f32 to vector<16xf32>
      %mul3A_407 = arith.mulf %mul3A_406, %min3A_405 : vector<16xf32>
      %swap3A_408 = arith.index_cast %scan3A_398 : i32 to index
      %swap3A_409 = arith.constant 0 : index
      %swap3A_410 = tpu.vector_load %arg7[%swap3A_408, %swap3A_409] {strides = array<i32>} : memref<2048x16xf32, #tpu.memory_space<vmem>>, vector<16xf32>,
      tpu.vector_store %arg7[%swap3A_408, %swap3A_409], %mul3A_407 {strides = array<i32>} : memref<2048x16xf32, #tpu.memory_space<vmem>>, vector<16xf32>,
      %scan3A_411 = arith.constant 0 : i32
      %scan3A_412 = arith.constant 3 : i32
      %scan3A_413 = arith.addi %scan3A_367, %scan3A_412 : i32
      %get3A_414 = arith.index_cast %scan3A_413 : i32 to index
      %get3A_415 = arith.constant 0 : index
      %get3A_416 = tpu.vector_load %arg7[%get3A_414, %get3A_415] {strides = array<i32>} : memref<2048x16xf32, #tpu.memory_space<vmem>>, vector<16xf32>,
      %add3A_417 = arith.addf %get3A_416, %add3A_274 : vector<16xf32>
      %min3A_418 = arith.constant 0.000000e+00 : f32
      %min3A_419 = vector.broadcast %min3A_418 : f32 to vector<16xf32>
      %min3A_420 = arith.minimumf %add3A_417, %min3A_419 : vector<16xf32>
      %mul3A_421 = vector.broadcast %squeeze3A_39 : f32 to vector<16xf32>
      %mul3A_422 = arith.mulf %mul3A_421, %min3A_420 : vector<16xf32>
      %swap3A_423 = arith.index_cast %scan3A_413 : i32 to index
      %swap3A_424 = arith.constant 0 : index
      %swap3A_425 = tpu.vector_load %arg7[%swap3A_423, %swap3A_424] {strides = array<i32>} : memref<2048x16xf32, #tpu.memory_space<vmem>>, vector<16xf32>,
      tpu.vector_store %arg7[%swap3A_423, %swap3A_424], %mul3A_422 {strides = array<i32>} : memref<2048x16xf32, #tpu.memory_space<vmem>>, vector<16xf32>,
      %scan3A_426 = arith.constant 0 : i32
      %scan3A_427 = arith.constant 4 : i32
      %scan3A_428 = arith.addi %scan3A_367, %scan3A_427 : i32
      %get3A_429 = arith.index_cast %scan3A_428 : i32 to index
      %get3A_430 = arith.constant 0 : index
      %get3A_431 = tpu.vector_load %arg7[%get3A_429, %get3A_430] {strides = array<i32>} : memref<2048x16xf32, #tpu.memory_space<vmem>>, vector<16xf32>,
      %add3A_432 = arith.addf %get3A_431, %add3A_274 : vector<16xf32>
      %min3A_433 = arith.constant 0.000000e+00 : f32
      %min3A_434 = vector.broadcast %min3A_433 : f32 to vector<16xf32>
      %min3A_435 = arith.minimumf %add3A_432, %min3A_434 : vector<16xf32>
      %mul3A_436 = vector.broadcast %squeeze3A_39 : f32 to vector<16xf32>
      %mul3A_437 = arith.mulf %mul3A_436, %min3A_435 : vector<16xf32>
      %swap3A_438 = arith.index_cast %scan3A_428 : i32 to index
      %swap3A_439 = arith.constant 0 : index
      %swap3A_440 = tpu.vector_load %arg7[%swap3A_438, %swap3A_439] {strides = array<i32>} : memref<2048x16xf32, #tpu.memory_space<vmem>>, vector<16xf32>,
      tpu.vector_store %arg7[%swap3A_438, %swap3A_439], %mul3A_437 {strides = array<i32>} : memref<2048x16xf32, #tpu.memory_space<vmem>>, vector<16xf32>,
      %scan3A_441 = arith.constant 0 : i32
      %scan3A_442 = arith.constant 5 : i32
      %scan3A_443 = arith.addi %scan3A_367, %scan3A_442 : i32
      %get3A_444 = arith.index_cast %scan3A_443 : i32 to index
      %get3A_445 = arith.constant 0 : index
      %get3A_446 = tpu.vector_load %arg7[%get3A_444, %get3A_445] {strides = array<i32>} : memref<2048x16xf32, #tpu.memory_space<vmem>>, vector<16xf32>,
      %add3A_447 = arith.addf %get3A_446, %add3A_274 : vector<16xf32>
      %min3A_448 = arith.constant 0.000000e+00 : f32
      %min3A_449 = vector.broadcast %min3A_448 : f32 to vector<16xf32>
      %min3A_450 = arith.minimumf %add3A_447, %min3A_449 : vector<16xf32>
      %mul3A_451 = vector.broadcast %squeeze3A_39 : f32 to vector<16xf32>
      %mul3A_452 = arith.mulf %mul3A_451, %min3A_450 : vector<16xf32>
      %swap3A_453 = arith.index_cast %scan3A_443 : i32 to index
      %swap3A_454 = arith.constant 0 : index
      %swap3A_455 = tpu.vector_load %arg7[%swap3A_453, %swap3A_454] {strides = array<i32>} : memref<2048x16xf32, #tpu.memory_space<vmem>>, vector<16xf32>,
      tpu.vector_store %arg7[%swap3A_453, %swap3A_454], %mul3A_452 {strides = array<i32>} : memref<2048x16xf32, #tpu.memory_space<vmem>>, vector<16xf32>,
      %scan3A_456 = arith.constant 0 : i32
      %scan3A_457 = arith.constant 6 : i32
      %scan3A_458 = arith.addi %scan3A_367, %scan3A_457 : i32
      %get3A_459 = arith.index_cast %scan3A_458 : i32 to index
      %get3A_460 = arith.constant 0 : index
      %get3A_461 = tpu.vector_load %arg7[%get3A_459, %get3A_460] {strides = array<i32>} : memref<2048x16xf32, #tpu.memory_space<vmem>>, vector<16xf32>,
      %add3A_462 = arith.addf %get3A_461, %add3A_274 : vector<16xf32>
      %min3A_463 = arith.constant 0.000000e+00 : f32
      %min3A_464 = vector.broadcast %min3A_463 : f32 to vector<16xf32>
      %min3A_465 = arith.minimumf %add3A_462, %min3A_464 : vector<16xf32>
      %mul3A_466 = vector.broadcast %squeeze3A_39 : f32 to vector<16xf32>
      %mul3A_467 = arith.mulf %mul3A_466, %min3A_465 : vector<16xf32>
      %swap3A_468 = arith.index_cast %scan3A_458 : i32 to index
      %swap3A_469 = arith.constant 0 : index
      %swap3A_470 = tpu.vector_load %arg7[%swap3A_468, %swap3A_469] {strides = array<i32>} : memref<2048x16xf32, #tpu.memory_space<vmem>>, vector<16xf32>,
      tpu.vector_store %arg7[%swap3A_468, %swap3A_469], %mul3A_467 {strides = array<i32>} : memref<2048x16xf32, #tpu.memory_space<vmem>>, vector<16xf32>,
      %scan3A_471 = arith.constant 0 : i32
      %scan3A_472 = arith.constant 7 : i32
      %scan3A_473 = arith.addi %scan3A_367, %scan3A_472 : i32
      %get3A_474 = arith.index_cast %scan3A_473 : i32 to index
      %get3A_475 = arith.constant 0 : index
      %get3A_476 = tpu.vector_load %arg7[%get3A_474, %get3A_475] {strides = array<i32>} : memref<2048x16xf32, #tpu.memory_space<vmem>>, vector<16xf32>,
      %add3A_477 = arith.addf %get3A_476, %add3A_274 : vector<16xf32>
      %min3A_478 = arith.constant 0.000000e+00 : f32
      %min3A_479 = vector.broadcast %min3A_478 : f32 to vector<16xf32>
      %min3A_480 = arith.minimumf %add3A_477, %min3A_479 : vector<16xf32>
      %mul3A_481 = vector.broadcast %squeeze3A_39 : f32 to vector<16xf32>
      %mul3A_482 = arith.mulf %mul3A_481, %min3A_480 : vector<16xf32>
      %swap3A_483 = arith.index_cast %scan3A_473 : i32 to index
      %swap3A_484 = arith.constant 0 : index
      %swap3A_485 = tpu.vector_load %arg7[%swap3A_483, %swap3A_484] {strides = array<i32>} : memref<2048x16xf32, #tpu.memory_space<vmem>>, vector<16xf32>,
      tpu.vector_store %arg7[%swap3A_483, %swap3A_484], %mul3A_482 {strides = array<i32>} : memref<2048x16xf32, #tpu.memory_space<vmem>>, vector<16xf32>,
      %scan3A_486 = arith.constant 0 : i32
      scf.yield %scan3A_486 : i32
    }
    %scan3A_316 = arith.constant 2048 : i32
    %add3A_317 = arith.constant 2048 : i32
    %add3A_318 = arith.addi %mul3A_34, %add3A_317 : i32
    %dma_start3A_319 = tpu.memref_slice %arg5[%add3A_318, %mul3A_32] : memref<32768x128xf32, #tpu.memory_space<hbm>> -> memref<2048x16xf32, #tpu.memory_space<hbm>>
    %dma_start3A_320 = tpu.memref_slice %arg5[%add3A_318, %mul3A_32] : memref<32768x128xf32, #tpu.memory_space<hbm>> -> memref<2048x16xf32, #tpu.memory_space<hbm>>
    tpu.enqueue_dma source(%arg7 : memref<2048x16xf32, #tpu.memory_space<vmem>>) target(%dma_start3A_320 : memref<2048x16xf32, #tpu.memory_space<hbm>>) target_semaphore(%arg14 : memref<!tpu.dma_semaphore, #tpu.memory_space<semaphore_mem>>)
    %add3A_321 = arith.constant 2048 : i32
    %add3A_322 = arith.addi %mul3A_34, %add3A_321 : i32
    %dma_wait3A_323 = tpu.memref_slice %arg5[%add3A_322, %mul3A_32] : memref<32768x128xf32, #tpu.memory_space<hbm>> -> memref<2048x16xf32, #tpu.memory_space<hbm>>
    %dma_wait3A_324 = tpu.memref_slice %arg5[%add3A_322, %mul3A_32] : memref<32768x128xf32, #tpu.memory_space<hbm>> -> memref<2048x16xf32, #tpu.memory_space<hbm>>
    tpu.wait_dma2 semaphore(%arg14 : memref<!tpu.dma_semaphore, #tpu.memory_space<semaphore_mem>>) src(%arg7 : memref<2048x16xf32, #tpu.memory_space<vmem>>) dst(%dma_wait3A_324 : memref<2048x16xf32, #tpu.memory_space<hbm>>)
    %add3A_325 = arith.constant 6144 : i32
    %add3A_326 = arith.addi %mul3A_34, %add3A_325 : i32
    %dma_start3A_327 = tpu.memref_slice %arg4[%add3A_326, %mul3A_32] : memref<32768x128xf32, #tpu.memory_space<hbm>> -> memref<2048x16xf32, #tpu.memory_space<hbm>>
    %dma_start3A_328 = tpu.memref_slice %arg4[%add3A_326, %mul3A_32] : memref<32768x128xf32, #tpu.memory_space<hbm>> -> memref<2048x16xf32, #tpu.memory_space<hbm>>
    tpu.enqueue_dma source(%dma_start3A_328 : memref<2048x16xf32, #tpu.memory_space<hbm>>) target(%arg7 : memref<2048x16xf32, #tpu.memory_space<vmem>>) target_semaphore(%arg12 : memref<!tpu.dma_semaphore, #tpu.memory_space<semaphore_mem>>)
    %add3A_329 = arith.constant 4096 : i32
    %add3A_330 = arith.addi %mul3A_34, %add3A_329 : i32
    %dma_wait3A_331 = tpu.memref_slice %arg4[%add3A_330, %mul3A_32] : memref<32768x128xf32, #tpu.memory_space<hbm>> -> memref<2048x16xf32, #tpu.memory_space<hbm>>
    %dma_wait3A_332 = tpu.memref_slice %arg4[%add3A_330, %mul3A_32] : memref<32768x128xf32, #tpu.memory_space<hbm>> -> memref<2048x16xf32, #tpu.memory_space<hbm>>
    tpu.wait_dma2 semaphore(%arg11 : memref<!tpu.dma_semaphore, #tpu.memory_space<semaphore_mem>>) src(%dma_wait3A_332 : memref<2048x16xf32, #tpu.memory_space<hbm>>) dst(%arg6 : memref<2048x16xf32, #tpu.memory_space<vmem>>)
    %scan3A_333 = arith.constant 0 : i32
    %scan3A_334 = arith.constant 0 : i32
    %scan3A_335 = arith.constant 2048 : i32
    %scan3A_336 = arith.addi %scan3A_334, %scan3A_335 : i32
    %scan3A_337 = arith.constant 8 : i32
    %scan3A_338 = scf.for %scan3A_367 = %scan3A_334 to %scan3A_336 step %scan3A_337 iter_args(%scan3A_368 = %scan3A_333) -> (i32)  : i32 {
      %get3A_369 = arith.index_cast %scan3A_367 : i32 to index
      %get3A_370 = arith.constant 0 : index
      %get3A_371 = tpu.vector_load %arg6[%get3A_369, %get3A_370] {strides = array<i32>} : memref<2048x16xf32, #tpu.memory_space<vmem>>, vector<16xf32>,
      %add3A_372 = arith.addf %get3A_371, %add3A_274 : vector<16xf32>
      %min3A_373 = arith.constant 0.000000e+00 : f32
      %min3A_374 = vector.broadcast %min3A_373 : f32 to vector<16xf32>
      %min3A_375 = arith.minimumf %add3A_372, %min3A_374 : vector<16xf32>
      %mul3A_376 = vector.broadcast %squeeze3A_39 : f32 to vector<16xf32>
      %mul3A_377 = arith.mulf %mul3A_376, %min3A_375 : vector<16xf32>
      %swap3A_378 = arith.index_cast %scan3A_367 : i32 to index
      %swap3A_379 = arith.constant 0 : index
      %swap3A_380 = tpu.vector_load %arg6[%swap3A_378, %swap3A_379] {strides = array<i32>} : memref<2048x16xf32, #tpu.memory_space<vmem>>, vector<16xf32>,
      tpu.vector_store %arg6[%swap3A_378, %swap3A_379], %mul3A_377 {strides = array<i32>} : memref<2048x16xf32, #tpu.memory_space<vmem>>, vector<16xf32>,
      %scan3A_381 = arith.constant 0 : i32
      %scan3A_382 = arith.constant 1 : i32
      %scan3A_383 = arith.addi %scan3A_367, %scan3A_382 : i32
      %get3A_384 = arith.index_cast %scan3A_383 : i32 to index
      %get3A_385 = arith.constant 0 : index
      %get3A_386 = tpu.vector_load %arg6[%get3A_384, %get3A_385] {strides = array<i32>} : memref<2048x16xf32, #tpu.memory_space<vmem>>, vector<16xf32>,
      %add3A_387 = arith.addf %get3A_386, %add3A_274 : vector<16xf32>
      %min3A_388 = arith.constant 0.000000e+00 : f32
      %min3A_389 = vector.broadcast %min3A_388 : f32 to vector<16xf32>
      %min3A_390 = arith.minimumf %add3A_387, %min3A_389 : vector<16xf32>
      %mul3A_391 = vector.broadcast %squeeze3A_39 : f32 to vector<16xf32>
      %mul3A_392 = arith.mulf %mul3A_391, %min3A_390 : vector<16xf32>
      %swap3A_393 = arith.index_cast %scan3A_383 : i32 to index
      %swap3A_394 = arith.constant 0 : index
      %swap3A_395 = tpu.vector_load %arg6[%swap3A_393, %swap3A_394] {strides = array<i32>} : memref<2048x16xf32, #tpu.memory_space<vmem>>, vector<16xf32>,
      tpu.vector_store %arg6[%swap3A_393, %swap3A_394], %mul3A_392 {strides = array<i32>} : memref<2048x16xf32, #tpu.memory_space<vmem>>, vector<16xf32>,
      %scan3A_396 = arith.constant 0 : i32
      %scan3A_397 = arith.constant 2 : i32
      %scan3A_398 = arith.addi %scan3A_367, %scan3A_397 : i32
      %get3A_399 = arith.index_cast %scan3A_398 : i32 to index
      %get3A_400 = arith.constant 0 : index
      %get3A_401 = tpu.vector_load %arg6[%get3A_399, %get3A_400] {strides = array<i32>} : memref<2048x16xf32, #tpu.memory_space<vmem>>, vector<16xf32>,
      %add3A_402 = arith.addf %get3A_401, %add3A_274 : vector<16xf32>
      %min3A_403 = arith.constant 0.000000e+00 : f32
      %min3A_404 = vector.broadcast %min3A_403 : f32 to vector<16xf32>
      %min3A_405 = arith.minimumf %add3A_402, %min3A_404 : vector<16xf32>
      %mul3A_406 = vector.broadcast %squeeze3A_39 : f32 to vector<16xf32>
      %mul3A_407 = arith.mulf %mul3A_406, %min3A_405 : vector<16xf32>
      %swap3A_408 = arith.index_cast %scan3A_398 : i32 to index
      %swap3A_409 = arith.constant 0 : index
      %swap3A_410 = tpu.vector_load %arg6[%swap3A_408, %swap3A_409] {strides = array<i32>} : memref<2048x16xf32, #tpu.memory_space<vmem>>, vector<16xf32>,
      tpu.vector_store %arg6[%swap3A_408, %swap3A_409], %mul3A_407 {strides = array<i32>} : memref<2048x16xf32, #tpu.memory_space<vmem>>, vector<16xf32>,
      %scan3A_411 = arith.constant 0 : i32
      %scan3A_412 = arith.constant 3 : i32
      %scan3A_413 = arith.addi %scan3A_367, %scan3A_412 : i32
      %get3A_414 = arith.index_cast %scan3A_413 : i32 to index
      %get3A_415 = arith.constant 0 : index
      %get3A_416 = tpu.vector_load %arg6[%get3A_414, %get3A_415] {strides = array<i32>} : memref<2048x16xf32, #tpu.memory_space<vmem>>, vector<16xf32>,
      %add3A_417 = arith.addf %get3A_416, %add3A_274 : vector<16xf32>
      %min3A_418 = arith.constant 0.000000e+00 : f32
      %min3A_419 = vector.broadcast %min3A_418 : f32 to vector<16xf32>
      %min3A_420 = arith.minimumf %add3A_417, %min3A_419 : vector<16xf32>
      %mul3A_421 = vector.broadcast %squeeze3A_39 : f32 to vector<16xf32>
      %mul3A_422 = arith.mulf %mul3A_421, %min3A_420 : vector<16xf32>
      %swap3A_423 = arith.index_cast %scan3A_413 : i32 to index
      %swap3A_424 = arith.constant 0 : index
      %swap3A_425 = tpu.vector_load %arg6[%swap3A_423, %swap3A_424] {strides = array<i32>} : memref<2048x16xf32, #tpu.memory_space<vmem>>, vector<16xf32>,
      tpu.vector_store %arg6[%swap3A_423, %swap3A_424], %mul3A_422 {strides = array<i32>} : memref<2048x16xf32, #tpu.memory_space<vmem>>, vector<16xf32>,
      %scan3A_426 = arith.constant 0 : i32
      %scan3A_427 = arith.constant 4 : i32
      %scan3A_428 = arith.addi %scan3A_367, %scan3A_427 : i32
      %get3A_429 = arith.index_cast %scan3A_428 : i32 to index
      %get3A_430 = arith.constant 0 : index
      %get3A_431 = tpu.vector_load %arg6[%get3A_429, %get3A_430] {strides = array<i32>} : memref<2048x16xf32, #tpu.memory_space<vmem>>, vector<16xf32>,
      %add3A_432 = arith.addf %get3A_431, %add3A_274 : vector<16xf32>
      %min3A_433 = arith.constant 0.000000e+00 : f32
      %min3A_434 = vector.broadcast %min3A_433 : f32 to vector<16xf32>
      %min3A_435 = arith.minimumf %add3A_432, %min3A_434 : vector<16xf32>
      %mul3A_436 = vector.broadcast %squeeze3A_39 : f32 to vector<16xf32>
      %mul3A_437 = arith.mulf %mul3A_436, %min3A_435 : vector<16xf32>
      %swap3A_438 = arith.index_cast %scan3A_428 : i32 to index
      %swap3A_439 = arith.constant 0 : index
      %swap3A_440 = tpu.vector_load %arg6[%swap3A_438, %swap3A_439] {strides = array<i32>} : memref<2048x16xf32, #tpu.memory_space<vmem>>, vector<16xf32>,
      tpu.vector_store %arg6[%swap3A_438, %swap3A_439], %mul3A_437 {strides = array<i32>} : memref<2048x16xf32, #tpu.memory_space<vmem>>, vector<16xf32>,
      %scan3A_441 = arith.constant 0 : i32
      %scan3A_442 = arith.constant 5 : i32
      %scan3A_443 = arith.addi %scan3A_367, %scan3A_442 : i32
      %get3A_444 = arith.index_cast %scan3A_443 : i32 to index
      %get3A_445 = arith.constant 0 : index
      %get3A_446 = tpu.vector_load %arg6[%get3A_444, %get3A_445] {strides = array<i32>} : memref<2048x16xf32, #tpu.memory_space<vmem>>, vector<16xf32>,
      %add3A_447 = arith.addf %get3A_446, %add3A_274 : vector<16xf32>
      %min3A_448 = arith.constant 0.000000e+00 : f32
      %min3A_449 = vector.broadcast %min3A_448 : f32 to vector<16xf32>
      %min3A_450 = arith.minimumf %add3A_447, %min3A_449 : vector<16xf32>
      %mul3A_451 = vector.broadcast %squeeze3A_39 : f32 to vector<16xf32>
      %mul3A_452 = arith.mulf %mul3A_451, %min3A_450 : vector<16xf32>
      %swap3A_453 = arith.index_cast %scan3A_443 : i32 to index
      %swap3A_454 = arith.constant 0 : index
      %swap3A_455 = tpu.vector_load %arg6[%swap3A_453, %swap3A_454] {strides = array<i32>} : memref<2048x16xf32, #tpu.memory_space<vmem>>, vector<16xf32>,
      tpu.vector_store %arg6[%swap3A_453, %swap3A_454], %mul3A_452 {strides = array<i32>} : memref<2048x16xf32, #tpu.memory_space<vmem>>, vector<16xf32>,
      %scan3A_456 = arith.constant 0 : i32
      %scan3A_457 = arith.constant 6 : i32
      %scan3A_458 = arith.addi %scan3A_367, %scan3A_457 : i32
      %get3A_459 = arith.index_cast %scan3A_458 : i32 to index
      %get3A_460 = arith.constant 0 : index
      %get3A_461 = tpu.vector_load %arg6[%get3A_459, %get3A_460] {strides = array<i32>} : memref<2048x16xf32, #tpu.memory_space<vmem>>, vector<16xf32>,
      %add3A_462 = arith.addf %get3A_461, %add3A_274 : vector<16xf32>
      %min3A_463 = arith.constant 0.000000e+00 : f32
      %min3A_464 = vector.broadcast %min3A_463 : f32 to vector<16xf32>
      %min3A_465 = arith.minimumf %add3A_462, %min3A_464 : vector<16xf32>
      %mul3A_466 = vector.broadcast %squeeze3A_39 : f32 to vector<16xf32>
      %mul3A_467 = arith.mulf %mul3A_466, %min3A_465 : vector<16xf32>
      %swap3A_468 = arith.index_cast %scan3A_458 : i32 to index
      %swap3A_469 = arith.constant 0 : index
      %swap3A_470 = tpu.vector_load %arg6[%swap3A_468, %swap3A_469] {strides = array<i32>} : memref<2048x16xf32, #tpu.memory_space<vmem>>, vector<16xf32>,
      tpu.vector_store %arg6[%swap3A_468, %swap3A_469], %mul3A_467 {strides = array<i32>} : memref<2048x16xf32, #tpu.memory_space<vmem>>, vector<16xf32>,
      %scan3A_471 = arith.constant 0 : i32
      %scan3A_472 = arith.constant 7 : i32
      %scan3A_473 = arith.addi %scan3A_367, %scan3A_472 : i32
      %get3A_474 = arith.index_cast %scan3A_473 : i32 to index
      %get3A_475 = arith.constant 0 : index
      %get3A_476 = tpu.vector_load %arg6[%get3A_474, %get3A_475] {strides = array<i32>} : memref<2048x16xf32, #tpu.memory_space<vmem>>, vector<16xf32>,
      %add3A_477 = arith.addf %get3A_476, %add3A_274 : vector<16xf32>
      %min3A_478 = arith.constant 0.000000e+00 : f32
      %min3A_479 = vector.broadcast %min3A_478 : f32 to vector<16xf32>
      %min3A_480 = arith.minimumf %add3A_477, %min3A_479 : vector<16xf32>
      %mul3A_481 = vector.broadcast %squeeze3A_39 : f32 to vector<16xf32>
      %mul3A_482 = arith.mulf %mul3A_481, %min3A_480 : vector<16xf32>
      %swap3A_483 = arith.index_cast %scan3A_473 : i32 to index
      %swap3A_484 = arith.constant 0 : index
      %swap3A_485 = tpu.vector_load %arg6[%swap3A_483, %swap3A_484] {strides = array<i32>} : memref<2048x16xf32, #tpu.memory_space<vmem>>, vector<16xf32>,
      tpu.vector_store %arg6[%swap3A_483, %swap3A_484], %mul3A_482 {strides = array<i32>} : memref<2048x16xf32, #tpu.memory_space<vmem>>, vector<16xf32>,
      %scan3A_486 = arith.constant 0 : i32
      scf.yield %scan3A_486 : i32
    }
    %scan3A_339 = arith.constant 2048 : i32
    %add3A_340 = arith.constant 4096 : i32
    %add3A_341 = arith.addi %mul3A_34, %add3A_340 : i32
    %dma_start3A_342 = tpu.memref_slice %arg5[%add3A_341, %mul3A_32] : memref<32768x128xf32, #tpu.memory_space<hbm>> -> memref<2048x16xf32, #tpu.memory_space<hbm>>
    %dma_start3A_343 = tpu.memref_slice %arg5[%add3A_341, %mul3A_32] : memref<32768x128xf32, #tpu.memory_space<hbm>> -> memref<2048x16xf32, #tpu.memory_space<hbm>>
    tpu.enqueue_dma source(%arg6 : memref<2048x16xf32, #tpu.memory_space<vmem>>) target(%dma_start3A_343 : memref<2048x16xf32, #tpu.memory_space<hbm>>) target_semaphore(%arg13 : memref<!tpu.dma_semaphore, #tpu.memory_space<semaphore_mem>>)
    %add3A_344 = arith.constant 6144 : i32
    %add3A_345 = arith.addi %mul3A_34, %add3A_344 : i32
    %dma_wait3A_346 = tpu.memref_slice %arg4[%add3A_345, %mul3A_32] : memref<32768x128xf32, #tpu.memory_space<hbm>> -> memref<2048x16xf32, #tpu.memory_space<hbm>>
    %dma_wait3A_347 = tpu.memref_slice %arg4[%add3A_345, %mul3A_32] : memref<32768x128xf32, #tpu.memory_space<hbm>> -> memref<2048x16xf32, #tpu.memory_space<hbm>>
    tpu.wait_dma2 semaphore(%arg12 : memref<!tpu.dma_semaphore, #tpu.memory_space<semaphore_mem>>) src(%dma_wait3A_347 : memref<2048x16xf32, #tpu.memory_space<hbm>>) dst(%arg7 : memref<2048x16xf32, #tpu.memory_space<vmem>>)
    %scan3A_348 = arith.constant 0 : i32
    %scan3A_349 = arith.constant 0 : i32
    %scan3A_350 = arith.constant 2048 : i32
    %scan3A_351 = arith.addi %scan3A_349, %scan3A_350 : i32
    %scan3A_352 = arith.constant 8 : i32
    %scan3A_353 = scf.for %scan3A_367 = %scan3A_349 to %scan3A_351 step %scan3A_352 iter_args(%scan3A_368 = %scan3A_348) -> (i32)  : i32 {
      %get3A_369 = arith.index_cast %scan3A_367 : i32 to index
      %get3A_370 = arith.constant 0 : index
      %get3A_371 = tpu.vector_load %arg7[%get3A_369, %get3A_370] {strides = array<i32>} : memref<2048x16xf32, #tpu.memory_space<vmem>>, vector<16xf32>,
      %add3A_372 = arith.addf %get3A_371, %add3A_274 : vector<16xf32>
      %min3A_373 = arith.constant 0.000000e+00 : f32
      %min3A_374 = vector.broadcast %min3A_373 : f32 to vector<16xf32>
      %min3A_375 = arith.minimumf %add3A_372, %min3A_374 : vector<16xf32>
      %mul3A_376 = vector.broadcast %squeeze3A_39 : f32 to vector<16xf32>
      %mul3A_377 = arith.mulf %mul3A_376, %min3A_375 : vector<16xf32>
      %swap3A_378 = arith.index_cast %scan3A_367 : i32 to index
      %swap3A_379 = arith.constant 0 : index
      %swap3A_380 = tpu.vector_load %arg7[%swap3A_378, %swap3A_379] {strides = array<i32>} : memref<2048x16xf32, #tpu.memory_space<vmem>>, vector<16xf32>,
      tpu.vector_store %arg7[%swap3A_378, %swap3A_379], %mul3A_377 {strides = array<i32>} : memref<2048x16xf32, #tpu.memory_space<vmem>>, vector<16xf32>,
      %scan3A_381 = arith.constant 0 : i32
      %scan3A_382 = arith.constant 1 : i32
      %scan3A_383 = arith.addi %scan3A_367, %scan3A_382 : i32
      %get3A_384 = arith.index_cast %scan3A_383 : i32 to index
      %get3A_385 = arith.constant 0 : index
      %get3A_386 = tpu.vector_load %arg7[%get3A_384, %get3A_385] {strides = array<i32>} : memref<2048x16xf32, #tpu.memory_space<vmem>>, vector<16xf32>,
      %add3A_387 = arith.addf %get3A_386, %add3A_274 : vector<16xf32>
      %min3A_388 = arith.constant 0.000000e+00 : f32
      %min3A_389 = vector.broadcast %min3A_388 : f32 to vector<16xf32>
      %min3A_390 = arith.minimumf %add3A_387, %min3A_389 : vector<16xf32>
      %mul3A_391 = vector.broadcast %squeeze3A_39 : f32 to vector<16xf32>
      %mul3A_392 = arith.mulf %mul3A_391, %min3A_390 : vector<16xf32>
      %swap3A_393 = arith.index_cast %scan3A_383 : i32 to index
      %swap3A_394 = arith.constant 0 : index
      %swap3A_395 = tpu.vector_load %arg7[%swap3A_393, %swap3A_394] {strides = array<i32>} : memref<2048x16xf32, #tpu.memory_space<vmem>>, vector<16xf32>,
      tpu.vector_store %arg7[%swap3A_393, %swap3A_394], %mul3A_392 {strides = array<i32>} : memref<2048x16xf32, #tpu.memory_space<vmem>>, vector<16xf32>,
      %scan3A_396 = arith.constant 0 : i32
      %scan3A_397 = arith.constant 2 : i32
      %scan3A_398 = arith.addi %scan3A_367, %scan3A_397 : i32
      %get3A_399 = arith.index_cast %scan3A_398 : i32 to index
      %get3A_400 = arith.constant 0 : index
      %get3A_401 = tpu.vector_load %arg7[%get3A_399, %get3A_400] {strides = array<i32>} : memref<2048x16xf32, #tpu.memory_space<vmem>>, vector<16xf32>,
      %add3A_402 = arith.addf %get3A_401, %add3A_274 : vector<16xf32>
      %min3A_403 = arith.constant 0.000000e+00 : f32
      %min3A_404 = vector.broadcast %min3A_403 : f32 to vector<16xf32>
      %min3A_405 = arith.minimumf %add3A_402, %min3A_404 : vector<16xf32>
      %mul3A_406 = vector.broadcast %squeeze3A_39 : f32 to vector<16xf32>
      %mul3A_407 = arith.mulf %mul3A_406, %min3A_405 : vector<16xf32>
      %swap3A_408 = arith.index_cast %scan3A_398 : i32 to index
      %swap3A_409 = arith.constant 0 : index
      %swap3A_410 = tpu.vector_load %arg7[%swap3A_408, %swap3A_409] {strides = array<i32>} : memref<2048x16xf32, #tpu.memory_space<vmem>>, vector<16xf32>,
      tpu.vector_store %arg7[%swap3A_408, %swap3A_409], %mul3A_407 {strides = array<i32>} : memref<2048x16xf32, #tpu.memory_space<vmem>>, vector<16xf32>,
      %scan3A_411 = arith.constant 0 : i32
      %scan3A_412 = arith.constant 3 : i32
      %scan3A_413 = arith.addi %scan3A_367, %scan3A_412 : i32
      %get3A_414 = arith.index_cast %scan3A_413 : i32 to index
      %get3A_415 = arith.constant 0 : index
      %get3A_416 = tpu.vector_load %arg7[%get3A_414, %get3A_415] {strides = array<i32>} : memref<2048x16xf32, #tpu.memory_space<vmem>>, vector<16xf32>,
      %add3A_417 = arith.addf %get3A_416, %add3A_274 : vector<16xf32>
      %min3A_418 = arith.constant 0.000000e+00 : f32
      %min3A_419 = vector.broadcast %min3A_418 : f32 to vector<16xf32>
      %min3A_420 = arith.minimumf %add3A_417, %min3A_419 : vector<16xf32>
      %mul3A_421 = vector.broadcast %squeeze3A_39 : f32 to vector<16xf32>
      %mul3A_422 = arith.mulf %mul3A_421, %min3A_420 : vector<16xf32>
      %swap3A_423 = arith.index_cast %scan3A_413 : i32 to index
      %swap3A_424 = arith.constant 0 : index
      %swap3A_425 = tpu.vector_load %arg7[%swap3A_423, %swap3A_424] {strides = array<i32>} : memref<2048x16xf32, #tpu.memory_space<vmem>>, vector<16xf32>,
      tpu.vector_store %arg7[%swap3A_423, %swap3A_424], %mul3A_422 {strides = array<i32>} : memref<2048x16xf32, #tpu.memory_space<vmem>>, vector<16xf32>,
      %scan3A_426 = arith.constant 0 : i32
      %scan3A_427 = arith.constant 4 : i32
      %scan3A_428 = arith.addi %scan3A_367, %scan3A_427 : i32
      %get3A_429 = arith.index_cast %scan3A_428 : i32 to index
      %get3A_430 = arith.constant 0 : index
      %get3A_431 = tpu.vector_load %arg7[%get3A_429, %get3A_430] {strides = array<i32>} : memref<2048x16xf32, #tpu.memory_space<vmem>>, vector<16xf32>,
      %add3A_432 = arith.addf %get3A_431, %add3A_274 : vector<16xf32>
      %min3A_433 = arith.constant 0.000000e+00 : f32
      %min3A_434 = vector.broadcast %min3A_433 : f32 to vector<16xf32>
      %min3A_435 = arith.minimumf %add3A_432, %min3A_434 : vector<16xf32>
      %mul3A_436 = vector.broadcast %squeeze3A_39 : f32 to vector<16xf32>
      %mul3A_437 = arith.mulf %mul3A_436, %min3A_435 : vector<16xf32>
      %swap3A_438 = arith.index_cast %scan3A_428 : i32 to index
      %swap3A_439 = arith.constant 0 : index
      %swap3A_440 = tpu.vector_load %arg7[%swap3A_438, %swap3A_439] {strides = array<i32>} : memref<2048x16xf32, #tpu.memory_space<vmem>>, vector<16xf32>,
      tpu.vector_store %arg7[%swap3A_438, %swap3A_439], %mul3A_437 {strides = array<i32>} : memref<2048x16xf32, #tpu.memory_space<vmem>>, vector<16xf32>,
      %scan3A_441 = arith.constant 0 : i32
      %scan3A_442 = arith.constant 5 : i32
      %scan3A_443 = arith.addi %scan3A_367, %scan3A_442 : i32
      %get3A_444 = arith.index_cast %scan3A_443 : i32 to index
      %get3A_445 = arith.constant 0 : index
      %get3A_446 = tpu.vector_load %arg7[%get3A_444, %get3A_445] {strides = array<i32>} : memref<2048x16xf32, #tpu.memory_space<vmem>>, vector<16xf32>,
      %add3A_447 = arith.addf %get3A_446, %add3A_274 : vector<16xf32>
      %min3A_448 = arith.constant 0.000000e+00 : f32
      %min3A_449 = vector.broadcast %min3A_448 : f32 to vector<16xf32>
      %min3A_450 = arith.minimumf %add3A_447, %min3A_449 : vector<16xf32>
      %mul3A_451 = vector.broadcast %squeeze3A_39 : f32 to vector<16xf32>
      %mul3A_452 = arith.mulf %mul3A_451, %min3A_450 : vector<16xf32>
      %swap3A_453 = arith.index_cast %scan3A_443 : i32 to index
      %swap3A_454 = arith.constant 0 : index
      %swap3A_455 = tpu.vector_load %arg7[%swap3A_453, %swap3A_454] {strides = array<i32>} : memref<2048x16xf32, #tpu.memory_space<vmem>>, vector<16xf32>,
      tpu.vector_store %arg7[%swap3A_453, %swap3A_454], %mul3A_452 {strides = array<i32>} : memref<2048x16xf32, #tpu.memory_space<vmem>>, vector<16xf32>,
      %scan3A_456 = arith.constant 0 : i32
      %scan3A_457 = arith.constant 6 : i32
      %scan3A_458 = arith.addi %scan3A_367, %scan3A_457 : i32
      %get3A_459 = arith.index_cast %scan3A_458 : i32 to index
      %get3A_460 = arith.constant 0 : index
      %get3A_461 = tpu.vector_load %arg7[%get3A_459, %get3A_460] {strides = array<i32>} : memref<2048x16xf32, #tpu.memory_space<vmem>>, vector<16xf32>,
      %add3A_462 = arith.addf %get3A_461, %add3A_274 : vector<16xf32>
      %min3A_463 = arith.constant 0.000000e+00 : f32
      %min3A_464 = vector.broadcast %min3A_463 : f32 to vector<16xf32>
      %min3A_465 = arith.minimumf %add3A_462, %min3A_464 : vector<16xf32>
      %mul3A_466 = vector.broadcast %squeeze3A_39 : f32 to vector<16xf32>
      %mul3A_467 = arith.mulf %mul3A_466, %min3A_465 : vector<16xf32>
      %swap3A_468 = arith.index_cast %scan3A_458 : i32 to index
      %swap3A_469 = arith.constant 0 : index
      %swap3A_470 = tpu.vector_load %arg7[%swap3A_468, %swap3A_469] {strides = array<i32>} : memref<2048x16xf32, #tpu.memory_space<vmem>>, vector<16xf32>,
      tpu.vector_store %arg7[%swap3A_468, %swap3A_469], %mul3A_467 {strides = array<i32>} : memref<2048x16xf32, #tpu.memory_space<vmem>>, vector<16xf32>,
      %scan3A_471 = arith.constant 0 : i32
      %scan3A_472 = arith.constant 7 : i32
      %scan3A_473 = arith.addi %scan3A_367, %scan3A_472 : i32
      %get3A_474 = arith.index_cast %scan3A_473 : i32 to index
      %get3A_475 = arith.constant 0 : index
      %get3A_476 = tpu.vector_load %arg7[%get3A_474, %get3A_475] {strides = array<i32>} : memref<2048x16xf32, #tpu.memory_space<vmem>>, vector<16xf32>,
      %add3A_477 = arith.addf %get3A_476, %add3A_274 : vector<16xf32>
      %min3A_478 = arith.constant 0.000000e+00 : f32
      %min3A_479 = vector.broadcast %min3A_478 : f32 to vector<16xf32>
      %min3A_480 = arith.minimumf %add3A_477, %min3A_479 : vector<16xf32>
      %mul3A_481 = vector.broadcast %squeeze3A_39 : f32 to vector<16xf32>
      %mul3A_482 = arith.mulf %mul3A_481, %min3A_480 : vector<16xf32>
      %swap3A_483 = arith.index_cast %scan3A_473 : i32 to index
      %swap3A_484 = arith.constant 0 : index
      %swap3A_485 = tpu.vector_load %arg7[%swap3A_483, %swap3A_484] {strides = array<i32>} : memref<2048x16xf32, #tpu.memory_space<vmem>>, vector<16xf32>,
      tpu.vector_store %arg7[%swap3A_483, %swap3A_484], %mul3A_482 {strides = array<i32>} : memref<2048x16xf32, #tpu.memory_space<vmem>>, vector<16xf32>,
      %scan3A_486 = arith.constant 0 : i32
      scf.yield %scan3A_486 : i32
    }
    %scan3A_354 = arith.constant 2048 : i32
    %add3A_355 = arith.constant 6144 : i32
    %add3A_356 = arith.addi %mul3A_34, %add3A_355 : i32
    %dma_start3A_357 = tpu.memref_slice %arg5[%add3A_356, %mul3A_32] : memref<32768x128xf32, #tpu.memory_space<hbm>> -> memref<2048x16xf32, #tpu.memory_space<hbm>>
    %dma_start3A_358 = tpu.memref_slice %arg5[%add3A_356, %mul3A_32] : memref<32768x128xf32, #tpu.memory_space<hbm>> -> memref<2048x16xf32, #tpu.memory_space<hbm>>
    tpu.enqueue_dma source(%arg7 : memref<2048x16xf32, #tpu.memory_space<vmem>>) target(%dma_start3A_358 : memref<2048x16xf32, #tpu.memory_space<hbm>>) target_semaphore(%arg14 : memref<!tpu.dma_semaphore, #tpu.memory_space<semaphore_mem>>)
    %add3A_359 = arith.constant 4096 : i32
    %add3A_360 = arith.addi %mul3A_34, %add3A_359 : i32
    %dma_wait3A_361 = tpu.memref_slice %arg5[%add3A_360, %mul3A_32] : memref<32768x128xf32, #tpu.memory_space<hbm>> -> memref<2048x16xf32, #tpu.memory_space<hbm>>
    %dma_wait3A_362 = tpu.memref_slice %arg5[%add3A_360, %mul3A_32] : memref<32768x128xf32, #tpu.memory_space<hbm>> -> memref<2048x16xf32, #tpu.memory_space<hbm>>
    tpu.wait_dma2 semaphore(%arg13 : memref<!tpu.dma_semaphore, #tpu.memory_space<semaphore_mem>>) src(%arg6 : memref<2048x16xf32, #tpu.memory_space<vmem>>) dst(%dma_wait3A_362 : memref<2048x16xf32, #tpu.memory_space<hbm>>)
    %add3A_363 = arith.constant 6144 : i32
    %add3A_364 = arith.addi %mul3A_34, %add3A_363 : i32
    %dma_wait3A_365 = tpu.memref_slice %arg5[%add3A_364, %mul3A_32] : memref<32768x128xf32, #tpu.memory_space<hbm>> -> memref<2048x16xf32, #tpu.memory_space<hbm>>
    %dma_wait3A_366 = tpu.memref_slice %arg5[%add3A_364, %mul3A_32] : memref<32768x128xf32, #tpu.memory_space<hbm>> -> memref<2048x16xf32, #tpu.memory_space<hbm>>
    tpu.wait_dma2 semaphore(%arg14 : memref<!tpu.dma_semaphore, #tpu.memory_space<semaphore_mem>>) src(%arg7 : memref<2048x16xf32, #tpu.memory_space<vmem>>) dst(%dma_wait3A_366 : memref<2048x16xf32, #tpu.memory_space<hbm>>)
    return
  }
}

</mosaic_0001>

<sc_bundles>
// kernel: kernel.3.cloned.1.call-start
scs
__scs_entry_jumppad:
0x0: {  	(pc) =	sbr.rel $0x88, $3  }
0x1: {  	(tag) =	ssettag $0x0;
	lr =	simm.s32 $0x1  }
0x2: {  	[smem:$0x3F9F] =	sst lr;
	_ =	strace $0xD0000000  }
0x3: {  	_ = 	snop  }
0x4: {  	_ = 	snop  }
0x5: {  	_ = 	snop  }
0x6: {  	_ = 	snop  }
0x7: {  	_ = 	snop  }
__scs_overlays_trampoline_lowered:
0x8: {  	[smem:$0x3FAE] =	sst s0  }
0x9: {  	[smem:$0x3FAF] =	sst s1  }
0xa: {  	[smem:$0x3FB0] =	sst s2  }
0xb: {  	[smem:$0x3FB1] =	sst s3  }
0xc: {  	[smem:$0x3FB2] =	sst s4  }
0xd: {  	[smem:$0x3FB3] =	sst s5  }
0xe: {  	[smem:$0x3FB4] =	sst s6  }
0xf: {  	[smem:$0x3FB5] =	sst s7  }
0x10: {  	[smem:$0x3FB6] =	sst s8  }
0x11: {  	[smem:$0x3FB7] =	sst s9;
	s0 =	simm.s32 @!p0 $0x0  }
0x12: {  	s1 =	sld [smem:$0x3F9D];
	s0 =	simm.s32 @p0 $0x1  }
0x13: {  	[smem:$0x3FB8] =	sst s0;
	s0 =	simm.s32 @!p1 $0x0  }
0x14: {  	s2 =	sld [smem:$0x3F9C];
	s0 =	simm.s32 @p1 $0x1  }
0x15: {  	[smem:$0x3FB9] =	sst s0;
	s0 =	simm.s32 @!p2 $0x0  }
0x16: {  	s3 =	sld [smem:$0x3FDB];
	s0 =	simm.s32 @p2 $0x1  }
0x17: {  	s4 =	simm.s32 $0x1BF5;
	[smem:$0x3FBB] =	sst s0  }
0x18: {  	s0 =	sld [smem:$0x3F9E];
	_ =	swait.ge [sflag:s4], $0x0  }
0x19: {  	s7 =	sld [smem:$0x3F9F]  }
0x1a: {  	s8 =	sadd.s32 $0xFFFFE003, lr  }
0x1b: {  	s9 =	sadd.s32 $0xFFFFFEF7, lr;
	s5 =	simm.s32 $0xFFFFFFFF;
	p2 =	slt.u32 s8, $0xFFFFF086  }
0x1c: {  	p1 =	slt.u32 s9, $0xF7A;
	s5 =	simm.s32 @!p2 $0x0  }
0x1d: {  	s5 =	simm.s32 @p1 $0x1;
	p0 =	seq.s32 s7, s2  }
0x1e: {  	s7 =	smul.u32 @!p0 $0xF7A, s2;
	p2 =	seq.s32 @!p0 s5, $0x0  }
0x1f: {  	s9 =	smul.u32 $0xF7A, s1;
	s8 =	simm.s32 @!p0 $0x1BF5;
	p2 =	por !p2, p0  }
0x20: {  	[sflag:s8] =	ssyncset.s32 @!p0 $0xFFFFF086;
	s6 =	sadd.s32 @!p0 s3, s7;
	s7 =	simm.s32 @!p0 $0x108  }
0x21: {  	s3 =	sadd.s32 s3, s9;
	s6 =	sadd.s32 @!p0 $0x88, s6;
	s7 =	simm.s32 @p2 $0x1082  }
0x22: {  	[simem:s7], [sflag:s8] =	dma.local @!p0 [hbm:s6], $0xF7A  }
0x23: {  	s9 =	sor.u32 $0xD0000000, s2;
	s6 =	simm.s32 $0x108;
	_ =	swait.ge @!p0 [sflag:s8], $0x0  }
0x24: {  	s3 =	sadd.s32 $0x88, s3;
	s6 =	simm.s32 @!p1 $0x1082;
	[sflag:s4] =	ssyncset.s32 $0xFFFFF086  }
0x25: {  	[simem:s6], [sflag:s4] =	dma.local [hbm:s3], $0xF7A  }
0x26: {  	[smem:$0x3F9F] =	sst s1;
	(tag) =	ssettag s2;
	_ =	strace s9  }
0x27: {  	s1 =	sld [smem:$0x3FAF]  }
0x28: {  	s2 =	sld [smem:$0x3FB0]  }
0x29: {  	s4 =	sld [smem:$0x3FB2]  }
0x2a: {  	p0 =	seq.s32 s5, $0x0;
	s5 =	sld [smem:$0x3FB3]  }
0x2b: {  	s6 =	sld [smem:$0x3FB4]  }
0x2c: {  	s7 =	sld [smem:$0x3FB5]  }
0x2d: {  	s3 =	simm.s32 $0x108;
	s8 =	sld [smem:$0x3FB6]  }
0x2e: {  	s3 =	simm.s32 @!p0 $0x1082;
	s9 =	sld [smem:$0x3FB7]  }
0x2f: {  	lr =	sadd.s32 s0, s3;
	s0 =	sld [smem:$0x3FAE]  }
0x30: {  	s3 =	sld [smem:$0x3FB1]  }
0x31: {  	[smem:$0x3FBA] =	sst s10  }
0x32: {  	s10 =	sld [smem:$0x3FB8];
	_ =	sdelay $0x3  }
0x33: {  	p0 =	seq.s32 s10, $0x1;
	s10 =	sld [smem:$0x3FBA];
	_ =	sdelay $0x3  }
0x34: {  	[smem:$0x3FBA] =	sst s10  }
0x35: {  	s10 =	sld [smem:$0x3FB9];
	_ =	sdelay $0x3  }
0x36: {  	p1 =	seq.s32 s10, $0x1;
	s10 =	sld [smem:$0x3FBA];
	_ =	sdelay $0x3  }
0x37: {  	[smem:$0x3FBA] =	sst s10  }
0x38: {  	s10 =	sld [smem:$0x3FBB]  }
0x39: {  	_ = 	snop;
	(pc) =	sbr.ind lr, $3  }
0x3a: {  	_ = 	snop  }
0x3b: {  	_ = 	snop  }
0x3c: {  	p2 =	seq.s32 s10, $0x1;
	s10 =	sld [smem:$0x3FBA]  }
0x3d: {  	_ =	shalt  }
0x3e: {  	_ =	shalt  }
0x3f: {  	_ =	shalt  }
0x40: {  	_ =	shalt  }
0x41: {  	_ =	shalt  }
0x42: {  	_ =	shalt  }
0x43: {  	_ =	shalt  }
0x44: {  	_ =	shalt  }
0x45: {  	_ =	shalt  }
0x46: {  	_ =	shalt  }
0x47: {  	_ =	shalt  }
0x48: {  	_ =	shalt  }
0x49: {  	_ =	shalt  }
0x4a: {  	_ =	shalt  }
0x4b: {  	_ =	shalt  }
0x4c: {  	_ =	shalt  }
0x4d: {  	_ =	shalt  }
0x4e: {  	_ =	shalt  }
0x4f: {  	_ =	shalt  }
0x50: {  	_ =	shalt  }
0x51: {  	_ =	shalt  }
0x52: {  	_ =	shalt  }
0x53: {  	_ =	shalt  }
0x54: {  	_ =	shalt  }
0x55: {  	_ =	shalt  }
0x56: {  	_ =	shalt  }
0x57: {  	_ =	shalt  }
0x58: {  	_ =	shalt  }
0x59: {  	_ =	shalt  }
0x5a: {  	_ =	shalt  }
0x5b: {  	_ =	shalt  }
0x5c: {  	_ =	shalt  }
0x5d: {  	_ =	shalt  }
0x5e: {  	_ =	shalt  }
0x5f: {  	_ =	shalt  }
0x60: {  	_ =	shalt  }
0x61: {  	_ =	shalt  }
0x62: {  	_ =	shalt  }
0x63: {  	_ =	shalt  }
0x64: {  	_ =	shalt  }
0x65: {  	_ =	shalt  }
0x66: {  	_ =	shalt  }
0x67: {  	_ =	shalt  }
0x68: {  	_ =	shalt  }
0x69: {  	_ =	shalt  }
0x6a: {  	_ =	shalt  }
0x6b: {  	_ =	shalt  }
0x6c: {  	_ =	shalt  }
0x6d: {  	_ =	shalt  }
0x6e: {  	_ =	shalt  }
0x6f: {  	_ =	shalt  }
0x70: {  	_ =	shalt  }
0x71: {  	_ =	shalt  }
0x72: {  	_ =	shalt  }
0x73: {  	_ =	shalt  }
0x74: {  	_ =	shalt  }
0x75: {  	_ =	shalt  }
0x76: {  	_ =	shalt  }
0x77: {  	_ =	shalt  }
0x78: {  	_ =	shalt  }
0x79: {  	_ =	shalt  }
0x7a: {  	_ =	shalt  }
0x7b: {  	_ =	shalt  }
0x7c: {  	_ =	shalt  }
0x7d: {  	_ =	shalt  }
0x7e: {  	_ =	shalt  }
0x7f: {  	_ =	shalt  }
0x80: {  	_ =	shalt  }
0x81: {  	_ =	shalt  }
0x82: {  	_ =	shalt  }
0x83: {  	_ =	shalt  }
0x84: {  	_ =	shalt  }
0x85: {  	_ =	shalt  }
0x86: {  	_ =	shalt  }
0x87: {  	_ =	shalt  }
.Lfunc_end0:
.L_simem_size_0:
called_computation_lowered:
.L_overlay_start_0:
0x88: {  	s2 =	sld [smem:$0x3FD9]  }
0x89: {  	s3 =	sld [smem:$0x3FFE];
	_ =	sdelay $0x1  }
0x8a: {  	s1 =	srdreg.scid  }
0x8b: {  	s0 =	sand.u32 $0x1, s1  }
0x8c: {  	s17 =	sshll.u32 s0, $0xA;
	s2 =	sadd.s32 s3, s2  }
0x8d: {  	s2 =	sadd.s32 s2, s17  }
0x8e: {  	[smem:$0x3FC6] =	sst s2  }
0x8f: {  	_ = 	snop  }
0x90: {  	s2 =	sld [smem:$0x3FC9]  }
0x91: {  	s18 =	sld [smem:$0x3FD0];
	(tm) =	ssettm $0x1  }
0x92: {  	s4 =	sld [smem:$0x3FFB];
	_ =	sdelay $0x3  }
0x93: {  	_ =	strace s4  }
0x94: {  	s4 =	sld [smem:$0x3FFC];
	_ =	sdelay $0x3  }
0x95: {  	_ =	strace s4  }
0x96: {  	s4 =	sld [smem:$0x3FFD];
	_ =	sdelay $0x3  }
0x97: {  	_ =	strace s4  }
0x98: {  	_ =	strace $0x8FFFFFFF  }
0x99: {  	s19 =	sld [smem:$0x3FDB];
	_ =	sdelay $0x1  }
0x9a: {  	s5 =	simm.s32 $_scs_section_size  }
0x9b: {  	s6 =	simm.s32 $_size__tile_overlayer_lowered;
	s7 =	simm.s32 $_tile_overlayer_lowered  }
0x9c: {  	s22 =	simm.s32 $0x1BFF;
	s21 =	sshll.u32 s7, $0x1;
	s4 =	sadd.s32 s5, s19  }
0x9d: {  	s8 =	simm.s32 $0x0;
	s20 =	sshll.u32 s6, $0x1;
	s6 =	sadd.s32 s21, s4  }
0x9e: {  	[timem:s8], [sflag:s22] =	dma.local [hbm:s6], s20  }
0x9f: {  	_ =	swait.ge [sflag:s22], s20  }
0xa0: {  	s5 =	ssub.s32 $0x0, s20;
	[sflag:s22] =	ssyncset.done $0x0  }
0xa1: {  	[sflag:s22] =	ssyncadd.s32 s5;
	_ =	sdelay $0x1  }
0xa2: {  	s23 =	simm.s32 $0x1B8B  }
0xa3: {  	_ =	swait.ge [sflag:s23], $0x1  }
0xa4: {  	[sflag:s23] =	ssyncset.done $0x0  }
0xa5: {  	s25 =	simm.s32 $0x1B8E;
	s24 =	sld [smem:$0x3FFE];
	[sflag:s23] =	ssyncadd.s32 $0xFFFFFFFF  }
0xa6: {  	s26 =	simm.s32 $execute0_lowered;
	[smem:$0x3FD2] =	sst s25  }
0xa7: {  	s6 =	sshll.u32 s26, $0x1;
	_ =	strace $0x80000046;
	[dreg:$0x1] =	wrdreg $0xFFFFFFFF  }
0xa8: {  	s28 =	simm.s32 $_size_execute0_lowered;
	s4 =	sadd.s32 s4, s6;
	[dreg:$0x0] =	wrdreg $0x0  }
0xa9: {  	s6 =	sshll.u32 s28, $0x1;
	[dreg:$0x2] =	wrdreg s4  }
0xaa: {  	[dreg:$0x3] =	wrdreg s6  }
0xab: {  	[dreg:$0x4] =	wrdreg $0xC0  }
0xac: {  	_ =	task [dreg:s8], $0x5FFFF  }
0xad: {  	[dreg:$0x1] =	wrdreg $0xFFFFFFFF  }
0xae: {  	[dreg:$0x0] =	wrdreg $0x60  }
0xaf: {  	[dreg:$0x2] =	wrdreg s24  }
0xb0: {  	[dreg:$0x3] =	wrdreg s2  }
0xb1: {  	[dreg:$0x4] =	wrdreg s18  }
0xb2: {  	[dreg:$0x5] =	wrdreg $0x118100  }
0xb3: {  	[dreg:$0x6] =	wrdreg $0x118200  }
0xb4: {  	[dreg:$0x7] =	wrdreg $0x118300  }
0xb5: {  	[dreg:$0x8] =	wrdreg $0x9  }
0xb6: {  	_ =	task.clear_ibuf [dreg:s8], $0x9FFFF;
	_ =	strace $0x90000046  }
0xb7: {  	s29 =	simm.s32 $0x9;
	_ =	strace $0x80000048  }
0xb8: {  	_ =	swait.ge [sflag:s29], $0x1  }
0xb9: {  	[sflag:s29] =	ssyncadd.s32 $0xFFFFFFFF  }
0xba: {  	_ =	strace $0x90000048  }
0xbb: {  	_ =	sfence  }
0xbc: {  	s30 =	sld [smem:$0x0];
	_ =	sdelay $0x2  }
0xbd: {  	s31 =	sshll.u32 s1, $0xD;
	s1 =	sshrl.u32 s1, $0x2  }
0xbe: {  	s3 =	sand.u32 $0x4000, s31;
	s1 =	sadd.s32 s1, s30  }
0xbf: {  	s0 =	sor.u32 s3, s0;
	s1 =	sshll.u32 s1, $0x11  }
0xc0: {  	s0 =	sor.u32 s1, s0  }
0xc1: {  	s0 =	sadd.s32 $0x8F2B, s0  }
0xc2: {  	[sflag:s0] =	ssyncadd.remote.s32 $0x1  }
0xc3: {  	_ =	sfence.sel $0xFFFF  }
0xc4: {  	[dreg:$0x0] =	wrdreg $0xFFFFFFFF;
	(pc) =	sbr.abs _section_cstart, $3  }
0xc5: {  	[dreg:$0x1] =	wrdreg $0xFFFFFFFF  }
0xc6: {  	_ =	task.clear_ibuf [dreg:s8], $0x2FFFF;
	_ =	strace $0x9FFFFFFF  }
0xc7: {  	(tm) =	ssettm $0x7FFFFFFF  }
tec
execute0_lowered:
.L_overlay_start_1:
0x0: {  	(tag) =	ssettag $0x1  }
0x1: {  	s0 =	rddreg [dreg:$0x1]  }
0x2: {  	s4 =	rddreg [dreg:$0x3]  }
0x3: {  	s5 =	rddreg [dreg:$0x4]  }
0x4: {  	s1 =	srdreg.scid;
	s17 =	stileid.u32  }
0x5: {  	s6 =	rddreg [dreg:$0x5];
	s30 =	simm.s32 $0x11800;
	s31 =	simm.s32 $0x5  }
0x6: {  	s1 =	sand.u32 $0x1, s1;
	s7 =	sshrl.u32 s17, $0x2;
	s8 =	sshll.u32 s17, $0x11  }
0x7: {  	s11 =	sshll.u32 s17, $0x4;
	s26 =	sshll.u32 s17, $0xC;
	s18 =	sand.u32 $0xC, s17  }
0x8: {  	s17 =	sor.u32 $0x3, s17;
	s2 =	sshll.u32 s1, $0x3;
	s3 =	sshll.u32 s7, $0x1  }
0x9: {  	s9 =	ssub.s32 $0x2, s1;
	s24 =	sand.u32 $0x60000, s8;
	s1 =	simm.s32 $0x0  }
0xa: {  	s13 =	sadd.s32 s11, s4;
	s11 =	sadd.s32 s11, s5;
	s14 =	sshll.u32 s7, $0x6  }
0xb: {  	s19 =	sor.u32 $0x1, s18;
	s7 =	sshll.u32 s7, $0xE;
	[smem:$0x7FF] =	sst s1  }
0xc: {  	s23 =	sshll.u32 s17, $0x4;
	s26 =	sadd.s32 s26, s6;
	[dreg:$0x7] =	wrdreg s13  }
0xd: {  	s2 =	sor.u32 s2, s3;
	s25 =	sshrl.u32 s9, $0x1;
	[dreg:$0x8] =	wrdreg s11  }
0xe: {  	s15 =	sadd.s32 s14, s4;
	s14 =	sadd.s32 s14, s5;
	s20 =	sshll.u32 s19, $0x4  }
0xf: {  	s13 =	sor.u32 $0x2, s18;
	[dreg:$0x11] =	wrdreg s26;
	s7 =	sadd.s32 s7, s6  }
0x10: {  	s11 =	sshll.u32 s19, $0xC;
	s10 =	sor.u32 s24, s2;
	[dreg:$0x9] =	wrdreg s15  }
0x11: {  	s8 =	ssub.s32 s9, s25;
	[dreg:$0xa] =	wrdreg s14;
	s16 =	sadd.s32 s20, s4  }
0x12: {  	s21 =	sshll.u32 s13, $0x4;
	s15 =	sadd.s32 s20, s5;
	[dreg:$0x12] =	wrdreg s7  }
0x13: {  	s24 =	sadd.s32 s23, s5;
	s14 =	sshll.u32 s13, $0xC;
	[dreg:$0xb] =	wrdreg s16  }
0x14: {  	s7 =	simm.s32 $0x2;
	s9 =	sor.u32 $0x8000, s10;
	[dreg:$0xc] =	wrdreg s15  }
0x15: {  	s2 =	sadd.s32 s0, s10;
	s12 =	sor.u32 $0x10000, s10;
	[dreg:$0x10] =	wrdreg s24  }
0x16: {  	s22 =	sadd.s32 s21, s4;
	s16 =	sadd.s32 s21, s5;
	s21 =	rddreg [dreg:$0x0]  }
0x17: {  	s4 =	sadd.s32 s23, s4;
	s25 =	sor.u32 $0x18000, s10;
	[dreg:$0xd] =	wrdreg s22  }
0x18: {  	s15 =	sshll.u32 s17, $0xC;
	s5 =	sadd.s32 s11, s6;
	[dreg:$0xe] =	wrdreg s16  }
0x19: {  	s17 =	sadd.s32 s14, s6;
	s29 =	smax.u32 s8, $0x1;
	[dreg:$0xf] =	wrdreg s4  }
0x1a: {  	s8 =	simm.s32 $0x3;
	s3 =	sadd.s32 s0, s9;
	[dreg:$0x13] =	wrdreg s5  }
0x1b: {  	s18 =	sadd.s32 s15, s6;
	s19 =	sadd.s32 s0, s12;
	s20 =	sadd.s32 s0, s25  }
0x1c: {  	s16 =	rddreg [dreg:$0x2];
	s26 =	sadd.s32 $0x400, s21;
	s28 =	sadd.s32 $0x600, s21  }
0x1d: {  	s21 =	simm.s32 $0x10;
	s0 =	simm.s32 $0x8000;
	s4 =	simm.s32 $0x1  }
0x1e: {  	s5 =	simm.s32 $0x10000;
	s6 =	simm.s32 $0x80;
	s22 =	sadd.s32 s16, s10  }
0x1f: {  	v0 =	vimm.f32 $+Inf;
	s23 =	sadd.s32 s16, s9;
	s24 =	sadd.s32 s16, s12;
	s25 =	sadd.s32 s16, s25  }
0x20: {  	v1 =	vimm.f32 $0.0e+00;
	v2 =	vlaneseq.u32;
	v3 =	vimm.s32 $0x0;
	_ =	strace $0x80000047;
	s9 =	simm.s32 $0x4;
	s10 =	simm.s32 $0x0  }
.LBB2_1:
0x21: {  	[tilespmem:s30], [sflag:$0x5] =	stream.linear.gather [hbm4b:s26+s1], $0x10, $0x38;
	[tilespmem:$0x12830] =	vst v63  }
0x22: {  	_ =	swait.ge [sflag:s31], $0x10  }
0x23: {  	[sflag:s31] =	ssyncset.done $0x0  }
0x24: {  	[sflag:s31] =	ssyncadd.s32 $0xFFFFFFF0  }
0x25: {  	v5 =	vld [tilespmem:$0x11800];
	[tilespmem:s30], [sflag:$0x5] =	stream.linear.gather [hbm4b:s28+s1], $0x10, $0x38  }
0x26: {  	_ =	swait.ge [sflag:s31], $0x10  }
0x27: {  	[sflag:s31] =	ssyncset.done $0x0  }
0x28: {  	s11 =	simm.s32 $0x10020;
	[sflag:s31] =	ssyncadd.s32 $0xFFFFFFF0  }
0x29: {  	v4 =	vld [tilespmem:$0x11800];
	[tilespmem:s11+$0xFFFFFFE0] =	vst v0  }
0x2a: {  	[tilespmem:s11+$0x10] =	vst v0  }
0x2b: {  	s12 =	simm.s32 $0x0;
	[tilespmem:s11+$0x0] =	vst v0  }
.LBB2_2:
0x2c: {  	s12 =	sadd.s32 $0x4, s12  }
0x2d: {  	[tilespmem:s11+$0xFFFFFFF0] =	vst v0;
	s11 =	sadd.s32 $0x40, s11;
	p0 =	slt.u32 s12, $0xFC  }
.Ltmp0:
0x2e: {  	[tilespmem:s11+$0xFFFFFFE0] =	vst v0;
	(pc) =	sbr.rel @p0 .LBB2_2-.Ltmp0, $3  }
0x2f: {  	_ =	sdelay $0x1  }
0x30: {  	[tilespmem:s11+$0x10] =	vst v0  }
0x31: {  	[tilespmem:s11+$0x0] =	vst v0  }
0x32: {  	[tilespmem:s11+$0xFFFFFFF0] =	vst v0;
	s12 =	simm.s32 $0x80;
	s11 =	simm.s32 $0x0  }
0x33: {  	[tilespmem:s11], [sflag:$0x1] =	stream.strided.gather [hbm4b:s2+s21], $0x8000, s12, s21, $0x38;
	[tilespmem:$0x12830] =	vst v63  }
0x34: {  	_ = 	snop  }
0x35: {  	[tilespmem:s0], [sflag:$0x2] =	stream.strided.gather [hbm4b:s3+s21], $0x8000, s12, s21, $0x38;
	[tilespmem:$0x12830] =	vst v63  }
0x36: {  	_ =	swait.ge [sflag:s4], $0x8000  }
0x37: {  	[sflag:s4] =	ssyncset.done $0x0  }
0x38: {  	[sflag:s4] =	ssyncadd.s32 $0xFFFF8000  }
0x39: {  	v6 =	vld [tilespmem:s12+$0xFFFFFF90]  }
0x3a: {  	v8 =	vld [tilespmem:s12+$0xFFFFFF80]  }
0x3b: {  	v9 =	vld [tilespmem:s12+$0xFFFFFFA0]  }
0x3c: {  	v11 =	vld [tilespmem:s12+$0xFFFFFFB0]  }
0x3d: {  	v10 =	vld [tilespmem:s12+$0xFFFFFFC0]  }
0x3e: {  	v12 =	vld [tilespmem:s12+$0xFFFFFFD0]  }
0x3f: {  	v13 =	vld [tilespmem:s12+$0xFFFFFFE0]  }
0x40: {  	v14 =	vld [tilespmem:s12+$0xFFFFFFF0]  }
0x41: {  	v15 =	vld [tilespmem:s12+$0x0]  }
0x42: {  	v16 =	vld [tilespmem:s12+$0x10]  }
0x43: {  	v17 =	vld [tilespmem:s12+$0x20]  }
0x44: {  	v18 =	vld [tilespmem:s12+$0x30]  }
0x45: {  	v19 =	vld [tilespmem:s12+$0x40]  }
0x46: {  	v20 =	vld [tilespmem:s12+$0x50]  }
0x47: {  	v21 =	vld [tilespmem:s12+$0x60]  }
0x48: {  	v7 =	vimm.f32 $+Inf;
	s13 =	simm.s32 $0x40;
	v22 =	vld [tilespmem:s12+$0x70]  }
.LBB2_4:
0x49: {  	p0 =	sne.s32 s13, $0x1FC0  }
0x4a: {  	v6 =	vmin.f32 v8, v6;
	v8 =	vmin.f32 v9, v11  }
0x4b: {  	v6 =	vmin.f32 v6, v8  }
0x4c: {  	v9 =	vmin.f32 v13, v14;
	v8 =	vmin.f32 v10, v12;
	v10 =	vmin.f32 v15, v16  }
0x4d: {  	v11 =	vmin.f32 v17, v18;
	v12 =	vmin.f32 v19, v20;
	v13 =	vmin.f32 v21, v22  }
0x4e: {  	v8 =	vmin.f32 v8, v9;
	v9 =	vmin.f32 v10, v11;
	v10 =	vmin.f32 v12, v13  }
0x4f: {  	v6 =	vmin.f32 v6, v8;
	v8 =	vmin.f32 v9, v10  }
0x50: {  	s14 =	sshra.s32 s11, $0x2;
	s11 =	smov.u32 s13;
	v6 =	vmin.f32 v6, v8  }
0x51: {  	s12 =	sadd.s32 $0x100, s12;
	[tilespmem:s14+$0x11000] =	vst v6;
	v7 =	vmin.f32 v7, v6  }
0x52: {  	v6 =	vld [tilespmem:s12+$0xFFFFFF90]  }
0x53: {  	v8 =	vld [tilespmem:s12+$0xFFFFFF80]  }
0x54: {  	v9 =	vld [tilespmem:s12+$0xFFFFFFA0]  }
0x55: {  	v11 =	vld [tilespmem:s12+$0xFFFFFFB0]  }
0x56: {  	v10 =	vld [tilespmem:s12+$0xFFFFFFC0]  }
0x57: {  	v12 =	vld [tilespmem:s12+$0xFFFFFFD0]  }
0x58: {  	v13 =	vld [tilespmem:s12+$0xFFFFFFE0]  }
0x59: {  	v14 =	vld [tilespmem:s12+$0xFFFFFFF0]  }
0x5a: {  	v15 =	vld [tilespmem:s12+$0x0]  }
0x5b: {  	v16 =	vld [tilespmem:s12+$0x10]  }
0x5c: {  	v17 =	vld [tilespmem:s12+$0x20]  }
.Ltmp1:
0x5d: {  	v18 =	vld [tilespmem:s12+$0x30];
	(pc) =	sbr.rel @p0 .LBB2_4-.Ltmp1, $4  }
0x5e: {  	v19 =	vld [tilespmem:s12+$0x40]  }
0x5f: {  	v20 =	vld [tilespmem:s12+$0x50]  }
0x60: {  	v21 =	vld [tilespmem:s12+$0x60]  }
0x61: {  	s13 =	sadd.s32 $0x40, s13;
	v22 =	vld [tilespmem:s12+$0x70]  }
0x62: {  	_ =	sdelay $0x1  }
0x63: {  	v6 =	vmin.f32 v8, v6;
	v8 =	vmin.f32 v9, v11;
	v9 =	vmin.f32 v13, v14  }
0x64: {  	v11 =	vmin.f32 v17, v18;
	v6 =	vmin.f32 v6, v8;
	v8 =	vmin.f32 v10, v12  }
0x65: {  	v10 =	vmin.f32 v15, v16;
	v62 =	vmin.f32 v19, v20;
	v63 =	vmin.f32 v21, v22  }
.Ltmp2:
0x66: {  	v8 =	vmin.f32 v8, v9;
	v9 =	vmin.f32 v10, v11;
	v10 =	vmin.f32 v62, v63;
	(pc) =	sbr.rel .LBB2_6-.Ltmp2, $4  }
0x67: {  	v6 =	vmin.f32 v6, v8;
	v8 =	vmin.f32 v9, v10  }
0x68: {  	v9 =	vmin.f32 v6, v8;
	v6 =	vbroadcast v5, $0x0  }
0x69: {  	s11 =	sshra.s32 s11, $0x2;
	v8 =	vmin.f32 v7, v9  }
0x6a: {  	s12 =	simm.s32 $0x80;
	[tilespmem:s11+$0x11000] =	vst v9;
	v7 =	vimm.s32 $0x0;
	s11 =	simm.s32 $0x0;
	v9 =	vadd.f32 v8, v6  }
.LBB2_8:
0x6b: {  	s11 =	sadd.s32 $0x40, s11  }
0x6c: {  	p0 =	sne.s32 s11, $0x2000  }
.Ltmp3:
0x6d: {  	_ = 	snop;
	(pc) =	sbr.rel @!p0 .LBB2_9-.Ltmp3, $2  }
0x6e: {  	_ =	sdelay $0x2  }
0x6f: {  	s12 =	sadd.s32 $0x100, s12  }
.LBB2_6:
0x70: {  	s13 =	sshra.s32 s11, $0x2  }
0x71: {  	v10 =	vld [tilespmem:s13+$0x11000];
	_ =	sdelay $0x4  }
0x72: {  	vm0 =	vlt.f32 v10, v9  }
0x73: {  	v10 =	vsel vm0, $0x3F800000, v1  }
0x74: {  	(xrf0) =	vmax.scan.msk.f32 $0xffff, v10;
	_ =	sdelay $0x5  }
0x75: {  	v10, _, _ =	vpop (xrf0)  }
0x76: {  	(v2sf) =	vpush v10, $0xF;
	_ =	sdelay $0xe  }
0x77: {  	s16 =	spop (v2sf)  }
0x78: {  	p0 =	sgt.f32 s16, $0.0e+00  }
.Ltmp4:
0x79: {  	_ = 	snop;
	(pc) =	sbr.rel @!p0 .LBB2_8-.Ltmp4, $1  }
0x7a: {  	_ =	sdelay $0x3  }
0x7b: {  	v10 =	vld [tilespmem:s12+$0xFFFFFF80];
	_ =	sdelay $0x4  }
0x7c: {  	vm1 =	vlt.s32 v7, $0x100;
	vm0 =	vlt.f32 v10, v9  }
0x7d: {  	v11 =	vshll.u32 v7, $0x4;
	vm0 =	vmand vm1, vm0  }
0x7e: {  	v11 =	vor.u32 v2, v11;
	_ =	sdelay $0x4  }
0x7f: {  	[tilespmem:v11+s5+$0x0] =	vst.idx.msk vm0, v10  }
0x80: {  	v10 =	vld [tilespmem:s12+$0xFFFFFF90];
	_ =	sdelay $0x2  }
0x81: {  	v11 =	vsel vm0, $0x1, v3  }
0x82: {  	v7 =	vadd.s32 v11, v7  }
0x83: {  	vm11 =	vlt.s32 v7, $0x100;
	vm10 =	vlt.f32 v10, v9  }
0x84: {  	v11 =	vshll.u32 v7, $0x4;
	vm0 =	vmand vm10, vm11  }
0x85: {  	v11 =	vor.u32 v2, v11;
	_ =	sdelay $0x4  }
0x86: {  	[tilespmem:v11+s5+$0x0] =	vst.idx.msk vm0, v10  }
0x87: {  	v10 =	vld [tilespmem:s12+$0xFFFFFFA0];
	_ =	sdelay $0x2  }
0x88: {  	v11 =	vsel vm0, $0x1, v3  }
0x89: {  	v7 =	vadd.s32 v11, v7  }
0x8a: {  	vm13 =	vlt.s32 v7, $0x100;
	vm12 =	vlt.f32 v10, v9  }
0x8b: {  	v11 =	vshll.u32 v7, $0x4;
	vm0 =	vmand vm12, vm13  }
0x8c: {  	v11 =	vor.u32 v2, v11;
	_ =	sdelay $0x4  }
0x8d: {  	[tilespmem:v11+s5+$0x0] =	vst.idx.msk vm0, v10  }
0x8e: {  	v10 =	vld [tilespmem:s12+$0xFFFFFFB0];
	_ =	sdelay $0x2  }
0x8f: {  	v11 =	vsel vm0, $0x1, v3  }
0x90: {  	v7 =	vadd.s32 v11, v7  }
0x91: {  	vm15 =	vlt.s32 v7, $0x100;
	vm14 =	vlt.f32 v10, v9  }
0x92: {  	v11 =	vshll.u32 v7, $0x4;
	vm0 =	vmand vm14, vm15  }
0x93: {  	v11 =	vor.u32 v2, v11;
	_ =	sdelay $0x4  }
0x94: {  	[tilespmem:v11+s5+$0x0] =	vst.idx.msk vm0, v10  }
0x95: {  	v10 =	vld [tilespmem:s12+$0xFFFFFFC0];
	_ =	sdelay $0x2  }
0x96: {  	v11 =	vsel vm0, $0x1, v3  }
0x97: {  	v7 =	vadd.s32 v11, v7  }
0x98: {  	vm5 =	vlt.s32 v7, $0x100;
	vm4 =	vlt.f32 v10, v9  }
0x99: {  	v11 =	vshll.u32 v7, $0x4;
	vm0 =	vmand vm4, vm5  }
0x9a: {  	v11 =	vor.u32 v2, v11;
	_ =	sdelay $0x4  }
0x9b: {  	[tilespmem:v11+s5+$0x0] =	vst.idx.msk vm0, v10  }
0x9c: {  	v10 =	vld [tilespmem:s12+$0xFFFFFFD0];
	_ =	sdelay $0x2  }
0x9d: {  	v11 =	vsel vm0, $0x1, v3  }
0x9e: {  	v7 =	vadd.s32 v11, v7  }
0x9f: {  	vm7 =	vlt.s32 v7, $0x100;
	vm6 =	vlt.f32 v10, v9  }
0xa0: {  	v11 =	vshll.u32 v7, $0x4;
	vm0 =	vmand vm6, vm7  }
0xa1: {  	v11 =	vor.u32 v2, v11;
	_ =	sdelay $0x4  }
0xa2: {  	[tilespmem:v11+s5+$0x0] =	vst.idx.msk vm0, v10  }
0xa3: {  	v10 =	vld [tilespmem:s12+$0xFFFFFFE0];
	_ =	sdelay $0x2  }
0xa4: {  	v11 =	vsel vm0, $0x1, v3  }
0xa5: {  	v7 =	vadd.s32 v11, v7  }
0xa6: {  	vm9 =	vlt.s32 v7, $0x100;
	vm8 =	vlt.f32 v10, v9  }
0xa7: {  	v11 =	vshll.u32 v7, $0x4;
	vm0 =	vmand vm8, vm9  }
0xa8: {  	v11 =	vor.u32 v2, v11;
	_ =	sdelay $0x4  }
0xa9: {  	[tilespmem:v11+s5+$0x0] =	vst.idx.msk vm0, v10  }
0xaa: {  	v10 =	vld [tilespmem:s12+$0xFFFFFFF0];
	_ =	sdelay $0x2  }
0xab: {  	v11 =	vsel vm0, $0x1, v3  }
0xac: {  	v7 =	vadd.s32 v11, v7  }
0xad: {  	vm11 =	vlt.s32 v7, $0x100;
	vm10 =	vlt.f32 v10, v9  }
0xae: {  	v11 =	vshll.u32 v7, $0x4;
	vm0 =	vmand vm10, vm11  }
0xaf: {  	v11 =	vor.u32 v2, v11;
	_ =	sdelay $0x4  }
0xb0: {  	[tilespmem:v11+s5+$0x0] =	vst.idx.msk vm0, v10  }
0xb1: {  	v10 =	vld [tilespmem:s12+$0x0];
	_ =	sdelay $0x2  }
0xb2: {  	v11 =	vsel vm0, $0x1, v3  }
0xb3: {  	v7 =	vadd.s32 v11, v7  }
0xb4: {  	vm13 =	vlt.s32 v7, $0x100;
	vm12 =	vlt.f32 v10, v9  }
0xb5: {  	v11 =	vshll.u32 v7, $0x4;
	vm0 =	vmand vm12, vm13  }
0xb6: {  	v11 =	vor.u32 v2, v11;
	_ =	sdelay $0x4  }
0xb7: {  	[tilespmem:v11+s5+$0x0] =	vst.idx.msk vm0, v10  }
0xb8: {  	v10 =	vld [tilespmem:s12+$0x10];
	_ =	sdelay $0x2  }
0xb9: {  	v11 =	vsel vm0, $0x1, v3  }
0xba: {  	v7 =	vadd.s32 v11, v7  }
0xbb: {  	vm15 =	vlt.s32 v7, $0x100;
	vm14 =	vlt.f32 v10, v9  }
0xbc: {  	v11 =	vshll.u32 v7, $0x4;
	vm0 =	vmand vm14, vm15  }
0xbd: {  	v11 =	vor.u32 v2, v11;
	_ =	sdelay $0x4  }
0xbe: {  	[tilespmem:v11+s5+$0x0] =	vst.idx.msk vm0, v10  }
0xbf: {  	v10 =	vld [tilespmem:s12+$0x20];
	_ =	sdelay $0x2  }
0xc0: {  	v11 =	vsel vm0, $0x1, v3  }
0xc1: {  	v7 =	vadd.s32 v11, v7  }
0xc2: {  	vm5 =	vlt.s32 v7, $0x100;
	vm4 =	vlt.f32 v10, v9  }
0xc3: {  	v11 =	vshll.u32 v7, $0x4;
	vm0 =	vmand vm4, vm5  }
0xc4: {  	v11 =	vor.u32 v2, v11;
	_ =	sdelay $0x4  }
0xc5: {  	[tilespmem:v11+s5+$0x0] =	vst.idx.msk vm0, v10  }
0xc6: {  	v10 =	vld [tilespmem:s12+$0x30];
	_ =	sdelay $0x2  }
0xc7: {  	v11 =	vsel vm0, $0x1, v3  }
0xc8: {  	v7 =	vadd.s32 v11, v7  }
0xc9: {  	vm7 =	vlt.s32 v7, $0x100;
	vm6 =	vlt.f32 v10, v9  }
0xca: {  	v11 =	vshll.u32 v7, $0x4;
	vm0 =	vmand vm6, vm7  }
0xcb: {  	v11 =	vor.u32 v2, v11;
	_ =	sdelay $0x4  }
0xcc: {  	[tilespmem:v11+s5+$0x0] =	vst.idx.msk vm0, v10  }
0xcd: {  	v10 =	vld [tilespmem:s12+$0x40];
	_ =	sdelay $0x2  }
0xce: {  	v11 =	vsel vm0, $0x1, v3  }
0xcf: {  	v7 =	vadd.s32 v11, v7  }
0xd0: {  	vm9 =	vlt.s32 v7, $0x100;
	vm8 =	vlt.f32 v10, v9  }
0xd1: {  	v11 =	vshll.u32 v7, $0x4;
	vm0 =	vmand vm8, vm9  }
0xd2: {  	v11 =	vor.u32 v2, v11;
	_ =	sdelay $0x4  }
0xd3: {  	[tilespmem:v11+s5+$0x0] =	vst.idx.msk vm0, v10  }
0xd4: {  	v10 =	vld [tilespmem:s12+$0x50];
	_ =	sdelay $0x2  }
0xd5: {  	v11 =	vsel vm0, $0x1, v3  }
0xd6: {  	v7 =	vadd.s32 v11, v7  }
0xd7: {  	vm11 =	vlt.s32 v7, $0x100;
	vm10 =	vlt.f32 v10, v9  }
0xd8: {  	v11 =	vshll.u32 v7, $0x4;
	vm0 =	vmand vm10, vm11  }
0xd9: {  	v11 =	vor.u32 v2, v11;
	_ =	sdelay $0x4  }
0xda: {  	[tilespmem:v11+s5+$0x0] =	vst.idx.msk vm0, v10  }
0xdb: {  	v10 =	vld [tilespmem:s12+$0x60];
	_ =	sdelay $0x2  }
0xdc: {  	v11 =	vsel vm0, $0x1, v3  }
0xdd: {  	v7 =	vadd.s32 v11, v7  }
0xde: {  	vm13 =	vlt.s32 v7, $0x100;
	vm12 =	vlt.f32 v10, v9  }
0xdf: {  	v11 =	vshll.u32 v7, $0x4;
	vm0 =	vmand vm12, vm13  }
0xe0: {  	v11 =	vor.u32 v2, v11;
	_ =	sdelay $0x4  }
0xe1: {  	[tilespmem:v11+s5+$0x0] =	vst.idx.msk vm0, v10  }
0xe2: {  	v10 =	vld [tilespmem:s12+$0x70];
	_ =	sdelay $0x2  }
0xe3: {  	v11 =	vsel vm0, $0x1, v3  }
0xe4: {  	v7 =	vadd.s32 v11, v7  }
0xe5: {  	vm15 =	vlt.s32 v7, $0x100;
	vm14 =	vlt.f32 v10, v9  }
0xe6: {  	v11 =	vshll.u32 v7, $0x4;
	vm0 =	vmand vm14, vm15  }
0xe7: {  	v11 =	vor.u32 v2, v11  }
.Ltmp5:
0xe8: {  	_ = 	snop;
	(pc) =	sbr.rel .LBB2_8-.Ltmp5, $3  }
0xe9: {  	_ =	sdelay $0x1  }
0xea: {  	v12 =	vsel vm0, $0x1, v3  }
0xeb: {  	v7 =	vadd.s32 v12, v7;
	[tilespmem:v11+s5+$0x0] =	vst.idx.msk vm0, v10  }
.LBB2_9:
0xec: {  	s11 =	simm.s32 $0x0  }
0xed: {  	[tilespmem:s11], [sflag:$0x1] =	stream.strided.gather [hbm4b:s19+s21], $0x8000, s6, s21, $0x38;
	[tilespmem:$0x12830] =	vst v63  }
0xee: {  	_ =	swait.ge [sflag:s7], $0x8000  }
0xef: {  	[sflag:s7] =	ssyncset.done $0x0  }
0xf0: {  	s12 =	simm.s32 $0x8080;
	[sflag:s7] =	ssyncadd.s32 $0xFFFF8000  }
0xf1: {  	v9 =	vld [tilespmem:s12+$0xFFFFFF90]  }
0xf2: {  	v10 =	vld [tilespmem:s12+$0xFFFFFF80]  }
0xf3: {  	v11 =	vld [tilespmem:s12+$0xFFFFFFA0]  }
0xf4: {  	v13 =	vld [tilespmem:s12+$0xFFFFFFB0]  }
0xf5: {  	v12 =	vld [tilespmem:s12+$0xFFFFFFC0]  }
0xf6: {  	v14 =	vld [tilespmem:s12+$0xFFFFFFD0]  }
0xf7: {  	v15 =	vld [tilespmem:s12+$0xFFFFFFE0]  }
0xf8: {  	v16 =	vld [tilespmem:s12+$0xFFFFFFF0]  }
0xf9: {  	v17 =	vld [tilespmem:s12+$0x0]  }
0xfa: {  	v18 =	vld [tilespmem:s12+$0x10]  }
0xfb: {  	v19 =	vld [tilespmem:s12+$0x20]  }
0xfc: {  	v20 =	vld [tilespmem:s12+$0x30]  }
0xfd: {  	v21 =	vld [tilespmem:s12+$0x40]  }
0xfe: {  	v22 =	vld [tilespmem:s12+$0x50]  }
0xff: {  	v23 =	vld [tilespmem:s12+$0x60]  }
0x100: {  	s13 =	simm.s32 $0x40;
	v24 =	vld [tilespmem:s12+$0x70]  }
.LBB2_10:
0x101: {  	p0 =	sne.s32 s13, $0x1FC0  }
0x102: {  	v9 =	vmin.f32 v10, v9;
	v10 =	vmin.f32 v11, v13  }
0x103: {  	v9 =	vmin.f32 v9, v10  }
0x104: {  	v11 =	vmin.f32 v15, v16;
	v10 =	vmin.f32 v12, v14;
	v12 =	vmin.f32 v17, v18  }
0x105: {  	v13 =	vmin.f32 v19, v20;
	v14 =	vmin.f32 v21, v22;
	v15 =	vmin.f32 v23, v24  }
0x106: {  	v10 =	vmin.f32 v10, v11;
	v11 =	vmin.f32 v12, v13;
	v12 =	vmin.f32 v14, v15  }
0x107: {  	v9 =	vmin.f32 v9, v10;
	v10 =	vmin.f32 v11, v12  }
0x108: {  	s14 =	sshra.s32 s11, $0x2;
	s11 =	smov.u32 s13;
	v9 =	vmin.f32 v9, v10  }
0x109: {  	s12 =	sadd.s32 $0x100, s12;
	[tilespmem:s14+$0x11000] =	vst v9;
	v8 =	vmin.f32 v8, v9  }
0x10a: {  	v9 =	vld [tilespmem:s12+$0xFFFFFF90]  }
0x10b: {  	v10 =	vld [tilespmem:s12+$0xFFFFFF80]  }
0x10c: {  	v11 =	vld [tilespmem:s12+$0xFFFFFFA0]  }
0x10d: {  	v13 =	vld [tilespmem:s12+$0xFFFFFFB0]  }
0x10e: {  	v12 =	vld [tilespmem:s12+$0xFFFFFFC0]  }
0x10f: {  	v14 =	vld [tilespmem:s12+$0xFFFFFFD0]  }
0x110: {  	v15 =	vld [tilespmem:s12+$0xFFFFFFE0]  }
0x111: {  	v16 =	vld [tilespmem:s12+$0xFFFFFFF0]  }
0x112: {  	v17 =	vld [tilespmem:s12+$0x0]  }
0x113: {  	v18 =	vld [tilespmem:s12+$0x10]  }
0x114: {  	v19 =	vld [tilespmem:s12+$0x20]  }
.Ltmp6:
0x115: {  	v20 =	vld [tilespmem:s12+$0x30];
	(pc) =	sbr.rel @p0 .LBB2_10-.Ltmp6, $4  }
0x116: {  	v21 =	vld [tilespmem:s12+$0x40]  }
0x117: {  	v22 =	vld [tilespmem:s12+$0x50]  }
0x118: {  	v23 =	vld [tilespmem:s12+$0x60]  }
0x119: {  	s13 =	sadd.s32 $0x40, s13;
	v24 =	vld [tilespmem:s12+$0x70]  }
0x11a: {  	_ =	sdelay $0x1  }
0x11b: {  	v9 =	vmin.f32 v10, v9;
	v10 =	vmin.f32 v11, v13;
	v11 =	vmin.f32 v15, v16  }
0x11c: {  	v59 =	vmin.f32 v17, v18;
	v60 =	vmin.f32 v19, v20;
	v9 =	vmin.f32 v9, v10  }
0x11d: {  	v10 =	vmin.f32 v12, v14;
	v61 =	vmin.f32 v21, v22;
	v62 =	vmin.f32 v23, v24  }
.Ltmp7:
0x11e: {  	v10 =	vmin.f32 v10, v11;
	v11 =	vmin.f32 v59, v60;
	v63 =	vmin.f32 v61, v62;
	(pc) =	sbr.rel .LBB2_12-.Ltmp7, $4  }
0x11f: {  	v9 =	vmin.f32 v9, v10;
	v10 =	vmin.f32 v11, v63  }
0x120: {  	v9 =	vmin.f32 v9, v10  }
0x121: {  	s11 =	sshra.s32 s11, $0x2;
	v8 =	vmin.f32 v8, v9  }
0x122: {  	s12 =	simm.s32 $0x8080;
	[tilespmem:s11+$0x11000] =	vst v9;
	s11 =	simm.s32 $0x0;
	v9 =	vadd.f32 v8, v6  }
.LBB2_14:
0x123: {  	s11 =	sadd.s32 $0x40, s11  }
0x124: {  	p0 =	sne.s32 s11, $0x2000  }
.Ltmp8:
0x125: {  	_ = 	snop;
	(pc) =	sbr.rel @!p0 .LBB2_15-.Ltmp8, $2  }
0x126: {  	_ =	sdelay $0x2  }
0x127: {  	s12 =	sadd.s32 $0x100, s12  }
.LBB2_12:
0x128: {  	s13 =	sshra.s32 s11, $0x2  }
0x129: {  	v10 =	vld [tilespmem:s13+$0x11000];
	_ =	sdelay $0x4  }
0x12a: {  	vm0 =	vlt.f32 v10, v9  }
0x12b: {  	v10 =	vsel vm0, $0x3F800000, v1  }
0x12c: {  	(xrf0) =	vmax.scan.msk.f32 $0xffff, v10;
	_ =	sdelay $0x5  }
0x12d: {  	v10, _, _ =	vpop (xrf0)  }
0x12e: {  	(v2sf) =	vpush v10, $0xF;
	_ =	sdelay $0xe  }
0x12f: {  	s16 =	spop (v2sf)  }
0x130: {  	p0 =	sgt.f32 s16, $0.0e+00  }
.Ltmp9:
0x131: {  	_ = 	snop;
	(pc) =	sbr.rel @!p0 .LBB2_14-.Ltmp9, $1  }
0x132: {  	_ =	sdelay $0x3  }
0x133: {  	v10 =	vld [tilespmem:s12+$0xFFFFFF80];
	_ =	sdelay $0x4  }
0x134: {  	vm1 =	vlt.s32 v7, $0x100;
	vm0 =	vlt.f32 v10, v9  }
0x135: {  	v11 =	vshll.u32 v7, $0x4;
	vm0 =	vmand vm1, vm0  }
0x136: {  	v11 =	vor.u32 v2, v11;
	_ =	sdelay $0x4  }
0x137: {  	[tilespmem:v11+s5+$0x0] =	vst.idx.msk vm0, v10  }
0x138: {  	v10 =	vld [tilespmem:s12+$0xFFFFFF90];
	_ =	sdelay $0x2  }
0x139: {  	v11 =	vsel vm0, $0x1, v3  }
0x13a: {  	v7 =	vadd.s32 v11, v7  }
0x13b: {  	vm11 =	vlt.s32 v7, $0x100;
	vm10 =	vlt.f32 v10, v9  }
0x13c: {  	v11 =	vshll.u32 v7, $0x4;
	vm0 =	vmand vm10, vm11  }
0x13d: {  	v11 =	vor.u32 v2, v11;
	_ =	sdelay $0x4  }
0x13e: {  	[tilespmem:v11+s5+$0x0] =	vst.idx.msk vm0, v10  }
0x13f: {  	v10 =	vld [tilespmem:s12+$0xFFFFFFA0];
	_ =	sdelay $0x2  }
0x140: {  	v11 =	vsel vm0, $0x1, v3  }
0x141: {  	v7 =	vadd.s32 v11, v7  }
0x142: {  	vm13 =	vlt.s32 v7, $0x100;
	vm12 =	vlt.f32 v10, v9  }
0x143: {  	v11 =	vshll.u32 v7, $0x4;
	vm0 =	vmand vm12, vm13  }
0x144: {  	v11 =	vor.u32 v2, v11;
	_ =	sdelay $0x4  }
0x145: {  	[tilespmem:v11+s5+$0x0] =	vst.idx.msk vm0, v10  }
0x146: {  	v10 =	vld [tilespmem:s12+$0xFFFFFFB0];
	_ =	sdelay $0x2  }
0x147: {  	v11 =	vsel vm0, $0x1, v3  }
0x148: {  	v7 =	vadd.s32 v11, v7  }
0x149: {  	vm15 =	vlt.s32 v7, $0x100;
	vm14 =	vlt.f32 v10, v9  }
0x14a: {  	v11 =	vshll.u32 v7, $0x4;
	vm0 =	vmand vm14, vm15  }
0x14b: {  	v11 =	vor.u32 v2, v11;
	_ =	sdelay $0x4  }
0x14c: {  	[tilespmem:v11+s5+$0x0] =	vst.idx.msk vm0, v10  }
0x14d: {  	v10 =	vld [tilespmem:s12+$0xFFFFFFC0];
	_ =	sdelay $0x2  }
0x14e: {  	v11 =	vsel vm0, $0x1, v3  }
0x14f: {  	v7 =	vadd.s32 v11, v7  }
0x150: {  	vm5 =	vlt.s32 v7, $0x100;
	vm4 =	vlt.f32 v10, v9  }
0x151: {  	v11 =	vshll.u32 v7, $0x4;
	vm0 =	vmand vm4, vm5  }
0x152: {  	v11 =	vor.u32 v2, v11;
	_ =	sdelay $0x4  }
0x153: {  	[tilespmem:v11+s5+$0x0] =	vst.idx.msk vm0, v10  }
0x154: {  	v10 =	vld [tilespmem:s12+$0xFFFFFFD0];
	_ =	sdelay $0x2  }
0x155: {  	v11 =	vsel vm0, $0x1, v3  }
0x156: {  	v7 =	vadd.s32 v11, v7  }
0x157: {  	vm7 =	vlt.s32 v7, $0x100;
	vm6 =	vlt.f32 v10, v9  }
0x158: {  	v11 =	vshll.u32 v7, $0x4;
	vm0 =	vmand vm6, vm7  }
0x159: {  	v11 =	vor.u32 v2, v11;
	_ =	sdelay $0x4  }
0x15a: {  	[tilespmem:v11+s5+$0x0] =	vst.idx.msk vm0, v10  }
0x15b: {  	v10 =	vld [tilespmem:s12+$0xFFFFFFE0];
	_ =	sdelay $0x2  }
0x15c: {  	v11 =	vsel vm0, $0x1, v3  }
0x15d: {  	v7 =	vadd.s32 v11, v7  }
0x15e: {  	vm9 =	vlt.s32 v7, $0x100;
	vm8 =	vlt.f32 v10, v9  }
0x15f: {  	v11 =	vshll.u32 v7, $0x4;
	vm0 =	vmand vm8, vm9  }
0x160: {  	v11 =	vor.u32 v2, v11;
	_ =	sdelay $0x4  }
0x161: {  	[tilespmem:v11+s5+$0x0] =	vst.idx.msk vm0, v10  }
0x162: {  	v10 =	vld [tilespmem:s12+$0xFFFFFFF0];
	_ =	sdelay $0x2  }
0x163: {  	v11 =	vsel vm0, $0x1, v3  }
0x164: {  	v7 =	vadd.s32 v11, v7  }
0x165: {  	vm11 =	vlt.s32 v7, $0x100;
	vm10 =	vlt.f32 v10, v9  }
0x166: {  	v11 =	vshll.u32 v7, $0x4;
	vm0 =	vmand vm10, vm11  }
0x167: {  	v11 =	vor.u32 v2, v11;
	_ =	sdelay $0x4  }
0x168: {  	[tilespmem:v11+s5+$0x0] =	vst.idx.msk vm0, v10  }
0x169: {  	v10 =	vld [tilespmem:s12+$0x0];
	_ =	sdelay $0x2  }
0x16a: {  	v11 =	vsel vm0, $0x1, v3  }
0x16b: {  	v7 =	vadd.s32 v11, v7  }
0x16c: {  	vm13 =	vlt.s32 v7, $0x100;
	vm12 =	vlt.f32 v10, v9  }
0x16d: {  	v11 =	vshll.u32 v7, $0x4;
	vm0 =	vmand vm12, vm13  }
0x16e: {  	v11 =	vor.u32 v2, v11;
	_ =	sdelay $0x4  }
0x16f: {  	[tilespmem:v11+s5+$0x0] =	vst.idx.msk vm0, v10  }
0x170: {  	v10 =	vld [tilespmem:s12+$0x10];
	_ =	sdelay $0x2  }
0x171: {  	v11 =	vsel vm0, $0x1, v3  }
0x172: {  	v7 =	vadd.s32 v11, v7  }
0x173: {  	vm15 =	vlt.s32 v7, $0x100;
	vm14 =	vlt.f32 v10, v9  }
0x174: {  	v11 =	vshll.u32 v7, $0x4;
	vm0 =	vmand vm14, vm15  }
0x175: {  	v11 =	vor.u32 v2, v11;
	_ =	sdelay $0x4  }
0x176: {  	[tilespmem:v11+s5+$0x0] =	vst.idx.msk vm0, v10  }
0x177: {  	v10 =	vld [tilespmem:s12+$0x20];
	_ =	sdelay $0x2  }
0x178: {  	v11 =	vsel vm0, $0x1, v3  }
0x179: {  	v7 =	vadd.s32 v11, v7  }
0x17a: {  	vm5 =	vlt.s32 v7, $0x100;
	vm4 =	vlt.f32 v10, v9  }
0x17b: {  	v11 =	vshll.u32 v7, $0x4;
	vm0 =	vmand vm4, vm5  }
0x17c: {  	v11 =	vor.u32 v2, v11;
	_ =	sdelay $0x4  }
0x17d: {  	[tilespmem:v11+s5+$0x0] =	vst.idx.msk vm0, v10  }
0x17e: {  	v10 =	vld [tilespmem:s12+$0x30];
	_ =	sdelay $0x2  }
0x17f: {  	v11 =	vsel vm0, $0x1, v3  }
0x180: {  	v7 =	vadd.s32 v11, v7  }
0x181: {  	vm7 =	vlt.s32 v7, $0x100;
	vm6 =	vlt.f32 v10, v9  }
0x182: {  	v11 =	vshll.u32 v7, $0x4;
	vm0 =	vmand vm6, vm7  }
0x183: {  	v11 =	vor.u32 v2, v11;
	_ =	sdelay $0x4  }
0x184: {  	[tilespmem:v11+s5+$0x0] =	vst.idx.msk vm0, v10  }
0x185: {  	v10 =	vld [tilespmem:s12+$0x40];
	_ =	sdelay $0x2  }
0x186: {  	v11 =	vsel vm0, $0x1, v3  }
0x187: {  	v7 =	vadd.s32 v11, v7  }
0x188: {  	vm9 =	vlt.s32 v7, $0x100;
	vm8 =	vlt.f32 v10, v9  }
0x189: {  	v11 =	vshll.u32 v7, $0x4;
	vm0 =	vmand vm8, vm9  }
0x18a: {  	v11 =	vor.u32 v2, v11;
	_ =	sdelay $0x4  }
0x18b: {  	[tilespmem:v11+s5+$0x0] =	vst.idx.msk vm0, v10  }
0x18c: {  	v10 =	vld [tilespmem:s12+$0x50];
	_ =	sdelay $0x2  }
0x18d: {  	v11 =	vsel vm0, $0x1, v3  }
0x18e: {  	v7 =	vadd.s32 v11, v7  }
0x18f: {  	vm11 =	vlt.s32 v7, $0x100;
	vm10 =	vlt.f32 v10, v9  }
0x190: {  	v11 =	vshll.u32 v7, $0x4;
	vm0 =	vmand vm10, vm11  }
0x191: {  	v11 =	vor.u32 v2, v11;
	_ =	sdelay $0x4  }
0x192: {  	[tilespmem:v11+s5+$0x0] =	vst.idx.msk vm0, v10  }
0x193: {  	v10 =	vld [tilespmem:s12+$0x60];
	_ =	sdelay $0x2  }
0x194: {  	v11 =	vsel vm0, $0x1, v3  }
0x195: {  	v7 =	vadd.s32 v11, v7  }
0x196: {  	vm13 =	vlt.s32 v7, $0x100;
	vm12 =	vlt.f32 v10, v9  }
0x197: {  	v11 =	vshll.u32 v7, $0x4;
	vm0 =	vmand vm12, vm13  }
0x198: {  	v11 =	vor.u32 v2, v11;
	_ =	sdelay $0x4  }
0x199: {  	[tilespmem:v11+s5+$0x0] =	vst.idx.msk vm0, v10  }
0x19a: {  	v10 =	vld [tilespmem:s12+$0x70];
	_ =	sdelay $0x2  }
0x19b: {  	v11 =	vsel vm0, $0x1, v3  }
0x19c: {  	v7 =	vadd.s32 v11, v7  }
0x19d: {  	vm15 =	vlt.s32 v7, $0x100;
	vm14 =	vlt.f32 v10, v9  }
0x19e: {  	v11 =	vshll.u32 v7, $0x4;
	vm0 =	vmand vm14, vm15  }
0x19f: {  	v11 =	vor.u32 v2, v11  }
.Ltmp10:
0x1a0: {  	_ = 	snop;
	(pc) =	sbr.rel .LBB2_14-.Ltmp10, $3  }
0x1a1: {  	_ =	sdelay $0x1  }
0x1a2: {  	v12 =	vsel vm0, $0x1, v3  }
0x1a3: {  	v7 =	vadd.s32 v12, v7;
	[tilespmem:v11+s5+$0x0] =	vst.idx.msk vm0, v10  }
.LBB2_15:
0x1a4: {  	s11 =	simm.s32 $0x80  }
0x1a5: {  	[tilespmem:s0], [sflag:$0x2] =	stream.strided.gather [hbm4b:s20+s21], $0x8000, s11, s21, $0x38;
	[tilespmem:$0x12830] =	vst v63  }
0x1a6: {  	_ =	swait.ge [sflag:s4], $0x8000  }
0x1a7: {  	[sflag:s4] =	ssyncset.done $0x0  }
0x1a8: {  	[sflag:s4] =	ssyncadd.s32 $0xFFFF8000  }
0x1a9: {  	v9 =	vld [tilespmem:s11+$0xFFFFFF90]  }
0x1aa: {  	v10 =	vld [tilespmem:s11+$0xFFFFFF80]  }
0x1ab: {  	v11 =	vld [tilespmem:s11+$0xFFFFFFA0]  }
0x1ac: {  	v13 =	vld [tilespmem:s11+$0xFFFFFFB0]  }
0x1ad: {  	v12 =	vld [tilespmem:s11+$0xFFFFFFC0]  }
0x1ae: {  	v14 =	vld [tilespmem:s11+$0xFFFFFFD0]  }
0x1af: {  	v15 =	vld [tilespmem:s11+$0xFFFFFFE0]  }
0x1b0: {  	v16 =	vld [tilespmem:s11+$0xFFFFFFF0]  }
0x1b1: {  	v17 =	vld [tilespmem:s11+$0x0]  }
0x1b2: {  	v18 =	vld [tilespmem:s11+$0x10]  }
0x1b3: {  	v19 =	vld [tilespmem:s11+$0x20]  }
0x1b4: {  	v20 =	vld [tilespmem:s11+$0x30]  }
0x1b5: {  	v21 =	vld [tilespmem:s11+$0x40]  }
0x1b6: {  	v22 =	vld [tilespmem:s11+$0x50]  }
0x1b7: {  	v23 =	vld [tilespmem:s11+$0x60]  }
0x1b8: {  	s12 =	simm.s32 $0x0;
	s13 =	simm.s32 $0x40;
	v24 =	vld [tilespmem:s11+$0x70]  }
.LBB2_16:
0x1b9: {  	p0 =	sne.s32 s13, $0x1FC0  }
0x1ba: {  	v9 =	vmin.f32 v10, v9;
	v10 =	vmin.f32 v11, v13  }
0x1bb: {  	v9 =	vmin.f32 v9, v10  }
0x1bc: {  	v11 =	vmin.f32 v15, v16;
	v10 =	vmin.f32 v12, v14;
	v12 =	vmin.f32 v17, v18  }
0x1bd: {  	v13 =	vmin.f32 v19, v20;
	v14 =	vmin.f32 v21, v22;
	v15 =	vmin.f32 v23, v24  }
0x1be: {  	v10 =	vmin.f32 v10, v11;
	v11 =	vmin.f32 v12, v13;
	v12 =	vmin.f32 v14, v15  }
0x1bf: {  	v9 =	vmin.f32 v9, v10;
	v10 =	vmin.f32 v11, v12  }
0x1c0: {  	s14 =	sshra.s32 s12, $0x2;
	s12 =	smov.u32 s13;
	v9 =	vmin.f32 v9, v10  }
0x1c1: {  	s11 =	sadd.s32 $0x100, s11;
	[tilespmem:s14+$0x11000] =	vst v9;
	v8 =	vmin.f32 v8, v9  }
0x1c2: {  	v9 =	vld [tilespmem:s11+$0xFFFFFF90]  }
0x1c3: {  	v10 =	vld [tilespmem:s11+$0xFFFFFF80]  }
0x1c4: {  	v11 =	vld [tilespmem:s11+$0xFFFFFFA0]  }
0x1c5: {  	v13 =	vld [tilespmem:s11+$0xFFFFFFB0]  }
0x1c6: {  	v12 =	vld [tilespmem:s11+$0xFFFFFFC0]  }
0x1c7: {  	v14 =	vld [tilespmem:s11+$0xFFFFFFD0]  }
0x1c8: {  	v15 =	vld [tilespmem:s11+$0xFFFFFFE0]  }
0x1c9: {  	v16 =	vld [tilespmem:s11+$0xFFFFFFF0]  }
0x1ca: {  	v17 =	vld [tilespmem:s11+$0x0]  }
0x1cb: {  	v18 =	vld [tilespmem:s11+$0x10]  }
0x1cc: {  	v19 =	vld [tilespmem:s11+$0x20]  }
.Ltmp11:
0x1cd: {  	v20 =	vld [tilespmem:s11+$0x30];
	(pc) =	sbr.rel @p0 .LBB2_16-.Ltmp11, $4  }
0x1ce: {  	v21 =	vld [tilespmem:s11+$0x40]  }
0x1cf: {  	v22 =	vld [tilespmem:s11+$0x50]  }
0x1d0: {  	v23 =	vld [tilespmem:s11+$0x60]  }
0x1d1: {  	s13 =	sadd.s32 $0x40, s13;
	v24 =	vld [tilespmem:s11+$0x70]  }
0x1d2: {  	_ =	sdelay $0x1  }
0x1d3: {  	v9 =	vmin.f32 v10, v9;
	v10 =	vmin.f32 v11, v13;
	v11 =	vmin.f32 v15, v16  }
0x1d4: {  	v59 =	vmin.f32 v17, v18;
	v60 =	vmin.f32 v19, v20;
	v9 =	vmin.f32 v9, v10  }
0x1d5: {  	v10 =	vmin.f32 v12, v14;
	v61 =	vmin.f32 v21, v22;
	v62 =	vmin.f32 v23, v24  }
.Ltmp12:
0x1d6: {  	v10 =	vmin.f32 v10, v11;
	v11 =	vmin.f32 v59, v60;
	v63 =	vmin.f32 v61, v62;
	(pc) =	sbr.rel .LBB2_18-.Ltmp12, $4  }
0x1d7: {  	v9 =	vmin.f32 v9, v10;
	v10 =	vmin.f32 v11, v63  }
0x1d8: {  	v9 =	vmin.f32 v9, v10  }
0x1d9: {  	s11 =	sshra.s32 s12, $0x2;
	v8 =	vmin.f32 v8, v9  }
0x1da: {  	s12 =	simm.s32 $0x80;
	[tilespmem:s11+$0x11000] =	vst v9;
	s11 =	simm.s32 $0x0;
	v9 =	vadd.f32 v8, v6  }
.LBB2_20:
0x1db: {  	s11 =	sadd.s32 $0x40, s11  }
0x1dc: {  	p0 =	sne.s32 s11, $0x2000  }
.Ltmp13:
0x1dd: {  	_ = 	snop;
	(pc) =	sbr.rel @!p0 .LBB2_21-.Ltmp13, $2  }
0x1de: {  	_ =	sdelay $0x2  }
0x1df: {  	s12 =	sadd.s32 $0x100, s12  }
.LBB2_18:
0x1e0: {  	s13 =	sshra.s32 s11, $0x2  }
0x1e1: {  	v10 =	vld [tilespmem:s13+$0x11000];
	_ =	sdelay $0x4  }
0x1e2: {  	vm0 =	vlt.f32 v10, v9  }
0x1e3: {  	v10 =	vsel vm0, $0x3F800000, v1  }
0x1e4: {  	(xrf0) =	vmax.scan.msk.f32 $0xffff, v10;
	_ =	sdelay $0x5  }
0x1e5: {  	v10, _, _ =	vpop (xrf0)  }
0x1e6: {  	(v2sf) =	vpush v10, $0xF;
	_ =	sdelay $0xe  }
0x1e7: {  	s16 =	spop (v2sf)  }
0x1e8: {  	p0 =	sgt.f32 s16, $0.0e+00  }
.Ltmp14:
0x1e9: {  	_ = 	snop;
	(pc) =	sbr.rel @!p0 .LBB2_20-.Ltmp14, $1  }
0x1ea: {  	_ =	sdelay $0x3  }
0x1eb: {  	v10 =	vld [tilespmem:s12+$0xFFFFFF80];
	_ =	sdelay $0x4  }
0x1ec: {  	vm1 =	vlt.s32 v7, $0x100;
	vm0 =	vlt.f32 v10, v9  }
0x1ed: {  	v11 =	vshll.u32 v7, $0x4;
	vm0 =	vmand vm1, vm0  }
0x1ee: {  	v11 =	vor.u32 v2, v11;
	_ =	sdelay $0x4  }
0x1ef: {  	[tilespmem:v11+s5+$0x0] =	vst.idx.msk vm0, v10  }
0x1f0: {  	v10 =	vld [tilespmem:s12+$0xFFFFFF90];
	_ =	sdelay $0x2  }
0x1f1: {  	v11 =	vsel vm0, $0x1, v3  }
0x1f2: {  	v7 =	vadd.s32 v11, v7  }
0x1f3: {  	vm11 =	vlt.s32 v7, $0x100;
	vm10 =	vlt.f32 v10, v9  }
0x1f4: {  	v11 =	vshll.u32 v7, $0x4;
	vm0 =	vmand vm10, vm11  }
0x1f5: {  	v11 =	vor.u32 v2, v11;
	_ =	sdelay $0x4  }
0x1f6: {  	[tilespmem:v11+s5+$0x0] =	vst.idx.msk vm0, v10  }
0x1f7: {  	v10 =	vld [tilespmem:s12+$0xFFFFFFA0];
	_ =	sdelay $0x2  }
0x1f8: {  	v11 =	vsel vm0, $0x1, v3  }
0x1f9: {  	v7 =	vadd.s32 v11, v7  }
0x1fa: {  	vm13 =	vlt.s32 v7, $0x100;
	vm12 =	vlt.f32 v10, v9  }
0x1fb: {  	v11 =	vshll.u32 v7, $0x4;
	vm0 =	vmand vm12, vm13  }
0x1fc: {  	v11 =	vor.u32 v2, v11;
	_ =	sdelay $0x4  }
0x1fd: {  	[tilespmem:v11+s5+$0x0] =	vst.idx.msk vm0, v10  }
0x1fe: {  	v10 =	vld [tilespmem:s12+$0xFFFFFFB0];
	_ =	sdelay $0x2  }
0x1ff: {  	v11 =	vsel vm0, $0x1, v3  }
0x200: {  	v7 =	vadd.s32 v11, v7  }
0x201: {  	vm15 =	vlt.s32 v7, $0x100;
	vm14 =	vlt.f32 v10, v9  }
0x202: {  	v11 =	vshll.u32 v7, $0x4;
	vm0 =	vmand vm14, vm15  }
0x203: {  	v11 =	vor.u32 v2, v11;
	_ =	sdelay $0x4  }
0x204: {  	[tilespmem:v11+s5+$0x0] =	vst.idx.msk vm0, v10  }
0x205: {  	v10 =	vld [tilespmem:s12+$0xFFFFFFC0];
	_ =	sdelay $0x2  }
0x206: {  	v11 =	vsel vm0, $0x1, v3  }
0x207: {  	v7 =	vadd.s32 v11, v7  }
0x208: {  	vm5 =	vlt.s32 v7, $0x100;
	vm4 =	vlt.f32 v10, v9  }
0x209: {  	v11 =	vshll.u32 v7, $0x4;
	vm0 =	vmand vm4, vm5  }
0x20a: {  	v11 =	vor.u32 v2, v11;
	_ =	sdelay $0x4  }
0x20b: {  	[tilespmem:v11+s5+$0x0] =	vst.idx.msk vm0, v10  }
0x20c: {  	v10 =	vld [tilespmem:s12+$0xFFFFFFD0];
	_ =	sdelay $0x2  }
0x20d: {  	v11 =	vsel vm0, $0x1, v3  }
0x20e: {  	v7 =	vadd.s32 v11, v7  }
0x20f: {  	vm7 =	vlt.s32 v7, $0x100;
	vm6 =	vlt.f32 v10, v9  }
0x210: {  	v11 =	vshll.u32 v7, $0x4;
	vm0 =	vmand vm6, vm7  }
0x211: {  	v11 =	vor.u32 v2, v11;
	_ =	sdelay $0x4  }
0x212: {  	[tilespmem:v11+s5+$0x0] =	vst.idx.msk vm0, v10  }
0x213: {  	v10 =	vld [tilespmem:s12+$0xFFFFFFE0];
	_ =	sdelay $0x2  }
0x214: {  	v11 =	vsel vm0, $0x1, v3  }
0x215: {  	v7 =	vadd.s32 v11, v7  }
0x216: {  	vm9 =	vlt.s32 v7, $0x100;
	vm8 =	vlt.f32 v10, v9  }
0x217: {  	v11 =	vshll.u32 v7, $0x4;
	vm0 =	vmand vm8, vm9  }
0x218: {  	v11 =	vor.u32 v2, v11;
	_ =	sdelay $0x4  }
0x219: {  	[tilespmem:v11+s5+$0x0] =	vst.idx.msk vm0, v10  }
0x21a: {  	v10 =	vld [tilespmem:s12+$0xFFFFFFF0];
	_ =	sdelay $0x2  }
0x21b: {  	v11 =	vsel vm0, $0x1, v3  }
0x21c: {  	v7 =	vadd.s32 v11, v7  }
0x21d: {  	vm11 =	vlt.s32 v7, $0x100;
	vm10 =	vlt.f32 v10, v9  }
0x21e: {  	v11 =	vshll.u32 v7, $0x4;
	vm0 =	vmand vm10, vm11  }
0x21f: {  	v11 =	vor.u32 v2, v11;
	_ =	sdelay $0x4  }
0x220: {  	[tilespmem:v11+s5+$0x0] =	vst.idx.msk vm0, v10  }
0x221: {  	v10 =	vld [tilespmem:s12+$0x0];
	_ =	sdelay $0x2  }
0x222: {  	v11 =	vsel vm0, $0x1, v3  }
0x223: {  	v7 =	vadd.s32 v11, v7  }
0x224: {  	vm13 =	vlt.s32 v7, $0x100;
	vm12 =	vlt.f32 v10, v9  }
0x225: {  	v11 =	vshll.u32 v7, $0x4;
	vm0 =	vmand vm12, vm13  }
0x226: {  	v11 =	vor.u32 v2, v11;
	_ =	sdelay $0x4  }
0x227: {  	[tilespmem:v11+s5+$0x0] =	vst.idx.msk vm0, v10  }
0x228: {  	v10 =	vld [tilespmem:s12+$0x10];
	_ =	sdelay $0x2  }
0x229: {  	v11 =	vsel vm0, $0x1, v3  }
0x22a: {  	v7 =	vadd.s32 v11, v7  }
0x22b: {  	vm15 =	vlt.s32 v7, $0x100;
	vm14 =	vlt.f32 v10, v9  }
0x22c: {  	v11 =	vshll.u32 v7, $0x4;
	vm0 =	vmand vm14, vm15  }
0x22d: {  	v11 =	vor.u32 v2, v11;
	_ =	sdelay $0x4  }
0x22e: {  	[tilespmem:v11+s5+$0x0] =	vst.idx.msk vm0, v10  }
0x22f: {  	v10 =	vld [tilespmem:s12+$0x20];
	_ =	sdelay $0x2  }
0x230: {  	v11 =	vsel vm0, $0x1, v3  }
0x231: {  	v7 =	vadd.s32 v11, v7  }
0x232: {  	vm5 =	vlt.s32 v7, $0x100;
	vm4 =	vlt.f32 v10, v9  }
0x233: {  	v11 =	vshll.u32 v7, $0x4;
	vm0 =	vmand vm4, vm5  }
0x234: {  	v11 =	vor.u32 v2, v11;
	_ =	sdelay $0x4  }
0x235: {  	[tilespmem:v11+s5+$0x0] =	vst.idx.msk vm0, v10  }
0x236: {  	v10 =	vld [tilespmem:s12+$0x30];
	_ =	sdelay $0x2  }
0x237: {  	v11 =	vsel vm0, $0x1, v3  }
0x238: {  	v7 =	vadd.s32 v11, v7  }
0x239: {  	vm7 =	vlt.s32 v7, $0x100;
	vm6 =	vlt.f32 v10, v9  }
0x23a: {  	v11 =	vshll.u32 v7, $0x4;
	vm0 =	vmand vm6, vm7  }
0x23b: {  	v11 =	vor.u32 v2, v11;
	_ =	sdelay $0x4  }
0x23c: {  	[tilespmem:v11+s5+$0x0] =	vst.idx.msk vm0, v10  }
0x23d: {  	v10 =	vld [tilespmem:s12+$0x40];
	_ =	sdelay $0x2  }
0x23e: {  	v11 =	vsel vm0, $0x1, v3  }
0x23f: {  	v7 =	vadd.s32 v11, v7  }
0x240: {  	vm9 =	vlt.s32 v7, $0x100;
	vm8 =	vlt.f32 v10, v9  }
0x241: {  	v11 =	vshll.u32 v7, $0x4;
	vm0 =	vmand vm8, vm9  }
0x242: {  	v11 =	vor.u32 v2, v11;
	_ =	sdelay $0x4  }
0x243: {  	[tilespmem:v11+s5+$0x0] =	vst.idx.msk vm0, v10  }
0x244: {  	v10 =	vld [tilespmem:s12+$0x50];
	_ =	sdelay $0x2  }
0x245: {  	v11 =	vsel vm0, $0x1, v3  }
0x246: {  	v7 =	vadd.s32 v11, v7  }
0x247: {  	vm11 =	vlt.s32 v7, $0x100;
	vm10 =	vlt.f32 v10, v9  }
0x248: {  	v11 =	vshll.u32 v7, $0x4;
	vm0 =	vmand vm10, vm11  }
0x249: {  	v11 =	vor.u32 v2, v11;
	_ =	sdelay $0x4  }
0x24a: {  	[tilespmem:v11+s5+$0x0] =	vst.idx.msk vm0, v10  }
0x24b: {  	v10 =	vld [tilespmem:s12+$0x60];
	_ =	sdelay $0x2  }
0x24c: {  	v11 =	vsel vm0, $0x1, v3  }
0x24d: {  	v7 =	vadd.s32 v11, v7  }
0x24e: {  	vm13 =	vlt.s32 v7, $0x100;
	vm12 =	vlt.f32 v10, v9  }
0x24f: {  	v11 =	vshll.u32 v7, $0x4;
	vm0 =	vmand vm12, vm13  }
0x250: {  	v11 =	vor.u32 v2, v11;
	_ =	sdelay $0x4  }
0x251: {  	[tilespmem:v11+s5+$0x0] =	vst.idx.msk vm0, v10  }
0x252: {  	v10 =	vld [tilespmem:s12+$0x70];
	_ =	sdelay $0x2  }
0x253: {  	v11 =	vsel vm0, $0x1, v3  }
0x254: {  	v7 =	vadd.s32 v11, v7  }
0x255: {  	vm15 =	vlt.s32 v7, $0x100;
	vm14 =	vlt.f32 v10, v9  }
0x256: {  	v11 =	vshll.u32 v7, $0x4;
	vm0 =	vmand vm14, vm15  }
0x257: {  	v11 =	vor.u32 v2, v11  }
.Ltmp15:
0x258: {  	_ = 	snop;
	(pc) =	sbr.rel .LBB2_20-.Ltmp15, $3  }
0x259: {  	_ =	sdelay $0x1  }
0x25a: {  	v12 =	vsel vm0, $0x1, v3  }
0x25b: {  	v7 =	vadd.s32 v12, v7;
	[tilespmem:v11+s5+$0x0] =	vst.idx.msk vm0, v10  }
.LBB2_21:
0x25c: {  	_ =	swait.ge [sflag:s7], $0x8000  }
0x25d: {  	[sflag:s7] =	ssyncset.done $0x0  }
0x25e: {  	s11 =	simm.s32 $0x8080;
	[sflag:s7] =	ssyncadd.s32 $0xFFFF8000  }
0x25f: {  	v9 =	vld [tilespmem:s11+$0xFFFFFF90]  }
0x260: {  	v10 =	vld [tilespmem:s11+$0xFFFFFF80]  }
0x261: {  	v11 =	vld [tilespmem:s11+$0xFFFFFFA0]  }
0x262: {  	v13 =	vld [tilespmem:s11+$0xFFFFFFB0]  }
0x263: {  	v12 =	vld [tilespmem:s11+$0xFFFFFFC0]  }
0x264: {  	v14 =	vld [tilespmem:s11+$0xFFFFFFD0]  }
0x265: {  	v15 =	vld [tilespmem:s11+$0xFFFFFFE0]  }
0x266: {  	v16 =	vld [tilespmem:s11+$0xFFFFFFF0]  }
0x267: {  	v17 =	vld [tilespmem:s11+$0x0]  }
0x268: {  	v18 =	vld [tilespmem:s11+$0x10]  }
0x269: {  	v19 =	vld [tilespmem:s11+$0x20]  }
0x26a: {  	v20 =	vld [tilespmem:s11+$0x30]  }
0x26b: {  	v21 =	vld [tilespmem:s11+$0x40]  }
0x26c: {  	v22 =	vld [tilespmem:s11+$0x50]  }
0x26d: {  	v23 =	vld [tilespmem:s11+$0x60]  }
0x26e: {  	s12 =	simm.s32 $0x0;
	s13 =	simm.s32 $0x40;
	v24 =	vld [tilespmem:s11+$0x70]  }
.LBB2_22:
0x26f: {  	p0 =	sne.s32 s13, $0x1FC0  }
0x270: {  	v9 =	vmin.f32 v10, v9;
	v10 =	vmin.f32 v11, v13  }
0x271: {  	v9 =	vmin.f32 v9, v10  }
0x272: {  	v11 =	vmin.f32 v15, v16;
	v10 =	vmin.f32 v12, v14;
	v12 =	vmin.f32 v17, v18  }
0x273: {  	v13 =	vmin.f32 v19, v20;
	v14 =	vmin.f32 v21, v22;
	v15 =	vmin.f32 v23, v24  }
0x274: {  	v10 =	vmin.f32 v10, v11;
	v11 =	vmin.f32 v12, v13;
	v12 =	vmin.f32 v14, v15  }
0x275: {  	v9 =	vmin.f32 v9, v10;
	v10 =	vmin.f32 v11, v12  }
0x276: {  	s14 =	sshra.s32 s12, $0x2;
	s12 =	smov.u32 s13;
	v9 =	vmin.f32 v9, v10  }
0x277: {  	s11 =	sadd.s32 $0x100, s11;
	[tilespmem:s14+$0x11000] =	vst v9;
	v8 =	vmin.f32 v8, v9  }
0x278: {  	v9 =	vld [tilespmem:s11+$0xFFFFFF90]  }
0x279: {  	v10 =	vld [tilespmem:s11+$0xFFFFFF80]  }
0x27a: {  	v11 =	vld [tilespmem:s11+$0xFFFFFFA0]  }
0x27b: {  	v13 =	vld [tilespmem:s11+$0xFFFFFFB0]  }
0x27c: {  	v12 =	vld [tilespmem:s11+$0xFFFFFFC0]  }
0x27d: {  	v14 =	vld [tilespmem:s11+$0xFFFFFFD0]  }
0x27e: {  	v15 =	vld [tilespmem:s11+$0xFFFFFFE0]  }
0x27f: {  	v16 =	vld [tilespmem:s11+$0xFFFFFFF0]  }
0x280: {  	v17 =	vld [tilespmem:s11+$0x0]  }
0x281: {  	v18 =	vld [tilespmem:s11+$0x10]  }
0x282: {  	v19 =	vld [tilespmem:s11+$0x20]  }
.Ltmp16:
0x283: {  	v20 =	vld [tilespmem:s11+$0x30];
	(pc) =	sbr.rel @p0 .LBB2_22-.Ltmp16, $4  }
0x284: {  	v21 =	vld [tilespmem:s11+$0x40]  }
0x285: {  	v22 =	vld [tilespmem:s11+$0x50]  }
0x286: {  	v23 =	vld [tilespmem:s11+$0x60]  }
0x287: {  	s13 =	sadd.s32 $0x40, s13;
	v24 =	vld [tilespmem:s11+$0x70]  }
0x288: {  	_ =	sdelay $0x1  }
0x289: {  	v9 =	vmin.f32 v10, v9;
	v10 =	vmin.f32 v11, v13;
	v11 =	vmin.f32 v15, v16  }
0x28a: {  	v59 =	vmin.f32 v17, v18;
	v60 =	vmin.f32 v19, v20;
	v9 =	vmin.f32 v9, v10  }
0x28b: {  	v10 =	vmin.f32 v12, v14;
	v61 =	vmin.f32 v21, v22;
	v62 =	vmin.f32 v23, v24  }
.Ltmp17:
0x28c: {  	v10 =	vmin.f32 v10, v11;
	v11 =	vmin.f32 v59, v60;
	v63 =	vmin.f32 v61, v62;
	(pc) =	sbr.rel .LBB2_24-.Ltmp17, $4  }
0x28d: {  	v9 =	vmin.f32 v9, v10;
	v10 =	vmin.f32 v11, v63  }
0x28e: {  	v9 =	vmin.f32 v9, v10  }
0x28f: {  	s11 =	sshra.s32 s12, $0x2;
	v8 =	vmin.f32 v8, v9  }
0x290: {  	s12 =	simm.s32 $0x8080;
	[tilespmem:s11+$0x11000] =	vst v9;
	s11 =	simm.s32 $0x0;
	v9 =	vadd.f32 v8, v6  }
.LBB2_26:
0x291: {  	s11 =	sadd.s32 $0x40, s11  }
0x292: {  	p0 =	sne.s32 s11, $0x2000  }
.Ltmp18:
0x293: {  	_ = 	snop;
	(pc) =	sbr.rel @!p0 .LBB2_27-.Ltmp18, $2  }
0x294: {  	_ =	sdelay $0x2  }
0x295: {  	s12 =	sadd.s32 $0x100, s12  }
.LBB2_24:
0x296: {  	s13 =	sshra.s32 s11, $0x2  }
0x297: {  	v10 =	vld [tilespmem:s13+$0x11000];
	_ =	sdelay $0x4  }
0x298: {  	vm0 =	vlt.f32 v10, v9  }
0x299: {  	v10 =	vsel vm0, $0x3F800000, v1  }
0x29a: {  	(xrf0) =	vmax.scan.msk.f32 $0xffff, v10;
	_ =	sdelay $0x5  }
0x29b: {  	v10, _, _ =	vpop (xrf0)  }
0x29c: {  	(v2sf) =	vpush v10, $0xF;
	_ =	sdelay $0xe  }
0x29d: {  	s16 =	spop (v2sf)  }
0x29e: {  	p0 =	sgt.f32 s16, $0.0e+00  }
.Ltmp19:
0x29f: {  	_ = 	snop;
	(pc) =	sbr.rel @!p0 .LBB2_26-.Ltmp19, $1  }
0x2a0: {  	_ =	sdelay $0x3  }
0x2a1: {  	v10 =	vld [tilespmem:s12+$0xFFFFFF80];
	_ =	sdelay $0x4  }
0x2a2: {  	vm1 =	vlt.s32 v7, $0x100;
	vm0 =	vlt.f32 v10, v9  }
0x2a3: {  	v11 =	vshll.u32 v7, $0x4;
	vm0 =	vmand vm1, vm0  }
0x2a4: {  	v11 =	vor.u32 v2, v11;
	_ =	sdelay $0x4  }
0x2a5: {  	[tilespmem:v11+s5+$0x0] =	vst.idx.msk vm0, v10  }
0x2a6: {  	v10 =	vld [tilespmem:s12+$0xFFFFFF90];
	_ =	sdelay $0x2  }
0x2a7: {  	v11 =	vsel vm0, $0x1, v3  }
0x2a8: {  	v7 =	vadd.s32 v11, v7  }
0x2a9: {  	vm11 =	vlt.s32 v7, $0x100;
	vm10 =	vlt.f32 v10, v9  }
0x2aa: {  	v11 =	vshll.u32 v7, $0x4;
	vm0 =	vmand vm10, vm11  }
0x2ab: {  	v11 =	vor.u32 v2, v11;
	_ =	sdelay $0x4  }
0x2ac: {  	[tilespmem:v11+s5+$0x0] =	vst.idx.msk vm0, v10  }
0x2ad: {  	v10 =	vld [tilespmem:s12+$0xFFFFFFA0];
	_ =	sdelay $0x2  }
0x2ae: {  	v11 =	vsel vm0, $0x1, v3  }
0x2af: {  	v7 =	vadd.s32 v11, v7  }
0x2b0: {  	vm13 =	vlt.s32 v7, $0x100;
	vm12 =	vlt.f32 v10, v9  }
0x2b1: {  	v11 =	vshll.u32 v7, $0x4;
	vm0 =	vmand vm12, vm13  }
0x2b2: {  	v11 =	vor.u32 v2, v11;
	_ =	sdelay $0x4  }
0x2b3: {  	[tilespmem:v11+s5+$0x0] =	vst.idx.msk vm0, v10  }
0x2b4: {  	v10 =	vld [tilespmem:s12+$0xFFFFFFB0];
	_ =	sdelay $0x2  }
0x2b5: {  	v11 =	vsel vm0, $0x1, v3  }
0x2b6: {  	v7 =	vadd.s32 v11, v7  }
0x2b7: {  	vm15 =	vlt.s32 v7, $0x100;
	vm14 =	vlt.f32 v10, v9  }
0x2b8: {  	v11 =	vshll.u32 v7, $0x4;
	vm0 =	vmand vm14, vm15  }
0x2b9: {  	v11 =	vor.u32 v2, v11;
	_ =	sdelay $0x4  }
0x2ba: {  	[tilespmem:v11+s5+$0x0] =	vst.idx.msk vm0, v10  }
0x2bb: {  	v10 =	vld [tilespmem:s12+$0xFFFFFFC0];
	_ =	sdelay $0x2  }
0x2bc: {  	v11 =	vsel vm0, $0x1, v3  }
0x2bd: {  	v7 =	vadd.s32 v11, v7  }
0x2be: {  	vm5 =	vlt.s32 v7, $0x100;
	vm4 =	vlt.f32 v10, v9  }
0x2bf: {  	v11 =	vshll.u32 v7, $0x4;
	vm0 =	vmand vm4, vm5  }
0x2c0: {  	v11 =	vor.u32 v2, v11;
	_ =	sdelay $0x4  }
0x2c1: {  	[tilespmem:v11+s5+$0x0] =	vst.idx.msk vm0, v10  }
0x2c2: {  	v10 =	vld [tilespmem:s12+$0xFFFFFFD0];
	_ =	sdelay $0x2  }
0x2c3: {  	v11 =	vsel vm0, $0x1, v3  }
0x2c4: {  	v7 =	vadd.s32 v11, v7  }
0x2c5: {  	vm7 =	vlt.s32 v7, $0x100;
	vm6 =	vlt.f32 v10, v9  }
0x2c6: {  	v11 =	vshll.u32 v7, $0x4;
	vm0 =	vmand vm6, vm7  }
0x2c7: {  	v11 =	vor.u32 v2, v11;
	_ =	sdelay $0x4  }
0x2c8: {  	[tilespmem:v11+s5+$0x0] =	vst.idx.msk vm0, v10  }
0x2c9: {  	v10 =	vld [tilespmem:s12+$0xFFFFFFE0];
	_ =	sdelay $0x2  }
0x2ca: {  	v11 =	vsel vm0, $0x1, v3  }
0x2cb: {  	v7 =	vadd.s32 v11, v7  }
0x2cc: {  	vm9 =	vlt.s32 v7, $0x100;
	vm8 =	vlt.f32 v10, v9  }
0x2cd: {  	v11 =	vshll.u32 v7, $0x4;
	vm0 =	vmand vm8, vm9  }
0x2ce: {  	v11 =	vor.u32 v2, v11;
	_ =	sdelay $0x4  }
0x2cf: {  	[tilespmem:v11+s5+$0x0] =	vst.idx.msk vm0, v10  }
0x2d0: {  	v10 =	vld [tilespmem:s12+$0xFFFFFFF0];
	_ =	sdelay $0x2  }
0x2d1: {  	v11 =	vsel vm0, $0x1, v3  }
0x2d2: {  	v7 =	vadd.s32 v11, v7  }
0x2d3: {  	vm11 =	vlt.s32 v7, $0x100;
	vm10 =	vlt.f32 v10, v9  }
0x2d4: {  	v11 =	vshll.u32 v7, $0x4;
	vm0 =	vmand vm10, vm11  }
0x2d5: {  	v11 =	vor.u32 v2, v11;
	_ =	sdelay $0x4  }
0x2d6: {  	[tilespmem:v11+s5+$0x0] =	vst.idx.msk vm0, v10  }
0x2d7: {  	v10 =	vld [tilespmem:s12+$0x0];
	_ =	sdelay $0x2  }
0x2d8: {  	v11 =	vsel vm0, $0x1, v3  }
0x2d9: {  	v7 =	vadd.s32 v11, v7  }
0x2da: {  	vm13 =	vlt.s32 v7, $0x100;
	vm12 =	vlt.f32 v10, v9  }
0x2db: {  	v11 =	vshll.u32 v7, $0x4;
	vm0 =	vmand vm12, vm13  }
0x2dc: {  	v11 =	vor.u32 v2, v11;
	_ =	sdelay $0x4  }
0x2dd: {  	[tilespmem:v11+s5+$0x0] =	vst.idx.msk vm0, v10  }
0x2de: {  	v10 =	vld [tilespmem:s12+$0x10];
	_ =	sdelay $0x2  }
0x2df: {  	v11 =	vsel vm0, $0x1, v3  }
0x2e0: {  	v7 =	vadd.s32 v11, v7  }
0x2e1: {  	vm15 =	vlt.s32 v7, $0x100;
	vm14 =	vlt.f32 v10, v9  }
0x2e2: {  	v11 =	vshll.u32 v7, $0x4;
	vm0 =	vmand vm14, vm15  }
0x2e3: {  	v11 =	vor.u32 v2, v11;
	_ =	sdelay $0x4  }
0x2e4: {  	[tilespmem:v11+s5+$0x0] =	vst.idx.msk vm0, v10  }
0x2e5: {  	v10 =	vld [tilespmem:s12+$0x20];
	_ =	sdelay $0x2  }
0x2e6: {  	v11 =	vsel vm0, $0x1, v3  }
0x2e7: {  	v7 =	vadd.s32 v11, v7  }
0x2e8: {  	vm5 =	vlt.s32 v7, $0x100;
	vm4 =	vlt.f32 v10, v9  }
0x2e9: {  	v11 =	vshll.u32 v7, $0x4;
	vm0 =	vmand vm4, vm5  }
0x2ea: {  	v11 =	vor.u32 v2, v11;
	_ =	sdelay $0x4  }
0x2eb: {  	[tilespmem:v11+s5+$0x0] =	vst.idx.msk vm0, v10  }
0x2ec: {  	v10 =	vld [tilespmem:s12+$0x30];
	_ =	sdelay $0x2  }
0x2ed: {  	v11 =	vsel vm0, $0x1, v3  }
0x2ee: {  	v7 =	vadd.s32 v11, v7  }
0x2ef: {  	vm7 =	vlt.s32 v7, $0x100;
	vm6 =	vlt.f32 v10, v9  }
0x2f0: {  	v11 =	vshll.u32 v7, $0x4;
	vm0 =	vmand vm6, vm7  }
0x2f1: {  	v11 =	vor.u32 v2, v11;
	_ =	sdelay $0x4  }
0x2f2: {  	[tilespmem:v11+s5+$0x0] =	vst.idx.msk vm0, v10  }
0x2f3: {  	v10 =	vld [tilespmem:s12+$0x40];
	_ =	sdelay $0x2  }
0x2f4: {  	v11 =	vsel vm0, $0x1, v3  }
0x2f5: {  	v7 =	vadd.s32 v11, v7  }
0x2f6: {  	vm9 =	vlt.s32 v7, $0x100;
	vm8 =	vlt.f32 v10, v9  }
0x2f7: {  	v11 =	vshll.u32 v7, $0x4;
	vm0 =	vmand vm8, vm9  }
0x2f8: {  	v11 =	vor.u32 v2, v11;
	_ =	sdelay $0x4  }
0x2f9: {  	[tilespmem:v11+s5+$0x0] =	vst.idx.msk vm0, v10  }
0x2fa: {  	v10 =	vld [tilespmem:s12+$0x50];
	_ =	sdelay $0x2  }
0x2fb: {  	v11 =	vsel vm0, $0x1, v3  }
0x2fc: {  	v7 =	vadd.s32 v11, v7  }
0x2fd: {  	vm11 =	vlt.s32 v7, $0x100;
	vm10 =	vlt.f32 v10, v9  }
0x2fe: {  	v11 =	vshll.u32 v7, $0x4;
	vm0 =	vmand vm10, vm11  }
0x2ff: {  	v11 =	vor.u32 v2, v11;
	_ =	sdelay $0x4  }
0x300: {  	[tilespmem:v11+s5+$0x0] =	vst.idx.msk vm0, v10  }
0x301: {  	v10 =	vld [tilespmem:s12+$0x60];
	_ =	sdelay $0x2  }
0x302: {  	v11 =	vsel vm0, $0x1, v3  }
0x303: {  	v7 =	vadd.s32 v11, v7  }
0x304: {  	vm13 =	vlt.s32 v7, $0x100;
	vm12 =	vlt.f32 v10, v9  }
0x305: {  	v11 =	vshll.u32 v7, $0x4;
	vm0 =	vmand vm12, vm13  }
0x306: {  	v11 =	vor.u32 v2, v11;
	_ =	sdelay $0x4  }
0x307: {  	[tilespmem:v11+s5+$0x0] =	vst.idx.msk vm0, v10  }
0x308: {  	v10 =	vld [tilespmem:s12+$0x70];
	_ =	sdelay $0x2  }
0x309: {  	v11 =	vsel vm0, $0x1, v3  }
0x30a: {  	v7 =	vadd.s32 v11, v7  }
0x30b: {  	vm15 =	vlt.s32 v7, $0x100;
	vm14 =	vlt.f32 v10, v9  }
0x30c: {  	v11 =	vshll.u32 v7, $0x4;
	vm0 =	vmand vm14, vm15  }
0x30d: {  	v11 =	vor.u32 v2, v11  }
.Ltmp20:
0x30e: {  	_ = 	snop;
	(pc) =	sbr.rel .LBB2_26-.Ltmp20, $3  }
0x30f: {  	_ =	sdelay $0x1  }
0x310: {  	v12 =	vsel vm0, $0x1, v3  }
0x311: {  	v7 =	vadd.s32 v12, v7;
	[tilespmem:v11+s5+$0x0] =	vst.idx.msk vm0, v10  }
.LBB2_27:
0x312: {  	(v2sf) =	vpush v5, $0x0;
	_ =	sdelay $0xc  }
0x313: {  	[tilespmem:$0x11800] =	vst v8;
	s11 =	rddreg [dreg:$0x7]  }
0x314: {  	[spmem:s11] =	stream.linear.scatter [tilespmem:s30], [sflag:$0x5], $0x10, $0x38;
	[tilespmem:$0x12830] =	vst v63  }
0x315: {  	s12 =	spop (v2sf)  }
0x316: {  	_ =	swait.ge [sflag:s31], $0x10  }
0x317: {  	v5 =	vcvt.s32.f32 v7;
	[sflag:s31] =	ssyncset.done $0x0  }
0x318: {  	[sflag:s31] =	ssyncadd.s32 $0xFFFFFFF0  }
0x319: {  	s14 =	rddreg [dreg:$0x8];
	[tilespmem:$0x11800] =	vst v5  }
0x31a: {  	[spmem:s14] =	stream.linear.scatter [tilespmem:s30], [sflag:$0x5], $0x10, $0x38;
	[tilespmem:$0x12830] =	vst v63  }
0x31b: {  	_ =	swait.ge [sflag:s31], $0x10  }
0x31c: {  	[sflag:s31] =	ssyncset.done $0x0  }
0x31d: {  	s15 =	rddreg [dreg:$0x11];
	[sflag:s31] =	ssyncadd.s32 $0xFFFFFFF0  }
0x31e: {  	[spmem:s15] =	stream.linear.scatter [tilespmem:s5], [sflag:$0x5], $0x1000, $0x38;
	[tilespmem:$0x12830] =	vst v63  }
0x31f: {  	_ =	swait.ge [sflag:s31], $0x1000  }
0x320: {  	[sflag:s31] =	ssyncset.done $0x0  }
0x321: {  	[sflag:s31] =	ssyncadd.s32 $0xFFFFF000  }
0x322: {  	[bflag:$0x0] =	sbarrier.arrive $0xFFFF  }
0x323: {  	s16 =	rddreg [dreg:$0x9]  }
0x324: {  	[tilespmem:s30], [sflag:$0x5] =	stream.linear.gather [spmem:s16], $0x10, $0x38;
	[tilespmem:$0x12830] =	vst v63  }
0x325: {  	_ =	swait.ge [sflag:s31], $0x10  }
0x326: {  	[sflag:s31] =	ssyncset.done $0x0  }
0x327: {  	s13 =	rddreg [dreg:$0xa];
	[sflag:s31] =	ssyncadd.s32 $0xFFFFFFF0  }
0x328: {  	v5 =	vld [tilespmem:$0x11800];
	[tilespmem:s30], [sflag:$0x5] =	stream.linear.gather [spmem:s13], $0x10, $0x38  }
0x329: {  	_ =	swait.ge [sflag:s31], $0x10  }
0x32a: {  	[sflag:s31] =	ssyncset.done $0x0  }
0x32b: {  	s11 =	simm.s32 $0x0;
	s13 =	rddreg [dreg:$0x12];
	[sflag:s31] =	ssyncadd.s32 $0xFFFFFFF0  }
0x32c: {  	v7 =	vld [tilespmem:$0x11800];
	[tilespmem:s11], [sflag:$0x5] =	stream.linear.gather [spmem:s13], $0x1000, $0x38  }
0x32d: {  	_ =	swait.ge [sflag:s31], $0x1000  }
0x32e: {  	[sflag:s31] =	ssyncset.done $0x0  }
0x32f: {  	s14 =	rddreg [dreg:$0xb];
	[sflag:s31] =	ssyncadd.s32 $0xFFFFF000  }
0x330: {  	[tilespmem:s30], [sflag:$0x5] =	stream.linear.gather [spmem:s14], $0x10, $0x38;
	[tilespmem:$0x12830] =	vst v63  }
0x331: {  	_ =	swait.ge [sflag:s31], $0x10  }
0x332: {  	[sflag:s31] =	ssyncset.done $0x0  }
0x333: {  	s15 =	rddreg [dreg:$0xc];
	[sflag:s31] =	ssyncadd.s32 $0xFFFFFFF0  }
0x334: {  	v8 =	vld [tilespmem:$0x11800];
	[tilespmem:s30], [sflag:$0x5] =	stream.linear.gather [spmem:s15], $0x10, $0x38  }
0x335: {  	_ =	swait.ge [sflag:s31], $0x10  }
0x336: {  	[sflag:s31] =	ssyncset.done $0x0  }
0x337: {  	s14 =	simm.s32 $0x1000;
	s16 =	rddreg [dreg:$0x13];
	[sflag:s31] =	ssyncadd.s32 $0xFFFFFFF0  }
0x338: {  	v9 =	vld [tilespmem:$0x11800];
	[tilespmem:s14], [sflag:$0x5] =	stream.linear.gather [spmem:s16], $0x1000, $0x38  }
0x339: {  	_ =	swait.ge [sflag:s31], $0x1000  }
0x33a: {  	[sflag:s31] =	ssyncset.done $0x0  }
0x33b: {  	s14 =	rddreg [dreg:$0xd];
	[sflag:s31] =	ssyncadd.s32 $0xFFFFF000  }
0x33c: {  	[tilespmem:s30], [sflag:$0x5] =	stream.linear.gather [spmem:s14], $0x10, $0x38;
	[tilespmem:$0x12830] =	vst v63  }
0x33d: {  	_ =	swait.ge [sflag:s31], $0x10  }
0x33e: {  	[sflag:s31] =	ssyncset.done $0x0  }
0x33f: {  	s15 =	rddreg [dreg:$0xe];
	[sflag:s31] =	ssyncadd.s32 $0xFFFFFFF0  }
0x340: {  	v10 =	vld [tilespmem:$0x11800];
	[tilespmem:s30], [sflag:$0x5] =	stream.linear.gather [spmem:s15], $0x10, $0x38  }
0x341: {  	_ =	swait.ge [sflag:s31], $0x10  }
0x342: {  	[sflag:s31] =	ssyncset.done $0x0  }
0x343: {  	s16 =	simm.s32 $0x2000;
	[sflag:s31] =	ssyncadd.s32 $0xFFFFFFF0  }
0x344: {  	v11 =	vld [tilespmem:$0x11800];
	[tilespmem:s16], [sflag:$0x5] =	stream.linear.gather [spmem:s17], $0x1000, $0x38  }
0x345: {  	_ =	swait.ge [sflag:s31], $0x1000  }
0x346: {  	[sflag:s31] =	ssyncset.done $0x0  }
0x347: {  	s14 =	rddreg [dreg:$0xf];
	[sflag:s31] =	ssyncadd.s32 $0xFFFFF000  }
0x348: {  	[tilespmem:s30], [sflag:$0x5] =	stream.linear.gather [spmem:s14], $0x10, $0x38;
	[tilespmem:$0x12830] =	vst v63  }
0x349: {  	_ =	swait.ge [sflag:s31], $0x10  }
0x34a: {  	[sflag:s31] =	ssyncset.done $0x0  }
0x34b: {  	s15 =	rddreg [dreg:$0x10];
	[sflag:s31] =	ssyncadd.s32 $0xFFFFFFF0  }
0x34c: {  	v12 =	vld [tilespmem:$0x11800];
	[tilespmem:s30], [sflag:$0x5] =	stream.linear.gather [spmem:s15], $0x10, $0x38  }
0x34d: {  	_ =	swait.ge [sflag:s31], $0x10  }
0x34e: {  	[sflag:s31] =	ssyncset.done $0x0  }
0x34f: {  	[sflag:s31] =	ssyncadd.s32 $0xFFFFFFF0  }
0x350: {  	v13 =	vld [tilespmem:$0x11800];
	_ =	sdelay $0x1  }
0x351: {  	v7 =	vmax.f32 v7, $0.0e+00  }
0x352: {  	v7 =	vmax.f32 v7, v9;
	s16 =	simm.s32 $0x3000  }
0x353: {  	v7 =	vmax.f32 v7, v11;
	[tilespmem:s16], [sflag:$0x5] =	stream.linear.gather [spmem:s18], $0x1000, $0x38;
	[tilespmem:$0x12830] =	vst v63  }
0x354: {  	_ =	swait.ge [sflag:s31], $0x1000;
	v7 =	vmax.f32 v7, v13  }
0x355: {  	(xrf0) =	vmax.scan.msk.f32 $0xffff, v7;
	_ =	sdelay $0x5  }
0x356: {  	v7, _, _ =	vpop (xrf0)  }
0x357: {  	(v2sf) =	vpush v7, $0xF;
	_ =	sdelay $0xe  }
0x358: {  	s14 =	spop (v2sf)  }
0x359: {  	s13 =	smin.f32 s14, $2.560000000e+02  }
0x35a: {  	s13 =	scvt.f32.s32 s13;
	_ =	sdelay $0x1  }
0x35b: {  	s13 =	sadd.s32 $0x7, s13  }
0x35c: {  	s15 =	sand.u32 $0x7, s13  }
0x35d: {  	v5 =	vmin.f32 v5, v8;
	s16 =	sshra.s32 s13, $0x1F;
	p1 =	slt.s32 s13, $0x1;
	p0 =	sne.s32 s15, $0x0  }
.Ltmp21:
0x35e: {  	v5 =	vmin.f32 v5, v10;
	s14 =	sshrl.u32 s16, $0x1D;
	p0 =	por !p1, !p0;
	(pc) =	sbr.rel .LBB2_28-.Ltmp21, $4  }
0x35f: {  	v5 =	vmin.f32 v5, v12;
	s13 =	sadd.s32 s14, s13;
	s14 =	simm.s32 $0x1;
	p0 =	por !p0, !p0  }
0x360: {  	v7 =	vsub.f32 $0.0e+00, v5;
	s15 =	ssub.f32 $0.0e+00, s12;
	s13 =	sshra.s32 s13, $0x3;
	s14 =	simm.s32 @!p0 $0x0  }
0x361: {  	v8 =	vimm.f32 $0.0e+00;
	[sflag:s31] =	ssyncset.done $0x0;
	s12 =	ssub.s32 s13, s14  }
0x362: {  	v9 =	vimm.f32 $-1.000000020e+30;
	[sflag:s31] =	ssyncadd.s32 $0xFFFFF000;
	v5 =	vsub.f32 v7, v6;
	v6 =	vmov s15;
	p0 =	slt.s32 s12, $0x1  }
.LBB2_36:
0x363: {  	s11 =	sadd.s32 $0x1, s11  }
0x364: {  	p1 =	sne.s32 s11, $0xE  }
.Ltmp22:
0x365: {  	_ = 	snop;
	(pc) =	sbr.rel @!p1 .LBB2_37-.Ltmp22, $4  }
0x366: {  	_ = 	snop  }
0x367: {  	vm0 =	vle.f32 v11, v6  }
0x368: {  	v5 =	vsel vm0, v10, v5  }
0x369: {  	v7 =	vsel vm0, v7, v10;
	v9 =	vsel vm0, v11, v9;
	v8 =	vsel vm0, v8, v11  }
.LBB2_28:
.Ltmp23:
0x36a: {  	_ = 	snop;
	(pc) =	sbr.rel .LBB2_29-.Ltmp23, $3  }
0x36b: {  	v10 =	vadd.f32 v7, v5;
	_ =	sdelay $0x1  }
0x36c: {  	v10 =	vmul.f32 $5.000000000e-01, v10  }
0x36d: {  	s15 =	simm.s32 $0x40;
	v11 =	vimm.f32 $0.0e+00;
	s14 =	simm.s32 $0x0  }
.LBB2_31:
0x36e: {  	s13 =	smov.u32 s15  }
.LBB2_34:
0x36f: {  	v15 =	vmin.f32 @p1 v15, $0.0e+00;
	v13 =	vadd.f32 @p1 v13, v10  }
0x370: {  	v15 =	vadd.f32 @p1 v15, v16  }
0x371: {  	v51 =	vld [tilespmem:s13+$0xFFFFFFD0];
	v14 =	vadd.f32 @p1 v14, v10;
	v13 =	vmin.f32 @p1 v13, $0.0e+00  }
0x372: {  	v13 =	vadd.f32 @p1 v13, v15  }
0x373: {  	v52 =	vld [tilespmem:s13+$0xFFFFFFE0];
	v14 =	vmin.f32 @p1 v14, $0.0e+00  }
0x374: {  	v12 =	vadd.f32 v12, v10;
	v13 =	vadd.f32 @p1 v14, v13  }
0x375: {  	v53 =	vld [tilespmem:s13+$0xFFFFFFF0]  }
0x376: {  	v12 =	vmin.f32 v12, $0.0e+00;
	v16 =	vadd.f32 v51, v10;
	v11 =	vpsel p1, v13, v11  }
0x377: {  	v54 =	vld [tilespmem:s13+$0x0];
	v11 =	vadd.f32 v12, v11  }
0x378: {  	v15 =	vadd.f32 v52, v10;
	v55 =	vmin.f32 v16, $0.0e+00  }
0x379: {  	v56 =	vld [tilespmem:s13+$0x10];
	v11 =	vadd.f32 v55, v11  }
0x37a: {  	v14 =	vadd.f32 v53, v10;
	v15 =	vmin.f32 v15, $0.0e+00  }
0x37b: {  	v57 =	vld [tilespmem:s13+$0x20];
	v11 =	vadd.f32 v15, v11  }
0x37c: {  	v14 =	vmin.f32 v14, $0.0e+00;
	v12 =	vadd.f32 v54, v10  }
0x37d: {  	v58 =	vld [tilespmem:s13+$0x30];
	v11 =	vadd.f32 v14, v11  }
0x37e: {  	v13 =	vadd.f32 v56, v10;
	v12 =	vmin.f32 v12, $0.0e+00  }
0x37f: {  	v11 =	vadd.f32 v12, v11  }
0x380: {  	v60 =	vadd.f32 v57, v10;
	v59 =	vmin.f32 v13, $0.0e+00  }
0x381: {  	v11 =	vadd.f32 v59, v11  }
0x382: {  	v62 =	vadd.f32 v58, v10;
	v61 =	vmin.f32 v60, $0.0e+00  }
0x383: {  	v11 =	vadd.f32 v61, v11  }
0x384: {  	v63 =	vmin.f32 v62, $0.0e+00  }
0x385: {  	v11 =	vadd.f32 v63, v11  }
.LBB2_35:
0x386: {  	s14 =	sadd.s32 $0x1, s14  }
0x387: {  	p1 =	sne.s32 s14, $0x4  }
.Ltmp24:
0x388: {  	_ = 	snop;
	(pc) =	sbr.rel @!p1 .LBB2_36-.Ltmp24, $2  }
0x389: {  	_ =	sdelay $0x2  }
0x38a: {  	s15 =	sadd.s32 $0x1000, s15  }
.LBB2_29:
.Ltmp25:
0x38b: {  	(pc) =	sbr.rel @p0 .LBB2_35-.Ltmp25, $1  }
0x38c: {  	_ =	sdelay $0x3  }
0x38d: {  	p2 =	sne.s32 s12, $0x1  }
.Ltmp26:
0x38e: {  	_ = 	snop;
	(pc) =	sbr.rel @!p2 .LBB2_31-.Ltmp26, $2  }
0x38f: {  	_ =	sdelay $0x2  }
0x390: {  	v12 =	vld [tilespmem:s15+$0xFFFFFFC0];
	s16 =	sadd.s32 $0xFFFFFFFF, s12;
	p1 =	por $0x0, $0x0  }
0x391: {  	_ = 	snop  }
0x392: {  	v13 =	vld [tilespmem:s15+$0xFFFFFFD0];
	_ =	sdelay $0x1  }
0x393: {  	v14 =	vld [tilespmem:s15+$0xFFFFFFE0]  }
0x394: {  	v12 =	vadd.f32 v12, v10  }
0x395: {  	v15 =	vld [tilespmem:s15+$0xFFFFFFF0]  }
0x396: {  	v13 =	vadd.f32 v13, v10;
	v12 =	vmin.f32 v12, $0.0e+00  }
0x397: {  	v16 =	vld [tilespmem:s15+$0x0];
	v12 =	vadd.f32 v12, v11  }
0x398: {  	v14 =	vadd.f32 v14, v10;
	v13 =	vmin.f32 v13, $0.0e+00  }
0x399: {  	v17 =	vld [tilespmem:s15+$0x10];
	v12 =	vadd.f32 v13, v12  }
0x39a: {  	p2 =	sne.s32 s16, $0x1;
	v13 =	vmin.f32 v14, $0.0e+00;
	v14 =	vadd.f32 v15, v10  }
.Ltmp27:
0x39b: {  	v12 =	vadd.f32 v13, v12;
	v13 =	vld [tilespmem:s15+$0x20];
	(pc) =	sbr.rel @!p2 .LBB2_34-.Ltmp27, $4  }
0x39c: {  	v15 =	vadd.f32 v16, v10;
	v14 =	vmin.f32 v14, $0.0e+00  }
0x39d: {  	v16 =	vadd.f32 v14, v12;
	v14 =	vld [tilespmem:s15+$0x30]  }
0x39e: {  	s13 =	sadd.s32 $0x80, s15;
	v18 =	vmin.f32 v15, $0.0e+00;
	v15 =	vadd.f32 v17, v10  }
0x39f: {  	s16 =	sadd.s32 $0xFFFFFFFF, s16;
	p1 =	por $0x1, $0x1;
	v12 =	vld [tilespmem:s13+$0xFFFFFFC0];
	v16 =	vadd.f32 v18, v16  }
.LBB2_33:
0x3a0: {  	p2 =	sne.s32 s16, $0x1;
	v15 =	vmin.f32 v15, $0.0e+00;
	v13 =	vadd.f32 v13, v10  }
0x3a1: {  	v17 =	vld [tilespmem:s13+$0xFFFFFFD0];
	v15 =	vadd.f32 v15, v16  }
0x3a2: {  	v14 =	vadd.f32 v14, v10;
	v13 =	vmin.f32 v13, $0.0e+00  }
0x3a3: {  	v16 =	vld [tilespmem:s13+$0xFFFFFFE0];
	v13 =	vadd.f32 v13, v15  }
0x3a4: {  	v12 =	vadd.f32 v12, v10;
	v14 =	vmin.f32 v14, $0.0e+00  }
0x3a5: {  	v15 =	vld [tilespmem:s13+$0xFFFFFFF0];
	v13 =	vadd.f32 v14, v13  }
0x3a6: {  	v12 =	vmin.f32 v12, $0.0e+00;
	v14 =	vadd.f32 v17, v10  }
0x3a7: {  	v12 =	vadd.f32 v12, v13;
	v17 =	vld [tilespmem:s13+$0x0]  }
0x3a8: {  	v13 =	vmin.f32 v14, $0.0e+00;
	v14 =	vadd.f32 v16, v10  }
0x3a9: {  	v12 =	vadd.f32 v13, v12;
	v16 =	vld [tilespmem:s13+$0x10]  }
0x3aa: {  	v13 =	vmin.f32 v14, $0.0e+00;
	v14 =	vadd.f32 v15, v10  }
.Ltmp28:
0x3ab: {  	v12 =	vadd.f32 v13, v12;
	v13 =	vld [tilespmem:s13+$0x20];
	(pc) =	sbr.rel @p2 .LBB2_33-.Ltmp28, $4  }
0x3ac: {  	v14 =	vmin.f32 v14, $0.0e+00;
	v15 =	vadd.f32 v17, v10  }
0x3ad: {  	v17 =	vadd.f32 v14, v12;
	v14 =	vld [tilespmem:s13+$0x30]  }
0x3ae: {  	s13 =	sadd.s32 $0x80, s13;
	v18 =	vmin.f32 v15, $0.0e+00;
	v15 =	vadd.f32 v16, v10  }
0x3af: {  	s16 =	sadd.s32 $0xFFFFFFFF, s16;
	v12 =	vld [tilespmem:s13+$0xFFFFFFC0];
	v16 =	vadd.f32 v18, v17  }
.Ltmp29:
0x3b0: {  	_ = 	snop;
	(pc) =	sbr.rel .LBB2_34-.Ltmp29, $1  }
0x3b1: {  	_ =	sdelay $0x3  }
.LBB2_37:
0x3b2: {  	v8 =	vsub.f32 v8, v9;
	_ =	sdelay $0x1  }
0x3b3: {  	v8 =	vmax.f32 v8, $1.000000000e-30  }
0x3b4: {  	(erf) = vrcp.f32 v8;
	_ =	sdelay $0x6  }
0x3b5: {  	[tilespmem:s1], [sflag:$0x1] =	stream.strided.gather [hbm4b:s2+s21], $0x8000, s6, s21, $0x38;
	[tilespmem:$0x12830] =	vst v63  }
0x3b6: {  	_ = 	snop  }
0x3b7: {  	[tilespmem:s0], [sflag:$0x2] =	stream.strided.gather [hbm4b:s3+s21], $0x8000, s6, s21, $0x38;
	v8 =	vpop (erf);
	[tilespmem:$0x12830] =	vst v63  }
0x3b8: {  	v6 =	vsub.f32 v6, v9;
	v7 =	vsub.f32 v7, v5;
	_ =	swait.ge [sflag:s4], $0x8000  }
0x3b9: {  	[sflag:s4] =	ssyncset.done $0x0  }
0x3ba: {  	s11 =	simm.s32 $0x40;
	v6 =	vmul.f32 v6, v7;
	[sflag:s4] =	ssyncadd.s32 $0xFFFF8000  }
0x3bb: {  	v7 =	vld [tilespmem:s11+$0xFFFFFFC0]  }
0x3bc: {  	v6 =	vmul.f32 v8, v6;
	v8 =	vld [tilespmem:s11+$0xFFFFFFD0];
	_ =	sdelay $0x1  }
0x3bd: {  	v5 =	vadd.f32 v6, v5  }
0x3be: {  	v9 =	vld [tilespmem:s11+$0xFFFFFFE0]  }
0x3bf: {  	v6 =	vld [tilespmem:s11+$0x0];
	v7 =	vadd.f32 v7, v5  }
0x3c0: {  	v4 =	vbroadcast v4, $0x0;
	v8 =	vadd.f32 v8, v5  }
0x3c1: {  	v10 =	vld [tilespmem:s11+$0x10];
	v7 =	vmin.f32 v7, $0.0e+00  }
0x3c2: {  	v13 =	vld [tilespmem:s11+$0x20];
	v12 =	vmul.f32 v7, v4;
	v7 =	vmin.f32 v8, $0.0e+00  }
0x3c3: {  	v11 =	vadd.f32 v9, v5;
	v9 =	vmul.f32 v7, v4;
	v7 =	vld [tilespmem:s11+$0x30]  }
0x3c4: {  	v8 =	vadd.f32 v6, v5;
	v6 =	vld [tilespmem:s11+$0xFFFFFFF0];
	_ =	sdelay $0x1  }
0x3c5: {  	v10 =	vadd.f32 v10, v5;
	v11 =	vmin.f32 v11, $0.0e+00  }
0x3c6: {  	s12 =	simm.s32 $0x0;
	s13 =	simm.s32 $0xC0;
	v11 =	vmul.f32 v11, v4;
	[tilespmem:s11+$0xFFFFFFC0] =	vst v12;
	v12 =	vmin.f32 v8, $0.0e+00;
	v8 =	vadd.f32 v13, v5  }
.LBB2_38:
0x3c7: {  	v13 =	vld [tilespmem:s13+$0xFFFFFFC0];
	[tilespmem:s11+$0xFFFFFFD0] =	vst v9;
	v9 =	vmul.f32 v12, v4;
	v10 =	vmin.f32 v10, $0.0e+00;
	v7 =	vadd.f32 v7, v5  }
0x3c8: {  	v12 =	vld [tilespmem:s13+$0xFFFFFFD0];
	[tilespmem:s11+$0xFFFFFFE0] =	vst v11;
	v6 =	vadd.f32 v6, v5;
	v10 =	vmul.f32 v10, v4;
	v8 =	vmin.f32 v8, $0.0e+00  }
0x3c9: {  	v11 =	vld [tilespmem:s13+$0xFFFFFFE0];
	[tilespmem:s11+$0x0] =	vst v9;
	v8 =	vmul.f32 v8, v4;
	v7 =	vmin.f32 v7, $0.0e+00  }
0x3ca: {  	v9 =	vld [tilespmem:s13+$0x0];
	v6 =	vmin.f32 v6, $0.0e+00;
	[tilespmem:s11+$0x10] =	vst v10;
	v7 =	vmul.f32 v7, v4  }
0x3cb: {  	s12 =	sadd.s32 $0x8, s12;
	v10 =	vld [tilespmem:s13+$0x10];
	v6 =	vmul.f32 v6, v4;
	[tilespmem:s11+$0x20] =	vst v8  }
0x3cc: {  	p0 =	slt.u32 s12, $0x7F8;
	v8 =	vadd.f32 v13, v5;
	v13 =	vld [tilespmem:s13+$0x20];
	[tilespmem:s11+$0x30] =	vst v7  }
.Ltmp30:
0x3cd: {  	v12 =	vadd.f32 v12, v5;
	v7 =	vld [tilespmem:s13+$0x30];
	[tilespmem:s11+$0xFFFFFFF0] =	vst v6;
	s11 =	smov.u32 s13;
	(pc) =	sbr.rel @p0 .LBB2_38-.Ltmp30, $4  }
0x3ce: {  	v8 =	vmin.f32 v8, $0.0e+00;
	v11 =	vadd.f32 v11, v5;
	v6 =	vld [tilespmem:s13+$0xFFFFFFF0]  }
0x3cf: {  	v8 =	vmul.f32 v8, v4;
	v12 =	vmin.f32 v12, $0.0e+00;
	v14 =	vadd.f32 v9, v5  }
0x3d0: {  	v9 =	vmul.f32 v12, v4;
	v11 =	vmin.f32 v11, $0.0e+00;
	v10 =	vadd.f32 v10, v5  }
0x3d1: {  	s13 =	sadd.s32 $0x80, s13;
	[tilespmem:s11+$0xFFFFFFC0] =	vst v8;
	v11 =	vmul.f32 v11, v4;
	v12 =	vmin.f32 v14, $0.0e+00;
	v8 =	vadd.f32 v13, v5  }
0x3d2: {  	[tilespmem:s11+$0xFFFFFFD0] =	vst v9;
	v9 =	vmul.f32 v12, v4;
	v10 =	vmin.f32 v10, $0.0e+00;
	v7 =	vadd.f32 v7, v5  }
0x3d3: {  	[tilespmem:s11+$0xFFFFFFE0] =	vst v11;
	v6 =	vadd.f32 v6, v5;
	v10 =	vmul.f32 v10, v4;
	v8 =	vmin.f32 v8, $0.0e+00  }
0x3d4: {  	[tilespmem:s11+$0x0] =	vst v9;
	v8 =	vmul.f32 v8, v4;
	v7 =	vmin.f32 v7, $0.0e+00  }
0x3d5: {  	v6 =	vmin.f32 v6, $0.0e+00;
	[tilespmem:s11+$0x10] =	vst v10;
	v7 =	vmul.f32 v7, v4  }
0x3d6: {  	v6 =	vmul.f32 v6, v4;
	[tilespmem:s11+$0x20] =	vst v8  }
0x3d7: {  	[tilespmem:s11+$0x30] =	vst v7  }
0x3d8: {  	[tilespmem:s11+$0xFFFFFFF0] =	vst v6  }
0x3d9: {  	[hbm4b:s22+s21] =	stream.strided.scatter [tilespmem:s1], [sflag:$0x3], $0x8000, s6, s21, $0x38;
	[tilespmem:$0x12830] =	vst v63  }
0x3da: {  	_ =	swait.ge [sflag:s8], $0x8000  }
0x3db: {  	[sflag:s8] =	ssyncset.done $0x0  }
0x3dc: {  	[sflag:s8] =	ssyncadd.s32 $0xFFFF8000  }
0x3dd: {  	[tilespmem:s1], [sflag:$0x1] =	stream.strided.gather [hbm4b:s19+s21], $0x8000, s6, s21, $0x38;
	[tilespmem:$0x12830] =	vst v63  }
0x3de: {  	_ =	swait.ge [sflag:s7], $0x8000  }
0x3df: {  	[sflag:s7] =	ssyncset.done $0x0  }
0x3e0: {  	s11 =	simm.s32 $0x8040;
	[sflag:s7] =	ssyncadd.s32 $0xFFFF8000  }
0x3e1: {  	v7 =	vld [tilespmem:s11+$0xFFFFFFD0]  }
0x3e2: {  	v6 =	vld [tilespmem:s11+$0xFFFFFFC0];
	_ =	sdelay $0x1  }
0x3e3: {  	v9 =	vld [tilespmem:s11+$0x0]  }
0x3e4: {  	v8 =	vld [tilespmem:s11+$0xFFFFFFE0]  }
0x3e5: {  	v7 =	vadd.f32 v7, v5  }
0x3e6: {  	v10 =	vld [tilespmem:s11+$0x10];
	v6 =	vadd.f32 v6, v5  }
0x3e7: {  	v13 =	vld [tilespmem:s11+$0x20];
	v7 =	vmin.f32 v7, $0.0e+00  }
0x3e8: {  	v12 =	vadd.f32 v9, v5;
	v6 =	vmin.f32 v6, $0.0e+00;
	v9 =	vmul.f32 v7, v4;
	v7 =	vld [tilespmem:s11+$0x30]  }
0x3e9: {  	v8 =	vadd.f32 v8, v5;
	v11 =	vmul.f32 v6, v4;
	v6 =	vld [tilespmem:s11+$0xFFFFFFF0];
	_ =	sdelay $0x1  }
0x3ea: {  	v10 =	vadd.f32 v10, v5;
	v8 =	vmin.f32 v8, $0.0e+00  }
0x3eb: {  	s12 =	simm.s32 $0x0;
	s13 =	simm.s32 $0x80C0;
	v12 =	vmin.f32 v12, $0.0e+00;
	[tilespmem:s11+$0xFFFFFFC0] =	vst v11;
	v11 =	vmul.f32 v8, v4;
	v8 =	vadd.f32 v13, v5  }
.LBB2_40:
0x3ec: {  	v13 =	vld [tilespmem:s13+$0xFFFFFFC0];
	[tilespmem:s11+$0xFFFFFFD0] =	vst v9;
	v9 =	vmul.f32 v12, v4;
	v10 =	vmin.f32 v10, $0.0e+00;
	v7 =	vadd.f32 v7, v5  }
0x3ed: {  	v12 =	vld [tilespmem:s13+$0xFFFFFFD0];
	[tilespmem:s11+$0xFFFFFFE0] =	vst v11;
	v6 =	vadd.f32 v6, v5;
	v10 =	vmul.f32 v10, v4;
	v8 =	vmin.f32 v8, $0.0e+00  }
0x3ee: {  	v11 =	vld [tilespmem:s13+$0xFFFFFFE0];
	[tilespmem:s11+$0x0] =	vst v9;
	v8 =	vmul.f32 v8, v4;
	v7 =	vmin.f32 v7, $0.0e+00  }
0x3ef: {  	v9 =	vld [tilespmem:s13+$0x0];
	v6 =	vmin.f32 v6, $0.0e+00;
	[tilespmem:s11+$0x10] =	vst v10;
	v7 =	vmul.f32 v7, v4  }
0x3f0: {  	s12 =	sadd.s32 $0x8, s12;
	v10 =	vld [tilespmem:s13+$0x10];
	v6 =	vmul.f32 v6, v4;
	[tilespmem:s11+$0x20] =	vst v8  }
0x3f1: {  	p0 =	slt.u32 s12, $0x7F8;
	v8 =	vadd.f32 v13, v5;
	v13 =	vld [tilespmem:s13+$0x20];
	[tilespmem:s11+$0x30] =	vst v7  }
.Ltmp31:
0x3f2: {  	v12 =	vadd.f32 v12, v5;
	v7 =	vld [tilespmem:s13+$0x30];
	[tilespmem:s11+$0xFFFFFFF0] =	vst v6;
	s11 =	smov.u32 s13;
	(pc) =	sbr.rel @p0 .LBB2_40-.Ltmp31, $4  }
0x3f3: {  	v8 =	vmin.f32 v8, $0.0e+00;
	v11 =	vadd.f32 v11, v5;
	v6 =	vld [tilespmem:s13+$0xFFFFFFF0]  }
0x3f4: {  	v8 =	vmul.f32 v8, v4;
	v12 =	vmin.f32 v12, $0.0e+00;
	v14 =	vadd.f32 v9, v5  }
0x3f5: {  	v9 =	vmul.f32 v12, v4;
	v11 =	vmin.f32 v11, $0.0e+00;
	v10 =	vadd.f32 v10, v5  }
0x3f6: {  	s13 =	sadd.s32 $0x80, s13;
	[tilespmem:s11+$0xFFFFFFC0] =	vst v8;
	v11 =	vmul.f32 v11, v4;
	v12 =	vmin.f32 v14, $0.0e+00;
	v8 =	vadd.f32 v13, v5  }
0x3f7: {  	[tilespmem:s11+$0xFFFFFFD0] =	vst v9;
	v9 =	vmul.f32 v12, v4;
	v10 =	vmin.f32 v10, $0.0e+00;
	v7 =	vadd.f32 v7, v5  }
0x3f8: {  	[tilespmem:s11+$0xFFFFFFE0] =	vst v11;
	v6 =	vadd.f32 v6, v5;
	v10 =	vmul.f32 v10, v4;
	v8 =	vmin.f32 v8, $0.0e+00  }
0x3f9: {  	[tilespmem:s11+$0x0] =	vst v9;
	v8 =	vmul.f32 v8, v4;
	v7 =	vmin.f32 v7, $0.0e+00  }
0x3fa: {  	v6 =	vmin.f32 v6, $0.0e+00;
	[tilespmem:s11+$0x10] =	vst v10;
	v7 =	vmul.f32 v7, v4  }
0x3fb: {  	v6 =	vmul.f32 v6, v4;
	[tilespmem:s11+$0x20] =	vst v8  }
0x3fc: {  	[tilespmem:s11+$0x30] =	vst v7  }
0x3fd: {  	[tilespmem:s11+$0xFFFFFFF0] =	vst v6  }
0x3fe: {  	[hbm4b:s23+s21] =	stream.strided.scatter [tilespmem:s0], [sflag:$0x4], $0x8000, s6, s21, $0x38;
	[tilespmem:$0x12830] =	vst v63  }
0x3ff: {  	_ =	swait.ge [sflag:s9], $0x8000  }
0x400: {  	[sflag:s9] =	ssyncset.done $0x0  }
0x401: {  	[sflag:s9] =	ssyncadd.s32 $0xFFFF8000  }
0x402: {  	[tilespmem:s0], [sflag:$0x2] =	stream.strided.gather [hbm4b:s20+s21], $0x8000, s6, s21, $0x38;
	[tilespmem:$0x12830] =	vst v63  }
0x403: {  	_ =	swait.ge [sflag:s4], $0x8000  }
0x404: {  	[sflag:s4] =	ssyncset.done $0x0  }
0x405: {  	s11 =	simm.s32 $0x40;
	[sflag:s4] =	ssyncadd.s32 $0xFFFF8000  }
0x406: {  	v7 =	vld [tilespmem:s11+$0xFFFFFFD0]  }
0x407: {  	v6 =	vld [tilespmem:s11+$0xFFFFFFC0];
	_ =	sdelay $0x1  }
0x408: {  	v9 =	vld [tilespmem:s11+$0x0]  }
0x409: {  	v8 =	vld [tilespmem:s11+$0xFFFFFFE0]  }
0x40a: {  	v7 =	vadd.f32 v7, v5  }
0x40b: {  	v10 =	vld [tilespmem:s11+$0x10];
	v6 =	vadd.f32 v6, v5  }
0x40c: {  	v13 =	vld [tilespmem:s11+$0x20];
	v7 =	vmin.f32 v7, $0.0e+00  }
0x40d: {  	v12 =	vadd.f32 v9, v5;
	v6 =	vmin.f32 v6, $0.0e+00;
	v9 =	vmul.f32 v7, v4;
	v7 =	vld [tilespmem:s11+$0x30]  }
0x40e: {  	v8 =	vadd.f32 v8, v5;
	v11 =	vmul.f32 v6, v4;
	v6 =	vld [tilespmem:s11+$0xFFFFFFF0];
	_ =	sdelay $0x1  }
0x40f: {  	v10 =	vadd.f32 v10, v5;
	v8 =	vmin.f32 v8, $0.0e+00  }
0x410: {  	s12 =	simm.s32 $0x0;
	s13 =	simm.s32 $0xC0;
	v12 =	vmin.f32 v12, $0.0e+00;
	[tilespmem:s11+$0xFFFFFFC0] =	vst v11;
	v11 =	vmul.f32 v8, v4;
	v8 =	vadd.f32 v13, v5  }
.LBB2_42:
0x411: {  	v13 =	vld [tilespmem:s13+$0xFFFFFFC0];
	[tilespmem:s11+$0xFFFFFFD0] =	vst v9;
	v9 =	vmul.f32 v12, v4;
	v10 =	vmin.f32 v10, $0.0e+00;
	v7 =	vadd.f32 v7, v5  }
0x412: {  	v12 =	vld [tilespmem:s13+$0xFFFFFFD0];
	[tilespmem:s11+$0xFFFFFFE0] =	vst v11;
	v6 =	vadd.f32 v6, v5;
	v10 =	vmul.f32 v10, v4;
	v8 =	vmin.f32 v8, $0.0e+00  }
0x413: {  	v11 =	vld [tilespmem:s13+$0xFFFFFFE0];
	[tilespmem:s11+$0x0] =	vst v9;
	v8 =	vmul.f32 v8, v4;
	v7 =	vmin.f32 v7, $0.0e+00  }
0x414: {  	v9 =	vld [tilespmem:s13+$0x0];
	v6 =	vmin.f32 v6, $0.0e+00;
	[tilespmem:s11+$0x10] =	vst v10;
	v7 =	vmul.f32 v7, v4  }
0x415: {  	s12 =	sadd.s32 $0x8, s12;
	v10 =	vld [tilespmem:s13+$0x10];
	v6 =	vmul.f32 v6, v4;
	[tilespmem:s11+$0x20] =	vst v8  }
0x416: {  	p0 =	slt.u32 s12, $0x7F8;
	v8 =	vadd.f32 v13, v5;
	v13 =	vld [tilespmem:s13+$0x20];
	[tilespmem:s11+$0x30] =	vst v7  }
.Ltmp32:
0x417: {  	v12 =	vadd.f32 v12, v5;
	v7 =	vld [tilespmem:s13+$0x30];
	[tilespmem:s11+$0xFFFFFFF0] =	vst v6;
	s11 =	smov.u32 s13;
	(pc) =	sbr.rel @p0 .LBB2_42-.Ltmp32, $4  }
0x418: {  	v8 =	vmin.f32 v8, $0.0e+00;
	v11 =	vadd.f32 v11, v5;
	v6 =	vld [tilespmem:s13+$0xFFFFFFF0]  }
0x419: {  	v8 =	vmul.f32 v8, v4;
	v12 =	vmin.f32 v12, $0.0e+00;
	v14 =	vadd.f32 v9, v5  }
0x41a: {  	v9 =	vmul.f32 v12, v4;
	v11 =	vmin.f32 v11, $0.0e+00;
	v10 =	vadd.f32 v10, v5  }
0x41b: {  	s13 =	sadd.s32 $0x80, s13;
	[tilespmem:s11+$0xFFFFFFC0] =	vst v8;
	v11 =	vmul.f32 v11, v4;
	v12 =	vmin.f32 v14, $0.0e+00;
	v8 =	vadd.f32 v13, v5  }
0x41c: {  	[tilespmem:s11+$0xFFFFFFD0] =	vst v9;
	v9 =	vmul.f32 v12, v4;
	v10 =	vmin.f32 v10, $0.0e+00;
	v7 =	vadd.f32 v7, v5  }
0x41d: {  	[tilespmem:s11+$0xFFFFFFE0] =	vst v11;
	v6 =	vadd.f32 v6, v5;
	v10 =	vmul.f32 v10, v4;
	v8 =	vmin.f32 v8, $0.0e+00  }
0x41e: {  	[tilespmem:s11+$0x0] =	vst v9;
	v8 =	vmul.f32 v8, v4;
	v7 =	vmin.f32 v7, $0.0e+00  }
0x41f: {  	v6 =	vmin.f32 v6, $0.0e+00;
	[tilespmem:s11+$0x10] =	vst v10;
	v7 =	vmul.f32 v7, v4  }
0x420: {  	v6 =	vmul.f32 v6, v4;
	[tilespmem:s11+$0x20] =	vst v8  }
0x421: {  	[tilespmem:s11+$0x30] =	vst v7  }
0x422: {  	[tilespmem:s11+$0xFFFFFFF0] =	vst v6  }
0x423: {  	[hbm4b:s24+s21] =	stream.strided.scatter [tilespmem:s1], [sflag:$0x3], $0x8000, s6, s21, $0x38;
	[tilespmem:$0x12830] =	vst v63  }
0x424: {  	_ =	swait.ge [sflag:s7], $0x8000  }
0x425: {  	[sflag:s7] =	ssyncset.done $0x0  }
0x426: {  	s11 =	simm.s32 $0x8040;
	[sflag:s7] =	ssyncadd.s32 $0xFFFF8000  }
0x427: {  	v7 =	vld [tilespmem:s11+$0xFFFFFFD0]  }
0x428: {  	v6 =	vld [tilespmem:s11+$0xFFFFFFC0];
	_ =	sdelay $0x1  }
0x429: {  	v9 =	vld [tilespmem:s11+$0x0]  }
0x42a: {  	v8 =	vld [tilespmem:s11+$0xFFFFFFE0]  }
0x42b: {  	v7 =	vadd.f32 v7, v5  }
0x42c: {  	v10 =	vld [tilespmem:s11+$0x10];
	v6 =	vadd.f32 v6, v5  }
0x42d: {  	v13 =	vld [tilespmem:s11+$0x20];
	v7 =	vmin.f32 v7, $0.0e+00  }
0x42e: {  	v12 =	vadd.f32 v9, v5;
	v6 =	vmin.f32 v6, $0.0e+00;
	v9 =	vmul.f32 v7, v4;
	v7 =	vld [tilespmem:s11+$0x30]  }
0x42f: {  	v8 =	vadd.f32 v8, v5;
	v11 =	vmul.f32 v6, v4;
	v6 =	vld [tilespmem:s11+$0xFFFFFFF0];
	_ =	sdelay $0x1  }
0x430: {  	v10 =	vadd.f32 v10, v5;
	v8 =	vmin.f32 v8, $0.0e+00  }
0x431: {  	s12 =	simm.s32 $0x0;
	s13 =	simm.s32 $0x80C0;
	v12 =	vmin.f32 v12, $0.0e+00;
	[tilespmem:s11+$0xFFFFFFC0] =	vst v11;
	v11 =	vmul.f32 v8, v4;
	v8 =	vadd.f32 v13, v5  }
.LBB2_44:
0x432: {  	v13 =	vld [tilespmem:s13+$0xFFFFFFC0];
	[tilespmem:s11+$0xFFFFFFD0] =	vst v9;
	v9 =	vmul.f32 v12, v4;
	v10 =	vmin.f32 v10, $0.0e+00;
	v7 =	vadd.f32 v7, v5  }
0x433: {  	v12 =	vld [tilespmem:s13+$0xFFFFFFD0];
	[tilespmem:s11+$0xFFFFFFE0] =	vst v11;
	v6 =	vadd.f32 v6, v5;
	v10 =	vmul.f32 v10, v4;
	v8 =	vmin.f32 v8, $0.0e+00  }
0x434: {  	v11 =	vld [tilespmem:s13+$0xFFFFFFE0];
	[tilespmem:s11+$0x0] =	vst v9;
	v8 =	vmul.f32 v8, v4;
	v7 =	vmin.f32 v7, $0.0e+00  }
0x435: {  	v9 =	vld [tilespmem:s13+$0x0];
	v6 =	vmin.f32 v6, $0.0e+00;
	[tilespmem:s11+$0x10] =	vst v10;
	v7 =	vmul.f32 v7, v4  }
0x436: {  	s12 =	sadd.s32 $0x8, s12;
	v10 =	vld [tilespmem:s13+$0x10];
	v6 =	vmul.f32 v6, v4;
	[tilespmem:s11+$0x20] =	vst v8  }
0x437: {  	p0 =	slt.u32 s12, $0x7F8;
	v8 =	vadd.f32 v13, v5;
	v13 =	vld [tilespmem:s13+$0x20];
	[tilespmem:s11+$0x30] =	vst v7  }
.Ltmp33:
0x438: {  	v12 =	vadd.f32 v12, v5;
	v7 =	vld [tilespmem:s13+$0x30];
	[tilespmem:s11+$0xFFFFFFF0] =	vst v6;
	s11 =	smov.u32 s13;
	(pc) =	sbr.rel @p0 .LBB2_44-.Ltmp33, $4  }
0x439: {  	v8 =	vmin.f32 v8, $0.0e+00;
	v11 =	vadd.f32 v11, v5;
	v6 =	vld [tilespmem:s13+$0xFFFFFFF0]  }
0x43a: {  	v8 =	vmul.f32 v8, v4;
	v12 =	vmin.f32 v12, $0.0e+00;
	v14 =	vadd.f32 v9, v5  }
0x43b: {  	v9 =	vmul.f32 v12, v4;
	v11 =	vmin.f32 v11, $0.0e+00;
	v10 =	vadd.f32 v10, v5  }
0x43c: {  	s13 =	sadd.s32 $0x80, s13;
	[tilespmem:s11+$0xFFFFFFC0] =	vst v8;
	v11 =	vmul.f32 v11, v4;
	v12 =	vmin.f32 v14, $0.0e+00;
	v8 =	vadd.f32 v13, v5  }
0x43d: {  	[tilespmem:s11+$0xFFFFFFD0] =	vst v9;
	v61 =	vmul.f32 v12, v4;
	v10 =	vmin.f32 v10, $0.0e+00;
	v7 =	vadd.f32 v7, v5  }
0x43e: {  	[tilespmem:s11+$0xFFFFFFE0] =	vst v11;
	v5 =	vadd.f32 v6, v5;
	v62 =	vmul.f32 v10, v4;
	v8 =	vmin.f32 v8, $0.0e+00  }
0x43f: {  	[tilespmem:s11+$0x0] =	vst v61;
	v8 =	vmul.f32 v8, v4;
	v7 =	vmin.f32 v7, $0.0e+00  }
0x440: {  	v5 =	vmin.f32 v5, $0.0e+00;
	[tilespmem:s11+$0x10] =	vst v62;
	v63 =	vmul.f32 v7, v4  }
0x441: {  	v4 =	vmul.f32 v5, v4;
	[tilespmem:s11+$0x20] =	vst v8  }
0x442: {  	[tilespmem:s11+$0x30] =	vst v63  }
0x443: {  	s10 =	sadd.s32 $0x1, s10;
	[tilespmem:s11+$0xFFFFFFF0] =	vst v4  }
0x444: {  	[hbm4b:s25+s21] =	stream.strided.scatter [tilespmem:s0], [sflag:$0x4], $0x8000, s6, s21, $0x38;
	[tilespmem:$0x12830] =	vst v63  }
0x445: {  	p0 =	sne.s32 s10, s29;
	_ =	swait.ge [sflag:s8], $0x8000  }
.Ltmp34:
0x446: {  	[sflag:s8] =	ssyncset.done $0x0;
	(pc) =	sbr.rel @p0 .LBB2_1-.Ltmp34, $4  }
0x447: {  	[sflag:s8] =	ssyncadd.s32 $0xFFFF8000  }
0x448: {  	_ =	swait.ge [sflag:s9], $0x8000  }
0x449: {  	[sflag:s9] =	ssyncset.done $0x0  }
0x44a: {  	[sflag:s9] =	ssyncadd.s32 $0xFFFF8000  }
0x44b: {  	_ =	sfence.sel $0x180000  }
0x44c: {  	[bflag:$0x0] =	sbarrier.arrive $0xFFFF  }
0x44d: {  	_ =	strace $0x90000047  }
0x44e: {  	s0 =	stileid.u32;
	[bflag:$0x2] =	sbarrier.arrive $0xFFFF  }
0x44f: {  	p0 =	sne.s32 s0, $0x0;
	s0 =	rddreg [dreg:$0x6]  }
0x450: {  	s0 =	sadd.s32 @!p0 $0x100000, s0  }
0x451: {  	[sflag:s0] =	ssyncadd.tile.s32 @!p0 $0x1;
	_ =	shalt  }
.Lfunc_end2:
_tile_overlayer_lowered:
.L_overlay_start_2:
0x452: {  	(tag) =	ssettag $0x2  }
0x453: {  	s0 =	rddreg [dreg:$0x0];
	s2 =	stileid.u32  }
0x454: {  	s1 =	rddreg [dreg:$0x1];
	p0 =	sne.s32 s2, $0x0  }
0x455: {  	s3 =	rddreg [dreg:$0x2];
	[bflag:$0x3] =	sbarrier.arrive $0xFFFF;
	s2 =	simm.s32 @!p0 $0x1C05  }
0x456: {  	[timem:s3], [sflag:s2] =	dma.local @!p0 [hbm:s0], s1  }
0x457: {  	s0 =	simm.s32 @!p0 $0x5  }
0x458: {  	_ =	swait.ge @!p0 [sflag:s0], s1  }
0x459: {  	s1 =	ssub.s32 @!p0 $0x0, s1;
	[sflag:s0] =	ssyncset.done @!p0 $0x0  }
0x45a: {  	[sflag:s0] =	ssyncadd.s32 @!p0 s1  }
0x45b: {  	[bflag:$0x3] =	sbarrier.arrive $0xFFFF  }
0x45c: {  	_ =	shalt  }

</sc_bundles>
